<compile_context>
chip_gen: v7x
topology: tpu7x:2x2x1
jax: 0.10.2.dev20260603
libtpu: 0.0.44.dev20260713+nightly
codegen_flags: <defaults>
</compile_context>

<pallas_src>
import jax
import jax.numpy as jnp
from jax import lax
from jax.experimental import pallas as pl
from jax.experimental.pallas import tpu as pltpu
from jax.experimental.pallas import tpu_sc as plsc

VOCAB = 1000000
EMBED_DIM = 32
B = 16384
L = 50

NUM_CORES = 2
NUM_SUBCORES = 16
NW = NUM_CORES * NUM_SUBCORES

NBT = B // 128
BT_PER_W = NBT // NW
ROWS_PER_W = 128 * BT_PER_W
N_ITEMS = L * BT_PER_W


def _gather_body(table_hbm, idxt_hbm, out_hbm, idx_v, g0, g1, t0, t1,
                 sem_g0, sem_g1, sem_s0, sem_s1):
    wid = lax.axis_index("s") * NUM_CORES + lax.axis_index("c")
    G = (g0, g1)
    T = (t0, t1)
    sg = (sem_g0, sem_g1)
    ss = (sem_s0, sem_s1)

    pltpu.sync_copy(idxt_hbm.at[:, pl.ds(wid * ROWS_PER_W, ROWS_PER_W)], idx_v)

    iota = lax.iota(jnp.int32, 16)
    et_lo, ei_lo = iota >> 3, iota & 7
    et_hi, ei_hi = (iota + 16) >> 3, (iota + 16) & 7

    pltpu.async_copy(table_hbm.at[idx_v.at[0, pl.ds(0, 128)]], G[0], sg[0])

    @pl.loop(0, N_ITEMS, step=2)
    def _items(ibase):
        for b in range(2):
            i = ibase + b
            l = i // BT_PER_W
            t = i % BT_PER_W

            pltpu.make_async_copy(
                table_hbm.at[pl.ds(0, 128)], G[b], sg[b]).wait()

            @pl.when(i + 1 < N_ITEMS)
            def _fire_next():
                i1 = i + 1
                pltpu.async_copy(
                    table_hbm.at[
                        idx_v.at[i1 // BT_PER_W,
                                 pl.ds(128 * (i1 % BT_PER_W), 128)]],
                    G[1 - b], sg[1 - b])

            @pl.when(i >= 2)
            def _drain_stores():
                for et in range(4):
                    pltpu.make_async_copy(
                        out_hbm.at[0, 0, 0],
                        T[b].at[et, :, pl.ds(0, 128)], ss[b]).wait()

            for j in range(128):
                bi = jnp.full((16,), j, jnp.int32)
                va = G[b][j, pl.ds(0, 16)]
                vb = G[b][j, pl.ds(16, 16)]
                plsc.store_scatter(T[b], [et_lo, ei_lo, bi], va)
                plsc.store_scatter(T[b], [et_hi, ei_hi, bi], vb)

            for et in range(4):
                pltpu.async_copy(
                    T[b].at[et, :, pl.ds(0, 128)],
                    out_hbm.at[l, et, BT_PER_W * wid + t], ss[b])

    for b in range(2):
        for et in range(4):
            pltpu.make_async_copy(
                out_hbm.at[0, 0, 0],
                T[b].at[et, :, pl.ds(0, 128)], ss[b]).wait()


_mesh = plsc.VectorSubcoreMesh(
    core_axis_name="c", subcore_axis_name="s",
    num_cores=NUM_CORES, num_subcores=NUM_SUBCORES,
)

_sc_gather = pl.kernel(
    _gather_body,
    out_type=jax.ShapeDtypeStruct((L, 4, NBT, 8, 128), jnp.float32),
    mesh=_mesh,
    scratch_types=[
        pltpu.VMEM((L, ROWS_PER_W), jnp.int32),
        pltpu.VMEM((128, EMBED_DIM), jnp.float32),
        pltpu.VMEM((128, EMBED_DIM), jnp.float32),
        pltpu.VMEM((4, 8, 129), jnp.float32),
        pltpu.VMEM((4, 8, 129), jnp.float32),
        pltpu.SemaphoreType.DMA,
        pltpu.SemaphoreType.DMA,
        pltpu.SemaphoreType.DMA,
        pltpu.SemaphoreType.DMA,
    ],
    compiler_params=pltpu.CompilerParams(
        use_tc_tiling_on_sc=False, needs_layout_passes=False),
)


@jax.jit
def kernel(inputs, table):
    idx_t = inputs.T
    out_p = _sc_gather(table, idx_t)
    return out_p.transpose(2, 4, 0, 1, 3).reshape(B, L, EMBED_DIM)

# --- scband reference (transcript-rebuilt; emitter-appended) ---
"""Pipeline reference for scband-position-embedding-39213051412732 (READ-ONLY COPY).

The authoritative reference and input builder live on the scoring server;
editing this copy changes nothing except your own understanding.
"""

import jax, jax.numpy as jnp
import numpy as np

VOCAB = 1000000
EMBED_DIM = 32
B = 16384
L = 50

def setup_inputs(seed: int = 0) -> dict:
    key = jax.random.key(seed)
    k_idx, k_tab = jax.random.split(key)
    inputs = jax.random.randint(k_idx, (B, L), 0, VOCAB, dtype=jnp.int64) if jax.config.jax_enable_x64 else jax.random.randint(k_idx, (B, L), 0, VOCAB, dtype=jnp.int32)
    table = jax.random.normal(k_tab, (VOCAB, EMBED_DIM), dtype=jnp.float32)
    return {"inputs": inputs, "table": table}

def reference(inputs, table):
    # nn.Embedding forward: gather rows of the table by index
    return jnp.take(table, inputs, axis=0)

if __name__ == "__main__":
    import jax
    _d = setup_inputs()
    print(jax.jit(kernel)(*tuple(_d.values())))

</pallas_src>

<mosaic_0001>
#map = affine_map<(d0, d1) -> (0, 0)>
#map1 = affine_map<(d0, d1) -> (0, 0, 0, 0, 0)>
module attributes {stable_mosaic.version = 14 : i64} {
  func.func @_gather_body(%arg0: i32, %arg1: i32, %arg2: memref<1000000x32xf32, #tpu.memory_space<hbm>>, %arg3: memref<50x16384xi32, #tpu.memory_space<hbm>>, %arg4: memref<50x4x128x8x128xf32, #tpu.memory_space<hbm>>, %arg5: memref<50x512xi32, #tpu.memory_space<vmem>>, %arg6: memref<128x32xf32, #tpu.memory_space<vmem>>, %arg7: memref<128x32xf32, #tpu.memory_space<vmem>>, %arg8: memref<4x8x129xf32, #tpu.memory_space<vmem>>, %arg9: memref<4x8x129xf32, #tpu.memory_space<vmem>>, %arg10: memref<!tpu.dma_semaphore, #tpu.memory_space<semaphore_mem>>, %arg11: memref<!tpu.dma_semaphore, #tpu.memory_space<semaphore_mem>>, %arg12: memref<!tpu.dma_semaphore, #tpu.memory_space<semaphore_mem>>, %arg13: memref<!tpu.dma_semaphore, #tpu.memory_space<semaphore_mem>>) attributes {dimension_semantics = [#tpu.dimension_semantics<core_parallel>, #tpu.dimension_semantics<subcore_parallel>], iteration_bounds = array<i64: 2, 16>, scalar_prefetch = 0 : i64, scratch_operands = 9 : i64, tpu.core_type = #tpu.core_type<sc_vector_subcore>, window_params = [{transform_indices = #map}, {transform_indices = #map}, {transform_indices = #map1}]} {
    %mul3A = arith.constant 2 : i32
    %mul3A_0 = arith.muli %arg1, %mul3A : i32
    %add3A = arith.addi %mul3A_0, %arg0 : i32
    %mul3A_1 = arith.constant 512 : i32
    %mul3A_2 = arith.muli %add3A, %mul3A_1 : i32
    "tpu.region"() ({
      %run_scoped3A = tpu.sem_alloc : memref<!tpu.dma_semaphore, #tpu.memory_space<semaphore_mem>>
      %dma_start3A_188 = arith.constant 0 : i32
      %dma_start3A_189 = tpu.memref_slice %arg3[%dma_start3A_188, %mul3A_2] : memref<50x16384xi32, #tpu.memory_space<hbm>> -> memref<50x512xi32, #tpu.memory_space<hbm>>
      %dma_start3A_190 = arith.constant 0 : i32
      %dma_start3A_191 = tpu.memref_slice %arg3[%dma_start3A_190, %mul3A_2] : memref<50x16384xi32, #tpu.memory_space<hbm>> -> memref<50x512xi32, #tpu.memory_space<hbm>>
      tpu.enqueue_dma source(%dma_start3A_191 : memref<50x512xi32, #tpu.memory_space<hbm>>) target(%arg5 : memref<50x512xi32, #tpu.memory_space<vmem>>) target_semaphore(%run_scoped3A : memref<!tpu.dma_semaphore, #tpu.memory_space<semaphore_mem>>)
      %dma_wait3A_192 = arith.constant 0 : i32
      %dma_wait3A_193 = tpu.memref_slice %arg3[%dma_wait3A_192, %mul3A_2] : memref<50x16384xi32, #tpu.memory_space<hbm>> -> memref<50x512xi32, #tpu.memory_space<hbm>>
      %dma_wait3A_194 = arith.constant 0 : i32
      %dma_wait3A_195 = tpu.memref_slice %arg3[%dma_wait3A_194, %mul3A_2] : memref<50x16384xi32, #tpu.memory_space<hbm>> -> memref<50x512xi32, #tpu.memory_space<hbm>>
      tpu.wait_dma2 semaphore(%run_scoped3A : memref<!tpu.dma_semaphore, #tpu.memory_space<semaphore_mem>>) src(%dma_wait3A_195 : memref<50x512xi32, #tpu.memory_space<hbm>>) dst(%arg5 : memref<50x512xi32, #tpu.memory_space<vmem>>)
      tpu.yield
    }) : () -> ()
    %iota3A = tpu.iota {dimensions = array<i32: 0>} : vector<16xi32>
    %shift_right_arithmetic3A = arith.constant 3 : i32
    %shift_right_arithmetic3A_3 = vector.broadcast %shift_right_arithmetic3A : i32 to vector<16xi32>
    %shift_right_arithmetic3A_4 = arith.shrsi %iota3A, %shift_right_arithmetic3A_3 : vector<16xi32>
    %and3A = arith.constant 7 : i32
    %and3A_5 = vector.broadcast %and3A : i32 to vector<16xi32>
    %and3A_6 = arith.andi %iota3A, %and3A_5 : vector<16xi32>
    %add3A_7 = arith.constant 16 : i32
    %add3A_8 = vector.broadcast %add3A_7 : i32 to vector<16xi32>
    %add3A_9 = arith.addi %iota3A, %add3A_8 : vector<16xi32>
    %shift_right_arithmetic3A_10 = arith.constant 3 : i32
    %shift_right_arithmetic3A_11 = vector.broadcast %shift_right_arithmetic3A_10 : i32 to vector<16xi32>
    %shift_right_arithmetic3A_12 = arith.shrsi %add3A_9, %shift_right_arithmetic3A_11 : vector<16xi32>
    %add3A_13 = arith.constant 16 : i32
    %add3A_14 = vector.broadcast %add3A_13 : i32 to vector<16xi32>
    %add3A_15 = arith.addi %iota3A, %add3A_14 : vector<16xi32>
    %and3A_16 = arith.constant 7 : i32
    %and3A_17 = vector.broadcast %and3A_16 : i32 to vector<16xi32>
    %and3A_18 = arith.andi %add3A_15, %and3A_17 : vector<16xi32>
    %dma_start3A = arith.constant 0 : i32
    %dma_start3A_19 = arith.constant 0 : i32
    %dma_start3A_20 = tpu.memref_slice %arg5[%dma_start3A, %dma_start3A_19] : memref<50x512xi32, #tpu.memory_space<vmem>> -> memref<1x128xi32, #tpu.memory_space<vmem>>
    %dma_start3A_21 = tpu.memref_squeeze %dma_start3A_20 : memref<1x128xi32, #tpu.memory_space<vmem>> -> memref<128xi32, #tpu.memory_space<vmem>>
    %dma_start3A_22 = arith.constant 0 : i32
    %dma_start3A_23 = arith.constant 0 : i32
    %dma_start3A_24 = tpu.memref_slice %arg2[%dma_start3A_22, %dma_start3A_23] : memref<1000000x32xf32, #tpu.memory_space<hbm>> -> memref<1000000x32xf32, #tpu.memory_space<hbm>>
    tpu.enqueue_indirect_dma source(%dma_start3A_24 : memref<1000000x32xf32, #tpu.memory_space<hbm>>) target(%arg6 : memref<128x32xf32, #tpu.memory_space<vmem>>) offsets(%dma_start3A_21 : memref<128xi32, #tpu.memory_space<vmem>>) semaphore(%arg10 : memref<!tpu.dma_semaphore, #tpu.memory_space<semaphore_mem>>)
    %scan3A = arith.constant 0 : i32
    %scan3A_25 = arith.constant 100 : i32
    %scan3A_26 = arith.addi %scan3A, %scan3A_25 : i32
    %scan3A_27 = arith.constant 1 : i32
    scf.for %scan3A_188 = %scan3A to %scan3A_26 step %scan3A_27  : i32 {
      %mul3A_189 = arith.constant 2 : i32
      %mul3A_190 = arith.muli %scan3A_188, %mul3A_189 : i32
      %add3A_191 = arith.constant 0 : i32
      %add3A_192 = arith.addi %add3A_191, %mul3A_190 : i32
      %add3A_193 = arith.constant 0 : i32
      %add3A_194 = arith.addi %add3A_192, %add3A_193 : i32
      %jit3A = arith.constant 4 : i32
      %div3A = arith.divsi %add3A_194, %jit3A : i32
      %sign3A = arith.constant 0 : i32
      %sign3A_195 = arith.cmpi sgt, %add3A_194, %sign3A : i32
      %sign3A_196 = arith.extui %sign3A_195 : i1 to i32
      %sign3A_197 = arith.constant 0 : i32
      %sign3A_198 = arith.cmpi slt, %add3A_194, %sign3A_197 : i32
      %sign3A_199 = arith.extui %sign3A_198 : i1 to i32
      %sign3A_200 = arith.subi %sign3A_196, %sign3A_199 : i32
      %sign3A_201 = arith.constant 0 : i32
      %sign3A_202 = arith.cmpi sgt, %jit3A, %sign3A_201 : i32
      %sign3A_203 = arith.extui %sign3A_202 : i1 to i32
      %sign3A_204 = arith.constant 0 : i32
      %sign3A_205 = arith.cmpi slt, %jit3A, %sign3A_204 : i32
      %sign3A_206 = arith.extui %sign3A_205 : i1 to i32
      %sign3A_207 = arith.subi %sign3A_203, %sign3A_206 : i32
      %ne3A = arith.cmpi ne, %sign3A_200, %sign3A_207 : i32
      %rem3A = arith.remsi %add3A_194, %jit3A : i32
      %ne3A_208 = arith.constant 0 : i32
      %ne3A_209 = arith.cmpi ne, %rem3A, %ne3A_208 : i32
      %and3A_210 = arith.andi %ne3A, %ne3A_209 : i1
      %sub3A = arith.constant 1 : i32
      %sub3A_211 = arith.subi %div3A, %sub3A : i32
      %select_n3A = arith.select %and3A_210, %sub3A_211, %div3A : i32
      %jit3A_212 = arith.constant 4 : i32
      %eq3A = arith.constant 0 : i32
      %eq3A_213 = arith.cmpi eq, %jit3A_212, %eq3A : i32
      %jit3A_214 = arith.constant 1 : i32
      %select_n3A_215 = arith.select %eq3A_213, %jit3A_214, %jit3A_212 : i32
      %rem3A_216 = arith.remsi %add3A_194, %select_n3A_215 : i32
      %ne3A_217 = arith.constant 0 : i32
      %ne3A_218 = arith.cmpi ne, %rem3A_216, %ne3A_217 : i32
      %lt3A = arith.constant 0 : i32
      %lt3A_219 = arith.cmpi slt, %rem3A_216, %lt3A : i32
      %lt3A_220 = arith.constant 0 : i32
      %lt3A_221 = arith.cmpi slt, %select_n3A_215, %lt3A_220 : i32
      %ne3A_222 = arith.xori %lt3A_219, %lt3A_221 : i1
      %and3A_223 = arith.andi %ne3A_222, %ne3A_218 : i1
      %add3A_224 = arith.addi %rem3A_216, %select_n3A_215 : i32
      %select_n3A_225 = arith.select %and3A_223, %add3A_224, %rem3A_216 : i32
      %dma_wait3A_226 = arith.constant 0 : i32
      %dma_wait3A_227 = arith.constant 0 : i32
      %dma_wait3A_228 = tpu.memref_slice %arg2[%dma_wait3A_226, %dma_wait3A_227] : memref<1000000x32xf32, #tpu.memory_space<hbm>> -> memref<128x32xf32, #tpu.memory_space<hbm>>
      %dma_wait3A_229 = arith.constant 0 : i32
      %dma_wait3A_230 = arith.constant 0 : i32
      %dma_wait3A_231 = tpu.memref_slice %arg2[%dma_wait3A_229, %dma_wait3A_230] : memref<1000000x32xf32, #tpu.memory_space<hbm>> -> memref<128x32xf32, #tpu.memory_space<hbm>>
      tpu.wait_dma2 semaphore(%arg10 : memref<!tpu.dma_semaphore, #tpu.memory_space<semaphore_mem>>) src(%dma_wait3A_231 : memref<128x32xf32, #tpu.memory_space<hbm>>) dst(%arg6 : memref<128x32xf32, #tpu.memory_space<vmem>>)
      %add3A_232 = arith.constant 1 : i32
      %add3A_233 = arith.addi %add3A_194, %add3A_232 : i32
      %lt3A_234 = arith.constant 200 : i32
      %lt3A_235 = arith.cmpi slt, %add3A_233, %lt3A_234 : i32
      %convert_element_type3A = arith.extui %lt3A_235 : i1 to i32
      %cond3A = arith.constant 0 : i32
      %cond3A_236 = arith.cmpi ne, %convert_element_type3A, %cond3A : i32
      scf.if %cond3A_236 {
        %add3A_3027 = arith.constant 1 : i32
        %add3A_3028 = arith.addi %add3A_194, %add3A_3027 : i32
        %jit3A_3029 = arith.constant 4 : i32
        %div3A_3030 = arith.divsi %add3A_3028, %jit3A_3029 : i32
        %sign3A_3031 = arith.constant 0 : i32
        %sign3A_3032 = arith.cmpi sgt, %add3A_3028, %sign3A_3031 : i32
        %sign3A_3033 = arith.extui %sign3A_3032 : i1 to i32
        %sign3A_3034 = arith.constant 0 : i32
        %sign3A_3035 = arith.cmpi slt, %add3A_3028, %sign3A_3034 : i32
        %sign3A_3036 = arith.extui %sign3A_3035 : i1 to i32
        %sign3A_3037 = arith.subi %sign3A_3033, %sign3A_3036 : i32
        %sign3A_3038 = arith.constant 0 : i32
        %sign3A_3039 = arith.cmpi sgt, %jit3A_3029, %sign3A_3038 : i32
        %sign3A_3040 = arith.extui %sign3A_3039 : i1 to i32
        %sign3A_3041 = arith.constant 0 : i32
        %sign3A_3042 = arith.cmpi slt, %jit3A_3029, %sign3A_3041 : i32
        %sign3A_3043 = arith.extui %sign3A_3042 : i1 to i32
        %sign3A_3044 = arith.subi %sign3A_3040, %sign3A_3043 : i32
        %ne3A_3045 = arith.cmpi ne, %sign3A_3037, %sign3A_3044 : i32
        %rem3A_3046 = arith.remsi %add3A_3028, %jit3A_3029 : i32
        %ne3A_3047 = arith.constant 0 : i32
        %ne3A_3048 = arith.cmpi ne, %rem3A_3046, %ne3A_3047 : i32
        %and3A_3049 = arith.andi %ne3A_3045, %ne3A_3048 : i1
        %sub3A_3050 = arith.constant 1 : i32
        %sub3A_3051 = arith.subi %div3A_3030, %sub3A_3050 : i32
        %select_n3A_3052 = arith.select %and3A_3049, %sub3A_3051, %div3A_3030 : i32
        %jit3A_3053 = arith.constant 4 : i32
        %eq3A_3054 = arith.constant 0 : i32
        %eq3A_3055 = arith.cmpi eq, %jit3A_3053, %eq3A_3054 : i32
        %jit3A_3056 = arith.constant 1 : i32
        %select_n3A_3057 = arith.select %eq3A_3055, %jit3A_3056, %jit3A_3053 : i32
        %rem3A_3058 = arith.remsi %add3A_3028, %select_n3A_3057 : i32
        %ne3A_3059 = arith.constant 0 : i32
        %ne3A_3060 = arith.cmpi ne, %rem3A_3058, %ne3A_3059 : i32
        %lt3A_3061 = arith.constant 0 : i32
        %lt3A_3062 = arith.cmpi slt, %rem3A_3058, %lt3A_3061 : i32
        %lt3A_3063 = arith.constant 0 : i32
        %lt3A_3064 = arith.cmpi slt, %select_n3A_3057, %lt3A_3063 : i32
        %ne3A_3065 = arith.xori %lt3A_3062, %lt3A_3064 : i1
        %and3A_3066 = arith.andi %ne3A_3065, %ne3A_3060 : i1
        %add3A_3067 = arith.addi %rem3A_3058, %select_n3A_3057 : i32
        %select_n3A_3068 = arith.select %and3A_3066, %add3A_3067, %rem3A_3058 : i32
        %mul3A_3069 = arith.constant 128 : i32
        %mul3A_3070 = arith.muli %mul3A_3069, %select_n3A_3068 : i32
        %dma_start3A_3071 = tpu.memref_slice %arg5[%select_n3A_3052, %mul3A_3070] : memref<50x512xi32, #tpu.memory_space<vmem>> -> memref<1x128xi32, #tpu.memory_space<vmem>>
        %dma_start3A_3072 = tpu.memref_squeeze %dma_start3A_3071 : memref<1x128xi32, #tpu.memory_space<vmem>> -> memref<128xi32, #tpu.memory_space<vmem>>
        %dma_start3A_3073 = arith.constant 0 : i32
        %dma_start3A_3074 = arith.constant 0 : i32
        %dma_start3A_3075 = tpu.memref_slice %arg2[%dma_start3A_3073, %dma_start3A_3074] : memref<1000000x32xf32, #tpu.memory_space<hbm>> -> memref<1000000x32xf32, #tpu.memory_space<hbm>>
        tpu.enqueue_indirect_dma source(%dma_start3A_3075 : memref<1000000x32xf32, #tpu.memory_space<hbm>>) target(%arg7 : memref<128x32xf32, #tpu.memory_space<vmem>>) offsets(%dma_start3A_3072 : memref<128xi32, #tpu.memory_space<vmem>>) semaphore(%arg11 : memref<!tpu.dma_semaphore, #tpu.memory_space<semaphore_mem>>)
      } else {
      }
      %ge3A = arith.constant 2 : i32
      %ge3A_237 = arith.cmpi sge, %add3A_194, %ge3A : i32
      %convert_element_type3A_238 = arith.extui %ge3A_237 : i1 to i32
      %cond3A_239 = arith.constant 0 : i32
      %cond3A_240 = arith.cmpi ne, %convert_element_type3A_238, %cond3A_239 : i32
      scf.if %cond3A_240 {
        %dma_wait3A_3027 = arith.constant 0 : i32
        %dma_wait3A_3028 = arith.constant 0 : i32
        %dma_wait3A_3029 = arith.constant 0 : i32
        %dma_wait3A_3030 = arith.constant 0 : i32
        %dma_wait3A_3031 = arith.constant 0 : i32
        %dma_wait3A_3032 = arith.constant 0 : i32
        %dma_wait3A_3033 = tpu.memref_slice %arg8[%dma_wait3A_3030, %dma_wait3A_3031, %dma_wait3A_3032] : memref<4x8x129xf32, #tpu.memory_space<vmem>> -> memref<1x8x128xf32, #tpu.memory_space<vmem>>
        %dma_wait3A_3034 = tpu.memref_squeeze %dma_wait3A_3033 : memref<1x8x128xf32, #tpu.memory_space<vmem>> -> memref<8x128xf32, #tpu.memory_space<vmem>>
        %dma_wait3A_3035 = arith.constant 0 : i32
        %dma_wait3A_3036 = arith.constant 0 : i32
        %dma_wait3A_3037 = tpu.memref_slice %arg4[%dma_wait3A_3027, %dma_wait3A_3028, %dma_wait3A_3029, %dma_wait3A_3035, %dma_wait3A_3036] : memref<50x4x128x8x128xf32, #tpu.memory_space<hbm>> -> memref<1x1x1x8x128xf32, #tpu.memory_space<hbm>>
        %dma_wait3A_3038 = tpu.memref_squeeze %dma_wait3A_3037 : memref<1x1x1x8x128xf32, #tpu.memory_space<hbm>> -> memref<8x128xf32, #tpu.memory_space<hbm>>
        %dma_wait3A_3039 = arith.constant 0 : i32
        %dma_wait3A_3040 = arith.constant 0 : i32
        %dma_wait3A_3041 = tpu.memref_slice %arg8[%dma_wait3A_3030, %dma_wait3A_3039, %dma_wait3A_3040] : memref<4x8x129xf32, #tpu.memory_space<vmem>> -> memref<1x8x128xf32, #tpu.memory_space<vmem>>
        %dma_wait3A_3042 = tpu.memref_squeeze %dma_wait3A_3041 : memref<1x8x128xf32, #tpu.memory_space<vmem>> -> memref<8x128xf32, #tpu.memory_space<vmem>>
        %dma_wait3A_3043 = arith.constant 0 : i32
        %dma_wait3A_3044 = arith.constant 0 : i32
        %dma_wait3A_3045 = tpu.memref_slice %arg4[%dma_wait3A_3027, %dma_wait3A_3028, %dma_wait3A_3029, %dma_wait3A_3043, %dma_wait3A_3044] : memref<50x4x128x8x128xf32, #tpu.memory_space<hbm>> -> memref<1x1x1x8x128xf32, #tpu.memory_space<hbm>>
        %dma_wait3A_3046 = tpu.memref_squeeze %dma_wait3A_3045 : memref<1x1x1x8x128xf32, #tpu.memory_space<hbm>> -> memref<8x128xf32, #tpu.memory_space<hbm>>
        tpu.wait_dma2 semaphore(%arg12 : memref<!tpu.dma_semaphore, #tpu.memory_space<semaphore_mem>>) src(%dma_wait3A_3046 : memref<8x128xf32, #tpu.memory_space<hbm>>) dst(%dma_wait3A_3042 : memref<8x128xf32, #tpu.memory_space<vmem>>)
        %dma_wait3A_3047 = arith.constant 0 : i32
        %dma_wait3A_3048 = arith.constant 0 : i32
        %dma_wait3A_3049 = arith.constant 0 : i32
        %dma_wait3A_3050 = arith.constant 1 : i32
        %dma_wait3A_3051 = arith.constant 0 : i32
        %dma_wait3A_3052 = arith.constant 0 : i32
        %dma_wait3A_3053 = tpu.memref_slice %arg8[%dma_wait3A_3050, %dma_wait3A_3051, %dma_wait3A_3052] : memref<4x8x129xf32, #tpu.memory_space<vmem>> -> memref<1x8x128xf32, #tpu.memory_space<vmem>>
        %dma_wait3A_3054 = tpu.memref_squeeze %dma_wait3A_3053 : memref<1x8x128xf32, #tpu.memory_space<vmem>> -> memref<8x128xf32, #tpu.memory_space<vmem>>
        %dma_wait3A_3055 = arith.constant 0 : i32
        %dma_wait3A_3056 = arith.constant 0 : i32
        %dma_wait3A_3057 = tpu.memref_slice %arg4[%dma_wait3A_3047, %dma_wait3A_3048, %dma_wait3A_3049, %dma_wait3A_3055, %dma_wait3A_3056] : memref<50x4x128x8x128xf32, #tpu.memory_space<hbm>> -> memref<1x1x1x8x128xf32, #tpu.memory_space<hbm>>
        %dma_wait3A_3058 = tpu.memref_squeeze %dma_wait3A_3057 : memref<1x1x1x8x128xf32, #tpu.memory_space<hbm>> -> memref<8x128xf32, #tpu.memory_space<hbm>>
        %dma_wait3A_3059 = arith.constant 0 : i32
        %dma_wait3A_3060 = arith.constant 0 : i32
        %dma_wait3A_3061 = tpu.memref_slice %arg8[%dma_wait3A_3050, %dma_wait3A_3059, %dma_wait3A_3060] : memref<4x8x129xf32, #tpu.memory_space<vmem>> -> memref<1x8x128xf32, #tpu.memory_space<vmem>>
        %dma_wait3A_3062 = tpu.memref_squeeze %dma_wait3A_3061 : memref<1x8x128xf32, #tpu.memory_space<vmem>> -> memref<8x128xf32, #tpu.memory_space<vmem>>
        %dma_wait3A_3063 = arith.constant 0 : i32
        %dma_wait3A_3064 = arith.constant 0 : i32
        %dma_wait3A_3065 = tpu.memref_slice %arg4[%dma_wait3A_3047, %dma_wait3A_3048, %dma_wait3A_3049, %dma_wait3A_3063, %dma_wait3A_3064] : memref<50x4x128x8x128xf32, #tpu.memory_space<hbm>> -> memref<1x1x1x8x128xf32, #tpu.memory_space<hbm>>
        %dma_wait3A_3066 = tpu.memref_squeeze %dma_wait3A_3065 : memref<1x1x1x8x128xf32, #tpu.memory_space<hbm>> -> memref<8x128xf32, #tpu.memory_space<hbm>>
        tpu.wait_dma2 semaphore(%arg12 : memref<!tpu.dma_semaphore, #tpu.memory_space<semaphore_mem>>) src(%dma_wait3A_3066 : memref<8x128xf32, #tpu.memory_space<hbm>>) dst(%dma_wait3A_3062 : memref<8x128xf32, #tpu.memory_space<vmem>>)
        %dma_wait3A_3067 = arith.constant 0 : i32
        %dma_wait3A_3068 = arith.constant 0 : i32
        %dma_wait3A_3069 = arith.constant 0 : i32
        %dma_wait3A_3070 = arith.constant 2 : i32
        %dma_wait3A_3071 = arith.constant 0 : i32
        %dma_wait3A_3072 = arith.constant 0 : i32
        %dma_wait3A_3073 = tpu.memref_slice %arg8[%dma_wait3A_3070, %dma_wait3A_3071, %dma_wait3A_3072] : memref<4x8x129xf32, #tpu.memory_space<vmem>> -> memref<1x8x128xf32, #tpu.memory_space<vmem>>
        %dma_wait3A_3074 = tpu.memref_squeeze %dma_wait3A_3073 : memref<1x8x128xf32, #tpu.memory_space<vmem>> -> memref<8x128xf32, #tpu.memory_space<vmem>>
        %dma_wait3A_3075 = arith.constant 0 : i32
        %dma_wait3A_3076 = arith.constant 0 : i32
        %dma_wait3A_3077 = tpu.memref_slice %arg4[%dma_wait3A_3067, %dma_wait3A_3068, %dma_wait3A_3069, %dma_wait3A_3075, %dma_wait3A_3076] : memref<50x4x128x8x128xf32, #tpu.memory_space<hbm>> -> memref<1x1x1x8x128xf32, #tpu.memory_space<hbm>>
        %dma_wait3A_3078 = tpu.memref_squeeze %dma_wait3A_3077 : memref<1x1x1x8x128xf32, #tpu.memory_space<hbm>> -> memref<8x128xf32, #tpu.memory_space<hbm>>
        %dma_wait3A_3079 = arith.constant 0 : i32
        %dma_wait3A_3080 = arith.constant 0 : i32
        %dma_wait3A_3081 = tpu.memref_slice %arg8[%dma_wait3A_3070, %dma_wait3A_3079, %dma_wait3A_3080] : memref<4x8x129xf32, #tpu.memory_space<vmem>> -> memref<1x8x128xf32, #tpu.memory_space<vmem>>
        %dma_wait3A_3082 = tpu.memref_squeeze %dma_wait3A_3081 : memref<1x8x128xf32, #tpu.memory_space<vmem>> -> memref<8x128xf32, #tpu.memory_space<vmem>>
        %dma_wait3A_3083 = arith.constant 0 : i32
        %dma_wait3A_3084 = arith.constant 0 : i32
        %dma_wait3A_3085 = tpu.memref_slice %arg4[%dma_wait3A_3067, %dma_wait3A_3068, %dma_wait3A_3069, %dma_wait3A_3083, %dma_wait3A_3084] : memref<50x4x128x8x128xf32, #tpu.memory_space<hbm>> -> memref<1x1x1x8x128xf32, #tpu.memory_space<hbm>>
        %dma_wait3A_3086 = tpu.memref_squeeze %dma_wait3A_3085 : memref<1x1x1x8x128xf32, #tpu.memory_space<hbm>> -> memref<8x128xf32, #tpu.memory_space<hbm>>
        tpu.wait_dma2 semaphore(%arg12 : memref<!tpu.dma_semaphore, #tpu.memory_space<semaphore_mem>>) src(%dma_wait3A_3086 : memref<8x128xf32, #tpu.memory_space<hbm>>) dst(%dma_wait3A_3082 : memref<8x128xf32, #tpu.memory_space<vmem>>)
        %dma_wait3A_3087 = arith.constant 0 : i32
        %dma_wait3A_3088 = arith.constant 0 : i32
        %dma_wait3A_3089 = arith.constant 0 : i32
        %dma_wait3A_3090 = arith.constant 3 : i32
        %dma_wait3A_3091 = arith.constant 0 : i32
        %dma_wait3A_3092 = arith.constant 0 : i32
        %dma_wait3A_3093 = tpu.memref_slice %arg8[%dma_wait3A_3090, %dma_wait3A_3091, %dma_wait3A_3092] : memref<4x8x129xf32, #tpu.memory_space<vmem>> -> memref<1x8x128xf32, #tpu.memory_space<vmem>>
        %dma_wait3A_3094 = tpu.memref_squeeze %dma_wait3A_3093 : memref<1x8x128xf32, #tpu.memory_space<vmem>> -> memref<8x128xf32, #tpu.memory_space<vmem>>
        %dma_wait3A_3095 = arith.constant 0 : i32
        %dma_wait3A_3096 = arith.constant 0 : i32
        %dma_wait3A_3097 = tpu.memref_slice %arg4[%dma_wait3A_3087, %dma_wait3A_3088, %dma_wait3A_3089, %dma_wait3A_3095, %dma_wait3A_3096] : memref<50x4x128x8x128xf32, #tpu.memory_space<hbm>> -> memref<1x1x1x8x128xf32, #tpu.memory_space<hbm>>
        %dma_wait3A_3098 = tpu.memref_squeeze %dma_wait3A_3097 : memref<1x1x1x8x128xf32, #tpu.memory_space<hbm>> -> memref<8x128xf32, #tpu.memory_space<hbm>>
        %dma_wait3A_3099 = arith.constant 0 : i32
        %dma_wait3A_3100 = arith.constant 0 : i32
        %dma_wait3A_3101 = tpu.memref_slice %arg8[%dma_wait3A_3090, %dma_wait3A_3099, %dma_wait3A_3100] : memref<4x8x129xf32, #tpu.memory_space<vmem>> -> memref<1x8x128xf32, #tpu.memory_space<vmem>>
        %dma_wait3A_3102 = tpu.memref_squeeze %dma_wait3A_3101 : memref<1x8x128xf32, #tpu.memory_space<vmem>> -> memref<8x128xf32, #tpu.memory_space<vmem>>
        %dma_wait3A_3103 = arith.constant 0 : i32
        %dma_wait3A_3104 = arith.constant 0 : i32
        %dma_wait3A_3105 = tpu.memref_slice %arg4[%dma_wait3A_3087, %dma_wait3A_3088, %dma_wait3A_3089, %dma_wait3A_3103, %dma_wait3A_3104] : memref<50x4x128x8x128xf32, #tpu.memory_space<hbm>> -> memref<1x1x1x8x128xf32, #tpu.memory_space<hbm>>
        %dma_wait3A_3106 = tpu.memref_squeeze %dma_wait3A_3105 : memref<1x1x1x8x128xf32, #tpu.memory_space<hbm>> -> memref<8x128xf32, #tpu.memory_space<hbm>>
        tpu.wait_dma2 semaphore(%arg12 : memref<!tpu.dma_semaphore, #tpu.memory_space<semaphore_mem>>) src(%dma_wait3A_3106 : memref<8x128xf32, #tpu.memory_space<hbm>>) dst(%dma_wait3A_3102 : memref<8x128xf32, #tpu.memory_space<vmem>>)
      } else {
      }
      %broadcast_in_dim3A = arith.constant 0 : i32
      %broadcast_in_dim3A_241 = vector.broadcast %broadcast_in_dim3A : i32 to vector<16xi32>
      %get3A = arith.constant 0 : i32
      %get3A_242 = arith.index_cast %get3A : i32 to index
      %get3A_243 = arith.constant 0 : index
      %get3A_244 = tpu.vector_load %arg6[%get3A_242, %get3A_243] {strides = array<i32>} : memref<128x32xf32, #tpu.memory_space<vmem>>, vector<16xf32>,
      %get3A_245 = arith.constant 0 : i32
      %get3A_246 = arith.index_cast %get3A_245 : i32 to index
      %get3A_247 = arith.constant 16 : index
      %get3A_248 = tpu.vector_load %arg6[%get3A_246, %get3A_247] {strides = array<i32>} : memref<128x32xf32, #tpu.memory_space<vmem>>, vector<16xf32>,
      tpu.vector_store_idx %arg8[%shift_right_arithmetic3A_4, %and3A_6, %broadcast_in_dim3A_241], %get3A_244 : memref<4x8x129xf32, #tpu.memory_space<vmem>>[vector<16xi32>, vector<16xi32>, vector<16xi32>], vector<16xf32>,
      tpu.vector_store_idx %arg8[%shift_right_arithmetic3A_12, %and3A_18, %broadcast_in_dim3A_241], %get3A_248 : memref<4x8x129xf32, #tpu.memory_space<vmem>>[vector<16xi32>, vector<16xi32>, vector<16xi32>], vector<16xf32>,
      %broadcast_in_dim3A_249 = arith.constant 1 : i32
      %broadcast_in_dim3A_250 = vector.broadcast %broadcast_in_dim3A_249 : i32 to vector<16xi32>
      %get3A_251 = arith.constant 1 : i32
      %get3A_252 = arith.index_cast %get3A_251 : i32 to index
      %get3A_253 = arith.constant 0 : index
      %get3A_254 = tpu.vector_load %arg6[%get3A_252, %get3A_253] {strides = array<i32>} : memref<128x32xf32, #tpu.memory_space<vmem>>, vector<16xf32>,
      %get3A_255 = arith.constant 1 : i32
      %get3A_256 = arith.index_cast %get3A_255 : i32 to index
      %get3A_257 = arith.constant 16 : index
      %get3A_258 = tpu.vector_load %arg6[%get3A_256, %get3A_257] {strides = array<i32>} : memref<128x32xf32, #tpu.memory_space<vmem>>, vector<16xf32>,
      tpu.vector_store_idx %arg8[%shift_right_arithmetic3A_4, %and3A_6, %broadcast_in_dim3A_250], %get3A_254 : memref<4x8x129xf32, #tpu.memory_space<vmem>>[vector<16xi32>, vector<16xi32>, vector<16xi32>], vector<16xf32>,
      tpu.vector_store_idx %arg8[%shift_right_arithmetic3A_12, %and3A_18, %broadcast_in_dim3A_250], %get3A_258 : memref<4x8x129xf32, #tpu.memory_space<vmem>>[vector<16xi32>, vector<16xi32>, vector<16xi32>], vector<16xf32>,
      %broadcast_in_dim3A_259 = arith.constant 2 : i32
      %broadcast_in_dim3A_260 = vector.broadcast %broadcast_in_dim3A_259 : i32 to vector<16xi32>
      %get3A_261 = arith.constant 2 : i32
      %get3A_262 = arith.index_cast %get3A_261 : i32 to index
      %get3A_263 = arith.constant 0 : index
      %get3A_264 = tpu.vector_load %arg6[%get3A_262, %get3A_263] {strides = array<i32>} : memref<128x32xf32, #tpu.memory_space<vmem>>, vector<16xf32>,
      %get3A_265 = arith.constant 2 : i32
      %get3A_266 = arith.index_cast %get3A_265 : i32 to index
      %get3A_267 = arith.constant 16 : index
      %get3A_268 = tpu.vector_load %arg6[%get3A_266, %get3A_267] {strides = array<i32>} : memref<128x32xf32, #tpu.memory_space<vmem>>, vector<16xf32>,
      tpu.vector_store_idx %arg8[%shift_right_arithmetic3A_4, %and3A_6, %broadcast_in_dim3A_260], %get3A_264 : memref<4x8x129xf32, #tpu.memory_space<vmem>>[vector<16xi32>, vector<16xi32>, vector<16xi32>], vector<16xf32>,
      tpu.vector_store_idx %arg8[%shift_right_arithmetic3A_12, %and3A_18, %broadcast_in_dim3A_260], %get3A_268 : memref<4x8x129xf32, #tpu.memory_space<vmem>>[vector<16xi32>, vector<16xi32>, vector<16xi32>], vector<16xf32>,
      %broadcast_in_dim3A_269 = arith.constant 3 : i32
      %broadcast_in_dim3A_270 = vector.broadcast %broadcast_in_dim3A_269 : i32 to vector<16xi32>
      %get3A_271 = arith.constant 3 : i32
      %get3A_272 = arith.index_cast %get3A_271 : i32 to index
      %get3A_273 = arith.constant 0 : index
      %get3A_274 = tpu.vector_load %arg6[%get3A_272, %get3A_273] {strides = array<i32>} : memref<128x32xf32, #tpu.memory_space<vmem>>, vector<16xf32>,
      %get3A_275 = arith.constant 3 : i32
      %get3A_276 = arith.index_cast %get3A_275 : i32 to index
      %get3A_277 = arith.constant 16 : index
      %get3A_278 = tpu.vector_load %arg6[%get3A_276, %get3A_277] {strides = array<i32>} : memref<128x32xf32, #tpu.memory_space<vmem>>, vector<16xf32>,
      tpu.vector_store_idx %arg8[%shift_right_arithmetic3A_4, %and3A_6, %broadcast_in_dim3A_270], %get3A_274 : memref<4x8x129xf32, #tpu.memory_space<vmem>>[vector<16xi32>, vector<16xi32>, vector<16xi32>], vector<16xf32>,
      tpu.vector_store_idx %arg8[%shift_right_arithmetic3A_12, %and3A_18, %broadcast_in_dim3A_270], %get3A_278 : memref<4x8x129xf32, #tpu.memory_space<vmem>>[vector<16xi32>, vector<16xi32>, vector<16xi32>], vector<16xf32>,
      %broadcast_in_dim3A_279 = arith.constant 4 : i32
      %broadcast_in_dim3A_280 = vector.broadcast %broadcast_in_dim3A_279 : i32 to vector<16xi32>
      %get3A_281 = arith.constant 4 : i32
      %get3A_282 = arith.index_cast %get3A_281 : i32 to index
      %get3A_283 = arith.constant 0 : index
      %get3A_284 = tpu.vector_load %arg6[%get3A_282, %get3A_283] {strides = array<i32>} : memref<128x32xf32, #tpu.memory_space<vmem>>, vector<16xf32>,
      %get3A_285 = arith.constant 4 : i32
      %get3A_286 = arith.index_cast %get3A_285 : i32 to index
      %get3A_287 = arith.constant 16 : index
      %get3A_288 = tpu.vector_load %arg6[%get3A_286, %get3A_287] {strides = array<i32>} : memref<128x32xf32, #tpu.memory_space<vmem>>, vector<16xf32>,
      tpu.vector_store_idx %arg8[%shift_right_arithmetic3A_4, %and3A_6, %broadcast_in_dim3A_280], %get3A_284 : memref<4x8x129xf32, #tpu.memory_space<vmem>>[vector<16xi32>, vector<16xi32>, vector<16xi32>], vector<16xf32>,
      tpu.vector_store_idx %arg8[%shift_right_arithmetic3A_12, %and3A_18, %broadcast_in_dim3A_280], %get3A_288 : memref<4x8x129xf32, #tpu.memory_space<vmem>>[vector<16xi32>, vector<16xi32>, vector<16xi32>], vector<16xf32>,
      %broadcast_in_dim3A_289 = arith.constant 5 : i32
      %broadcast_in_dim3A_290 = vector.broadcast %broadcast_in_dim3A_289 : i32 to vector<16xi32>
      %get3A_291 = arith.constant 5 : i32
      %get3A_292 = arith.index_cast %get3A_291 : i32 to index
      %get3A_293 = arith.constant 0 : index
      %get3A_294 = tpu.vector_load %arg6[%get3A_292, %get3A_293] {strides = array<i32>} : memref<128x32xf32, #tpu.memory_space<vmem>>, vector<16xf32>,
      %get3A_295 = arith.constant 5 : i32
      %get3A_296 = arith.index_cast %get3A_295 : i32 to index
      %get3A_297 = arith.constant 16 : index
      %get3A_298 = tpu.vector_load %arg6[%get3A_296, %get3A_297] {strides = array<i32>} : memref<128x32xf32, #tpu.memory_space<vmem>>, vector<16xf32>,
      tpu.vector_store_idx %arg8[%shift_right_arithmetic3A_4, %and3A_6, %broadcast_in_dim3A_290], %get3A_294 : memref<4x8x129xf32, #tpu.memory_space<vmem>>[vector<16xi32>, vector<16xi32>, vector<16xi32>], vector<16xf32>,
      tpu.vector_store_idx %arg8[%shift_right_arithmetic3A_12, %and3A_18, %broadcast_in_dim3A_290], %get3A_298 : memref<4x8x129xf32, #tpu.memory_space<vmem>>[vector<16xi32>, vector<16xi32>, vector<16xi32>], vector<16xf32>,
      %broadcast_in_dim3A_299 = arith.constant 6 : i32
      %broadcast_in_dim3A_300 = vector.broadcast %broadcast_in_dim3A_299 : i32 to vector<16xi32>
      %get3A_301 = arith.constant 6 : i32
      %get3A_302 = arith.index_cast %get3A_301 : i32 to index
      %get3A_303 = arith.constant 0 : index
      %get3A_304 = tpu.vector_load %arg6[%get3A_302, %get3A_303] {strides = array<i32>} : memref<128x32xf32, #tpu.memory_space<vmem>>, vector<16xf32>,
      %get3A_305 = arith.constant 6 : i32
      %get3A_306 = arith.index_cast %get3A_305 : i32 to index
      %get3A_307 = arith.constant 16 : index
      %get3A_308 = tpu.vector_load %arg6[%get3A_306, %get3A_307] {strides = array<i32>} : memref<128x32xf32, #tpu.memory_space<vmem>>, vector<16xf32>,
      tpu.vector_store_idx %arg8[%shift_right_arithmetic3A_4, %and3A_6, %broadcast_in_dim3A_300], %get3A_304 : memref<4x8x129xf32, #tpu.memory_space<vmem>>[vector<16xi32>, vector<16xi32>, vector<16xi32>], vector<16xf32>,
      tpu.vector_store_idx %arg8[%shift_right_arithmetic3A_12, %and3A_18, %broadcast_in_dim3A_300], %get3A_308 : memref<4x8x129xf32, #tpu.memory_space<vmem>>[vector<16xi32>, vector<16xi32>, vector<16xi32>], vector<16xf32>,
      %broadcast_in_dim3A_309 = arith.constant 7 : i32
      %broadcast_in_dim3A_310 = vector.broadcast %broadcast_in_dim3A_309 : i32 to vector<16xi32>
      %get3A_311 = arith.constant 7 : i32
      %get3A_312 = arith.index_cast %get3A_311 : i32 to index
      %get3A_313 = arith.constant 0 : index
      %get3A_314 = tpu.vector_load %arg6[%get3A_312, %get3A_313] {strides = array<i32>} : memref<128x32xf32, #tpu.memory_space<vmem>>, vector<16xf32>,
      %get3A_315 = arith.constant 7 : i32
      %get3A_316 = arith.index_cast %get3A_315 : i32 to index
      %get3A_317 = arith.constant 16 : index
      %get3A_318 = tpu.vector_load %arg6[%get3A_316, %get3A_317] {strides = array<i32>} : memref<128x32xf32, #tpu.memory_space<vmem>>, vector<16xf32>,
      tpu.vector_store_idx %arg8[%shift_right_arithmetic3A_4, %and3A_6, %broadcast_in_dim3A_310], %get3A_314 : memref<4x8x129xf32, #tpu.memory_space<vmem>>[vector<16xi32>, vector<16xi32>, vector<16xi32>], vector<16xf32>,
      tpu.vector_store_idx %arg8[%shift_right_arithmetic3A_12, %and3A_18, %broadcast_in_dim3A_310], %get3A_318 : memref<4x8x129xf32, #tpu.memory_space<vmem>>[vector<16xi32>, vector<16xi32>, vector<16xi32>], vector<16xf32>,
      %broadcast_in_dim3A_319 = arith.constant 8 : i32
      %broadcast_in_dim3A_320 = vector.broadcast %broadcast_in_dim3A_319 : i32 to vector<16xi32>
      %get3A_321 = arith.constant 8 : i32
      %get3A_322 = arith.index_cast %get3A_321 : i32 to index
      %get3A_323 = arith.constant 0 : index
      %get3A_324 = tpu.vector_load %arg6[%get3A_322, %get3A_323] {strides = array<i32>} : memref<128x32xf32, #tpu.memory_space<vmem>>, vector<16xf32>,
      %get3A_325 = arith.constant 8 : i32
      %get3A_326 = arith.index_cast %get3A_325 : i32 to index
      %get3A_327 = arith.constant 16 : index
      %get3A_328 = tpu.vector_load %arg6[%get3A_326, %get3A_327] {strides = array<i32>} : memref<128x32xf32, #tpu.memory_space<vmem>>, vector<16xf32>,
      tpu.vector_store_idx %arg8[%shift_right_arithmetic3A_4, %and3A_6, %broadcast_in_dim3A_320], %get3A_324 : memref<4x8x129xf32, #tpu.memory_space<vmem>>[vector<16xi32>, vector<16xi32>, vector<16xi32>], vector<16xf32>,
      tpu.vector_store_idx %arg8[%shift_right_arithmetic3A_12, %and3A_18, %broadcast_in_dim3A_320], %get3A_328 : memref<4x8x129xf32, #tpu.memory_space<vmem>>[vector<16xi32>, vector<16xi32>, vector<16xi32>], vector<16xf32>,
      %broadcast_in_dim3A_329 = arith.constant 9 : i32
      %broadcast_in_dim3A_330 = vector.broadcast %broadcast_in_dim3A_329 : i32 to vector<16xi32>
      %get3A_331 = arith.constant 9 : i32
      %get3A_332 = arith.index_cast %get3A_331 : i32 to index
      %get3A_333 = arith.constant 0 : index
      %get3A_334 = tpu.vector_load %arg6[%get3A_332, %get3A_333] {strides = array<i32>} : memref<128x32xf32, #tpu.memory_space<vmem>>, vector<16xf32>,
      %get3A_335 = arith.constant 9 : i32
      %get3A_336 = arith.index_cast %get3A_335 : i32 to index
      %get3A_337 = arith.constant 16 : index
      %get3A_338 = tpu.vector_load %arg6[%get3A_336, %get3A_337] {strides = array<i32>} : memref<128x32xf32, #tpu.memory_space<vmem>>, vector<16xf32>,
      tpu.vector_store_idx %arg8[%shift_right_arithmetic3A_4, %and3A_6, %broadcast_in_dim3A_330], %get3A_334 : memref<4x8x129xf32, #tpu.memory_space<vmem>>[vector<16xi32>, vector<16xi32>, vector<16xi32>], vector<16xf32>,
      tpu.vector_store_idx %arg8[%shift_right_arithmetic3A_12, %and3A_18, %broadcast_in_dim3A_330], %get3A_338 : memref<4x8x129xf32, #tpu.memory_space<vmem>>[vector<16xi32>, vector<16xi32>, vector<16xi32>], vector<16xf32>,
      %broadcast_in_dim3A_339 = arith.constant 10 : i32
      %broadcast_in_dim3A_340 = vector.broadcast %broadcast_in_dim3A_339 : i32 to vector<16xi32>
      %get3A_341 = arith.constant 10 : i32
      %get3A_342 = arith.index_cast %get3A_341 : i32 to index
      %get3A_343 = arith.constant 0 : index
      %get3A_344 = tpu.vector_load %arg6[%get3A_342, %get3A_343] {strides = array<i32>} : memref<128x32xf32, #tpu.memory_space<vmem>>, vector<16xf32>,
      %get3A_345 = arith.constant 10 : i32
      %get3A_346 = arith.index_cast %get3A_345 : i32 to index
      %get3A_347 = arith.constant 16 : index
      %get3A_348 = tpu.vector_load %arg6[%get3A_346, %get3A_347] {strides = array<i32>} : memref<128x32xf32, #tpu.memory_space<vmem>>, vector<16xf32>,
      tpu.vector_store_idx %arg8[%shift_right_arithmetic3A_4, %and3A_6, %broadcast_in_dim3A_340], %get3A_344 : memref<4x8x129xf32, #tpu.memory_space<vmem>>[vector<16xi32>, vector<16xi32>, vector<16xi32>], vector<16xf32>,
      tpu.vector_store_idx %arg8[%shift_right_arithmetic3A_12, %and3A_18, %broadcast_in_dim3A_340], %get3A_348 : memref<4x8x129xf32, #tpu.memory_space<vmem>>[vector<16xi32>, vector<16xi32>, vector<16xi32>], vector<16xf32>,
      %broadcast_in_dim3A_349 = arith.constant 11 : i32
      %broadcast_in_dim3A_350 = vector.broadcast %broadcast_in_dim3A_349 : i32 to vector<16xi32>
      %get3A_351 = arith.constant 11 : i32
      %get3A_352 = arith.index_cast %get3A_351 : i32 to index
      %get3A_353 = arith.constant 0 : index
      %get3A_354 = tpu.vector_load %arg6[%get3A_352, %get3A_353] {strides = array<i32>} : memref<128x32xf32, #tpu.memory_space<vmem>>, vector<16xf32>,
      %get3A_355 = arith.constant 11 : i32
      %get3A_356 = arith.index_cast %get3A_355 : i32 to index
      %get3A_357 = arith.constant 16 : index
      %get3A_358 = tpu.vector_load %arg6[%get3A_356, %get3A_357] {strides = array<i32>} : memref<128x32xf32, #tpu.memory_space<vmem>>, vector<16xf32>,
      tpu.vector_store_idx %arg8[%shift_right_arithmetic3A_4, %and3A_6, %broadcast_in_dim3A_350], %get3A_354 : memref<4x8x129xf32, #tpu.memory_space<vmem>>[vector<16xi32>, vector<16xi32>, vector<16xi32>], vector<16xf32>,
      tpu.vector_store_idx %arg8[%shift_right_arithmetic3A_12, %and3A_18, %broadcast_in_dim3A_350], %get3A_358 : memref<4x8x129xf32, #tpu.memory_space<vmem>>[vector<16xi32>, vector<16xi32>, vector<16xi32>], vector<16xf32>,
      %broadcast_in_dim3A_359 = arith.constant 12 : i32
      %broadcast_in_dim3A_360 = vector.broadcast %broadcast_in_dim3A_359 : i32 to vector<16xi32>
      %get3A_361 = arith.constant 12 : i32
      %get3A_362 = arith.index_cast %get3A_361 : i32 to index
      %get3A_363 = arith.constant 0 : index
      %get3A_364 = tpu.vector_load %arg6[%get3A_362, %get3A_363] {strides = array<i32>} : memref<128x32xf32, #tpu.memory_space<vmem>>, vector<16xf32>,
      %get3A_365 = arith.constant 12 : i32
      %get3A_366 = arith.index_cast %get3A_365 : i32 to index
      %get3A_367 = arith.constant 16 : index
      %get3A_368 = tpu.vector_load %arg6[%get3A_366, %get3A_367] {strides = array<i32>} : memref<128x32xf32, #tpu.memory_space<vmem>>, vector<16xf32>,
      tpu.vector_store_idx %arg8[%shift_right_arithmetic3A_4, %and3A_6, %broadcast_in_dim3A_360], %get3A_364 : memref<4x8x129xf32, #tpu.memory_space<vmem>>[vector<16xi32>, vector<16xi32>, vector<16xi32>], vector<16xf32>,
      tpu.vector_store_idx %arg8[%shift_right_arithmetic3A_12, %and3A_18, %broadcast_in_dim3A_360], %get3A_368 : memref<4x8x129xf32, #tpu.memory_space<vmem>>[vector<16xi32>, vector<16xi32>, vector<16xi32>], vector<16xf32>,
      %broadcast_in_dim3A_369 = arith.constant 13 : i32
      %broadcast_in_dim3A_370 = vector.broadcast %broadcast_in_dim3A_369 : i32 to vector<16xi32>
      %get3A_371 = arith.constant 13 : i32
      %get3A_372 = arith.index_cast %get3A_371 : i32 to index
      %get3A_373 = arith.constant 0 : index
      %get3A_374 = tpu.vector_load %arg6[%get3A_372, %get3A_373] {strides = array<i32>} : memref<128x32xf32, #tpu.memory_space<vmem>>, vector<16xf32>,
      %get3A_375 = arith.constant 13 : i32
      %get3A_376 = arith.index_cast %get3A_375 : i32 to index
      %get3A_377 = arith.constant 16 : index
      %get3A_378 = tpu.vector_load %arg6[%get3A_376, %get3A_377] {strides = array<i32>} : memref<128x32xf32, #tpu.memory_space<vmem>>, vector<16xf32>,
      tpu.vector_store_idx %arg8[%shift_right_arithmetic3A_4, %and3A_6, %broadcast_in_dim3A_370], %get3A_374 : memref<4x8x129xf32, #tpu.memory_space<vmem>>[vector<16xi32>, vector<16xi32>, vector<16xi32>], vector<16xf32>,
      tpu.vector_store_idx %arg8[%shift_right_arithmetic3A_12, %and3A_18, %broadcast_in_dim3A_370], %get3A_378 : memref<4x8x129xf32, #tpu.memory_space<vmem>>[vector<16xi32>, vector<16xi32>, vector<16xi32>], vector<16xf32>,
      %broadcast_in_dim3A_379 = arith.constant 14 : i32
      %broadcast_in_dim3A_380 = vector.broadcast %broadcast_in_dim3A_379 : i32 to vector<16xi32>
      %get3A_381 = arith.constant 14 : i32
      %get3A_382 = arith.index_cast %get3A_381 : i32 to index
      %get3A_383 = arith.constant 0 : index
      %get3A_384 = tpu.vector_load %arg6[%get3A_382, %get3A_383] {strides = array<i32>} : memref<128x32xf32, #tpu.memory_space<vmem>>, vector<16xf32>,
      %get3A_385 = arith.constant 14 : i32
      %get3A_386 = arith.index_cast %get3A_385 : i32 to index
      %get3A_387 = arith.constant 16 : index
      %get3A_388 = tpu.vector_load %arg6[%get3A_386, %get3A_387] {strides = array<i32>} : memref<128x32xf32, #tpu.memory_space<vmem>>, vector<16xf32>,
      tpu.vector_store_idx %arg8[%shift_right_arithmetic3A_4, %and3A_6, %broadcast_in_dim3A_380], %get3A_384 : memref<4x8x129xf32, #tpu.memory_space<vmem>>[vector<16xi32>, vector<16xi32>, vector<16xi32>], vector<16xf32>,
      tpu.vector_store_idx %arg8[%shift_right_arithmetic3A_12, %and3A_18, %broadcast_in_dim3A_380], %get3A_388 : memref<4x8x129xf32, #tpu.memory_space<vmem>>[vector<16xi32>, vector<16xi32>, vector<16xi32>], vector<16xf32>,
      %broadcast_in_dim3A_389 = arith.constant 15 : i32
      %broadcast_in_dim3A_390 = vector.broadcast %broadcast_in_dim3A_389 : i32 to vector<16xi32>
      %get3A_391 = arith.constant 15 : i32
      %get3A_392 = arith.index_cast %get3A_391 : i32 to index
      %get3A_393 = arith.constant 0 : index
      %get3A_394 = tpu.vector_load %arg6[%get3A_392, %get3A_393] {strides = array<i32>} : memref<128x32xf32, #tpu.memory_space<vmem>>, vector<16xf32>,
      %get3A_395 = arith.constant 15 : i32
      %get3A_396 = arith.index_cast %get3A_395 : i32 to index
      %get3A_397 = arith.constant 16 : index
      %get3A_398 = tpu.vector_load %arg6[%get3A_396, %get3A_397] {strides = array<i32>} : memref<128x32xf32, #tpu.memory_space<vmem>>, vector<16xf32>,
      tpu.vector_store_idx %arg8[%shift_right_arithmetic3A_4, %and3A_6, %broadcast_in_dim3A_390], %get3A_394 : memref<4x8x129xf32, #tpu.memory_space<vmem>>[vector<16xi32>, vector<16xi32>, vector<16xi32>], vector<16xf32>,
      tpu.vector_store_idx %arg8[%shift_right_arithmetic3A_12, %and3A_18, %broadcast_in_dim3A_390], %get3A_398 : memref<4x8x129xf32, #tpu.memory_space<vmem>>[vector<16xi32>, vector<16xi32>, vector<16xi32>], vector<16xf32>,
      %broadcast_in_dim3A_399 = arith.constant 16 : i32
      %broadcast_in_dim3A_400 = vector.broadcast %broadcast_in_dim3A_399 : i32 to vector<16xi32>
      %get3A_401 = arith.constant 16 : i32
      %get3A_402 = arith.index_cast %get3A_401 : i32 to index
      %get3A_403 = arith.constant 0 : index
      %get3A_404 = tpu.vector_load %arg6[%get3A_402, %get3A_403] {strides = array<i32>} : memref<128x32xf32, #tpu.memory_space<vmem>>, vector<16xf32>,
      %get3A_405 = arith.constant 16 : i32
      %get3A_406 = arith.index_cast %get3A_405 : i32 to index
      %get3A_407 = arith.constant 16 : index
      %get3A_408 = tpu.vector_load %arg6[%get3A_406, %get3A_407] {strides = array<i32>} : memref<128x32xf32, #tpu.memory_space<vmem>>, vector<16xf32>,
      tpu.vector_store_idx %arg8[%shift_right_arithmetic3A_4, %and3A_6, %broadcast_in_dim3A_400], %get3A_404 : memref<4x8x129xf32, #tpu.memory_space<vmem>>[vector<16xi32>, vector<16xi32>, vector<16xi32>], vector<16xf32>,
      tpu.vector_store_idx %arg8[%shift_right_arithmetic3A_12, %and3A_18, %broadcast_in_dim3A_400], %get3A_408 : memref<4x8x129xf32, #tpu.memory_space<vmem>>[vector<16xi32>, vector<16xi32>, vector<16xi32>], vector<16xf32>,
      %broadcast_in_dim3A_409 = arith.constant 17 : i32
      %broadcast_in_dim3A_410 = vector.broadcast %broadcast_in_dim3A_409 : i32 to vector<16xi32>
      %get3A_411 = arith.constant 17 : i32
      %get3A_412 = arith.index_cast %get3A_411 : i32 to index
      %get3A_413 = arith.constant 0 : index
      %get3A_414 = tpu.vector_load %arg6[%get3A_412, %get3A_413] {strides = array<i32>} : memref<128x32xf32, #tpu.memory_space<vmem>>, vector<16xf32>,
      %get3A_415 = arith.constant 17 : i32
      %get3A_416 = arith.index_cast %get3A_415 : i32 to index
      %get3A_417 = arith.constant 16 : index
      %get3A_418 = tpu.vector_load %arg6[%get3A_416, %get3A_417] {strides = array<i32>} : memref<128x32xf32, #tpu.memory_space<vmem>>, vector<16xf32>,
      tpu.vector_store_idx %arg8[%shift_right_arithmetic3A_4, %and3A_6, %broadcast_in_dim3A_410], %get3A_414 : memref<4x8x129xf32, #tpu.memory_space<vmem>>[vector<16xi32>, vector<16xi32>, vector<16xi32>], vector<16xf32>,
      tpu.vector_store_idx %arg8[%shift_right_arithmetic3A_12, %and3A_18, %broadcast_in_dim3A_410], %get3A_418 : memref<4x8x129xf32, #tpu.memory_space<vmem>>[vector<16xi32>, vector<16xi32>, vector<16xi32>], vector<16xf32>,
      %broadcast_in_dim3A_419 = arith.constant 18 : i32
      %broadcast_in_dim3A_420 = vector.broadcast %broadcast_in_dim3A_419 : i32 to vector<16xi32>
      %get3A_421 = arith.constant 18 : i32
      %get3A_422 = arith.index_cast %get3A_421 : i32 to index
      %get3A_423 = arith.constant 0 : index
      %get3A_424 = tpu.vector_load %arg6[%get3A_422, %get3A_423] {strides = array<i32>} : memref<128x32xf32, #tpu.memory_space<vmem>>, vector<16xf32>,
      %get3A_425 = arith.constant 18 : i32
      %get3A_426 = arith.index_cast %get3A_425 : i32 to index
      %get3A_427 = arith.constant 16 : index
      %get3A_428 = tpu.vector_load %arg6[%get3A_426, %get3A_427] {strides = array<i32>} : memref<128x32xf32, #tpu.memory_space<vmem>>, vector<16xf32>,
      tpu.vector_store_idx %arg8[%shift_right_arithmetic3A_4, %and3A_6, %broadcast_in_dim3A_420], %get3A_424 : memref<4x8x129xf32, #tpu.memory_space<vmem>>[vector<16xi32>, vector<16xi32>, vector<16xi32>], vector<16xf32>,
      tpu.vector_store_idx %arg8[%shift_right_arithmetic3A_12, %and3A_18, %broadcast_in_dim3A_420], %get3A_428 : memref<4x8x129xf32, #tpu.memory_space<vmem>>[vector<16xi32>, vector<16xi32>, vector<16xi32>], vector<16xf32>,
      %broadcast_in_dim3A_429 = arith.constant 19 : i32
      %broadcast_in_dim3A_430 = vector.broadcast %broadcast_in_dim3A_429 : i32 to vector<16xi32>
      %get3A_431 = arith.constant 19 : i32
      %get3A_432 = arith.index_cast %get3A_431 : i32 to index
      %get3A_433 = arith.constant 0 : index
      %get3A_434 = tpu.vector_load %arg6[%get3A_432, %get3A_433] {strides = array<i32>} : memref<128x32xf32, #tpu.memory_space<vmem>>, vector<16xf32>,
      %get3A_435 = arith.constant 19 : i32
      %get3A_436 = arith.index_cast %get3A_435 : i32 to index
      %get3A_437 = arith.constant 16 : index
      %get3A_438 = tpu.vector_load %arg6[%get3A_436, %get3A_437] {strides = array<i32>} : memref<128x32xf32, #tpu.memory_space<vmem>>, vector<16xf32>,
      tpu.vector_store_idx %arg8[%shift_right_arithmetic3A_4, %and3A_6, %broadcast_in_dim3A_430], %get3A_434 : memref<4x8x129xf32, #tpu.memory_space<vmem>>[vector<16xi32>, vector<16xi32>, vector<16xi32>], vector<16xf32>,
      tpu.vector_store_idx %arg8[%shift_right_arithmetic3A_12, %and3A_18, %broadcast_in_dim3A_430], %get3A_438 : memref<4x8x129xf32, #tpu.memory_space<vmem>>[vector<16xi32>, vector<16xi32>, vector<16xi32>], vector<16xf32>,
      %broadcast_in_dim3A_439 = arith.constant 20 : i32
      %broadcast_in_dim3A_440 = vector.broadcast %broadcast_in_dim3A_439 : i32 to vector<16xi32>
      %get3A_441 = arith.constant 20 : i32
      %get3A_442 = arith.index_cast %get3A_441 : i32 to index
      %get3A_443 = arith.constant 0 : index
      %get3A_444 = tpu.vector_load %arg6[%get3A_442, %get3A_443] {strides = array<i32>} : memref<128x32xf32, #tpu.memory_space<vmem>>, vector<16xf32>,
      %get3A_445 = arith.constant 20 : i32
      %get3A_446 = arith.index_cast %get3A_445 : i32 to index
      %get3A_447 = arith.constant 16 : index
      %get3A_448 = tpu.vector_load %arg6[%get3A_446, %get3A_447] {strides = array<i32>} : memref<128x32xf32, #tpu.memory_space<vmem>>, vector<16xf32>,
      tpu.vector_store_idx %arg8[%shift_right_arithmetic3A_4, %and3A_6, %broadcast_in_dim3A_440], %get3A_444 : memref<4x8x129xf32, #tpu.memory_space<vmem>>[vector<16xi32>, vector<16xi32>, vector<16xi32>], vector<16xf32>,
      tpu.vector_store_idx %arg8[%shift_right_arithmetic3A_12, %and3A_18, %broadcast_in_dim3A_440], %get3A_448 : memref<4x8x129xf32, #tpu.memory_space<vmem>>[vector<16xi32>, vector<16xi32>, vector<16xi32>], vector<16xf32>,
      %broadcast_in_dim3A_449 = arith.constant 21 : i32
      %broadcast_in_dim3A_450 = vector.broadcast %broadcast_in_dim3A_449 : i32 to vector<16xi32>
      %get3A_451 = arith.constant 21 : i32
      %get3A_452 = arith.index_cast %get3A_451 : i32 to index
      %get3A_453 = arith.constant 0 : index
      %get3A_454 = tpu.vector_load %arg6[%get3A_452, %get3A_453] {strides = array<i32>} : memref<128x32xf32, #tpu.memory_space<vmem>>, vector<16xf32>,
      %get3A_455 = arith.constant 21 : i32
      %get3A_456 = arith.index_cast %get3A_455 : i32 to index
      %get3A_457 = arith.constant 16 : index
      %get3A_458 = tpu.vector_load %arg6[%get3A_456, %get3A_457] {strides = array<i32>} : memref<128x32xf32, #tpu.memory_space<vmem>>, vector<16xf32>,
      tpu.vector_store_idx %arg8[%shift_right_arithmetic3A_4, %and3A_6, %broadcast_in_dim3A_450], %get3A_454 : memref<4x8x129xf32, #tpu.memory_space<vmem>>[vector<16xi32>, vector<16xi32>, vector<16xi32>], vector<16xf32>,
      tpu.vector_store_idx %arg8[%shift_right_arithmetic3A_12, %and3A_18, %broadcast_in_dim3A_450], %get3A_458 : memref<4x8x129xf32, #tpu.memory_space<vmem>>[vector<16xi32>, vector<16xi32>, vector<16xi32>], vector<16xf32>,
      %broadcast_in_dim3A_459 = arith.constant 22 : i32
      %broadcast_in_dim3A_460 = vector.broadcast %broadcast_in_dim3A_459 : i32 to vector<16xi32>
      %get3A_461 = arith.constant 22 : i32
      %get3A_462 = arith.index_cast %get3A_461 : i32 to index
      %get3A_463 = arith.constant 0 : index
      %get3A_464 = tpu.vector_load %arg6[%get3A_462, %get3A_463] {strides = array<i32>} : memref<128x32xf32, #tpu.memory_space<vmem>>, vector<16xf32>,
      %get3A_465 = arith.constant 22 : i32
      %get3A_466 = arith.index_cast %get3A_465 : i32 to index
      %get3A_467 = arith.constant 16 : index
      %get3A_468 = tpu.vector_load %arg6[%get3A_466, %get3A_467] {strides = array<i32>} : memref<128x32xf32, #tpu.memory_space<vmem>>, vector<16xf32>,
      tpu.vector_store_idx %arg8[%shift_right_arithmetic3A_4, %and3A_6, %broadcast_in_dim3A_460], %get3A_464 : memref<4x8x129xf32, #tpu.memory_space<vmem>>[vector<16xi32>, vector<16xi32>, vector<16xi32>], vector<16xf32>,
      tpu.vector_store_idx %arg8[%shift_right_arithmetic3A_12, %and3A_18, %broadcast_in_dim3A_460], %get3A_468 : memref<4x8x129xf32, #tpu.memory_space<vmem>>[vector<16xi32>, vector<16xi32>, vector<16xi32>], vector<16xf32>,
      %broadcast_in_dim3A_469 = arith.constant 23 : i32
      %broadcast_in_dim3A_470 = vector.broadcast %broadcast_in_dim3A_469 : i32 to vector<16xi32>
      %get3A_471 = arith.constant 23 : i32
      %get3A_472 = arith.index_cast %get3A_471 : i32 to index
      %get3A_473 = arith.constant 0 : index
      %get3A_474 = tpu.vector_load %arg6[%get3A_472, %get3A_473] {strides = array<i32>} : memref<128x32xf32, #tpu.memory_space<vmem>>, vector<16xf32>,
      %get3A_475 = arith.constant 23 : i32
      %get3A_476 = arith.index_cast %get3A_475 : i32 to index
      %get3A_477 = arith.constant 16 : index
      %get3A_478 = tpu.vector_load %arg6[%get3A_476, %get3A_477] {strides = array<i32>} : memref<128x32xf32, #tpu.memory_space<vmem>>, vector<16xf32>,
      tpu.vector_store_idx %arg8[%shift_right_arithmetic3A_4, %and3A_6, %broadcast_in_dim3A_470], %get3A_474 : memref<4x8x129xf32, #tpu.memory_space<vmem>>[vector<16xi32>, vector<16xi32>, vector<16xi32>], vector<16xf32>,
      tpu.vector_store_idx %arg8[%shift_right_arithmetic3A_12, %and3A_18, %broadcast_in_dim3A_470], %get3A_478 : memref<4x8x129xf32, #tpu.memory_space<vmem>>[vector<16xi32>, vector<16xi32>, vector<16xi32>], vector<16xf32>,
      %broadcast_in_dim3A_479 = arith.constant 24 : i32
      %broadcast_in_dim3A_480 = vector.broadcast %broadcast_in_dim3A_479 : i32 to vector<16xi32>
      %get3A_481 = arith.constant 24 : i32
      %get3A_482 = arith.index_cast %get3A_481 : i32 to index
      %get3A_483 = arith.constant 0 : index
      %get3A_484 = tpu.vector_load %arg6[%get3A_482, %get3A_483] {strides = array<i32>} : memref<128x32xf32, #tpu.memory_space<vmem>>, vector<16xf32>,
      %get3A_485 = arith.constant 24 : i32
      %get3A_486 = arith.index_cast %get3A_485 : i32 to index
      %get3A_487 = arith.constant 16 : index
      %get3A_488 = tpu.vector_load %arg6[%get3A_486, %get3A_487] {strides = array<i32>} : memref<128x32xf32, #tpu.memory_space<vmem>>, vector<16xf32>,
      tpu.vector_store_idx %arg8[%shift_right_arithmetic3A_4, %and3A_6, %broadcast_in_dim3A_480], %get3A_484 : memref<4x8x129xf32, #tpu.memory_space<vmem>>[vector<16xi32>, vector<16xi32>, vector<16xi32>], vector<16xf32>,
      tpu.vector_store_idx %arg8[%shift_right_arithmetic3A_12, %and3A_18, %broadcast_in_dim3A_480], %get3A_488 : memref<4x8x129xf32, #tpu.memory_space<vmem>>[vector<16xi32>, vector<16xi32>, vector<16xi32>], vector<16xf32>,
      %broadcast_in_dim3A_489 = arith.constant 25 : i32
      %broadcast_in_dim3A_490 = vector.broadcast %broadcast_in_dim3A_489 : i32 to vector<16xi32>
      %get3A_491 = arith.constant 25 : i32
      %get3A_492 = arith.index_cast %get3A_491 : i32 to index
      %get3A_493 = arith.constant 0 : index
      %get3A_494 = tpu.vector_load %arg6[%get3A_492, %get3A_493] {strides = array<i32>} : memref<128x32xf32, #tpu.memory_space<vmem>>, vector<16xf32>,
      %get3A_495 = arith.constant 25 : i32
      %get3A_496 = arith.index_cast %get3A_495 : i32 to index
      %get3A_497 = arith.constant 16 : index
      %get3A_498 = tpu.vector_load %arg6[%get3A_496, %get3A_497] {strides = array<i32>} : memref<128x32xf32, #tpu.memory_space<vmem>>, vector<16xf32>,
      tpu.vector_store_idx %arg8[%shift_right_arithmetic3A_4, %and3A_6, %broadcast_in_dim3A_490], %get3A_494 : memref<4x8x129xf32, #tpu.memory_space<vmem>>[vector<16xi32>, vector<16xi32>, vector<16xi32>], vector<16xf32>,
      tpu.vector_store_idx %arg8[%shift_right_arithmetic3A_12, %and3A_18, %broadcast_in_dim3A_490], %get3A_498 : memref<4x8x129xf32, #tpu.memory_space<vmem>>[vector<16xi32>, vector<16xi32>, vector<16xi32>], vector<16xf32>,
      %broadcast_in_dim3A_499 = arith.constant 26 : i32
      %broadcast_in_dim3A_500 = vector.broadcast %broadcast_in_dim3A_499 : i32 to vector<16xi32>
      %get3A_501 = arith.constant 26 : i32
      %get3A_502 = arith.index_cast %get3A_501 : i32 to index
      %get3A_503 = arith.constant 0 : index
      %get3A_504 = tpu.vector_load %arg6[%get3A_502, %get3A_503] {strides = array<i32>} : memref<128x32xf32, #tpu.memory_space<vmem>>, vector<16xf32>,
      %get3A_505 = arith.constant 26 : i32
      %get3A_506 = arith.index_cast %get3A_505 : i32 to index
      %get3A_507 = arith.constant 16 : index
      %get3A_508 = tpu.vector_load %arg6[%get3A_506, %get3A_507] {strides = array<i32>} : memref<128x32xf32, #tpu.memory_space<vmem>>, vector<16xf32>,
      tpu.vector_store_idx %arg8[%shift_right_arithmetic3A_4, %and3A_6, %broadcast_in_dim3A_500], %get3A_504 : memref<4x8x129xf32, #tpu.memory_space<vmem>>[vector<16xi32>, vector<16xi32>, vector<16xi32>], vector<16xf32>,
      tpu.vector_store_idx %arg8[%shift_right_arithmetic3A_12, %and3A_18, %broadcast_in_dim3A_500], %get3A_508 : memref<4x8x129xf32, #tpu.memory_space<vmem>>[vector<16xi32>, vector<16xi32>, vector<16xi32>], vector<16xf32>,
      %broadcast_in_dim3A_509 = arith.constant 27 : i32
      %broadcast_in_dim3A_510 = vector.broadcast %broadcast_in_dim3A_509 : i32 to vector<16xi32>
      %get3A_511 = arith.constant 27 : i32
      %get3A_512 = arith.index_cast %get3A_511 : i32 to index
      %get3A_513 = arith.constant 0 : index
      %get3A_514 = tpu.vector_load %arg6[%get3A_512, %get3A_513] {strides = array<i32>} : memref<128x32xf32, #tpu.memory_space<vmem>>, vector<16xf32>,
      %get3A_515 = arith.constant 27 : i32
      %get3A_516 = arith.index_cast %get3A_515 : i32 to index
      %get3A_517 = arith.constant 16 : index
      %get3A_518 = tpu.vector_load %arg6[%get3A_516, %get3A_517] {strides = array<i32>} : memref<128x32xf32, #tpu.memory_space<vmem>>, vector<16xf32>,
      tpu.vector_store_idx %arg8[%shift_right_arithmetic3A_4, %and3A_6, %broadcast_in_dim3A_510], %get3A_514 : memref<4x8x129xf32, #tpu.memory_space<vmem>>[vector<16xi32>, vector<16xi32>, vector<16xi32>], vector<16xf32>,
      tpu.vector_store_idx %arg8[%shift_right_arithmetic3A_12, %and3A_18, %broadcast_in_dim3A_510], %get3A_518 : memref<4x8x129xf32, #tpu.memory_space<vmem>>[vector<16xi32>, vector<16xi32>, vector<16xi32>], vector<16xf32>,
      %broadcast_in_dim3A_519 = arith.constant 28 : i32
      %broadcast_in_dim3A_520 = vector.broadcast %broadcast_in_dim3A_519 : i32 to vector<16xi32>
      %get3A_521 = arith.constant 28 : i32
      %get3A_522 = arith.index_cast %get3A_521 : i32 to index
      %get3A_523 = arith.constant 0 : index
      %get3A_524 = tpu.vector_load %arg6[%get3A_522, %get3A_523] {strides = array<i32>} : memref<128x32xf32, #tpu.memory_space<vmem>>, vector<16xf32>,
      %get3A_525 = arith.constant 28 : i32
      %get3A_526 = arith.index_cast %get3A_525 : i32 to index
      %get3A_527 = arith.constant 16 : index
      %get3A_528 = tpu.vector_load %arg6[%get3A_526, %get3A_527] {strides = array<i32>} : memref<128x32xf32, #tpu.memory_space<vmem>>, vector<16xf32>,
      tpu.vector_store_idx %arg8[%shift_right_arithmetic3A_4, %and3A_6, %broadcast_in_dim3A_520], %get3A_524 : memref<4x8x129xf32, #tpu.memory_space<vmem>>[vector<16xi32>, vector<16xi32>, vector<16xi32>], vector<16xf32>,
      tpu.vector_store_idx %arg8[%shift_right_arithmetic3A_12, %and3A_18, %broadcast_in_dim3A_520], %get3A_528 : memref<4x8x129xf32, #tpu.memory_space<vmem>>[vector<16xi32>, vector<16xi32>, vector<16xi32>], vector<16xf32>,
      %broadcast_in_dim3A_529 = arith.constant 29 : i32
      %broadcast_in_dim3A_530 = vector.broadcast %broadcast_in_dim3A_529 : i32 to vector<16xi32>
      %get3A_531 = arith.constant 29 : i32
      %get3A_532 = arith.index_cast %get3A_531 : i32 to index
      %get3A_533 = arith.constant 0 : index
      %get3A_534 = tpu.vector_load %arg6[%get3A_532, %get3A_533] {strides = array<i32>} : memref<128x32xf32, #tpu.memory_space<vmem>>, vector<16xf32>,
      %get3A_535 = arith.constant 29 : i32
      %get3A_536 = arith.index_cast %get3A_535 : i32 to index
      %get3A_537 = arith.constant 16 : index
      %get3A_538 = tpu.vector_load %arg6[%get3A_536, %get3A_537] {strides = array<i32>} : memref<128x32xf32, #tpu.memory_space<vmem>>, vector<16xf32>,
      tpu.vector_store_idx %arg8[%shift_right_arithmetic3A_4, %and3A_6, %broadcast_in_dim3A_530], %get3A_534 : memref<4x8x129xf32, #tpu.memory_space<vmem>>[vector<16xi32>, vector<16xi32>, vector<16xi32>], vector<16xf32>,
      tpu.vector_store_idx %arg8[%shift_right_arithmetic3A_12, %and3A_18, %broadcast_in_dim3A_530], %get3A_538 : memref<4x8x129xf32, #tpu.memory_space<vmem>>[vector<16xi32>, vector<16xi32>, vector<16xi32>], vector<16xf32>,
      %broadcast_in_dim3A_539 = arith.constant 30 : i32
      %broadcast_in_dim3A_540 = vector.broadcast %broadcast_in_dim3A_539 : i32 to vector<16xi32>
      %get3A_541 = arith.constant 30 : i32
      %get3A_542 = arith.index_cast %get3A_541 : i32 to index
      %get3A_543 = arith.constant 0 : index
      %get3A_544 = tpu.vector_load %arg6[%get3A_542, %get3A_543] {strides = array<i32>} : memref<128x32xf32, #tpu.memory_space<vmem>>, vector<16xf32>,
      %get3A_545 = arith.constant 30 : i32
      %get3A_546 = arith.index_cast %get3A_545 : i32 to index
      %get3A_547 = arith.constant 16 : index
      %get3A_548 = tpu.vector_load %arg6[%get3A_546, %get3A_547] {strides = array<i32>} : memref<128x32xf32, #tpu.memory_space<vmem>>, vector<16xf32>,
      tpu.vector_store_idx %arg8[%shift_right_arithmetic3A_4, %and3A_6, %broadcast_in_dim3A_540], %get3A_544 : memref<4x8x129xf32, #tpu.memory_space<vmem>>[vector<16xi32>, vector<16xi32>, vector<16xi32>], vector<16xf32>,
      tpu.vector_store_idx %arg8[%shift_right_arithmetic3A_12, %and3A_18, %broadcast_in_dim3A_540], %get3A_548 : memref<4x8x129xf32, #tpu.memory_space<vmem>>[vector<16xi32>, vector<16xi32>, vector<16xi32>], vector<16xf32>,
      %broadcast_in_dim3A_549 = arith.constant 31 : i32
      %broadcast_in_dim3A_550 = vector.broadcast %broadcast_in_dim3A_549 : i32 to vector<16xi32>
      %get3A_551 = arith.constant 31 : i32
      %get3A_552 = arith.index_cast %get3A_551 : i32 to index
      %get3A_553 = arith.constant 0 : index
      %get3A_554 = tpu.vector_load %arg6[%get3A_552, %get3A_553] {strides = array<i32>} : memref<128x32xf32, #tpu.memory_space<vmem>>, vector<16xf32>,
      %get3A_555 = arith.constant 31 : i32
      %get3A_556 = arith.index_cast %get3A_555 : i32 to index
      %get3A_557 = arith.constant 16 : index
      %get3A_558 = tpu.vector_load %arg6[%get3A_556, %get3A_557] {strides = array<i32>} : memref<128x32xf32, #tpu.memory_space<vmem>>, vector<16xf32>,
      tpu.vector_store_idx %arg8[%shift_right_arithmetic3A_4, %and3A_6, %broadcast_in_dim3A_550], %get3A_554 : memref<4x8x129xf32, #tpu.memory_space<vmem>>[vector<16xi32>, vector<16xi32>, vector<16xi32>], vector<16xf32>,
      tpu.vector_store_idx %arg8[%shift_right_arithmetic3A_12, %and3A_18, %broadcast_in_dim3A_550], %get3A_558 : memref<4x8x129xf32, #tpu.memory_space<vmem>>[vector<16xi32>, vector<16xi32>, vector<16xi32>], vector<16xf32>,
      %broadcast_in_dim3A_559 = arith.constant 32 : i32
      %broadcast_in_dim3A_560 = vector.broadcast %broadcast_in_dim3A_559 : i32 to vector<16xi32>
      %get3A_561 = arith.constant 32 : i32
      %get3A_562 = arith.index_cast %get3A_561 : i32 to index
      %get3A_563 = arith.constant 0 : index
      %get3A_564 = tpu.vector_load %arg6[%get3A_562, %get3A_563] {strides = array<i32>} : memref<128x32xf32, #tpu.memory_space<vmem>>, vector<16xf32>,
      %get3A_565 = arith.constant 32 : i32
      %get3A_566 = arith.index_cast %get3A_565 : i32 to index
      %get3A_567 = arith.constant 16 : index
      %get3A_568 = tpu.vector_load %arg6[%get3A_566, %get3A_567] {strides = array<i32>} : memref<128x32xf32, #tpu.memory_space<vmem>>, vector<16xf32>,
      tpu.vector_store_idx %arg8[%shift_right_arithmetic3A_4, %and3A_6, %broadcast_in_dim3A_560], %get3A_564 : memref<4x8x129xf32, #tpu.memory_space<vmem>>[vector<16xi32>, vector<16xi32>, vector<16xi32>], vector<16xf32>,
      tpu.vector_store_idx %arg8[%shift_right_arithmetic3A_12, %and3A_18, %broadcast_in_dim3A_560], %get3A_568 : memref<4x8x129xf32, #tpu.memory_space<vmem>>[vector<16xi32>, vector<16xi32>, vector<16xi32>], vector<16xf32>,
      %broadcast_in_dim3A_569 = arith.constant 33 : i32
      %broadcast_in_dim3A_570 = vector.broadcast %broadcast_in_dim3A_569 : i32 to vector<16xi32>
      %get3A_571 = arith.constant 33 : i32
      %get3A_572 = arith.index_cast %get3A_571 : i32 to index
      %get3A_573 = arith.constant 0 : index
      %get3A_574 = tpu.vector_load %arg6[%get3A_572, %get3A_573] {strides = array<i32>} : memref<128x32xf32, #tpu.memory_space<vmem>>, vector<16xf32>,
      %get3A_575 = arith.constant 33 : i32
      %get3A_576 = arith.index_cast %get3A_575 : i32 to index
      %get3A_577 = arith.constant 16 : index
      %get3A_578 = tpu.vector_load %arg6[%get3A_576, %get3A_577] {strides = array<i32>} : memref<128x32xf32, #tpu.memory_space<vmem>>, vector<16xf32>,
      tpu.vector_store_idx %arg8[%shift_right_arithmetic3A_4, %and3A_6, %broadcast_in_dim3A_570], %get3A_574 : memref<4x8x129xf32, #tpu.memory_space<vmem>>[vector<16xi32>, vector<16xi32>, vector<16xi32>], vector<16xf32>,
      tpu.vector_store_idx %arg8[%shift_right_arithmetic3A_12, %and3A_18, %broadcast_in_dim3A_570], %get3A_578 : memref<4x8x129xf32, #tpu.memory_space<vmem>>[vector<16xi32>, vector<16xi32>, vector<16xi32>], vector<16xf32>,
      %broadcast_in_dim3A_579 = arith.constant 34 : i32
      %broadcast_in_dim3A_580 = vector.broadcast %broadcast_in_dim3A_579 : i32 to vector<16xi32>
      %get3A_581 = arith.constant 34 : i32
      %get3A_582 = arith.index_cast %get3A_581 : i32 to index
      %get3A_583 = arith.constant 0 : index
      %get3A_584 = tpu.vector_load %arg6[%get3A_582, %get3A_583] {strides = array<i32>} : memref<128x32xf32, #tpu.memory_space<vmem>>, vector<16xf32>,
      %get3A_585 = arith.constant 34 : i32
      %get3A_586 = arith.index_cast %get3A_585 : i32 to index
      %get3A_587 = arith.constant 16 : index
      %get3A_588 = tpu.vector_load %arg6[%get3A_586, %get3A_587] {strides = array<i32>} : memref<128x32xf32, #tpu.memory_space<vmem>>, vector<16xf32>,
      tpu.vector_store_idx %arg8[%shift_right_arithmetic3A_4, %and3A_6, %broadcast_in_dim3A_580], %get3A_584 : memref<4x8x129xf32, #tpu.memory_space<vmem>>[vector<16xi32>, vector<16xi32>, vector<16xi32>], vector<16xf32>,
      tpu.vector_store_idx %arg8[%shift_right_arithmetic3A_12, %and3A_18, %broadcast_in_dim3A_580], %get3A_588 : memref<4x8x129xf32, #tpu.memory_space<vmem>>[vector<16xi32>, vector<16xi32>, vector<16xi32>], vector<16xf32>,
      %broadcast_in_dim3A_589 = arith.constant 35 : i32
      %broadcast_in_dim3A_590 = vector.broadcast %broadcast_in_dim3A_589 : i32 to vector<16xi32>
      %get3A_591 = arith.constant 35 : i32
      %get3A_592 = arith.index_cast %get3A_591 : i32 to index
      %get3A_593 = arith.constant 0 : index
      %get3A_594 = tpu.vector_load %arg6[%get3A_592, %get3A_593] {strides = array<i32>} : memref<128x32xf32, #tpu.memory_space<vmem>>, vector<16xf32>,
      %get3A_595 = arith.constant 35 : i32
      %get3A_596 = arith.index_cast %get3A_595 : i32 to index
      %get3A_597 = arith.constant 16 : index
      %get3A_598 = tpu.vector_load %arg6[%get3A_596, %get3A_597] {strides = array<i32>} : memref<128x32xf32, #tpu.memory_space<vmem>>, vector<16xf32>,
      tpu.vector_store_idx %arg8[%shift_right_arithmetic3A_4, %and3A_6, %broadcast_in_dim3A_590], %get3A_594 : memref<4x8x129xf32, #tpu.memory_space<vmem>>[vector<16xi32>, vector<16xi32>, vector<16xi32>], vector<16xf32>,
      tpu.vector_store_idx %arg8[%shift_right_arithmetic3A_12, %and3A_18, %broadcast_in_dim3A_590], %get3A_598 : memref<4x8x129xf32, #tpu.memory_space<vmem>>[vector<16xi32>, vector<16xi32>, vector<16xi32>], vector<16xf32>,
      %broadcast_in_dim3A_599 = arith.constant 36 : i32
      %broadcast_in_dim3A_600 = vector.broadcast %broadcast_in_dim3A_599 : i32 to vector<16xi32>
      %get3A_601 = arith.constant 36 : i32
      %get3A_602 = arith.index_cast %get3A_601 : i32 to index
      %get3A_603 = arith.constant 0 : index
      %get3A_604 = tpu.vector_load %arg6[%get3A_602, %get3A_603] {strides = array<i32>} : memref<128x32xf32, #tpu.memory_space<vmem>>, vector<16xf32>,
      %get3A_605 = arith.constant 36 : i32
      %get3A_606 = arith.index_cast %get3A_605 : i32 to index
      %get3A_607 = arith.constant 16 : index
      %get3A_608 = tpu.vector_load %arg6[%get3A_606, %get3A_607] {strides = array<i32>} : memref<128x32xf32, #tpu.memory_space<vmem>>, vector<16xf32>,
      tpu.vector_store_idx %arg8[%shift_right_arithmetic3A_4, %and3A_6, %broadcast_in_dim3A_600], %get3A_604 : memref<4x8x129xf32, #tpu.memory_space<vmem>>[vector<16xi32>, vector<16xi32>, vector<16xi32>], vector<16xf32>,
      tpu.vector_store_idx %arg8[%shift_right_arithmetic3A_12, %and3A_18, %broadcast_in_dim3A_600], %get3A_608 : memref<4x8x129xf32, #tpu.memory_space<vmem>>[vector<16xi32>, vector<16xi32>, vector<16xi32>], vector<16xf32>,
      %broadcast_in_dim3A_609 = arith.constant 37 : i32
      %broadcast_in_dim3A_610 = vector.broadcast %broadcast_in_dim3A_609 : i32 to vector<16xi32>
      %get3A_611 = arith.constant 37 : i32
      %get3A_612 = arith.index_cast %get3A_611 : i32 to index
      %get3A_613 = arith.constant 0 : index
      %get3A_614 = tpu.vector_load %arg6[%get3A_612, %get3A_613] {strides = array<i32>} : memref<128x32xf32, #tpu.memory_space<vmem>>, vector<16xf32>,
      %get3A_615 = arith.constant 37 : i32
      %get3A_616 = arith.index_cast %get3A_615 : i32 to index
      %get3A_617 = arith.constant 16 : index
      %get3A_618 = tpu.vector_load %arg6[%get3A_616, %get3A_617] {strides = array<i32>} : memref<128x32xf32, #tpu.memory_space<vmem>>, vector<16xf32>,
      tpu.vector_store_idx %arg8[%shift_right_arithmetic3A_4, %and3A_6, %broadcast_in_dim3A_610], %get3A_614 : memref<4x8x129xf32, #tpu.memory_space<vmem>>[vector<16xi32>, vector<16xi32>, vector<16xi32>], vector<16xf32>,
      tpu.vector_store_idx %arg8[%shift_right_arithmetic3A_12, %and3A_18, %broadcast_in_dim3A_610], %get3A_618 : memref<4x8x129xf32, #tpu.memory_space<vmem>>[vector<16xi32>, vector<16xi32>, vector<16xi32>], vector<16xf32>,
      %broadcast_in_dim3A_619 = arith.constant 38 : i32
      %broadcast_in_dim3A_620 = vector.broadcast %broadcast_in_dim3A_619 : i32 to vector<16xi32>
      %get3A_621 = arith.constant 38 : i32
      %get3A_622 = arith.index_cast %get3A_621 : i32 to index
      %get3A_623 = arith.constant 0 : index
      %get3A_624 = tpu.vector_load %arg6[%get3A_622, %get3A_623] {strides = array<i32>} : memref<128x32xf32, #tpu.memory_space<vmem>>, vector<16xf32>,
      %get3A_625 = arith.constant 38 : i32
      %get3A_626 = arith.index_cast %get3A_625 : i32 to index
      %get3A_627 = arith.constant 16 : index
      %get3A_628 = tpu.vector_load %arg6[%get3A_626, %get3A_627] {strides = array<i32>} : memref<128x32xf32, #tpu.memory_space<vmem>>, vector<16xf32>,
      tpu.vector_store_idx %arg8[%shift_right_arithmetic3A_4, %and3A_6, %broadcast_in_dim3A_620], %get3A_624 : memref<4x8x129xf32, #tpu.memory_space<vmem>>[vector<16xi32>, vector<16xi32>, vector<16xi32>], vector<16xf32>,
      tpu.vector_store_idx %arg8[%shift_right_arithmetic3A_12, %and3A_18, %broadcast_in_dim3A_620], %get3A_628 : memref<4x8x129xf32, #tpu.memory_space<vmem>>[vector<16xi32>, vector<16xi32>, vector<16xi32>], vector<16xf32>,
      %broadcast_in_dim3A_629 = arith.constant 39 : i32
      %broadcast_in_dim3A_630 = vector.broadcast %broadcast_in_dim3A_629 : i32 to vector<16xi32>
      %get3A_631 = arith.constant 39 : i32
      %get3A_632 = arith.index_cast %get3A_631 : i32 to index
      %get3A_633 = arith.constant 0 : index
      %get3A_634 = tpu.vector_load %arg6[%get3A_632, %get3A_633] {strides = array<i32>} : memref<128x32xf32, #tpu.memory_space<vmem>>, vector<16xf32>,
      %get3A_635 = arith.constant 39 : i32
      %get3A_636 = arith.index_cast %get3A_635 : i32 to index
      %get3A_637 = arith.constant 16 : index
      %get3A_638 = tpu.vector_load %arg6[%get3A_636, %get3A_637] {strides = array<i32>} : memref<128x32xf32, #tpu.memory_space<vmem>>, vector<16xf32>,
      tpu.vector_store_idx %arg8[%shift_right_arithmetic3A_4, %and3A_6, %broadcast_in_dim3A_630], %get3A_634 : memref<4x8x129xf32, #tpu.memory_space<vmem>>[vector<16xi32>, vector<16xi32>, vector<16xi32>], vector<16xf32>,
      tpu.vector_store_idx %arg8[%shift_right_arithmetic3A_12, %and3A_18, %broadcast_in_dim3A_630], %get3A_638 : memref<4x8x129xf32, #tpu.memory_space<vmem>>[vector<16xi32>, vector<16xi32>, vector<16xi32>], vector<16xf32>,
      %broadcast_in_dim3A_639 = arith.constant 40 : i32
      %broadcast_in_dim3A_640 = vector.broadcast %broadcast_in_dim3A_639 : i32 to vector<16xi32>
      %get3A_641 = arith.constant 40 : i32
      %get3A_642 = arith.index_cast %get3A_641 : i32 to index
      %get3A_643 = arith.constant 0 : index
      %get3A_644 = tpu.vector_load %arg6[%get3A_642, %get3A_643] {strides = array<i32>} : memref<128x32xf32, #tpu.memory_space<vmem>>, vector<16xf32>,
      %get3A_645 = arith.constant 40 : i32
      %get3A_646 = arith.index_cast %get3A_645 : i32 to index
      %get3A_647 = arith.constant 16 : index
      %get3A_648 = tpu.vector_load %arg6[%get3A_646, %get3A_647] {strides = array<i32>} : memref<128x32xf32, #tpu.memory_space<vmem>>, vector<16xf32>,
      tpu.vector_store_idx %arg8[%shift_right_arithmetic3A_4, %and3A_6, %broadcast_in_dim3A_640], %get3A_644 : memref<4x8x129xf32, #tpu.memory_space<vmem>>[vector<16xi32>, vector<16xi32>, vector<16xi32>], vector<16xf32>,
      tpu.vector_store_idx %arg8[%shift_right_arithmetic3A_12, %and3A_18, %broadcast_in_dim3A_640], %get3A_648 : memref<4x8x129xf32, #tpu.memory_space<vmem>>[vector<16xi32>, vector<16xi32>, vector<16xi32>], vector<16xf32>,
      %broadcast_in_dim3A_649 = arith.constant 41 : i32
      %broadcast_in_dim3A_650 = vector.broadcast %broadcast_in_dim3A_649 : i32 to vector<16xi32>
      %get3A_651 = arith.constant 41 : i32
      %get3A_652 = arith.index_cast %get3A_651 : i32 to index
      %get3A_653 = arith.constant 0 : index
      %get3A_654 = tpu.vector_load %arg6[%get3A_652, %get3A_653] {strides = array<i32>} : memref<128x32xf32, #tpu.memory_space<vmem>>, vector<16xf32>,
      %get3A_655 = arith.constant 41 : i32
      %get3A_656 = arith.index_cast %get3A_655 : i32 to index
      %get3A_657 = arith.constant 16 : index
      %get3A_658 = tpu.vector_load %arg6[%get3A_656, %get3A_657] {strides = array<i32>} : memref<128x32xf32, #tpu.memory_space<vmem>>, vector<16xf32>,
      tpu.vector_store_idx %arg8[%shift_right_arithmetic3A_4, %and3A_6, %broadcast_in_dim3A_650], %get3A_654 : memref<4x8x129xf32, #tpu.memory_space<vmem>>[vector<16xi32>, vector<16xi32>, vector<16xi32>], vector<16xf32>,
      tpu.vector_store_idx %arg8[%shift_right_arithmetic3A_12, %and3A_18, %broadcast_in_dim3A_650], %get3A_658 : memref<4x8x129xf32, #tpu.memory_space<vmem>>[vector<16xi32>, vector<16xi32>, vector<16xi32>], vector<16xf32>,
      %broadcast_in_dim3A_659 = arith.constant 42 : i32
      %broadcast_in_dim3A_660 = vector.broadcast %broadcast_in_dim3A_659 : i32 to vector<16xi32>
      %get3A_661 = arith.constant 42 : i32
      %get3A_662 = arith.index_cast %get3A_661 : i32 to index
      %get3A_663 = arith.constant 0 : index
      %get3A_664 = tpu.vector_load %arg6[%get3A_662, %get3A_663] {strides = array<i32>} : memref<128x32xf32, #tpu.memory_space<vmem>>, vector<16xf32>,
      %get3A_665 = arith.constant 42 : i32
      %get3A_666 = arith.index_cast %get3A_665 : i32 to index
      %get3A_667 = arith.constant 16 : index
      %get3A_668 = tpu.vector_load %arg6[%get3A_666, %get3A_667] {strides = array<i32>} : memref<128x32xf32, #tpu.memory_space<vmem>>, vector<16xf32>,
      tpu.vector_store_idx %arg8[%shift_right_arithmetic3A_4, %and3A_6, %broadcast_in_dim3A_660], %get3A_664 : memref<4x8x129xf32, #tpu.memory_space<vmem>>[vector<16xi32>, vector<16xi32>, vector<16xi32>], vector<16xf32>,
      tpu.vector_store_idx %arg8[%shift_right_arithmetic3A_12, %and3A_18, %broadcast_in_dim3A_660], %get3A_668 : memref<4x8x129xf32, #tpu.memory_space<vmem>>[vector<16xi32>, vector<16xi32>, vector<16xi32>], vector<16xf32>,
      %broadcast_in_dim3A_669 = arith.constant 43 : i32
      %broadcast_in_dim3A_670 = vector.broadcast %broadcast_in_dim3A_669 : i32 to vector<16xi32>
      %get3A_671 = arith.constant 43 : i32
      %get3A_672 = arith.index_cast %get3A_671 : i32 to index
      %get3A_673 = arith.constant 0 : index
      %get3A_674 = tpu.vector_load %arg6[%get3A_672, %get3A_673] {strides = array<i32>} : memref<128x32xf32, #tpu.memory_space<vmem>>, vector<16xf32>,
      %get3A_675 = arith.constant 43 : i32
      %get3A_676 = arith.index_cast %get3A_675 : i32 to index
      %get3A_677 = arith.constant 16 : index
      %get3A_678 = tpu.vector_load %arg6[%get3A_676, %get3A_677] {strides = array<i32>} : memref<128x32xf32, #tpu.memory_space<vmem>>, vector<16xf32>,
      tpu.vector_store_idx %arg8[%shift_right_arithmetic3A_4, %and3A_6, %broadcast_in_dim3A_670], %get3A_674 : memref<4x8x129xf32, #tpu.memory_space<vmem>>[vector<16xi32>, vector<16xi32>, vector<16xi32>], vector<16xf32>,
      tpu.vector_store_idx %arg8[%shift_right_arithmetic3A_12, %and3A_18, %broadcast_in_dim3A_670], %get3A_678 : memref<4x8x129xf32, #tpu.memory_space<vmem>>[vector<16xi32>, vector<16xi32>, vector<16xi32>], vector<16xf32>,
      %broadcast_in_dim3A_679 = arith.constant 44 : i32
      %broadcast_in_dim3A_680 = vector.broadcast %broadcast_in_dim3A_679 : i32 to vector<16xi32>
      %get3A_681 = arith.constant 44 : i32
      %get3A_682 = arith.index_cast %get3A_681 : i32 to index
      %get3A_683 = arith.constant 0 : index
      %get3A_684 = tpu.vector_load %arg6[%get3A_682, %get3A_683] {strides = array<i32>} : memref<128x32xf32, #tpu.memory_space<vmem>>, vector<16xf32>,
      %get3A_685 = arith.constant 44 : i32
      %get3A_686 = arith.index_cast %get3A_685 : i32 to index
      %get3A_687 = arith.constant 16 : index
      %get3A_688 = tpu.vector_load %arg6[%get3A_686, %get3A_687] {strides = array<i32>} : memref<128x32xf32, #tpu.memory_space<vmem>>, vector<16xf32>,
      tpu.vector_store_idx %arg8[%shift_right_arithmetic3A_4, %and3A_6, %broadcast_in_dim3A_680], %get3A_684 : memref<4x8x129xf32, #tpu.memory_space<vmem>>[vector<16xi32>, vector<16xi32>, vector<16xi32>], vector<16xf32>,
      tpu.vector_store_idx %arg8[%shift_right_arithmetic3A_12, %and3A_18, %broadcast_in_dim3A_680], %get3A_688 : memref<4x8x129xf32, #tpu.memory_space<vmem>>[vector<16xi32>, vector<16xi32>, vector<16xi32>], vector<16xf32>,
      %broadcast_in_dim3A_689 = arith.constant 45 : i32
      %broadcast_in_dim3A_690 = vector.broadcast %broadcast_in_dim3A_689 : i32 to vector<16xi32>
      %get3A_691 = arith.constant 45 : i32
      %get3A_692 = arith.index_cast %get3A_691 : i32 to index
      %get3A_693 = arith.constant 0 : index
      %get3A_694 = tpu.vector_load %arg6[%get3A_692, %get3A_693] {strides = array<i32>} : memref<128x32xf32, #tpu.memory_space<vmem>>, vector<16xf32>,
      %get3A_695 = arith.constant 45 : i32
      %get3A_696 = arith.index_cast %get3A_695 : i32 to index
      %get3A_697 = arith.constant 16 : index
      %get3A_698 = tpu.vector_load %arg6[%get3A_696, %get3A_697] {strides = array<i32>} : memref<128x32xf32, #tpu.memory_space<vmem>>, vector<16xf32>,
      tpu.vector_store_idx %arg8[%shift_right_arithmetic3A_4, %and3A_6, %broadcast_in_dim3A_690], %get3A_694 : memref<4x8x129xf32, #tpu.memory_space<vmem>>[vector<16xi32>, vector<16xi32>, vector<16xi32>], vector<16xf32>,
      tpu.vector_store_idx %arg8[%shift_right_arithmetic3A_12, %and3A_18, %broadcast_in_dim3A_690], %get3A_698 : memref<4x8x129xf32, #tpu.memory_space<vmem>>[vector<16xi32>, vector<16xi32>, vector<16xi32>], vector<16xf32>,
      %broadcast_in_dim3A_699 = arith.constant 46 : i32
      %broadcast_in_dim3A_700 = vector.broadcast %broadcast_in_dim3A_699 : i32 to vector<16xi32>
      %get3A_701 = arith.constant 46 : i32
      %get3A_702 = arith.index_cast %get3A_701 : i32 to index
      %get3A_703 = arith.constant 0 : index
      %get3A_704 = tpu.vector_load %arg6[%get3A_702, %get3A_703] {strides = array<i32>} : memref<128x32xf32, #tpu.memory_space<vmem>>, vector<16xf32>,
      %get3A_705 = arith.constant 46 : i32
      %get3A_706 = arith.index_cast %get3A_705 : i32 to index
      %get3A_707 = arith.constant 16 : index
      %get3A_708 = tpu.vector_load %arg6[%get3A_706, %get3A_707] {strides = array<i32>} : memref<128x32xf32, #tpu.memory_space<vmem>>, vector<16xf32>,
      tpu.vector_store_idx %arg8[%shift_right_arithmetic3A_4, %and3A_6, %broadcast_in_dim3A_700], %get3A_704 : memref<4x8x129xf32, #tpu.memory_space<vmem>>[vector<16xi32>, vector<16xi32>, vector<16xi32>], vector<16xf32>,
      tpu.vector_store_idx %arg8[%shift_right_arithmetic3A_12, %and3A_18, %broadcast_in_dim3A_700], %get3A_708 : memref<4x8x129xf32, #tpu.memory_space<vmem>>[vector<16xi32>, vector<16xi32>, vector<16xi32>], vector<16xf32>,
      %broadcast_in_dim3A_709 = arith.constant 47 : i32
      %broadcast_in_dim3A_710 = vector.broadcast %broadcast_in_dim3A_709 : i32 to vector<16xi32>
      %get3A_711 = arith.constant 47 : i32
      %get3A_712 = arith.index_cast %get3A_711 : i32 to index
      %get3A_713 = arith.constant 0 : index
      %get3A_714 = tpu.vector_load %arg6[%get3A_712, %get3A_713] {strides = array<i32>} : memref<128x32xf32, #tpu.memory_space<vmem>>, vector<16xf32>,
      %get3A_715 = arith.constant 47 : i32
      %get3A_716 = arith.index_cast %get3A_715 : i32 to index
      %get3A_717 = arith.constant 16 : index
      %get3A_718 = tpu.vector_load %arg6[%get3A_716, %get3A_717] {strides = array<i32>} : memref<128x32xf32, #tpu.memory_space<vmem>>, vector<16xf32>,
      tpu.vector_store_idx %arg8[%shift_right_arithmetic3A_4, %and3A_6, %broadcast_in_dim3A_710], %get3A_714 : memref<4x8x129xf32, #tpu.memory_space<vmem>>[vector<16xi32>, vector<16xi32>, vector<16xi32>], vector<16xf32>,
      tpu.vector_store_idx %arg8[%shift_right_arithmetic3A_12, %and3A_18, %broadcast_in_dim3A_710], %get3A_718 : memref<4x8x129xf32, #tpu.memory_space<vmem>>[vector<16xi32>, vector<16xi32>, vector<16xi32>], vector<16xf32>,
      %broadcast_in_dim3A_719 = arith.constant 48 : i32
      %broadcast_in_dim3A_720 = vector.broadcast %broadcast_in_dim3A_719 : i32 to vector<16xi32>
      %get3A_721 = arith.constant 48 : i32
      %get3A_722 = arith.index_cast %get3A_721 : i32 to index
      %get3A_723 = arith.constant 0 : index
      %get3A_724 = tpu.vector_load %arg6[%get3A_722, %get3A_723] {strides = array<i32>} : memref<128x32xf32, #tpu.memory_space<vmem>>, vector<16xf32>,
      %get3A_725 = arith.constant 48 : i32
      %get3A_726 = arith.index_cast %get3A_725 : i32 to index
      %get3A_727 = arith.constant 16 : index
      %get3A_728 = tpu.vector_load %arg6[%get3A_726, %get3A_727] {strides = array<i32>} : memref<128x32xf32, #tpu.memory_space<vmem>>, vector<16xf32>,
      tpu.vector_store_idx %arg8[%shift_right_arithmetic3A_4, %and3A_6, %broadcast_in_dim3A_720], %get3A_724 : memref<4x8x129xf32, #tpu.memory_space<vmem>>[vector<16xi32>, vector<16xi32>, vector<16xi32>], vector<16xf32>,
      tpu.vector_store_idx %arg8[%shift_right_arithmetic3A_12, %and3A_18, %broadcast_in_dim3A_720], %get3A_728 : memref<4x8x129xf32, #tpu.memory_space<vmem>>[vector<16xi32>, vector<16xi32>, vector<16xi32>], vector<16xf32>,
      %broadcast_in_dim3A_729 = arith.constant 49 : i32
      %broadcast_in_dim3A_730 = vector.broadcast %broadcast_in_dim3A_729 : i32 to vector<16xi32>
      %get3A_731 = arith.constant 49 : i32
      %get3A_732 = arith.index_cast %get3A_731 : i32 to index
      %get3A_733 = arith.constant 0 : index
      %get3A_734 = tpu.vector_load %arg6[%get3A_732, %get3A_733] {strides = array<i32>} : memref<128x32xf32, #tpu.memory_space<vmem>>, vector<16xf32>,
      %get3A_735 = arith.constant 49 : i32
      %get3A_736 = arith.index_cast %get3A_735 : i32 to index
      %get3A_737 = arith.constant 16 : index
      %get3A_738 = tpu.vector_load %arg6[%get3A_736, %get3A_737] {strides = array<i32>} : memref<128x32xf32, #tpu.memory_space<vmem>>, vector<16xf32>,
      tpu.vector_store_idx %arg8[%shift_right_arithmetic3A_4, %and3A_6, %broadcast_in_dim3A_730], %get3A_734 : memref<4x8x129xf32, #tpu.memory_space<vmem>>[vector<16xi32>, vector<16xi32>, vector<16xi32>], vector<16xf32>,
      tpu.vector_store_idx %arg8[%shift_right_arithmetic3A_12, %and3A_18, %broadcast_in_dim3A_730], %get3A_738 : memref<4x8x129xf32, #tpu.memory_space<vmem>>[vector<16xi32>, vector<16xi32>, vector<16xi32>], vector<16xf32>,
      %broadcast_in_dim3A_739 = arith.constant 50 : i32
      %broadcast_in_dim3A_740 = vector.broadcast %broadcast_in_dim3A_739 : i32 to vector<16xi32>
      %get3A_741 = arith.constant 50 : i32
      %get3A_742 = arith.index_cast %get3A_741 : i32 to index
      %get3A_743 = arith.constant 0 : index
      %get3A_744 = tpu.vector_load %arg6[%get3A_742, %get3A_743] {strides = array<i32>} : memref<128x32xf32, #tpu.memory_space<vmem>>, vector<16xf32>,
      %get3A_745 = arith.constant 50 : i32
      %get3A_746 = arith.index_cast %get3A_745 : i32 to index
      %get3A_747 = arith.constant 16 : index
      %get3A_748 = tpu.vector_load %arg6[%get3A_746, %get3A_747] {strides = array<i32>} : memref<128x32xf32, #tpu.memory_space<vmem>>, vector<16xf32>,
      tpu.vector_store_idx %arg8[%shift_right_arithmetic3A_4, %and3A_6, %broadcast_in_dim3A_740], %get3A_744 : memref<4x8x129xf32, #tpu.memory_space<vmem>>[vector<16xi32>, vector<16xi32>, vector<16xi32>], vector<16xf32>,
      tpu.vector_store_idx %arg8[%shift_right_arithmetic3A_12, %and3A_18, %broadcast_in_dim3A_740], %get3A_748 : memref<4x8x129xf32, #tpu.memory_space<vmem>>[vector<16xi32>, vector<16xi32>, vector<16xi32>], vector<16xf32>,
      %broadcast_in_dim3A_749 = arith.constant 51 : i32
      %broadcast_in_dim3A_750 = vector.broadcast %broadcast_in_dim3A_749 : i32 to vector<16xi32>
      %get3A_751 = arith.constant 51 : i32
      %get3A_752 = arith.index_cast %get3A_751 : i32 to index
      %get3A_753 = arith.constant 0 : index
      %get3A_754 = tpu.vector_load %arg6[%get3A_752, %get3A_753] {strides = array<i32>} : memref<128x32xf32, #tpu.memory_space<vmem>>, vector<16xf32>,
      %get3A_755 = arith.constant 51 : i32
      %get3A_756 = arith.index_cast %get3A_755 : i32 to index
      %get3A_757 = arith.constant 16 : index
      %get3A_758 = tpu.vector_load %arg6[%get3A_756, %get3A_757] {strides = array<i32>} : memref<128x32xf32, #tpu.memory_space<vmem>>, vector<16xf32>,
      tpu.vector_store_idx %arg8[%shift_right_arithmetic3A_4, %and3A_6, %broadcast_in_dim3A_750], %get3A_754 : memref<4x8x129xf32, #tpu.memory_space<vmem>>[vector<16xi32>, vector<16xi32>, vector<16xi32>], vector<16xf32>,
      tpu.vector_store_idx %arg8[%shift_right_arithmetic3A_12, %and3A_18, %broadcast_in_dim3A_750], %get3A_758 : memref<4x8x129xf32, #tpu.memory_space<vmem>>[vector<16xi32>, vector<16xi32>, vector<16xi32>], vector<16xf32>,
      %broadcast_in_dim3A_759 = arith.constant 52 : i32
      %broadcast_in_dim3A_760 = vector.broadcast %broadcast_in_dim3A_759 : i32 to vector<16xi32>
      %get3A_761 = arith.constant 52 : i32
      %get3A_762 = arith.index_cast %get3A_761 : i32 to index
      %get3A_763 = arith.constant 0 : index
      %get3A_764 = tpu.vector_load %arg6[%get3A_762, %get3A_763] {strides = array<i32>} : memref<128x32xf32, #tpu.memory_space<vmem>>, vector<16xf32>,
      %get3A_765 = arith.constant 52 : i32
      %get3A_766 = arith.index_cast %get3A_765 : i32 to index
      %get3A_767 = arith.constant 16 : index
      %get3A_768 = tpu.vector_load %arg6[%get3A_766, %get3A_767] {strides = array<i32>} : memref<128x32xf32, #tpu.memory_space<vmem>>, vector<16xf32>,
      tpu.vector_store_idx %arg8[%shift_right_arithmetic3A_4, %and3A_6, %broadcast_in_dim3A_760], %get3A_764 : memref<4x8x129xf32, #tpu.memory_space<vmem>>[vector<16xi32>, vector<16xi32>, vector<16xi32>], vector<16xf32>,
      tpu.vector_store_idx %arg8[%shift_right_arithmetic3A_12, %and3A_18, %broadcast_in_dim3A_760], %get3A_768 : memref<4x8x129xf32, #tpu.memory_space<vmem>>[vector<16xi32>, vector<16xi32>, vector<16xi32>], vector<16xf32>,
      %broadcast_in_dim3A_769 = arith.constant 53 : i32
      %broadcast_in_dim3A_770 = vector.broadcast %broadcast_in_dim3A_769 : i32 to vector<16xi32>
      %get3A_771 = arith.constant 53 : i32
      %get3A_772 = arith.index_cast %get3A_771 : i32 to index
      %get3A_773 = arith.constant 0 : index
      %get3A_774 = tpu.vector_load %arg6[%get3A_772, %get3A_773] {strides = array<i32>} : memref<128x32xf32, #tpu.memory_space<vmem>>, vector<16xf32>,
      %get3A_775 = arith.constant 53 : i32
      %get3A_776 = arith.index_cast %get3A_775 : i32 to index
      %get3A_777 = arith.constant 16 : index
      %get3A_778 = tpu.vector_load %arg6[%get3A_776, %get3A_777] {strides = array<i32>} : memref<128x32xf32, #tpu.memory_space<vmem>>, vector<16xf32>,
      tpu.vector_store_idx %arg8[%shift_right_arithmetic3A_4, %and3A_6, %broadcast_in_dim3A_770], %get3A_774 : memref<4x8x129xf32, #tpu.memory_space<vmem>>[vector<16xi32>, vector<16xi32>, vector<16xi32>], vector<16xf32>,
      tpu.vector_store_idx %arg8[%shift_right_arithmetic3A_12, %and3A_18, %broadcast_in_dim3A_770], %get3A_778 : memref<4x8x129xf32, #tpu.memory_space<vmem>>[vector<16xi32>, vector<16xi32>, vector<16xi32>], vector<16xf32>,
      %broadcast_in_dim3A_779 = arith.constant 54 : i32
      %broadcast_in_dim3A_780 = vector.broadcast %broadcast_in_dim3A_779 : i32 to vector<16xi32>
      %get3A_781 = arith.constant 54 : i32
      %get3A_782 = arith.index_cast %get3A_781 : i32 to index
      %get3A_783 = arith.constant 0 : index
      %get3A_784 = tpu.vector_load %arg6[%get3A_782, %get3A_783] {strides = array<i32>} : memref<128x32xf32, #tpu.memory_space<vmem>>, vector<16xf32>,
      %get3A_785 = arith.constant 54 : i32
      %get3A_786 = arith.index_cast %get3A_785 : i32 to index
      %get3A_787 = arith.constant 16 : index
      %get3A_788 = tpu.vector_load %arg6[%get3A_786, %get3A_787] {strides = array<i32>} : memref<128x32xf32, #tpu.memory_space<vmem>>, vector<16xf32>,
      tpu.vector_store_idx %arg8[%shift_right_arithmetic3A_4, %and3A_6, %broadcast_in_dim3A_780], %get3A_784 : memref<4x8x129xf32, #tpu.memory_space<vmem>>[vector<16xi32>, vector<16xi32>, vector<16xi32>], vector<16xf32>,
      tpu.vector_store_idx %arg8[%shift_right_arithmetic3A_12, %and3A_18, %broadcast_in_dim3A_780], %get3A_788 : memref<4x8x129xf32, #tpu.memory_space<vmem>>[vector<16xi32>, vector<16xi32>, vector<16xi32>], vector<16xf32>,
      %broadcast_in_dim3A_789 = arith.constant 55 : i32
      %broadcast_in_dim3A_790 = vector.broadcast %broadcast_in_dim3A_789 : i32 to vector<16xi32>
      %get3A_791 = arith.constant 55 : i32
      %get3A_792 = arith.index_cast %get3A_791 : i32 to index
      %get3A_793 = arith.constant 0 : index
      %get3A_794 = tpu.vector_load %arg6[%get3A_792, %get3A_793] {strides = array<i32>} : memref<128x32xf32, #tpu.memory_space<vmem>>, vector<16xf32>,
      %get3A_795 = arith.constant 55 : i32
      %get3A_796 = arith.index_cast %get3A_795 : i32 to index
      %get3A_797 = arith.constant 16 : index
      %get3A_798 = tpu.vector_load %arg6[%get3A_796, %get3A_797] {strides = array<i32>} : memref<128x32xf32, #tpu.memory_space<vmem>>, vector<16xf32>,
      tpu.vector_store_idx %arg8[%shift_right_arithmetic3A_4, %and3A_6, %broadcast_in_dim3A_790], %get3A_794 : memref<4x8x129xf32, #tpu.memory_space<vmem>>[vector<16xi32>, vector<16xi32>, vector<16xi32>], vector<16xf32>,
      tpu.vector_store_idx %arg8[%shift_right_arithmetic3A_12, %and3A_18, %broadcast_in_dim3A_790], %get3A_798 : memref<4x8x129xf32, #tpu.memory_space<vmem>>[vector<16xi32>, vector<16xi32>, vector<16xi32>], vector<16xf32>,
      %broadcast_in_dim3A_799 = arith.constant 56 : i32
      %broadcast_in_dim3A_800 = vector.broadcast %broadcast_in_dim3A_799 : i32 to vector<16xi32>
      %get3A_801 = arith.constant 56 : i32
      %get3A_802 = arith.index_cast %get3A_801 : i32 to index
      %get3A_803 = arith.constant 0 : index
      %get3A_804 = tpu.vector_load %arg6[%get3A_802, %get3A_803] {strides = array<i32>} : memref<128x32xf32, #tpu.memory_space<vmem>>, vector<16xf32>,
      %get3A_805 = arith.constant 56 : i32
      %get3A_806 = arith.index_cast %get3A_805 : i32 to index
      %get3A_807 = arith.constant 16 : index
      %get3A_808 = tpu.vector_load %arg6[%get3A_806, %get3A_807] {strides = array<i32>} : memref<128x32xf32, #tpu.memory_space<vmem>>, vector<16xf32>,
      tpu.vector_store_idx %arg8[%shift_right_arithmetic3A_4, %and3A_6, %broadcast_in_dim3A_800], %get3A_804 : memref<4x8x129xf32, #tpu.memory_space<vmem>>[vector<16xi32>, vector<16xi32>, vector<16xi32>], vector<16xf32>,
      tpu.vector_store_idx %arg8[%shift_right_arithmetic3A_12, %and3A_18, %broadcast_in_dim3A_800], %get3A_808 : memref<4x8x129xf32, #tpu.memory_space<vmem>>[vector<16xi32>, vector<16xi32>, vector<16xi32>], vector<16xf32>,
      %broadcast_in_dim3A_809 = arith.constant 57 : i32
      %broadcast_in_dim3A_810 = vector.broadcast %broadcast_in_dim3A_809 : i32 to vector<16xi32>
      %get3A_811 = arith.constant 57 : i32
      %get3A_812 = arith.index_cast %get3A_811 : i32 to index
      %get3A_813 = arith.constant 0 : index
      %get3A_814 = tpu.vector_load %arg6[%get3A_812, %get3A_813] {strides = array<i32>} : memref<128x32xf32, #tpu.memory_space<vmem>>, vector<16xf32>,
      %get3A_815 = arith.constant 57 : i32
      %get3A_816 = arith.index_cast %get3A_815 : i32 to index
      %get3A_817 = arith.constant 16 : index
      %get3A_818 = tpu.vector_load %arg6[%get3A_816, %get3A_817] {strides = array<i32>} : memref<128x32xf32, #tpu.memory_space<vmem>>, vector<16xf32>,
      tpu.vector_store_idx %arg8[%shift_right_arithmetic3A_4, %and3A_6, %broadcast_in_dim3A_810], %get3A_814 : memref<4x8x129xf32, #tpu.memory_space<vmem>>[vector<16xi32>, vector<16xi32>, vector<16xi32>], vector<16xf32>,
      tpu.vector_store_idx %arg8[%shift_right_arithmetic3A_12, %and3A_18, %broadcast_in_dim3A_810], %get3A_818 : memref<4x8x129xf32, #tpu.memory_space<vmem>>[vector<16xi32>, vector<16xi32>, vector<16xi32>], vector<16xf32>,
      %broadcast_in_dim3A_819 = arith.constant 58 : i32
      %broadcast_in_dim3A_820 = vector.broadcast %broadcast_in_dim3A_819 : i32 to vector<16xi32>
      %get3A_821 = arith.constant 58 : i32
      %get3A_822 = arith.index_cast %get3A_821 : i32 to index
      %get3A_823 = arith.constant 0 : index
      %get3A_824 = tpu.vector_load %arg6[%get3A_822, %get3A_823] {strides = array<i32>} : memref<128x32xf32, #tpu.memory_space<vmem>>, vector<16xf32>,
      %get3A_825 = arith.constant 58 : i32
      %get3A_826 = arith.index_cast %get3A_825 : i32 to index
      %get3A_827 = arith.constant 16 : index
      %get3A_828 = tpu.vector_load %arg6[%get3A_826, %get3A_827] {strides = array<i32>} : memref<128x32xf32, #tpu.memory_space<vmem>>, vector<16xf32>,
      tpu.vector_store_idx %arg8[%shift_right_arithmetic3A_4, %and3A_6, %broadcast_in_dim3A_820], %get3A_824 : memref<4x8x129xf32, #tpu.memory_space<vmem>>[vector<16xi32>, vector<16xi32>, vector<16xi32>], vector<16xf32>,
      tpu.vector_store_idx %arg8[%shift_right_arithmetic3A_12, %and3A_18, %broadcast_in_dim3A_820], %get3A_828 : memref<4x8x129xf32, #tpu.memory_space<vmem>>[vector<16xi32>, vector<16xi32>, vector<16xi32>], vector<16xf32>,
      %broadcast_in_dim3A_829 = arith.constant 59 : i32
      %broadcast_in_dim3A_830 = vector.broadcast %broadcast_in_dim3A_829 : i32 to vector<16xi32>
      %get3A_831 = arith.constant 59 : i32
      %get3A_832 = arith.index_cast %get3A_831 : i32 to index
      %get3A_833 = arith.constant 0 : index
      %get3A_834 = tpu.vector_load %arg6[%get3A_832, %get3A_833] {strides = array<i32>} : memref<128x32xf32, #tpu.memory_space<vmem>>, vector<16xf32>,
      %get3A_835 = arith.constant 59 : i32
      %get3A_836 = arith.index_cast %get3A_835 : i32 to index
      %get3A_837 = arith.constant 16 : index
      %get3A_838 = tpu.vector_load %arg6[%get3A_836, %get3A_837] {strides = array<i32>} : memref<128x32xf32, #tpu.memory_space<vmem>>, vector<16xf32>,
      tpu.vector_store_idx %arg8[%shift_right_arithmetic3A_4, %and3A_6, %broadcast_in_dim3A_830], %get3A_834 : memref<4x8x129xf32, #tpu.memory_space<vmem>>[vector<16xi32>, vector<16xi32>, vector<16xi32>], vector<16xf32>,
      tpu.vector_store_idx %arg8[%shift_right_arithmetic3A_12, %and3A_18, %broadcast_in_dim3A_830], %get3A_838 : memref<4x8x129xf32, #tpu.memory_space<vmem>>[vector<16xi32>, vector<16xi32>, vector<16xi32>], vector<16xf32>,
      %broadcast_in_dim3A_839 = arith.constant 60 : i32
      %broadcast_in_dim3A_840 = vector.broadcast %broadcast_in_dim3A_839 : i32 to vector<16xi32>
      %get3A_841 = arith.constant 60 : i32
      %get3A_842 = arith.index_cast %get3A_841 : i32 to index
      %get3A_843 = arith.constant 0 : index
      %get3A_844 = tpu.vector_load %arg6[%get3A_842, %get3A_843] {strides = array<i32>} : memref<128x32xf32, #tpu.memory_space<vmem>>, vector<16xf32>,
      %get3A_845 = arith.constant 60 : i32
      %get3A_846 = arith.index_cast %get3A_845 : i32 to index
      %get3A_847 = arith.constant 16 : index
      %get3A_848 = tpu.vector_load %arg6[%get3A_846, %get3A_847] {strides = array<i32>} : memref<128x32xf32, #tpu.memory_space<vmem>>, vector<16xf32>,
      tpu.vector_store_idx %arg8[%shift_right_arithmetic3A_4, %and3A_6, %broadcast_in_dim3A_840], %get3A_844 : memref<4x8x129xf32, #tpu.memory_space<vmem>>[vector<16xi32>, vector<16xi32>, vector<16xi32>], vector<16xf32>,
      tpu.vector_store_idx %arg8[%shift_right_arithmetic3A_12, %and3A_18, %broadcast_in_dim3A_840], %get3A_848 : memref<4x8x129xf32, #tpu.memory_space<vmem>>[vector<16xi32>, vector<16xi32>, vector<16xi32>], vector<16xf32>,
      %broadcast_in_dim3A_849 = arith.constant 61 : i32
      %broadcast_in_dim3A_850 = vector.broadcast %broadcast_in_dim3A_849 : i32 to vector<16xi32>
      %get3A_851 = arith.constant 61 : i32
      %get3A_852 = arith.index_cast %get3A_851 : i32 to index
      %get3A_853 = arith.constant 0 : index
      %get3A_854 = tpu.vector_load %arg6[%get3A_852, %get3A_853] {strides = array<i32>} : memref<128x32xf32, #tpu.memory_space<vmem>>, vector<16xf32>,
      %get3A_855 = arith.constant 61 : i32
      %get3A_856 = arith.index_cast %get3A_855 : i32 to index
      %get3A_857 = arith.constant 16 : index
      %get3A_858 = tpu.vector_load %arg6[%get3A_856, %get3A_857] {strides = array<i32>} : memref<128x32xf32, #tpu.memory_space<vmem>>, vector<16xf32>,
      tpu.vector_store_idx %arg8[%shift_right_arithmetic3A_4, %and3A_6, %broadcast_in_dim3A_850], %get3A_854 : memref<4x8x129xf32, #tpu.memory_space<vmem>>[vector<16xi32>, vector<16xi32>, vector<16xi32>], vector<16xf32>,
      tpu.vector_store_idx %arg8[%shift_right_arithmetic3A_12, %and3A_18, %broadcast_in_dim3A_850], %get3A_858 : memref<4x8x129xf32, #tpu.memory_space<vmem>>[vector<16xi32>, vector<16xi32>, vector<16xi32>], vector<16xf32>,
      %broadcast_in_dim3A_859 = arith.constant 62 : i32
      %broadcast_in_dim3A_860 = vector.broadcast %broadcast_in_dim3A_859 : i32 to vector<16xi32>
      %get3A_861 = arith.constant 62 : i32
      %get3A_862 = arith.index_cast %get3A_861 : i32 to index
      %get3A_863 = arith.constant 0 : index
      %get3A_864 = tpu.vector_load %arg6[%get3A_862, %get3A_863] {strides = array<i32>} : memref<128x32xf32, #tpu.memory_space<vmem>>, vector<16xf32>,
      %get3A_865 = arith.constant 62 : i32
      %get3A_866 = arith.index_cast %get3A_865 : i32 to index
      %get3A_867 = arith.constant 16 : index
      %get3A_868 = tpu.vector_load %arg6[%get3A_866, %get3A_867] {strides = array<i32>} : memref<128x32xf32, #tpu.memory_space<vmem>>, vector<16xf32>,
      tpu.vector_store_idx %arg8[%shift_right_arithmetic3A_4, %and3A_6, %broadcast_in_dim3A_860], %get3A_864 : memref<4x8x129xf32, #tpu.memory_space<vmem>>[vector<16xi32>, vector<16xi32>, vector<16xi32>], vector<16xf32>,
      tpu.vector_store_idx %arg8[%shift_right_arithmetic3A_12, %and3A_18, %broadcast_in_dim3A_860], %get3A_868 : memref<4x8x129xf32, #tpu.memory_space<vmem>>[vector<16xi32>, vector<16xi32>, vector<16xi32>], vector<16xf32>,
      %broadcast_in_dim3A_869 = arith.constant 63 : i32
      %broadcast_in_dim3A_870 = vector.broadcast %broadcast_in_dim3A_869 : i32 to vector<16xi32>
      %get3A_871 = arith.constant 63 : i32
      %get3A_872 = arith.index_cast %get3A_871 : i32 to index
      %get3A_873 = arith.constant 0 : index
      %get3A_874 = tpu.vector_load %arg6[%get3A_872, %get3A_873] {strides = array<i32>} : memref<128x32xf32, #tpu.memory_space<vmem>>, vector<16xf32>,
      %get3A_875 = arith.constant 63 : i32
      %get3A_876 = arith.index_cast %get3A_875 : i32 to index
      %get3A_877 = arith.constant 16 : index
      %get3A_878 = tpu.vector_load %arg6[%get3A_876, %get3A_877] {strides = array<i32>} : memref<128x32xf32, #tpu.memory_space<vmem>>, vector<16xf32>,
      tpu.vector_store_idx %arg8[%shift_right_arithmetic3A_4, %and3A_6, %broadcast_in_dim3A_870], %get3A_874 : memref<4x8x129xf32, #tpu.memory_space<vmem>>[vector<16xi32>, vector<16xi32>, vector<16xi32>], vector<16xf32>,
      tpu.vector_store_idx %arg8[%shift_right_arithmetic3A_12, %and3A_18, %broadcast_in_dim3A_870], %get3A_878 : memref<4x8x129xf32, #tpu.memory_space<vmem>>[vector<16xi32>, vector<16xi32>, vector<16xi32>], vector<16xf32>,
      %broadcast_in_dim3A_879 = arith.constant 64 : i32
      %broadcast_in_dim3A_880 = vector.broadcast %broadcast_in_dim3A_879 : i32 to vector<16xi32>
      %get3A_881 = arith.constant 64 : i32
      %get3A_882 = arith.index_cast %get3A_881 : i32 to index
      %get3A_883 = arith.constant 0 : index
      %get3A_884 = tpu.vector_load %arg6[%get3A_882, %get3A_883] {strides = array<i32>} : memref<128x32xf32, #tpu.memory_space<vmem>>, vector<16xf32>,
      %get3A_885 = arith.constant 64 : i32
      %get3A_886 = arith.index_cast %get3A_885 : i32 to index
      %get3A_887 = arith.constant 16 : index
      %get3A_888 = tpu.vector_load %arg6[%get3A_886, %get3A_887] {strides = array<i32>} : memref<128x32xf32, #tpu.memory_space<vmem>>, vector<16xf32>,
      tpu.vector_store_idx %arg8[%shift_right_arithmetic3A_4, %and3A_6, %broadcast_in_dim3A_880], %get3A_884 : memref<4x8x129xf32, #tpu.memory_space<vmem>>[vector<16xi32>, vector<16xi32>, vector<16xi32>], vector<16xf32>,
      tpu.vector_store_idx %arg8[%shift_right_arithmetic3A_12, %and3A_18, %broadcast_in_dim3A_880], %get3A_888 : memref<4x8x129xf32, #tpu.memory_space<vmem>>[vector<16xi32>, vector<16xi32>, vector<16xi32>], vector<16xf32>,
      %broadcast_in_dim3A_889 = arith.constant 65 : i32
      %broadcast_in_dim3A_890 = vector.broadcast %broadcast_in_dim3A_889 : i32 to vector<16xi32>
      %get3A_891 = arith.constant 65 : i32
      %get3A_892 = arith.index_cast %get3A_891 : i32 to index
      %get3A_893 = arith.constant 0 : index
      %get3A_894 = tpu.vector_load %arg6[%get3A_892, %get3A_893] {strides = array<i32>} : memref<128x32xf32, #tpu.memory_space<vmem>>, vector<16xf32>,
      %get3A_895 = arith.constant 65 : i32
      %get3A_896 = arith.index_cast %get3A_895 : i32 to index
      %get3A_897 = arith.constant 16 : index
      %get3A_898 = tpu.vector_load %arg6[%get3A_896, %get3A_897] {strides = array<i32>} : memref<128x32xf32, #tpu.memory_space<vmem>>, vector<16xf32>,
      tpu.vector_store_idx %arg8[%shift_right_arithmetic3A_4, %and3A_6, %broadcast_in_dim3A_890], %get3A_894 : memref<4x8x129xf32, #tpu.memory_space<vmem>>[vector<16xi32>, vector<16xi32>, vector<16xi32>], vector<16xf32>,
      tpu.vector_store_idx %arg8[%shift_right_arithmetic3A_12, %and3A_18, %broadcast_in_dim3A_890], %get3A_898 : memref<4x8x129xf32, #tpu.memory_space<vmem>>[vector<16xi32>, vector<16xi32>, vector<16xi32>], vector<16xf32>,
      %broadcast_in_dim3A_899 = arith.constant 66 : i32
      %broadcast_in_dim3A_900 = vector.broadcast %broadcast_in_dim3A_899 : i32 to vector<16xi32>
      %get3A_901 = arith.constant 66 : i32
      %get3A_902 = arith.index_cast %get3A_901 : i32 to index
      %get3A_903 = arith.constant 0 : index
      %get3A_904 = tpu.vector_load %arg6[%get3A_902, %get3A_903] {strides = array<i32>} : memref<128x32xf32, #tpu.memory_space<vmem>>, vector<16xf32>,
      %get3A_905 = arith.constant 66 : i32
      %get3A_906 = arith.index_cast %get3A_905 : i32 to index
      %get3A_907 = arith.constant 16 : index
      %get3A_908 = tpu.vector_load %arg6[%get3A_906, %get3A_907] {strides = array<i32>} : memref<128x32xf32, #tpu.memory_space<vmem>>, vector<16xf32>,
      tpu.vector_store_idx %arg8[%shift_right_arithmetic3A_4, %and3A_6, %broadcast_in_dim3A_900], %get3A_904 : memref<4x8x129xf32, #tpu.memory_space<vmem>>[vector<16xi32>, vector<16xi32>, vector<16xi32>], vector<16xf32>,
      tpu.vector_store_idx %arg8[%shift_right_arithmetic3A_12, %and3A_18, %broadcast_in_dim3A_900], %get3A_908 : memref<4x8x129xf32, #tpu.memory_space<vmem>>[vector<16xi32>, vector<16xi32>, vector<16xi32>], vector<16xf32>,
      %broadcast_in_dim3A_909 = arith.constant 67 : i32
      %broadcast_in_dim3A_910 = vector.broadcast %broadcast_in_dim3A_909 : i32 to vector<16xi32>
      %get3A_911 = arith.constant 67 : i32
      %get3A_912 = arith.index_cast %get3A_911 : i32 to index
      %get3A_913 = arith.constant 0 : index
      %get3A_914 = tpu.vector_load %arg6[%get3A_912, %get3A_913] {strides = array<i32>} : memref<128x32xf32, #tpu.memory_space<vmem>>, vector<16xf32>,
      %get3A_915 = arith.constant 67 : i32
      %get3A_916 = arith.index_cast %get3A_915 : i32 to index
      %get3A_917 = arith.constant 16 : index
      %get3A_918 = tpu.vector_load %arg6[%get3A_916, %get3A_917] {strides = array<i32>} : memref<128x32xf32, #tpu.memory_space<vmem>>, vector<16xf32>,
      tpu.vector_store_idx %arg8[%shift_right_arithmetic3A_4, %and3A_6, %broadcast_in_dim3A_910], %get3A_914 : memref<4x8x129xf32, #tpu.memory_space<vmem>>[vector<16xi32>, vector<16xi32>, vector<16xi32>], vector<16xf32>,
      tpu.vector_store_idx %arg8[%shift_right_arithmetic3A_12, %and3A_18, %broadcast_in_dim3A_910], %get3A_918 : memref<4x8x129xf32, #tpu.memory_space<vmem>>[vector<16xi32>, vector<16xi32>, vector<16xi32>], vector<16xf32>,
      %broadcast_in_dim3A_919 = arith.constant 68 : i32
      %broadcast_in_dim3A_920 = vector.broadcast %broadcast_in_dim3A_919 : i32 to vector<16xi32>
      %get3A_921 = arith.constant 68 : i32
      %get3A_922 = arith.index_cast %get3A_921 : i32 to index
      %get3A_923 = arith.constant 0 : index
      %get3A_924 = tpu.vector_load %arg6[%get3A_922, %get3A_923] {strides = array<i32>} : memref<128x32xf32, #tpu.memory_space<vmem>>, vector<16xf32>,
      %get3A_925 = arith.constant 68 : i32
      %get3A_926 = arith.index_cast %get3A_925 : i32 to index
      %get3A_927 = arith.constant 16 : index
      %get3A_928 = tpu.vector_load %arg6[%get3A_926, %get3A_927] {strides = array<i32>} : memref<128x32xf32, #tpu.memory_space<vmem>>, vector<16xf32>,
      tpu.vector_store_idx %arg8[%shift_right_arithmetic3A_4, %and3A_6, %broadcast_in_dim3A_920], %get3A_924 : memref<4x8x129xf32, #tpu.memory_space<vmem>>[vector<16xi32>, vector<16xi32>, vector<16xi32>], vector<16xf32>,
      tpu.vector_store_idx %arg8[%shift_right_arithmetic3A_12, %and3A_18, %broadcast_in_dim3A_920], %get3A_928 : memref<4x8x129xf32, #tpu.memory_space<vmem>>[vector<16xi32>, vector<16xi32>, vector<16xi32>], vector<16xf32>,
      %broadcast_in_dim3A_929 = arith.constant 69 : i32
      %broadcast_in_dim3A_930 = vector.broadcast %broadcast_in_dim3A_929 : i32 to vector<16xi32>
      %get3A_931 = arith.constant 69 : i32
      %get3A_932 = arith.index_cast %get3A_931 : i32 to index
      %get3A_933 = arith.constant 0 : index
      %get3A_934 = tpu.vector_load %arg6[%get3A_932, %get3A_933] {strides = array<i32>} : memref<128x32xf32, #tpu.memory_space<vmem>>, vector<16xf32>,
      %get3A_935 = arith.constant 69 : i32
      %get3A_936 = arith.index_cast %get3A_935 : i32 to index
      %get3A_937 = arith.constant 16 : index
      %get3A_938 = tpu.vector_load %arg6[%get3A_936, %get3A_937] {strides = array<i32>} : memref<128x32xf32, #tpu.memory_space<vmem>>, vector<16xf32>,
      tpu.vector_store_idx %arg8[%shift_right_arithmetic3A_4, %and3A_6, %broadcast_in_dim3A_930], %get3A_934 : memref<4x8x129xf32, #tpu.memory_space<vmem>>[vector<16xi32>, vector<16xi32>, vector<16xi32>], vector<16xf32>,
      tpu.vector_store_idx %arg8[%shift_right_arithmetic3A_12, %and3A_18, %broadcast_in_dim3A_930], %get3A_938 : memref<4x8x129xf32, #tpu.memory_space<vmem>>[vector<16xi32>, vector<16xi32>, vector<16xi32>], vector<16xf32>,
      %broadcast_in_dim3A_939 = arith.constant 70 : i32
      %broadcast_in_dim3A_940 = vector.broadcast %broadcast_in_dim3A_939 : i32 to vector<16xi32>
      %get3A_941 = arith.constant 70 : i32
      %get3A_942 = arith.index_cast %get3A_941 : i32 to index
      %get3A_943 = arith.constant 0 : index
      %get3A_944 = tpu.vector_load %arg6[%get3A_942, %get3A_943] {strides = array<i32>} : memref<128x32xf32, #tpu.memory_space<vmem>>, vector<16xf32>,
      %get3A_945 = arith.constant 70 : i32
      %get3A_946 = arith.index_cast %get3A_945 : i32 to index
      %get3A_947 = arith.constant 16 : index
      %get3A_948 = tpu.vector_load %arg6[%get3A_946, %get3A_947] {strides = array<i32>} : memref<128x32xf32, #tpu.memory_space<vmem>>, vector<16xf32>,
      tpu.vector_store_idx %arg8[%shift_right_arithmetic3A_4, %and3A_6, %broadcast_in_dim3A_940], %get3A_944 : memref<4x8x129xf32, #tpu.memory_space<vmem>>[vector<16xi32>, vector<16xi32>, vector<16xi32>], vector<16xf32>,
      tpu.vector_store_idx %arg8[%shift_right_arithmetic3A_12, %and3A_18, %broadcast_in_dim3A_940], %get3A_948 : memref<4x8x129xf32, #tpu.memory_space<vmem>>[vector<16xi32>, vector<16xi32>, vector<16xi32>], vector<16xf32>,
      %broadcast_in_dim3A_949 = arith.constant 71 : i32
      %broadcast_in_dim3A_950 = vector.broadcast %broadcast_in_dim3A_949 : i32 to vector<16xi32>
      %get3A_951 = arith.constant 71 : i32
      %get3A_952 = arith.index_cast %get3A_951 : i32 to index
      %get3A_953 = arith.constant 0 : index
      %get3A_954 = tpu.vector_load %arg6[%get3A_952, %get3A_953] {strides = array<i32>} : memref<128x32xf32, #tpu.memory_space<vmem>>, vector<16xf32>,
      %get3A_955 = arith.constant 71 : i32
      %get3A_956 = arith.index_cast %get3A_955 : i32 to index
      %get3A_957 = arith.constant 16 : index
      %get3A_958 = tpu.vector_load %arg6[%get3A_956, %get3A_957] {strides = array<i32>} : memref<128x32xf32, #tpu.memory_space<vmem>>, vector<16xf32>,
      tpu.vector_store_idx %arg8[%shift_right_arithmetic3A_4, %and3A_6, %broadcast_in_dim3A_950], %get3A_954 : memref<4x8x129xf32, #tpu.memory_space<vmem>>[vector<16xi32>, vector<16xi32>, vector<16xi32>], vector<16xf32>,
      tpu.vector_store_idx %arg8[%shift_right_arithmetic3A_12, %and3A_18, %broadcast_in_dim3A_950], %get3A_958 : memref<4x8x129xf32, #tpu.memory_space<vmem>>[vector<16xi32>, vector<16xi32>, vector<16xi32>], vector<16xf32>,
      %broadcast_in_dim3A_959 = arith.constant 72 : i32
      %broadcast_in_dim3A_960 = vector.broadcast %broadcast_in_dim3A_959 : i32 to vector<16xi32>
      %get3A_961 = arith.constant 72 : i32
      %get3A_962 = arith.index_cast %get3A_961 : i32 to index
      %get3A_963 = arith.constant 0 : index
      %get3A_964 = tpu.vector_load %arg6[%get3A_962, %get3A_963] {strides = array<i32>} : memref<128x32xf32, #tpu.memory_space<vmem>>, vector<16xf32>,
      %get3A_965 = arith.constant 72 : i32
      %get3A_966 = arith.index_cast %get3A_965 : i32 to index
      %get3A_967 = arith.constant 16 : index
      %get3A_968 = tpu.vector_load %arg6[%get3A_966, %get3A_967] {strides = array<i32>} : memref<128x32xf32, #tpu.memory_space<vmem>>, vector<16xf32>,
      tpu.vector_store_idx %arg8[%shift_right_arithmetic3A_4, %and3A_6, %broadcast_in_dim3A_960], %get3A_964 : memref<4x8x129xf32, #tpu.memory_space<vmem>>[vector<16xi32>, vector<16xi32>, vector<16xi32>], vector<16xf32>,
      tpu.vector_store_idx %arg8[%shift_right_arithmetic3A_12, %and3A_18, %broadcast_in_dim3A_960], %get3A_968 : memref<4x8x129xf32, #tpu.memory_space<vmem>>[vector<16xi32>, vector<16xi32>, vector<16xi32>], vector<16xf32>,
      %broadcast_in_dim3A_969 = arith.constant 73 : i32
      %broadcast_in_dim3A_970 = vector.broadcast %broadcast_in_dim3A_969 : i32 to vector<16xi32>
      %get3A_971 = arith.constant 73 : i32
      %get3A_972 = arith.index_cast %get3A_971 : i32 to index
      %get3A_973 = arith.constant 0 : index
      %get3A_974 = tpu.vector_load %arg6[%get3A_972, %get3A_973] {strides = array<i32>} : memref<128x32xf32, #tpu.memory_space<vmem>>, vector<16xf32>,
      %get3A_975 = arith.constant 73 : i32
      %get3A_976 = arith.index_cast %get3A_975 : i32 to index
      %get3A_977 = arith.constant 16 : index
      %get3A_978 = tpu.vector_load %arg6[%get3A_976, %get3A_977] {strides = array<i32>} : memref<128x32xf32, #tpu.memory_space<vmem>>, vector<16xf32>,
      tpu.vector_store_idx %arg8[%shift_right_arithmetic3A_4, %and3A_6, %broadcast_in_dim3A_970], %get3A_974 : memref<4x8x129xf32, #tpu.memory_space<vmem>>[vector<16xi32>, vector<16xi32>, vector<16xi32>], vector<16xf32>,
      tpu.vector_store_idx %arg8[%shift_right_arithmetic3A_12, %and3A_18, %broadcast_in_dim3A_970], %get3A_978 : memref<4x8x129xf32, #tpu.memory_space<vmem>>[vector<16xi32>, vector<16xi32>, vector<16xi32>], vector<16xf32>,
      %broadcast_in_dim3A_979 = arith.constant 74 : i32
      %broadcast_in_dim3A_980 = vector.broadcast %broadcast_in_dim3A_979 : i32 to vector<16xi32>
      %get3A_981 = arith.constant 74 : i32
      %get3A_982 = arith.index_cast %get3A_981 : i32 to index
      %get3A_983 = arith.constant 0 : index
      %get3A_984 = tpu.vector_load %arg6[%get3A_982, %get3A_983] {strides = array<i32>} : memref<128x32xf32, #tpu.memory_space<vmem>>, vector<16xf32>,
      %get3A_985 = arith.constant 74 : i32
      %get3A_986 = arith.index_cast %get3A_985 : i32 to index
      %get3A_987 = arith.constant 16 : index
      %get3A_988 = tpu.vector_load %arg6[%get3A_986, %get3A_987] {strides = array<i32>} : memref<128x32xf32, #tpu.memory_space<vmem>>, vector<16xf32>,
      tpu.vector_store_idx %arg8[%shift_right_arithmetic3A_4, %and3A_6, %broadcast_in_dim3A_980], %get3A_984 : memref<4x8x129xf32, #tpu.memory_space<vmem>>[vector<16xi32>, vector<16xi32>, vector<16xi32>], vector<16xf32>,
      tpu.vector_store_idx %arg8[%shift_right_arithmetic3A_12, %and3A_18, %broadcast_in_dim3A_980], %get3A_988 : memref<4x8x129xf32, #tpu.memory_space<vmem>>[vector<16xi32>, vector<16xi32>, vector<16xi32>], vector<16xf32>,
      %broadcast_in_dim3A_989 = arith.constant 75 : i32
      %broadcast_in_dim3A_990 = vector.broadcast %broadcast_in_dim3A_989 : i32 to vector<16xi32>
      %get3A_991 = arith.constant 75 : i32
      %get3A_992 = arith.index_cast %get3A_991 : i32 to index
      %get3A_993 = arith.constant 0 : index
      %get3A_994 = tpu.vector_load %arg6[%get3A_992, %get3A_993] {strides = array<i32>} : memref<128x32xf32, #tpu.memory_space<vmem>>, vector<16xf32>,
      %get3A_995 = arith.constant 75 : i32
      %get3A_996 = arith.index_cast %get3A_995 : i32 to index
      %get3A_997 = arith.constant 16 : index
      %get3A_998 = tpu.vector_load %arg6[%get3A_996, %get3A_997] {strides = array<i32>} : memref<128x32xf32, #tpu.memory_space<vmem>>, vector<16xf32>,
      tpu.vector_store_idx %arg8[%shift_right_arithmetic3A_4, %and3A_6, %broadcast_in_dim3A_990], %get3A_994 : memref<4x8x129xf32, #tpu.memory_space<vmem>>[vector<16xi32>, vector<16xi32>, vector<16xi32>], vector<16xf32>,
      tpu.vector_store_idx %arg8[%shift_right_arithmetic3A_12, %and3A_18, %broadcast_in_dim3A_990], %get3A_998 : memref<4x8x129xf32, #tpu.memory_space<vmem>>[vector<16xi32>, vector<16xi32>, vector<16xi32>], vector<16xf32>,
      %broadcast_in_dim3A_999 = arith.constant 76 : i32
      %broadcast_in_dim3A_1000 = vector.broadcast %broadcast_in_dim3A_999 : i32 to vector<16xi32>
      %get3A_1001 = arith.constant 76 : i32
      %get3A_1002 = arith.index_cast %get3A_1001 : i32 to index
      %get3A_1003 = arith.constant 0 : index
      %get3A_1004 = tpu.vector_load %arg6[%get3A_1002, %get3A_1003] {strides = array<i32>} : memref<128x32xf32, #tpu.memory_space<vmem>>, vector<16xf32>,
      %get3A_1005 = arith.constant 76 : i32
      %get3A_1006 = arith.index_cast %get3A_1005 : i32 to index
      %get3A_1007 = arith.constant 16 : index
      %get3A_1008 = tpu.vector_load %arg6[%get3A_1006, %get3A_1007] {strides = array<i32>} : memref<128x32xf32, #tpu.memory_space<vmem>>, vector<16xf32>,
      tpu.vector_store_idx %arg8[%shift_right_arithmetic3A_4, %and3A_6, %broadcast_in_dim3A_1000], %get3A_1004 : memref<4x8x129xf32, #tpu.memory_space<vmem>>[vector<16xi32>, vector<16xi32>, vector<16xi32>], vector<16xf32>,
      tpu.vector_store_idx %arg8[%shift_right_arithmetic3A_12, %and3A_18, %broadcast_in_dim3A_1000], %get3A_1008 : memref<4x8x129xf32, #tpu.memory_space<vmem>>[vector<16xi32>, vector<16xi32>, vector<16xi32>], vector<16xf32>,
      %broadcast_in_dim3A_1009 = arith.constant 77 : i32
      %broadcast_in_dim3A_1010 = vector.broadcast %broadcast_in_dim3A_1009 : i32 to vector<16xi32>
      %get3A_1011 = arith.constant 77 : i32
      %get3A_1012 = arith.index_cast %get3A_1011 : i32 to index
      %get3A_1013 = arith.constant 0 : index
      %get3A_1014 = tpu.vector_load %arg6[%get3A_1012, %get3A_1013] {strides = array<i32>} : memref<128x32xf32, #tpu.memory_space<vmem>>, vector<16xf32>,
      %get3A_1015 = arith.constant 77 : i32
      %get3A_1016 = arith.index_cast %get3A_1015 : i32 to index
      %get3A_1017 = arith.constant 16 : index
      %get3A_1018 = tpu.vector_load %arg6[%get3A_1016, %get3A_1017] {strides = array<i32>} : memref<128x32xf32, #tpu.memory_space<vmem>>, vector<16xf32>,
      tpu.vector_store_idx %arg8[%shift_right_arithmetic3A_4, %and3A_6, %broadcast_in_dim3A_1010], %get3A_1014 : memref<4x8x129xf32, #tpu.memory_space<vmem>>[vector<16xi32>, vector<16xi32>, vector<16xi32>], vector<16xf32>,
      tpu.vector_store_idx %arg8[%shift_right_arithmetic3A_12, %and3A_18, %broadcast_in_dim3A_1010], %get3A_1018 : memref<4x8x129xf32, #tpu.memory_space<vmem>>[vector<16xi32>, vector<16xi32>, vector<16xi32>], vector<16xf32>,
      %broadcast_in_dim3A_1019 = arith.constant 78 : i32
      %broadcast_in_dim3A_1020 = vector.broadcast %broadcast_in_dim3A_1019 : i32 to vector<16xi32>
      %get3A_1021 = arith.constant 78 : i32
      %get3A_1022 = arith.index_cast %get3A_1021 : i32 to index
      %get3A_1023 = arith.constant 0 : index
      %get3A_1024 = tpu.vector_load %arg6[%get3A_1022, %get3A_1023] {strides = array<i32>} : memref<128x32xf32, #tpu.memory_space<vmem>>, vector<16xf32>,
      %get3A_1025 = arith.constant 78 : i32
      %get3A_1026 = arith.index_cast %get3A_1025 : i32 to index
      %get3A_1027 = arith.constant 16 : index
      %get3A_1028 = tpu.vector_load %arg6[%get3A_1026, %get3A_1027] {strides = array<i32>} : memref<128x32xf32, #tpu.memory_space<vmem>>, vector<16xf32>,
      tpu.vector_store_idx %arg8[%shift_right_arithmetic3A_4, %and3A_6, %broadcast_in_dim3A_1020], %get3A_1024 : memref<4x8x129xf32, #tpu.memory_space<vmem>>[vector<16xi32>, vector<16xi32>, vector<16xi32>], vector<16xf32>,
      tpu.vector_store_idx %arg8[%shift_right_arithmetic3A_12, %and3A_18, %broadcast_in_dim3A_1020], %get3A_1028 : memref<4x8x129xf32, #tpu.memory_space<vmem>>[vector<16xi32>, vector<16xi32>, vector<16xi32>], vector<16xf32>,
      %broadcast_in_dim3A_1029 = arith.constant 79 : i32
      %broadcast_in_dim3A_1030 = vector.broadcast %broadcast_in_dim3A_1029 : i32 to vector<16xi32>
      %get3A_1031 = arith.constant 79 : i32
      %get3A_1032 = arith.index_cast %get3A_1031 : i32 to index
      %get3A_1033 = arith.constant 0 : index
      %get3A_1034 = tpu.vector_load %arg6[%get3A_1032, %get3A_1033] {strides = array<i32>} : memref<128x32xf32, #tpu.memory_space<vmem>>, vector<16xf32>,
      %get3A_1035 = arith.constant 79 : i32
      %get3A_1036 = arith.index_cast %get3A_1035 : i32 to index
      %get3A_1037 = arith.constant 16 : index
      %get3A_1038 = tpu.vector_load %arg6[%get3A_1036, %get3A_1037] {strides = array<i32>} : memref<128x32xf32, #tpu.memory_space<vmem>>, vector<16xf32>,
      tpu.vector_store_idx %arg8[%shift_right_arithmetic3A_4, %and3A_6, %broadcast_in_dim3A_1030], %get3A_1034 : memref<4x8x129xf32, #tpu.memory_space<vmem>>[vector<16xi32>, vector<16xi32>, vector<16xi32>], vector<16xf32>,
      tpu.vector_store_idx %arg8[%shift_right_arithmetic3A_12, %and3A_18, %broadcast_in_dim3A_1030], %get3A_1038 : memref<4x8x129xf32, #tpu.memory_space<vmem>>[vector<16xi32>, vector<16xi32>, vector<16xi32>], vector<16xf32>,
      %broadcast_in_dim3A_1039 = arith.constant 80 : i32
      %broadcast_in_dim3A_1040 = vector.broadcast %broadcast_in_dim3A_1039 : i32 to vector<16xi32>
      %get3A_1041 = arith.constant 80 : i32
      %get3A_1042 = arith.index_cast %get3A_1041 : i32 to index
      %get3A_1043 = arith.constant 0 : index
      %get3A_1044 = tpu.vector_load %arg6[%get3A_1042, %get3A_1043] {strides = array<i32>} : memref<128x32xf32, #tpu.memory_space<vmem>>, vector<16xf32>,
      %get3A_1045 = arith.constant 80 : i32
      %get3A_1046 = arith.index_cast %get3A_1045 : i32 to index
      %get3A_1047 = arith.constant 16 : index
      %get3A_1048 = tpu.vector_load %arg6[%get3A_1046, %get3A_1047] {strides = array<i32>} : memref<128x32xf32, #tpu.memory_space<vmem>>, vector<16xf32>,
      tpu.vector_store_idx %arg8[%shift_right_arithmetic3A_4, %and3A_6, %broadcast_in_dim3A_1040], %get3A_1044 : memref<4x8x129xf32, #tpu.memory_space<vmem>>[vector<16xi32>, vector<16xi32>, vector<16xi32>], vector<16xf32>,
      tpu.vector_store_idx %arg8[%shift_right_arithmetic3A_12, %and3A_18, %broadcast_in_dim3A_1040], %get3A_1048 : memref<4x8x129xf32, #tpu.memory_space<vmem>>[vector<16xi32>, vector<16xi32>, vector<16xi32>], vector<16xf32>,
      %broadcast_in_dim3A_1049 = arith.constant 81 : i32
      %broadcast_in_dim3A_1050 = vector.broadcast %broadcast_in_dim3A_1049 : i32 to vector<16xi32>
      %get3A_1051 = arith.constant 81 : i32
      %get3A_1052 = arith.index_cast %get3A_1051 : i32 to index
      %get3A_1053 = arith.constant 0 : index
      %get3A_1054 = tpu.vector_load %arg6[%get3A_1052, %get3A_1053] {strides = array<i32>} : memref<128x32xf32, #tpu.memory_space<vmem>>, vector<16xf32>,
      %get3A_1055 = arith.constant 81 : i32
      %get3A_1056 = arith.index_cast %get3A_1055 : i32 to index
      %get3A_1057 = arith.constant 16 : index
      %get3A_1058 = tpu.vector_load %arg6[%get3A_1056, %get3A_1057] {strides = array<i32>} : memref<128x32xf32, #tpu.memory_space<vmem>>, vector<16xf32>,
      tpu.vector_store_idx %arg8[%shift_right_arithmetic3A_4, %and3A_6, %broadcast_in_dim3A_1050], %get3A_1054 : memref<4x8x129xf32, #tpu.memory_space<vmem>>[vector<16xi32>, vector<16xi32>, vector<16xi32>], vector<16xf32>,
      tpu.vector_store_idx %arg8[%shift_right_arithmetic3A_12, %and3A_18, %broadcast_in_dim3A_1050], %get3A_1058 : memref<4x8x129xf32, #tpu.memory_space<vmem>>[vector<16xi32>, vector<16xi32>, vector<16xi32>], vector<16xf32>,
      %broadcast_in_dim3A_1059 = arith.constant 82 : i32
      %broadcast_in_dim3A_1060 = vector.broadcast %broadcast_in_dim3A_1059 : i32 to vector<16xi32>
      %get3A_1061 = arith.constant 82 : i32
      %get3A_1062 = arith.index_cast %get3A_1061 : i32 to index
      %get3A_1063 = arith.constant 0 : index
      %get3A_1064 = tpu.vector_load %arg6[%get3A_1062, %get3A_1063] {strides = array<i32>} : memref<128x32xf32, #tpu.memory_space<vmem>>, vector<16xf32>,
      %get3A_1065 = arith.constant 82 : i32
      %get3A_1066 = arith.index_cast %get3A_1065 : i32 to index
      %get3A_1067 = arith.constant 16 : index
      %get3A_1068 = tpu.vector_load %arg6[%get3A_1066, %get3A_1067] {strides = array<i32>} : memref<128x32xf32, #tpu.memory_space<vmem>>, vector<16xf32>,
      tpu.vector_store_idx %arg8[%shift_right_arithmetic3A_4, %and3A_6, %broadcast_in_dim3A_1060], %get3A_1064 : memref<4x8x129xf32, #tpu.memory_space<vmem>>[vector<16xi32>, vector<16xi32>, vector<16xi32>], vector<16xf32>,
      tpu.vector_store_idx %arg8[%shift_right_arithmetic3A_12, %and3A_18, %broadcast_in_dim3A_1060], %get3A_1068 : memref<4x8x129xf32, #tpu.memory_space<vmem>>[vector<16xi32>, vector<16xi32>, vector<16xi32>], vector<16xf32>,
      %broadcast_in_dim3A_1069 = arith.constant 83 : i32
      %broadcast_in_dim3A_1070 = vector.broadcast %broadcast_in_dim3A_1069 : i32 to vector<16xi32>
      %get3A_1071 = arith.constant 83 : i32
      %get3A_1072 = arith.index_cast %get3A_1071 : i32 to index
      %get3A_1073 = arith.constant 0 : index
      %get3A_1074 = tpu.vector_load %arg6[%get3A_1072, %get3A_1073] {strides = array<i32>} : memref<128x32xf32, #tpu.memory_space<vmem>>, vector<16xf32>,
      %get3A_1075 = arith.constant 83 : i32
      %get3A_1076 = arith.index_cast %get3A_1075 : i32 to index
      %get3A_1077 = arith.constant 16 : index
      %get3A_1078 = tpu.vector_load %arg6[%get3A_1076, %get3A_1077] {strides = array<i32>} : memref<128x32xf32, #tpu.memory_space<vmem>>, vector<16xf32>,
      tpu.vector_store_idx %arg8[%shift_right_arithmetic3A_4, %and3A_6, %broadcast_in_dim3A_1070], %get3A_1074 : memref<4x8x129xf32, #tpu.memory_space<vmem>>[vector<16xi32>, vector<16xi32>, vector<16xi32>], vector<16xf32>,
      tpu.vector_store_idx %arg8[%shift_right_arithmetic3A_12, %and3A_18, %broadcast_in_dim3A_1070], %get3A_1078 : memref<4x8x129xf32, #tpu.memory_space<vmem>>[vector<16xi32>, vector<16xi32>, vector<16xi32>], vector<16xf32>,
      %broadcast_in_dim3A_1079 = arith.constant 84 : i32
      %broadcast_in_dim3A_1080 = vector.broadcast %broadcast_in_dim3A_1079 : i32 to vector<16xi32>
      %get3A_1081 = arith.constant 84 : i32
      %get3A_1082 = arith.index_cast %get3A_1081 : i32 to index
      %get3A_1083 = arith.constant 0 : index
      %get3A_1084 = tpu.vector_load %arg6[%get3A_1082, %get3A_1083] {strides = array<i32>} : memref<128x32xf32, #tpu.memory_space<vmem>>, vector<16xf32>,
      %get3A_1085 = arith.constant 84 : i32
      %get3A_1086 = arith.index_cast %get3A_1085 : i32 to index
      %get3A_1087 = arith.constant 16 : index
      %get3A_1088 = tpu.vector_load %arg6[%get3A_1086, %get3A_1087] {strides = array<i32>} : memref<128x32xf32, #tpu.memory_space<vmem>>, vector<16xf32>,
      tpu.vector_store_idx %arg8[%shift_right_arithmetic3A_4, %and3A_6, %broadcast_in_dim3A_1080], %get3A_1084 : memref<4x8x129xf32, #tpu.memory_space<vmem>>[vector<16xi32>, vector<16xi32>, vector<16xi32>], vector<16xf32>,
      tpu.vector_store_idx %arg8[%shift_right_arithmetic3A_12, %and3A_18, %broadcast_in_dim3A_1080], %get3A_1088 : memref<4x8x129xf32, #tpu.memory_space<vmem>>[vector<16xi32>, vector<16xi32>, vector<16xi32>], vector<16xf32>,
      %broadcast_in_dim3A_1089 = arith.constant 85 : i32
      %broadcast_in_dim3A_1090 = vector.broadcast %broadcast_in_dim3A_1089 : i32 to vector<16xi32>
      %get3A_1091 = arith.constant 85 : i32
      %get3A_1092 = arith.index_cast %get3A_1091 : i32 to index
      %get3A_1093 = arith.constant 0 : index
      %get3A_1094 = tpu.vector_load %arg6[%get3A_1092, %get3A_1093] {strides = array<i32>} : memref<128x32xf32, #tpu.memory_space<vmem>>, vector<16xf32>,
      %get3A_1095 = arith.constant 85 : i32
      %get3A_1096 = arith.index_cast %get3A_1095 : i32 to index
      %get3A_1097 = arith.constant 16 : index
      %get3A_1098 = tpu.vector_load %arg6[%get3A_1096, %get3A_1097] {strides = array<i32>} : memref<128x32xf32, #tpu.memory_space<vmem>>, vector<16xf32>,
      tpu.vector_store_idx %arg8[%shift_right_arithmetic3A_4, %and3A_6, %broadcast_in_dim3A_1090], %get3A_1094 : memref<4x8x129xf32, #tpu.memory_space<vmem>>[vector<16xi32>, vector<16xi32>, vector<16xi32>], vector<16xf32>,
      tpu.vector_store_idx %arg8[%shift_right_arithmetic3A_12, %and3A_18, %broadcast_in_dim3A_1090], %get3A_1098 : memref<4x8x129xf32, #tpu.memory_space<vmem>>[vector<16xi32>, vector<16xi32>, vector<16xi32>], vector<16xf32>,
      %broadcast_in_dim3A_1099 = arith.constant 86 : i32
      %broadcast_in_dim3A_1100 = vector.broadcast %broadcast_in_dim3A_1099 : i32 to vector<16xi32>
      %get3A_1101 = arith.constant 86 : i32
      %get3A_1102 = arith.index_cast %get3A_1101 : i32 to index
      %get3A_1103 = arith.constant 0 : index
      %get3A_1104 = tpu.vector_load %arg6[%get3A_1102, %get3A_1103] {strides = array<i32>} : memref<128x32xf32, #tpu.memory_space<vmem>>, vector<16xf32>,
      %get3A_1105 = arith.constant 86 : i32
      %get3A_1106 = arith.index_cast %get3A_1105 : i32 to index
      %get3A_1107 = arith.constant 16 : index
      %get3A_1108 = tpu.vector_load %arg6[%get3A_1106, %get3A_1107] {strides = array<i32>} : memref<128x32xf32, #tpu.memory_space<vmem>>, vector<16xf32>,
      tpu.vector_store_idx %arg8[%shift_right_arithmetic3A_4, %and3A_6, %broadcast_in_dim3A_1100], %get3A_1104 : memref<4x8x129xf32, #tpu.memory_space<vmem>>[vector<16xi32>, vector<16xi32>, vector<16xi32>], vector<16xf32>,
      tpu.vector_store_idx %arg8[%shift_right_arithmetic3A_12, %and3A_18, %broadcast_in_dim3A_1100], %get3A_1108 : memref<4x8x129xf32, #tpu.memory_space<vmem>>[vector<16xi32>, vector<16xi32>, vector<16xi32>], vector<16xf32>,
      %broadcast_in_dim3A_1109 = arith.constant 87 : i32
      %broadcast_in_dim3A_1110 = vector.broadcast %broadcast_in_dim3A_1109 : i32 to vector<16xi32>
      %get3A_1111 = arith.constant 87 : i32
      %get3A_1112 = arith.index_cast %get3A_1111 : i32 to index
      %get3A_1113 = arith.constant 0 : index
      %get3A_1114 = tpu.vector_load %arg6[%get3A_1112, %get3A_1113] {strides = array<i32>} : memref<128x32xf32, #tpu.memory_space<vmem>>, vector<16xf32>,
      %get3A_1115 = arith.constant 87 : i32
      %get3A_1116 = arith.index_cast %get3A_1115 : i32 to index
      %get3A_1117 = arith.constant 16 : index
      %get3A_1118 = tpu.vector_load %arg6[%get3A_1116, %get3A_1117] {strides = array<i32>} : memref<128x32xf32, #tpu.memory_space<vmem>>, vector<16xf32>,
      tpu.vector_store_idx %arg8[%shift_right_arithmetic3A_4, %and3A_6, %broadcast_in_dim3A_1110], %get3A_1114 : memref<4x8x129xf32, #tpu.memory_space<vmem>>[vector<16xi32>, vector<16xi32>, vector<16xi32>], vector<16xf32>,
      tpu.vector_store_idx %arg8[%shift_right_arithmetic3A_12, %and3A_18, %broadcast_in_dim3A_1110], %get3A_1118 : memref<4x8x129xf32, #tpu.memory_space<vmem>>[vector<16xi32>, vector<16xi32>, vector<16xi32>], vector<16xf32>,
      %broadcast_in_dim3A_1119 = arith.constant 88 : i32
      %broadcast_in_dim3A_1120 = vector.broadcast %broadcast_in_dim3A_1119 : i32 to vector<16xi32>
      %get3A_1121 = arith.constant 88 : i32
      %get3A_1122 = arith.index_cast %get3A_1121 : i32 to index
      %get3A_1123 = arith.constant 0 : index
      %get3A_1124 = tpu.vector_load %arg6[%get3A_1122, %get3A_1123] {strides = array<i32>} : memref<128x32xf32, #tpu.memory_space<vmem>>, vector<16xf32>,
      %get3A_1125 = arith.constant 88 : i32
      %get3A_1126 = arith.index_cast %get3A_1125 : i32 to index
      %get3A_1127 = arith.constant 16 : index
      %get3A_1128 = tpu.vector_load %arg6[%get3A_1126, %get3A_1127] {strides = array<i32>} : memref<128x32xf32, #tpu.memory_space<vmem>>, vector<16xf32>,
      tpu.vector_store_idx %arg8[%shift_right_arithmetic3A_4, %and3A_6, %broadcast_in_dim3A_1120], %get3A_1124 : memref<4x8x129xf32, #tpu.memory_space<vmem>>[vector<16xi32>, vector<16xi32>, vector<16xi32>], vector<16xf32>,
      tpu.vector_store_idx %arg8[%shift_right_arithmetic3A_12, %and3A_18, %broadcast_in_dim3A_1120], %get3A_1128 : memref<4x8x129xf32, #tpu.memory_space<vmem>>[vector<16xi32>, vector<16xi32>, vector<16xi32>], vector<16xf32>,
      %broadcast_in_dim3A_1129 = arith.constant 89 : i32
      %broadcast_in_dim3A_1130 = vector.broadcast %broadcast_in_dim3A_1129 : i32 to vector<16xi32>
      %get3A_1131 = arith.constant 89 : i32
      %get3A_1132 = arith.index_cast %get3A_1131 : i32 to index
      %get3A_1133 = arith.constant 0 : index
      %get3A_1134 = tpu.vector_load %arg6[%get3A_1132, %get3A_1133] {strides = array<i32>} : memref<128x32xf32, #tpu.memory_space<vmem>>, vector<16xf32>,
      %get3A_1135 = arith.constant 89 : i32
      %get3A_1136 = arith.index_cast %get3A_1135 : i32 to index
      %get3A_1137 = arith.constant 16 : index
      %get3A_1138 = tpu.vector_load %arg6[%get3A_1136, %get3A_1137] {strides = array<i32>} : memref<128x32xf32, #tpu.memory_space<vmem>>, vector<16xf32>,
      tpu.vector_store_idx %arg8[%shift_right_arithmetic3A_4, %and3A_6, %broadcast_in_dim3A_1130], %get3A_1134 : memref<4x8x129xf32, #tpu.memory_space<vmem>>[vector<16xi32>, vector<16xi32>, vector<16xi32>], vector<16xf32>,
      tpu.vector_store_idx %arg8[%shift_right_arithmetic3A_12, %and3A_18, %broadcast_in_dim3A_1130], %get3A_1138 : memref<4x8x129xf32, #tpu.memory_space<vmem>>[vector<16xi32>, vector<16xi32>, vector<16xi32>], vector<16xf32>,
      %broadcast_in_dim3A_1139 = arith.constant 90 : i32
      %broadcast_in_dim3A_1140 = vector.broadcast %broadcast_in_dim3A_1139 : i32 to vector<16xi32>
      %get3A_1141 = arith.constant 90 : i32
      %get3A_1142 = arith.index_cast %get3A_1141 : i32 to index
      %get3A_1143 = arith.constant 0 : index
      %get3A_1144 = tpu.vector_load %arg6[%get3A_1142, %get3A_1143] {strides = array<i32>} : memref<128x32xf32, #tpu.memory_space<vmem>>, vector<16xf32>,
      %get3A_1145 = arith.constant 90 : i32
      %get3A_1146 = arith.index_cast %get3A_1145 : i32 to index
      %get3A_1147 = arith.constant 16 : index
      %get3A_1148 = tpu.vector_load %arg6[%get3A_1146, %get3A_1147] {strides = array<i32>} : memref<128x32xf32, #tpu.memory_space<vmem>>, vector<16xf32>,
      tpu.vector_store_idx %arg8[%shift_right_arithmetic3A_4, %and3A_6, %broadcast_in_dim3A_1140], %get3A_1144 : memref<4x8x129xf32, #tpu.memory_space<vmem>>[vector<16xi32>, vector<16xi32>, vector<16xi32>], vector<16xf32>,
      tpu.vector_store_idx %arg8[%shift_right_arithmetic3A_12, %and3A_18, %broadcast_in_dim3A_1140], %get3A_1148 : memref<4x8x129xf32, #tpu.memory_space<vmem>>[vector<16xi32>, vector<16xi32>, vector<16xi32>], vector<16xf32>,
      %broadcast_in_dim3A_1149 = arith.constant 91 : i32
      %broadcast_in_dim3A_1150 = vector.broadcast %broadcast_in_dim3A_1149 : i32 to vector<16xi32>
      %get3A_1151 = arith.constant 91 : i32
      %get3A_1152 = arith.index_cast %get3A_1151 : i32 to index
      %get3A_1153 = arith.constant 0 : index
      %get3A_1154 = tpu.vector_load %arg6[%get3A_1152, %get3A_1153] {strides = array<i32>} : memref<128x32xf32, #tpu.memory_space<vmem>>, vector<16xf32>,
      %get3A_1155 = arith.constant 91 : i32
      %get3A_1156 = arith.index_cast %get3A_1155 : i32 to index
      %get3A_1157 = arith.constant 16 : index
      %get3A_1158 = tpu.vector_load %arg6[%get3A_1156, %get3A_1157] {strides = array<i32>} : memref<128x32xf32, #tpu.memory_space<vmem>>, vector<16xf32>,
      tpu.vector_store_idx %arg8[%shift_right_arithmetic3A_4, %and3A_6, %broadcast_in_dim3A_1150], %get3A_1154 : memref<4x8x129xf32, #tpu.memory_space<vmem>>[vector<16xi32>, vector<16xi32>, vector<16xi32>], vector<16xf32>,
      tpu.vector_store_idx %arg8[%shift_right_arithmetic3A_12, %and3A_18, %broadcast_in_dim3A_1150], %get3A_1158 : memref<4x8x129xf32, #tpu.memory_space<vmem>>[vector<16xi32>, vector<16xi32>, vector<16xi32>], vector<16xf32>,
      %broadcast_in_dim3A_1159 = arith.constant 92 : i32
      %broadcast_in_dim3A_1160 = vector.broadcast %broadcast_in_dim3A_1159 : i32 to vector<16xi32>
      %get3A_1161 = arith.constant 92 : i32
      %get3A_1162 = arith.index_cast %get3A_1161 : i32 to index
      %get3A_1163 = arith.constant 0 : index
      %get3A_1164 = tpu.vector_load %arg6[%get3A_1162, %get3A_1163] {strides = array<i32>} : memref<128x32xf32, #tpu.memory_space<vmem>>, vector<16xf32>,
      %get3A_1165 = arith.constant 92 : i32
      %get3A_1166 = arith.index_cast %get3A_1165 : i32 to index
      %get3A_1167 = arith.constant 16 : index
      %get3A_1168 = tpu.vector_load %arg6[%get3A_1166, %get3A_1167] {strides = array<i32>} : memref<128x32xf32, #tpu.memory_space<vmem>>, vector<16xf32>,
      tpu.vector_store_idx %arg8[%shift_right_arithmetic3A_4, %and3A_6, %broadcast_in_dim3A_1160], %get3A_1164 : memref<4x8x129xf32, #tpu.memory_space<vmem>>[vector<16xi32>, vector<16xi32>, vector<16xi32>], vector<16xf32>,
      tpu.vector_store_idx %arg8[%shift_right_arithmetic3A_12, %and3A_18, %broadcast_in_dim3A_1160], %get3A_1168 : memref<4x8x129xf32, #tpu.memory_space<vmem>>[vector<16xi32>, vector<16xi32>, vector<16xi32>], vector<16xf32>,
      %broadcast_in_dim3A_1169 = arith.constant 93 : i32
      %broadcast_in_dim3A_1170 = vector.broadcast %broadcast_in_dim3A_1169 : i32 to vector<16xi32>
      %get3A_1171 = arith.constant 93 : i32
      %get3A_1172 = arith.index_cast %get3A_1171 : i32 to index
      %get3A_1173 = arith.constant 0 : index
      %get3A_1174 = tpu.vector_load %arg6[%get3A_1172, %get3A_1173] {strides = array<i32>} : memref<128x32xf32, #tpu.memory_space<vmem>>, vector<16xf32>,
      %get3A_1175 = arith.constant 93 : i32
      %get3A_1176 = arith.index_cast %get3A_1175 : i32 to index
      %get3A_1177 = arith.constant 16 : index
      %get3A_1178 = tpu.vector_load %arg6[%get3A_1176, %get3A_1177] {strides = array<i32>} : memref<128x32xf32, #tpu.memory_space<vmem>>, vector<16xf32>,
      tpu.vector_store_idx %arg8[%shift_right_arithmetic3A_4, %and3A_6, %broadcast_in_dim3A_1170], %get3A_1174 : memref<4x8x129xf32, #tpu.memory_space<vmem>>[vector<16xi32>, vector<16xi32>, vector<16xi32>], vector<16xf32>,
      tpu.vector_store_idx %arg8[%shift_right_arithmetic3A_12, %and3A_18, %broadcast_in_dim3A_1170], %get3A_1178 : memref<4x8x129xf32, #tpu.memory_space<vmem>>[vector<16xi32>, vector<16xi32>, vector<16xi32>], vector<16xf32>,
      %broadcast_in_dim3A_1179 = arith.constant 94 : i32
      %broadcast_in_dim3A_1180 = vector.broadcast %broadcast_in_dim3A_1179 : i32 to vector<16xi32>
      %get3A_1181 = arith.constant 94 : i32
      %get3A_1182 = arith.index_cast %get3A_1181 : i32 to index
      %get3A_1183 = arith.constant 0 : index
      %get3A_1184 = tpu.vector_load %arg6[%get3A_1182, %get3A_1183] {strides = array<i32>} : memref<128x32xf32, #tpu.memory_space<vmem>>, vector<16xf32>,
      %get3A_1185 = arith.constant 94 : i32
      %get3A_1186 = arith.index_cast %get3A_1185 : i32 to index
      %get3A_1187 = arith.constant 16 : index
      %get3A_1188 = tpu.vector_load %arg6[%get3A_1186, %get3A_1187] {strides = array<i32>} : memref<128x32xf32, #tpu.memory_space<vmem>>, vector<16xf32>,
      tpu.vector_store_idx %arg8[%shift_right_arithmetic3A_4, %and3A_6, %broadcast_in_dim3A_1180], %get3A_1184 : memref<4x8x129xf32, #tpu.memory_space<vmem>>[vector<16xi32>, vector<16xi32>, vector<16xi32>], vector<16xf32>,
      tpu.vector_store_idx %arg8[%shift_right_arithmetic3A_12, %and3A_18, %broadcast_in_dim3A_1180], %get3A_1188 : memref<4x8x129xf32, #tpu.memory_space<vmem>>[vector<16xi32>, vector<16xi32>, vector<16xi32>], vector<16xf32>,
      %broadcast_in_dim3A_1189 = arith.constant 95 : i32
      %broadcast_in_dim3A_1190 = vector.broadcast %broadcast_in_dim3A_1189 : i32 to vector<16xi32>
      %get3A_1191 = arith.constant 95 : i32
      %get3A_1192 = arith.index_cast %get3A_1191 : i32 to index
      %get3A_1193 = arith.constant 0 : index
      %get3A_1194 = tpu.vector_load %arg6[%get3A_1192, %get3A_1193] {strides = array<i32>} : memref<128x32xf32, #tpu.memory_space<vmem>>, vector<16xf32>,
      %get3A_1195 = arith.constant 95 : i32
      %get3A_1196 = arith.index_cast %get3A_1195 : i32 to index
      %get3A_1197 = arith.constant 16 : index
      %get3A_1198 = tpu.vector_load %arg6[%get3A_1196, %get3A_1197] {strides = array<i32>} : memref<128x32xf32, #tpu.memory_space<vmem>>, vector<16xf32>,
      tpu.vector_store_idx %arg8[%shift_right_arithmetic3A_4, %and3A_6, %broadcast_in_dim3A_1190], %get3A_1194 : memref<4x8x129xf32, #tpu.memory_space<vmem>>[vector<16xi32>, vector<16xi32>, vector<16xi32>], vector<16xf32>,
      tpu.vector_store_idx %arg8[%shift_right_arithmetic3A_12, %and3A_18, %broadcast_in_dim3A_1190], %get3A_1198 : memref<4x8x129xf32, #tpu.memory_space<vmem>>[vector<16xi32>, vector<16xi32>, vector<16xi32>], vector<16xf32>,
      %broadcast_in_dim3A_1199 = arith.constant 96 : i32
      %broadcast_in_dim3A_1200 = vector.broadcast %broadcast_in_dim3A_1199 : i32 to vector<16xi32>
      %get3A_1201 = arith.constant 96 : i32
      %get3A_1202 = arith.index_cast %get3A_1201 : i32 to index
      %get3A_1203 = arith.constant 0 : index
      %get3A_1204 = tpu.vector_load %arg6[%get3A_1202, %get3A_1203] {strides = array<i32>} : memref<128x32xf32, #tpu.memory_space<vmem>>, vector<16xf32>,
      %get3A_1205 = arith.constant 96 : i32
      %get3A_1206 = arith.index_cast %get3A_1205 : i32 to index
      %get3A_1207 = arith.constant 16 : index
      %get3A_1208 = tpu.vector_load %arg6[%get3A_1206, %get3A_1207] {strides = array<i32>} : memref<128x32xf32, #tpu.memory_space<vmem>>, vector<16xf32>,
      tpu.vector_store_idx %arg8[%shift_right_arithmetic3A_4, %and3A_6, %broadcast_in_dim3A_1200], %get3A_1204 : memref<4x8x129xf32, #tpu.memory_space<vmem>>[vector<16xi32>, vector<16xi32>, vector<16xi32>], vector<16xf32>,
      tpu.vector_store_idx %arg8[%shift_right_arithmetic3A_12, %and3A_18, %broadcast_in_dim3A_1200], %get3A_1208 : memref<4x8x129xf32, #tpu.memory_space<vmem>>[vector<16xi32>, vector<16xi32>, vector<16xi32>], vector<16xf32>,
      %broadcast_in_dim3A_1209 = arith.constant 97 : i32
      %broadcast_in_dim3A_1210 = vector.broadcast %broadcast_in_dim3A_1209 : i32 to vector<16xi32>
      %get3A_1211 = arith.constant 97 : i32
      %get3A_1212 = arith.index_cast %get3A_1211 : i32 to index
      %get3A_1213 = arith.constant 0 : index
      %get3A_1214 = tpu.vector_load %arg6[%get3A_1212, %get3A_1213] {strides = array<i32>} : memref<128x32xf32, #tpu.memory_space<vmem>>, vector<16xf32>,
      %get3A_1215 = arith.constant 97 : i32
      %get3A_1216 = arith.index_cast %get3A_1215 : i32 to index
      %get3A_1217 = arith.constant 16 : index
      %get3A_1218 = tpu.vector_load %arg6[%get3A_1216, %get3A_1217] {strides = array<i32>} : memref<128x32xf32, #tpu.memory_space<vmem>>, vector<16xf32>,
      tpu.vector_store_idx %arg8[%shift_right_arithmetic3A_4, %and3A_6, %broadcast_in_dim3A_1210], %get3A_1214 : memref<4x8x129xf32, #tpu.memory_space<vmem>>[vector<16xi32>, vector<16xi32>, vector<16xi32>], vector<16xf32>,
      tpu.vector_store_idx %arg8[%shift_right_arithmetic3A_12, %and3A_18, %broadcast_in_dim3A_1210], %get3A_1218 : memref<4x8x129xf32, #tpu.memory_space<vmem>>[vector<16xi32>, vector<16xi32>, vector<16xi32>], vector<16xf32>,
      %broadcast_in_dim3A_1219 = arith.constant 98 : i32
      %broadcast_in_dim3A_1220 = vector.broadcast %broadcast_in_dim3A_1219 : i32 to vector<16xi32>
      %get3A_1221 = arith.constant 98 : i32
      %get3A_1222 = arith.index_cast %get3A_1221 : i32 to index
      %get3A_1223 = arith.constant 0 : index
      %get3A_1224 = tpu.vector_load %arg6[%get3A_1222, %get3A_1223] {strides = array<i32>} : memref<128x32xf32, #tpu.memory_space<vmem>>, vector<16xf32>,
      %get3A_1225 = arith.constant 98 : i32
      %get3A_1226 = arith.index_cast %get3A_1225 : i32 to index
      %get3A_1227 = arith.constant 16 : index
      %get3A_1228 = tpu.vector_load %arg6[%get3A_1226, %get3A_1227] {strides = array<i32>} : memref<128x32xf32, #tpu.memory_space<vmem>>, vector<16xf32>,
      tpu.vector_store_idx %arg8[%shift_right_arithmetic3A_4, %and3A_6, %broadcast_in_dim3A_1220], %get3A_1224 : memref<4x8x129xf32, #tpu.memory_space<vmem>>[vector<16xi32>, vector<16xi32>, vector<16xi32>], vector<16xf32>,
      tpu.vector_store_idx %arg8[%shift_right_arithmetic3A_12, %and3A_18, %broadcast_in_dim3A_1220], %get3A_1228 : memref<4x8x129xf32, #tpu.memory_space<vmem>>[vector<16xi32>, vector<16xi32>, vector<16xi32>], vector<16xf32>,
      %broadcast_in_dim3A_1229 = arith.constant 99 : i32
      %broadcast_in_dim3A_1230 = vector.broadcast %broadcast_in_dim3A_1229 : i32 to vector<16xi32>
      %get3A_1231 = arith.constant 99 : i32
      %get3A_1232 = arith.index_cast %get3A_1231 : i32 to index
      %get3A_1233 = arith.constant 0 : index
      %get3A_1234 = tpu.vector_load %arg6[%get3A_1232, %get3A_1233] {strides = array<i32>} : memref<128x32xf32, #tpu.memory_space<vmem>>, vector<16xf32>,
      %get3A_1235 = arith.constant 99 : i32
      %get3A_1236 = arith.index_cast %get3A_1235 : i32 to index
      %get3A_1237 = arith.constant 16 : index
      %get3A_1238 = tpu.vector_load %arg6[%get3A_1236, %get3A_1237] {strides = array<i32>} : memref<128x32xf32, #tpu.memory_space<vmem>>, vector<16xf32>,
      tpu.vector_store_idx %arg8[%shift_right_arithmetic3A_4, %and3A_6, %broadcast_in_dim3A_1230], %get3A_1234 : memref<4x8x129xf32, #tpu.memory_space<vmem>>[vector<16xi32>, vector<16xi32>, vector<16xi32>], vector<16xf32>,
      tpu.vector_store_idx %arg8[%shift_right_arithmetic3A_12, %and3A_18, %broadcast_in_dim3A_1230], %get3A_1238 : memref<4x8x129xf32, #tpu.memory_space<vmem>>[vector<16xi32>, vector<16xi32>, vector<16xi32>], vector<16xf32>,
      %broadcast_in_dim3A_1239 = arith.constant 100 : i32
      %broadcast_in_dim3A_1240 = vector.broadcast %broadcast_in_dim3A_1239 : i32 to vector<16xi32>
      %get3A_1241 = arith.constant 100 : i32
      %get3A_1242 = arith.index_cast %get3A_1241 : i32 to index
      %get3A_1243 = arith.constant 0 : index
      %get3A_1244 = tpu.vector_load %arg6[%get3A_1242, %get3A_1243] {strides = array<i32>} : memref<128x32xf32, #tpu.memory_space<vmem>>, vector<16xf32>,
      %get3A_1245 = arith.constant 100 : i32
      %get3A_1246 = arith.index_cast %get3A_1245 : i32 to index
      %get3A_1247 = arith.constant 16 : index
      %get3A_1248 = tpu.vector_load %arg6[%get3A_1246, %get3A_1247] {strides = array<i32>} : memref<128x32xf32, #tpu.memory_space<vmem>>, vector<16xf32>,
      tpu.vector_store_idx %arg8[%shift_right_arithmetic3A_4, %and3A_6, %broadcast_in_dim3A_1240], %get3A_1244 : memref<4x8x129xf32, #tpu.memory_space<vmem>>[vector<16xi32>, vector<16xi32>, vector<16xi32>], vector<16xf32>,
      tpu.vector_store_idx %arg8[%shift_right_arithmetic3A_12, %and3A_18, %broadcast_in_dim3A_1240], %get3A_1248 : memref<4x8x129xf32, #tpu.memory_space<vmem>>[vector<16xi32>, vector<16xi32>, vector<16xi32>], vector<16xf32>,
      %broadcast_in_dim3A_1249 = arith.constant 101 : i32
      %broadcast_in_dim3A_1250 = vector.broadcast %broadcast_in_dim3A_1249 : i32 to vector<16xi32>
      %get3A_1251 = arith.constant 101 : i32
      %get3A_1252 = arith.index_cast %get3A_1251 : i32 to index
      %get3A_1253 = arith.constant 0 : index
      %get3A_1254 = tpu.vector_load %arg6[%get3A_1252, %get3A_1253] {strides = array<i32>} : memref<128x32xf32, #tpu.memory_space<vmem>>, vector<16xf32>,
      %get3A_1255 = arith.constant 101 : i32
      %get3A_1256 = arith.index_cast %get3A_1255 : i32 to index
      %get3A_1257 = arith.constant 16 : index
      %get3A_1258 = tpu.vector_load %arg6[%get3A_1256, %get3A_1257] {strides = array<i32>} : memref<128x32xf32, #tpu.memory_space<vmem>>, vector<16xf32>,
      tpu.vector_store_idx %arg8[%shift_right_arithmetic3A_4, %and3A_6, %broadcast_in_dim3A_1250], %get3A_1254 : memref<4x8x129xf32, #tpu.memory_space<vmem>>[vector<16xi32>, vector<16xi32>, vector<16xi32>], vector<16xf32>,
      tpu.vector_store_idx %arg8[%shift_right_arithmetic3A_12, %and3A_18, %broadcast_in_dim3A_1250], %get3A_1258 : memref<4x8x129xf32, #tpu.memory_space<vmem>>[vector<16xi32>, vector<16xi32>, vector<16xi32>], vector<16xf32>,
      %broadcast_in_dim3A_1259 = arith.constant 102 : i32
      %broadcast_in_dim3A_1260 = vector.broadcast %broadcast_in_dim3A_1259 : i32 to vector<16xi32>
      %get3A_1261 = arith.constant 102 : i32
      %get3A_1262 = arith.index_cast %get3A_1261 : i32 to index
      %get3A_1263 = arith.constant 0 : index
      %get3A_1264 = tpu.vector_load %arg6[%get3A_1262, %get3A_1263] {strides = array<i32>} : memref<128x32xf32, #tpu.memory_space<vmem>>, vector<16xf32>,
      %get3A_1265 = arith.constant 102 : i32
      %get3A_1266 = arith.index_cast %get3A_1265 : i32 to index
      %get3A_1267 = arith.constant 16 : index
      %get3A_1268 = tpu.vector_load %arg6[%get3A_1266, %get3A_1267] {strides = array<i32>} : memref<128x32xf32, #tpu.memory_space<vmem>>, vector<16xf32>,
      tpu.vector_store_idx %arg8[%shift_right_arithmetic3A_4, %and3A_6, %broadcast_in_dim3A_1260], %get3A_1264 : memref<4x8x129xf32, #tpu.memory_space<vmem>>[vector<16xi32>, vector<16xi32>, vector<16xi32>], vector<16xf32>,
      tpu.vector_store_idx %arg8[%shift_right_arithmetic3A_12, %and3A_18, %broadcast_in_dim3A_1260], %get3A_1268 : memref<4x8x129xf32, #tpu.memory_space<vmem>>[vector<16xi32>, vector<16xi32>, vector<16xi32>], vector<16xf32>,
      %broadcast_in_dim3A_1269 = arith.constant 103 : i32
      %broadcast_in_dim3A_1270 = vector.broadcast %broadcast_in_dim3A_1269 : i32 to vector<16xi32>
      %get3A_1271 = arith.constant 103 : i32
      %get3A_1272 = arith.index_cast %get3A_1271 : i32 to index
      %get3A_1273 = arith.constant 0 : index
      %get3A_1274 = tpu.vector_load %arg6[%get3A_1272, %get3A_1273] {strides = array<i32>} : memref<128x32xf32, #tpu.memory_space<vmem>>, vector<16xf32>,
      %get3A_1275 = arith.constant 103 : i32
      %get3A_1276 = arith.index_cast %get3A_1275 : i32 to index
      %get3A_1277 = arith.constant 16 : index
      %get3A_1278 = tpu.vector_load %arg6[%get3A_1276, %get3A_1277] {strides = array<i32>} : memref<128x32xf32, #tpu.memory_space<vmem>>, vector<16xf32>,
      tpu.vector_store_idx %arg8[%shift_right_arithmetic3A_4, %and3A_6, %broadcast_in_dim3A_1270], %get3A_1274 : memref<4x8x129xf32, #tpu.memory_space<vmem>>[vector<16xi32>, vector<16xi32>, vector<16xi32>], vector<16xf32>,
      tpu.vector_store_idx %arg8[%shift_right_arithmetic3A_12, %and3A_18, %broadcast_in_dim3A_1270], %get3A_1278 : memref<4x8x129xf32, #tpu.memory_space<vmem>>[vector<16xi32>, vector<16xi32>, vector<16xi32>], vector<16xf32>,
      %broadcast_in_dim3A_1279 = arith.constant 104 : i32
      %broadcast_in_dim3A_1280 = vector.broadcast %broadcast_in_dim3A_1279 : i32 to vector<16xi32>
      %get3A_1281 = arith.constant 104 : i32
      %get3A_1282 = arith.index_cast %get3A_1281 : i32 to index
      %get3A_1283 = arith.constant 0 : index
      %get3A_1284 = tpu.vector_load %arg6[%get3A_1282, %get3A_1283] {strides = array<i32>} : memref<128x32xf32, #tpu.memory_space<vmem>>, vector<16xf32>,
      %get3A_1285 = arith.constant 104 : i32
      %get3A_1286 = arith.index_cast %get3A_1285 : i32 to index
      %get3A_1287 = arith.constant 16 : index
      %get3A_1288 = tpu.vector_load %arg6[%get3A_1286, %get3A_1287] {strides = array<i32>} : memref<128x32xf32, #tpu.memory_space<vmem>>, vector<16xf32>,
      tpu.vector_store_idx %arg8[%shift_right_arithmetic3A_4, %and3A_6, %broadcast_in_dim3A_1280], %get3A_1284 : memref<4x8x129xf32, #tpu.memory_space<vmem>>[vector<16xi32>, vector<16xi32>, vector<16xi32>], vector<16xf32>,
      tpu.vector_store_idx %arg8[%shift_right_arithmetic3A_12, %and3A_18, %broadcast_in_dim3A_1280], %get3A_1288 : memref<4x8x129xf32, #tpu.memory_space<vmem>>[vector<16xi32>, vector<16xi32>, vector<16xi32>], vector<16xf32>,
      %broadcast_in_dim3A_1289 = arith.constant 105 : i32
      %broadcast_in_dim3A_1290 = vector.broadcast %broadcast_in_dim3A_1289 : i32 to vector<16xi32>
      %get3A_1291 = arith.constant 105 : i32
      %get3A_1292 = arith.index_cast %get3A_1291 : i32 to index
      %get3A_1293 = arith.constant 0 : index
      %get3A_1294 = tpu.vector_load %arg6[%get3A_1292, %get3A_1293] {strides = array<i32>} : memref<128x32xf32, #tpu.memory_space<vmem>>, vector<16xf32>,
      %get3A_1295 = arith.constant 105 : i32
      %get3A_1296 = arith.index_cast %get3A_1295 : i32 to index
      %get3A_1297 = arith.constant 16 : index
      %get3A_1298 = tpu.vector_load %arg6[%get3A_1296, %get3A_1297] {strides = array<i32>} : memref<128x32xf32, #tpu.memory_space<vmem>>, vector<16xf32>,
      tpu.vector_store_idx %arg8[%shift_right_arithmetic3A_4, %and3A_6, %broadcast_in_dim3A_1290], %get3A_1294 : memref<4x8x129xf32, #tpu.memory_space<vmem>>[vector<16xi32>, vector<16xi32>, vector<16xi32>], vector<16xf32>,
      tpu.vector_store_idx %arg8[%shift_right_arithmetic3A_12, %and3A_18, %broadcast_in_dim3A_1290], %get3A_1298 : memref<4x8x129xf32, #tpu.memory_space<vmem>>[vector<16xi32>, vector<16xi32>, vector<16xi32>], vector<16xf32>,
      %broadcast_in_dim3A_1299 = arith.constant 106 : i32
      %broadcast_in_dim3A_1300 = vector.broadcast %broadcast_in_dim3A_1299 : i32 to vector<16xi32>
      %get3A_1301 = arith.constant 106 : i32
      %get3A_1302 = arith.index_cast %get3A_1301 : i32 to index
      %get3A_1303 = arith.constant 0 : index
      %get3A_1304 = tpu.vector_load %arg6[%get3A_1302, %get3A_1303] {strides = array<i32>} : memref<128x32xf32, #tpu.memory_space<vmem>>, vector<16xf32>,
      %get3A_1305 = arith.constant 106 : i32
      %get3A_1306 = arith.index_cast %get3A_1305 : i32 to index
      %get3A_1307 = arith.constant 16 : index
      %get3A_1308 = tpu.vector_load %arg6[%get3A_1306, %get3A_1307] {strides = array<i32>} : memref<128x32xf32, #tpu.memory_space<vmem>>, vector<16xf32>,
      tpu.vector_store_idx %arg8[%shift_right_arithmetic3A_4, %and3A_6, %broadcast_in_dim3A_1300], %get3A_1304 : memref<4x8x129xf32, #tpu.memory_space<vmem>>[vector<16xi32>, vector<16xi32>, vector<16xi32>], vector<16xf32>,
      tpu.vector_store_idx %arg8[%shift_right_arithmetic3A_12, %and3A_18, %broadcast_in_dim3A_1300], %get3A_1308 : memref<4x8x129xf32, #tpu.memory_space<vmem>>[vector<16xi32>, vector<16xi32>, vector<16xi32>], vector<16xf32>,
      %broadcast_in_dim3A_1309 = arith.constant 107 : i32
      %broadcast_in_dim3A_1310 = vector.broadcast %broadcast_in_dim3A_1309 : i32 to vector<16xi32>
      %get3A_1311 = arith.constant 107 : i32
      %get3A_1312 = arith.index_cast %get3A_1311 : i32 to index
      %get3A_1313 = arith.constant 0 : index
      %get3A_1314 = tpu.vector_load %arg6[%get3A_1312, %get3A_1313] {strides = array<i32>} : memref<128x32xf32, #tpu.memory_space<vmem>>, vector<16xf32>,
      %get3A_1315 = arith.constant 107 : i32
      %get3A_1316 = arith.index_cast %get3A_1315 : i32 to index
      %get3A_1317 = arith.constant 16 : index
      %get3A_1318 = tpu.vector_load %arg6[%get3A_1316, %get3A_1317] {strides = array<i32>} : memref<128x32xf32, #tpu.memory_space<vmem>>, vector<16xf32>,
      tpu.vector_store_idx %arg8[%shift_right_arithmetic3A_4, %and3A_6, %broadcast_in_dim3A_1310], %get3A_1314 : memref<4x8x129xf32, #tpu.memory_space<vmem>>[vector<16xi32>, vector<16xi32>, vector<16xi32>], vector<16xf32>,
      tpu.vector_store_idx %arg8[%shift_right_arithmetic3A_12, %and3A_18, %broadcast_in_dim3A_1310], %get3A_1318 : memref<4x8x129xf32, #tpu.memory_space<vmem>>[vector<16xi32>, vector<16xi32>, vector<16xi32>], vector<16xf32>,
      %broadcast_in_dim3A_1319 = arith.constant 108 : i32
      %broadcast_in_dim3A_1320 = vector.broadcast %broadcast_in_dim3A_1319 : i32 to vector<16xi32>
      %get3A_1321 = arith.constant 108 : i32
      %get3A_1322 = arith.index_cast %get3A_1321 : i32 to index
      %get3A_1323 = arith.constant 0 : index
      %get3A_1324 = tpu.vector_load %arg6[%get3A_1322, %get3A_1323] {strides = array<i32>} : memref<128x32xf32, #tpu.memory_space<vmem>>, vector<16xf32>,
      %get3A_1325 = arith.constant 108 : i32
      %get3A_1326 = arith.index_cast %get3A_1325 : i32 to index
      %get3A_1327 = arith.constant 16 : index
      %get3A_1328 = tpu.vector_load %arg6[%get3A_1326, %get3A_1327] {strides = array<i32>} : memref<128x32xf32, #tpu.memory_space<vmem>>, vector<16xf32>,
      tpu.vector_store_idx %arg8[%shift_right_arithmetic3A_4, %and3A_6, %broadcast_in_dim3A_1320], %get3A_1324 : memref<4x8x129xf32, #tpu.memory_space<vmem>>[vector<16xi32>, vector<16xi32>, vector<16xi32>], vector<16xf32>,
      tpu.vector_store_idx %arg8[%shift_right_arithmetic3A_12, %and3A_18, %broadcast_in_dim3A_1320], %get3A_1328 : memref<4x8x129xf32, #tpu.memory_space<vmem>>[vector<16xi32>, vector<16xi32>, vector<16xi32>], vector<16xf32>,
      %broadcast_in_dim3A_1329 = arith.constant 109 : i32
      %broadcast_in_dim3A_1330 = vector.broadcast %broadcast_in_dim3A_1329 : i32 to vector<16xi32>
      %get3A_1331 = arith.constant 109 : i32
      %get3A_1332 = arith.index_cast %get3A_1331 : i32 to index
      %get3A_1333 = arith.constant 0 : index
      %get3A_1334 = tpu.vector_load %arg6[%get3A_1332, %get3A_1333] {strides = array<i32>} : memref<128x32xf32, #tpu.memory_space<vmem>>, vector<16xf32>,
      %get3A_1335 = arith.constant 109 : i32
      %get3A_1336 = arith.index_cast %get3A_1335 : i32 to index
      %get3A_1337 = arith.constant 16 : index
      %get3A_1338 = tpu.vector_load %arg6[%get3A_1336, %get3A_1337] {strides = array<i32>} : memref<128x32xf32, #tpu.memory_space<vmem>>, vector<16xf32>,
      tpu.vector_store_idx %arg8[%shift_right_arithmetic3A_4, %and3A_6, %broadcast_in_dim3A_1330], %get3A_1334 : memref<4x8x129xf32, #tpu.memory_space<vmem>>[vector<16xi32>, vector<16xi32>, vector<16xi32>], vector<16xf32>,
      tpu.vector_store_idx %arg8[%shift_right_arithmetic3A_12, %and3A_18, %broadcast_in_dim3A_1330], %get3A_1338 : memref<4x8x129xf32, #tpu.memory_space<vmem>>[vector<16xi32>, vector<16xi32>, vector<16xi32>], vector<16xf32>,
      %broadcast_in_dim3A_1339 = arith.constant 110 : i32
      %broadcast_in_dim3A_1340 = vector.broadcast %broadcast_in_dim3A_1339 : i32 to vector<16xi32>
      %get3A_1341 = arith.constant 110 : i32
      %get3A_1342 = arith.index_cast %get3A_1341 : i32 to index
      %get3A_1343 = arith.constant 0 : index
      %get3A_1344 = tpu.vector_load %arg6[%get3A_1342, %get3A_1343] {strides = array<i32>} : memref<128x32xf32, #tpu.memory_space<vmem>>, vector<16xf32>,
      %get3A_1345 = arith.constant 110 : i32
      %get3A_1346 = arith.index_cast %get3A_1345 : i32 to index
      %get3A_1347 = arith.constant 16 : index
      %get3A_1348 = tpu.vector_load %arg6[%get3A_1346, %get3A_1347] {strides = array<i32>} : memref<128x32xf32, #tpu.memory_space<vmem>>, vector<16xf32>,
      tpu.vector_store_idx %arg8[%shift_right_arithmetic3A_4, %and3A_6, %broadcast_in_dim3A_1340], %get3A_1344 : memref<4x8x129xf32, #tpu.memory_space<vmem>>[vector<16xi32>, vector<16xi32>, vector<16xi32>], vector<16xf32>,
      tpu.vector_store_idx %arg8[%shift_right_arithmetic3A_12, %and3A_18, %broadcast_in_dim3A_1340], %get3A_1348 : memref<4x8x129xf32, #tpu.memory_space<vmem>>[vector<16xi32>, vector<16xi32>, vector<16xi32>], vector<16xf32>,
      %broadcast_in_dim3A_1349 = arith.constant 111 : i32
      %broadcast_in_dim3A_1350 = vector.broadcast %broadcast_in_dim3A_1349 : i32 to vector<16xi32>
      %get3A_1351 = arith.constant 111 : i32
      %get3A_1352 = arith.index_cast %get3A_1351 : i32 to index
      %get3A_1353 = arith.constant 0 : index
      %get3A_1354 = tpu.vector_load %arg6[%get3A_1352, %get3A_1353] {strides = array<i32>} : memref<128x32xf32, #tpu.memory_space<vmem>>, vector<16xf32>,
      %get3A_1355 = arith.constant 111 : i32
      %get3A_1356 = arith.index_cast %get3A_1355 : i32 to index
      %get3A_1357 = arith.constant 16 : index
      %get3A_1358 = tpu.vector_load %arg6[%get3A_1356, %get3A_1357] {strides = array<i32>} : memref<128x32xf32, #tpu.memory_space<vmem>>, vector<16xf32>,
      tpu.vector_store_idx %arg8[%shift_right_arithmetic3A_4, %and3A_6, %broadcast_in_dim3A_1350], %get3A_1354 : memref<4x8x129xf32, #tpu.memory_space<vmem>>[vector<16xi32>, vector<16xi32>, vector<16xi32>], vector<16xf32>,
      tpu.vector_store_idx %arg8[%shift_right_arithmetic3A_12, %and3A_18, %broadcast_in_dim3A_1350], %get3A_1358 : memref<4x8x129xf32, #tpu.memory_space<vmem>>[vector<16xi32>, vector<16xi32>, vector<16xi32>], vector<16xf32>,
      %broadcast_in_dim3A_1359 = arith.constant 112 : i32
      %broadcast_in_dim3A_1360 = vector.broadcast %broadcast_in_dim3A_1359 : i32 to vector<16xi32>
      %get3A_1361 = arith.constant 112 : i32
      %get3A_1362 = arith.index_cast %get3A_1361 : i32 to index
      %get3A_1363 = arith.constant 0 : index
      %get3A_1364 = tpu.vector_load %arg6[%get3A_1362, %get3A_1363] {strides = array<i32>} : memref<128x32xf32, #tpu.memory_space<vmem>>, vector<16xf32>,
      %get3A_1365 = arith.constant 112 : i32
      %get3A_1366 = arith.index_cast %get3A_1365 : i32 to index
      %get3A_1367 = arith.constant 16 : index
      %get3A_1368 = tpu.vector_load %arg6[%get3A_1366, %get3A_1367] {strides = array<i32>} : memref<128x32xf32, #tpu.memory_space<vmem>>, vector<16xf32>,
      tpu.vector_store_idx %arg8[%shift_right_arithmetic3A_4, %and3A_6, %broadcast_in_dim3A_1360], %get3A_1364 : memref<4x8x129xf32, #tpu.memory_space<vmem>>[vector<16xi32>, vector<16xi32>, vector<16xi32>], vector<16xf32>,
      tpu.vector_store_idx %arg8[%shift_right_arithmetic3A_12, %and3A_18, %broadcast_in_dim3A_1360], %get3A_1368 : memref<4x8x129xf32, #tpu.memory_space<vmem>>[vector<16xi32>, vector<16xi32>, vector<16xi32>], vector<16xf32>,
      %broadcast_in_dim3A_1369 = arith.constant 113 : i32
      %broadcast_in_dim3A_1370 = vector.broadcast %broadcast_in_dim3A_1369 : i32 to vector<16xi32>
      %get3A_1371 = arith.constant 113 : i32
      %get3A_1372 = arith.index_cast %get3A_1371 : i32 to index
      %get3A_1373 = arith.constant 0 : index
      %get3A_1374 = tpu.vector_load %arg6[%get3A_1372, %get3A_1373] {strides = array<i32>} : memref<128x32xf32, #tpu.memory_space<vmem>>, vector<16xf32>,
      %get3A_1375 = arith.constant 113 : i32
      %get3A_1376 = arith.index_cast %get3A_1375 : i32 to index
      %get3A_1377 = arith.constant 16 : index
      %get3A_1378 = tpu.vector_load %arg6[%get3A_1376, %get3A_1377] {strides = array<i32>} : memref<128x32xf32, #tpu.memory_space<vmem>>, vector<16xf32>,
      tpu.vector_store_idx %arg8[%shift_right_arithmetic3A_4, %and3A_6, %broadcast_in_dim3A_1370], %get3A_1374 : memref<4x8x129xf32, #tpu.memory_space<vmem>>[vector<16xi32>, vector<16xi32>, vector<16xi32>], vector<16xf32>,
      tpu.vector_store_idx %arg8[%shift_right_arithmetic3A_12, %and3A_18, %broadcast_in_dim3A_1370], %get3A_1378 : memref<4x8x129xf32, #tpu.memory_space<vmem>>[vector<16xi32>, vector<16xi32>, vector<16xi32>], vector<16xf32>,
      %broadcast_in_dim3A_1379 = arith.constant 114 : i32
      %broadcast_in_dim3A_1380 = vector.broadcast %broadcast_in_dim3A_1379 : i32 to vector<16xi32>
      %get3A_1381 = arith.constant 114 : i32
      %get3A_1382 = arith.index_cast %get3A_1381 : i32 to index
      %get3A_1383 = arith.constant 0 : index
      %get3A_1384 = tpu.vector_load %arg6[%get3A_1382, %get3A_1383] {strides = array<i32>} : memref<128x32xf32, #tpu.memory_space<vmem>>, vector<16xf32>,
      %get3A_1385 = arith.constant 114 : i32
      %get3A_1386 = arith.index_cast %get3A_1385 : i32 to index
      %get3A_1387 = arith.constant 16 : index
      %get3A_1388 = tpu.vector_load %arg6[%get3A_1386, %get3A_1387] {strides = array<i32>} : memref<128x32xf32, #tpu.memory_space<vmem>>, vector<16xf32>,
      tpu.vector_store_idx %arg8[%shift_right_arithmetic3A_4, %and3A_6, %broadcast_in_dim3A_1380], %get3A_1384 : memref<4x8x129xf32, #tpu.memory_space<vmem>>[vector<16xi32>, vector<16xi32>, vector<16xi32>], vector<16xf32>,
      tpu.vector_store_idx %arg8[%shift_right_arithmetic3A_12, %and3A_18, %broadcast_in_dim3A_1380], %get3A_1388 : memref<4x8x129xf32, #tpu.memory_space<vmem>>[vector<16xi32>, vector<16xi32>, vector<16xi32>], vector<16xf32>,
      %broadcast_in_dim3A_1389 = arith.constant 115 : i32
      %broadcast_in_dim3A_1390 = vector.broadcast %broadcast_in_dim3A_1389 : i32 to vector<16xi32>
      %get3A_1391 = arith.constant 115 : i32
      %get3A_1392 = arith.index_cast %get3A_1391 : i32 to index
      %get3A_1393 = arith.constant 0 : index
      %get3A_1394 = tpu.vector_load %arg6[%get3A_1392, %get3A_1393] {strides = array<i32>} : memref<128x32xf32, #tpu.memory_space<vmem>>, vector<16xf32>,
      %get3A_1395 = arith.constant 115 : i32
      %get3A_1396 = arith.index_cast %get3A_1395 : i32 to index
      %get3A_1397 = arith.constant 16 : index
      %get3A_1398 = tpu.vector_load %arg6[%get3A_1396, %get3A_1397] {strides = array<i32>} : memref<128x32xf32, #tpu.memory_space<vmem>>, vector<16xf32>,
      tpu.vector_store_idx %arg8[%shift_right_arithmetic3A_4, %and3A_6, %broadcast_in_dim3A_1390], %get3A_1394 : memref<4x8x129xf32, #tpu.memory_space<vmem>>[vector<16xi32>, vector<16xi32>, vector<16xi32>], vector<16xf32>,
      tpu.vector_store_idx %arg8[%shift_right_arithmetic3A_12, %and3A_18, %broadcast_in_dim3A_1390], %get3A_1398 : memref<4x8x129xf32, #tpu.memory_space<vmem>>[vector<16xi32>, vector<16xi32>, vector<16xi32>], vector<16xf32>,
      %broadcast_in_dim3A_1399 = arith.constant 116 : i32
      %broadcast_in_dim3A_1400 = vector.broadcast %broadcast_in_dim3A_1399 : i32 to vector<16xi32>
      %get3A_1401 = arith.constant 116 : i32
      %get3A_1402 = arith.index_cast %get3A_1401 : i32 to index
      %get3A_1403 = arith.constant 0 : index
      %get3A_1404 = tpu.vector_load %arg6[%get3A_1402, %get3A_1403] {strides = array<i32>} : memref<128x32xf32, #tpu.memory_space<vmem>>, vector<16xf32>,
      %get3A_1405 = arith.constant 116 : i32
      %get3A_1406 = arith.index_cast %get3A_1405 : i32 to index
      %get3A_1407 = arith.constant 16 : index
      %get3A_1408 = tpu.vector_load %arg6[%get3A_1406, %get3A_1407] {strides = array<i32>} : memref<128x32xf32, #tpu.memory_space<vmem>>, vector<16xf32>,
      tpu.vector_store_idx %arg8[%shift_right_arithmetic3A_4, %and3A_6, %broadcast_in_dim3A_1400], %get3A_1404 : memref<4x8x129xf32, #tpu.memory_space<vmem>>[vector<16xi32>, vector<16xi32>, vector<16xi32>], vector<16xf32>,
      tpu.vector_store_idx %arg8[%shift_right_arithmetic3A_12, %and3A_18, %broadcast_in_dim3A_1400], %get3A_1408 : memref<4x8x129xf32, #tpu.memory_space<vmem>>[vector<16xi32>, vector<16xi32>, vector<16xi32>], vector<16xf32>,
      %broadcast_in_dim3A_1409 = arith.constant 117 : i32
      %broadcast_in_dim3A_1410 = vector.broadcast %broadcast_in_dim3A_1409 : i32 to vector<16xi32>
      %get3A_1411 = arith.constant 117 : i32
      %get3A_1412 = arith.index_cast %get3A_1411 : i32 to index
      %get3A_1413 = arith.constant 0 : index
      %get3A_1414 = tpu.vector_load %arg6[%get3A_1412, %get3A_1413] {strides = array<i32>} : memref<128x32xf32, #tpu.memory_space<vmem>>, vector<16xf32>,
      %get3A_1415 = arith.constant 117 : i32
      %get3A_1416 = arith.index_cast %get3A_1415 : i32 to index
      %get3A_1417 = arith.constant 16 : index
      %get3A_1418 = tpu.vector_load %arg6[%get3A_1416, %get3A_1417] {strides = array<i32>} : memref<128x32xf32, #tpu.memory_space<vmem>>, vector<16xf32>,
      tpu.vector_store_idx %arg8[%shift_right_arithmetic3A_4, %and3A_6, %broadcast_in_dim3A_1410], %get3A_1414 : memref<4x8x129xf32, #tpu.memory_space<vmem>>[vector<16xi32>, vector<16xi32>, vector<16xi32>], vector<16xf32>,
      tpu.vector_store_idx %arg8[%shift_right_arithmetic3A_12, %and3A_18, %broadcast_in_dim3A_1410], %get3A_1418 : memref<4x8x129xf32, #tpu.memory_space<vmem>>[vector<16xi32>, vector<16xi32>, vector<16xi32>], vector<16xf32>,
      %broadcast_in_dim3A_1419 = arith.constant 118 : i32
      %broadcast_in_dim3A_1420 = vector.broadcast %broadcast_in_dim3A_1419 : i32 to vector<16xi32>
      %get3A_1421 = arith.constant 118 : i32
      %get3A_1422 = arith.index_cast %get3A_1421 : i32 to index
      %get3A_1423 = arith.constant 0 : index
      %get3A_1424 = tpu.vector_load %arg6[%get3A_1422, %get3A_1423] {strides = array<i32>} : memref<128x32xf32, #tpu.memory_space<vmem>>, vector<16xf32>,
      %get3A_1425 = arith.constant 118 : i32
      %get3A_1426 = arith.index_cast %get3A_1425 : i32 to index
      %get3A_1427 = arith.constant 16 : index
      %get3A_1428 = tpu.vector_load %arg6[%get3A_1426, %get3A_1427] {strides = array<i32>} : memref<128x32xf32, #tpu.memory_space<vmem>>, vector<16xf32>,
      tpu.vector_store_idx %arg8[%shift_right_arithmetic3A_4, %and3A_6, %broadcast_in_dim3A_1420], %get3A_1424 : memref<4x8x129xf32, #tpu.memory_space<vmem>>[vector<16xi32>, vector<16xi32>, vector<16xi32>], vector<16xf32>,
      tpu.vector_store_idx %arg8[%shift_right_arithmetic3A_12, %and3A_18, %broadcast_in_dim3A_1420], %get3A_1428 : memref<4x8x129xf32, #tpu.memory_space<vmem>>[vector<16xi32>, vector<16xi32>, vector<16xi32>], vector<16xf32>,
      %broadcast_in_dim3A_1429 = arith.constant 119 : i32
      %broadcast_in_dim3A_1430 = vector.broadcast %broadcast_in_dim3A_1429 : i32 to vector<16xi32>
      %get3A_1431 = arith.constant 119 : i32
      %get3A_1432 = arith.index_cast %get3A_1431 : i32 to index
      %get3A_1433 = arith.constant 0 : index
      %get3A_1434 = tpu.vector_load %arg6[%get3A_1432, %get3A_1433] {strides = array<i32>} : memref<128x32xf32, #tpu.memory_space<vmem>>, vector<16xf32>,
      %get3A_1435 = arith.constant 119 : i32
      %get3A_1436 = arith.index_cast %get3A_1435 : i32 to index
      %get3A_1437 = arith.constant 16 : index
      %get3A_1438 = tpu.vector_load %arg6[%get3A_1436, %get3A_1437] {strides = array<i32>} : memref<128x32xf32, #tpu.memory_space<vmem>>, vector<16xf32>,
      tpu.vector_store_idx %arg8[%shift_right_arithmetic3A_4, %and3A_6, %broadcast_in_dim3A_1430], %get3A_1434 : memref<4x8x129xf32, #tpu.memory_space<vmem>>[vector<16xi32>, vector<16xi32>, vector<16xi32>], vector<16xf32>,
      tpu.vector_store_idx %arg8[%shift_right_arithmetic3A_12, %and3A_18, %broadcast_in_dim3A_1430], %get3A_1438 : memref<4x8x129xf32, #tpu.memory_space<vmem>>[vector<16xi32>, vector<16xi32>, vector<16xi32>], vector<16xf32>,
      %broadcast_in_dim3A_1439 = arith.constant 120 : i32
      %broadcast_in_dim3A_1440 = vector.broadcast %broadcast_in_dim3A_1439 : i32 to vector<16xi32>
      %get3A_1441 = arith.constant 120 : i32
      %get3A_1442 = arith.index_cast %get3A_1441 : i32 to index
      %get3A_1443 = arith.constant 0 : index
      %get3A_1444 = tpu.vector_load %arg6[%get3A_1442, %get3A_1443] {strides = array<i32>} : memref<128x32xf32, #tpu.memory_space<vmem>>, vector<16xf32>,
      %get3A_1445 = arith.constant 120 : i32
      %get3A_1446 = arith.index_cast %get3A_1445 : i32 to index
      %get3A_1447 = arith.constant 16 : index
      %get3A_1448 = tpu.vector_load %arg6[%get3A_1446, %get3A_1447] {strides = array<i32>} : memref<128x32xf32, #tpu.memory_space<vmem>>, vector<16xf32>,
      tpu.vector_store_idx %arg8[%shift_right_arithmetic3A_4, %and3A_6, %broadcast_in_dim3A_1440], %get3A_1444 : memref<4x8x129xf32, #tpu.memory_space<vmem>>[vector<16xi32>, vector<16xi32>, vector<16xi32>], vector<16xf32>,
      tpu.vector_store_idx %arg8[%shift_right_arithmetic3A_12, %and3A_18, %broadcast_in_dim3A_1440], %get3A_1448 : memref<4x8x129xf32, #tpu.memory_space<vmem>>[vector<16xi32>, vector<16xi32>, vector<16xi32>], vector<16xf32>,
      %broadcast_in_dim3A_1449 = arith.constant 121 : i32
      %broadcast_in_dim3A_1450 = vector.broadcast %broadcast_in_dim3A_1449 : i32 to vector<16xi32>
      %get3A_1451 = arith.constant 121 : i32
      %get3A_1452 = arith.index_cast %get3A_1451 : i32 to index
      %get3A_1453 = arith.constant 0 : index
      %get3A_1454 = tpu.vector_load %arg6[%get3A_1452, %get3A_1453] {strides = array<i32>} : memref<128x32xf32, #tpu.memory_space<vmem>>, vector<16xf32>,
      %get3A_1455 = arith.constant 121 : i32
      %get3A_1456 = arith.index_cast %get3A_1455 : i32 to index
      %get3A_1457 = arith.constant 16 : index
      %get3A_1458 = tpu.vector_load %arg6[%get3A_1456, %get3A_1457] {strides = array<i32>} : memref<128x32xf32, #tpu.memory_space<vmem>>, vector<16xf32>,
      tpu.vector_store_idx %arg8[%shift_right_arithmetic3A_4, %and3A_6, %broadcast_in_dim3A_1450], %get3A_1454 : memref<4x8x129xf32, #tpu.memory_space<vmem>>[vector<16xi32>, vector<16xi32>, vector<16xi32>], vector<16xf32>,
      tpu.vector_store_idx %arg8[%shift_right_arithmetic3A_12, %and3A_18, %broadcast_in_dim3A_1450], %get3A_1458 : memref<4x8x129xf32, #tpu.memory_space<vmem>>[vector<16xi32>, vector<16xi32>, vector<16xi32>], vector<16xf32>,
      %broadcast_in_dim3A_1459 = arith.constant 122 : i32
      %broadcast_in_dim3A_1460 = vector.broadcast %broadcast_in_dim3A_1459 : i32 to vector<16xi32>
      %get3A_1461 = arith.constant 122 : i32
      %get3A_1462 = arith.index_cast %get3A_1461 : i32 to index
      %get3A_1463 = arith.constant 0 : index
      %get3A_1464 = tpu.vector_load %arg6[%get3A_1462, %get3A_1463] {strides = array<i32>} : memref<128x32xf32, #tpu.memory_space<vmem>>, vector<16xf32>,
      %get3A_1465 = arith.constant 122 : i32
      %get3A_1466 = arith.index_cast %get3A_1465 : i32 to index
      %get3A_1467 = arith.constant 16 : index
      %get3A_1468 = tpu.vector_load %arg6[%get3A_1466, %get3A_1467] {strides = array<i32>} : memref<128x32xf32, #tpu.memory_space<vmem>>, vector<16xf32>,
      tpu.vector_store_idx %arg8[%shift_right_arithmetic3A_4, %and3A_6, %broadcast_in_dim3A_1460], %get3A_1464 : memref<4x8x129xf32, #tpu.memory_space<vmem>>[vector<16xi32>, vector<16xi32>, vector<16xi32>], vector<16xf32>,
      tpu.vector_store_idx %arg8[%shift_right_arithmetic3A_12, %and3A_18, %broadcast_in_dim3A_1460], %get3A_1468 : memref<4x8x129xf32, #tpu.memory_space<vmem>>[vector<16xi32>, vector<16xi32>, vector<16xi32>], vector<16xf32>,
      %broadcast_in_dim3A_1469 = arith.constant 123 : i32
      %broadcast_in_dim3A_1470 = vector.broadcast %broadcast_in_dim3A_1469 : i32 to vector<16xi32>
      %get3A_1471 = arith.constant 123 : i32
      %get3A_1472 = arith.index_cast %get3A_1471 : i32 to index
      %get3A_1473 = arith.constant 0 : index
      %get3A_1474 = tpu.vector_load %arg6[%get3A_1472, %get3A_1473] {strides = array<i32>} : memref<128x32xf32, #tpu.memory_space<vmem>>, vector<16xf32>,
      %get3A_1475 = arith.constant 123 : i32
      %get3A_1476 = arith.index_cast %get3A_1475 : i32 to index
      %get3A_1477 = arith.constant 16 : index
      %get3A_1478 = tpu.vector_load %arg6[%get3A_1476, %get3A_1477] {strides = array<i32>} : memref<128x32xf32, #tpu.memory_space<vmem>>, vector<16xf32>,
      tpu.vector_store_idx %arg8[%shift_right_arithmetic3A_4, %and3A_6, %broadcast_in_dim3A_1470], %get3A_1474 : memref<4x8x129xf32, #tpu.memory_space<vmem>>[vector<16xi32>, vector<16xi32>, vector<16xi32>], vector<16xf32>,
      tpu.vector_store_idx %arg8[%shift_right_arithmetic3A_12, %and3A_18, %broadcast_in_dim3A_1470], %get3A_1478 : memref<4x8x129xf32, #tpu.memory_space<vmem>>[vector<16xi32>, vector<16xi32>, vector<16xi32>], vector<16xf32>,
      %broadcast_in_dim3A_1479 = arith.constant 124 : i32
      %broadcast_in_dim3A_1480 = vector.broadcast %broadcast_in_dim3A_1479 : i32 to vector<16xi32>
      %get3A_1481 = arith.constant 124 : i32
      %get3A_1482 = arith.index_cast %get3A_1481 : i32 to index
      %get3A_1483 = arith.constant 0 : index
      %get3A_1484 = tpu.vector_load %arg6[%get3A_1482, %get3A_1483] {strides = array<i32>} : memref<128x32xf32, #tpu.memory_space<vmem>>, vector<16xf32>,
      %get3A_1485 = arith.constant 124 : i32
      %get3A_1486 = arith.index_cast %get3A_1485 : i32 to index
      %get3A_1487 = arith.constant 16 : index
      %get3A_1488 = tpu.vector_load %arg6[%get3A_1486, %get3A_1487] {strides = array<i32>} : memref<128x32xf32, #tpu.memory_space<vmem>>, vector<16xf32>,
      tpu.vector_store_idx %arg8[%shift_right_arithmetic3A_4, %and3A_6, %broadcast_in_dim3A_1480], %get3A_1484 : memref<4x8x129xf32, #tpu.memory_space<vmem>>[vector<16xi32>, vector<16xi32>, vector<16xi32>], vector<16xf32>,
      tpu.vector_store_idx %arg8[%shift_right_arithmetic3A_12, %and3A_18, %broadcast_in_dim3A_1480], %get3A_1488 : memref<4x8x129xf32, #tpu.memory_space<vmem>>[vector<16xi32>, vector<16xi32>, vector<16xi32>], vector<16xf32>,
      %broadcast_in_dim3A_1489 = arith.constant 125 : i32
      %broadcast_in_dim3A_1490 = vector.broadcast %broadcast_in_dim3A_1489 : i32 to vector<16xi32>
      %get3A_1491 = arith.constant 125 : i32
      %get3A_1492 = arith.index_cast %get3A_1491 : i32 to index
      %get3A_1493 = arith.constant 0 : index
      %get3A_1494 = tpu.vector_load %arg6[%get3A_1492, %get3A_1493] {strides = array<i32>} : memref<128x32xf32, #tpu.memory_space<vmem>>, vector<16xf32>,
      %get3A_1495 = arith.constant 125 : i32
      %get3A_1496 = arith.index_cast %get3A_1495 : i32 to index
      %get3A_1497 = arith.constant 16 : index
      %get3A_1498 = tpu.vector_load %arg6[%get3A_1496, %get3A_1497] {strides = array<i32>} : memref<128x32xf32, #tpu.memory_space<vmem>>, vector<16xf32>,
      tpu.vector_store_idx %arg8[%shift_right_arithmetic3A_4, %and3A_6, %broadcast_in_dim3A_1490], %get3A_1494 : memref<4x8x129xf32, #tpu.memory_space<vmem>>[vector<16xi32>, vector<16xi32>, vector<16xi32>], vector<16xf32>,
      tpu.vector_store_idx %arg8[%shift_right_arithmetic3A_12, %and3A_18, %broadcast_in_dim3A_1490], %get3A_1498 : memref<4x8x129xf32, #tpu.memory_space<vmem>>[vector<16xi32>, vector<16xi32>, vector<16xi32>], vector<16xf32>,
      %broadcast_in_dim3A_1499 = arith.constant 126 : i32
      %broadcast_in_dim3A_1500 = vector.broadcast %broadcast_in_dim3A_1499 : i32 to vector<16xi32>
      %get3A_1501 = arith.constant 126 : i32
      %get3A_1502 = arith.index_cast %get3A_1501 : i32 to index
      %get3A_1503 = arith.constant 0 : index
      %get3A_1504 = tpu.vector_load %arg6[%get3A_1502, %get3A_1503] {strides = array<i32>} : memref<128x32xf32, #tpu.memory_space<vmem>>, vector<16xf32>,
      %get3A_1505 = arith.constant 126 : i32
      %get3A_1506 = arith.index_cast %get3A_1505 : i32 to index
      %get3A_1507 = arith.constant 16 : index
      %get3A_1508 = tpu.vector_load %arg6[%get3A_1506, %get3A_1507] {strides = array<i32>} : memref<128x32xf32, #tpu.memory_space<vmem>>, vector<16xf32>,
      tpu.vector_store_idx %arg8[%shift_right_arithmetic3A_4, %and3A_6, %broadcast_in_dim3A_1500], %get3A_1504 : memref<4x8x129xf32, #tpu.memory_space<vmem>>[vector<16xi32>, vector<16xi32>, vector<16xi32>], vector<16xf32>,
      tpu.vector_store_idx %arg8[%shift_right_arithmetic3A_12, %and3A_18, %broadcast_in_dim3A_1500], %get3A_1508 : memref<4x8x129xf32, #tpu.memory_space<vmem>>[vector<16xi32>, vector<16xi32>, vector<16xi32>], vector<16xf32>,
      %broadcast_in_dim3A_1509 = arith.constant 127 : i32
      %broadcast_in_dim3A_1510 = vector.broadcast %broadcast_in_dim3A_1509 : i32 to vector<16xi32>
      %get3A_1511 = arith.constant 127 : i32
      %get3A_1512 = arith.index_cast %get3A_1511 : i32 to index
      %get3A_1513 = arith.constant 0 : index
      %get3A_1514 = tpu.vector_load %arg6[%get3A_1512, %get3A_1513] {strides = array<i32>} : memref<128x32xf32, #tpu.memory_space<vmem>>, vector<16xf32>,
      %get3A_1515 = arith.constant 127 : i32
      %get3A_1516 = arith.index_cast %get3A_1515 : i32 to index
      %get3A_1517 = arith.constant 16 : index
      %get3A_1518 = tpu.vector_load %arg6[%get3A_1516, %get3A_1517] {strides = array<i32>} : memref<128x32xf32, #tpu.memory_space<vmem>>, vector<16xf32>,
      tpu.vector_store_idx %arg8[%shift_right_arithmetic3A_4, %and3A_6, %broadcast_in_dim3A_1510], %get3A_1514 : memref<4x8x129xf32, #tpu.memory_space<vmem>>[vector<16xi32>, vector<16xi32>, vector<16xi32>], vector<16xf32>,
      tpu.vector_store_idx %arg8[%shift_right_arithmetic3A_12, %and3A_18, %broadcast_in_dim3A_1510], %get3A_1518 : memref<4x8x129xf32, #tpu.memory_space<vmem>>[vector<16xi32>, vector<16xi32>, vector<16xi32>], vector<16xf32>,
      %mul3A_1519 = arith.constant 4 : i32
      %mul3A_1520 = arith.muli %mul3A_1519, %add3A : i32
      %add3A_1521 = arith.addi %mul3A_1520, %select_n3A_225 : i32
      %dma_start3A_1522 = arith.constant 0 : i32
      %dma_start3A_1523 = arith.constant 0 : i32
      %dma_start3A_1524 = arith.constant 0 : i32
      %dma_start3A_1525 = arith.constant 0 : i32
      %dma_start3A_1526 = tpu.memref_slice %arg8[%dma_start3A_1522, %dma_start3A_1524, %dma_start3A_1525] : memref<4x8x129xf32, #tpu.memory_space<vmem>> -> memref<1x8x128xf32, #tpu.memory_space<vmem>>
      %dma_start3A_1527 = tpu.memref_squeeze %dma_start3A_1526 : memref<1x8x128xf32, #tpu.memory_space<vmem>> -> memref<8x128xf32, #tpu.memory_space<vmem>>
      %dma_start3A_1528 = arith.constant 0 : i32
      %dma_start3A_1529 = arith.constant 0 : i32
      %dma_start3A_1530 = tpu.memref_slice %arg4[%select_n3A, %dma_start3A_1523, %add3A_1521, %dma_start3A_1528, %dma_start3A_1529] : memref<50x4x128x8x128xf32, #tpu.memory_space<hbm>> -> memref<1x1x1x8x128xf32, #tpu.memory_space<hbm>>
      %dma_start3A_1531 = tpu.memref_squeeze %dma_start3A_1530 : memref<1x1x1x8x128xf32, #tpu.memory_space<hbm>> -> memref<8x128xf32, #tpu.memory_space<hbm>>
      %dma_start3A_1532 = arith.constant 0 : i32
      %dma_start3A_1533 = arith.constant 0 : i32
      %dma_start3A_1534 = tpu.memref_slice %arg4[%select_n3A, %dma_start3A_1523, %add3A_1521, %dma_start3A_1532, %dma_start3A_1533] : memref<50x4x128x8x128xf32, #tpu.memory_space<hbm>> -> memref<1x1x1x8x128xf32, #tpu.memory_space<hbm>>
      %dma_start3A_1535 = tpu.memref_squeeze %dma_start3A_1534 : memref<1x1x1x8x128xf32, #tpu.memory_space<hbm>> -> memref<8x128xf32, #tpu.memory_space<hbm>>
      %dma_start3A_1536 = arith.constant 0 : i32
      %dma_start3A_1537 = arith.constant 0 : i32
      %dma_start3A_1538 = tpu.memref_slice %arg8[%dma_start3A_1522, %dma_start3A_1536, %dma_start3A_1537] : memref<4x8x129xf32, #tpu.memory_space<vmem>> -> memref<1x8x128xf32, #tpu.memory_space<vmem>>
      %dma_start3A_1539 = tpu.memref_squeeze %dma_start3A_1538 : memref<1x8x128xf32, #tpu.memory_space<vmem>> -> memref<8x128xf32, #tpu.memory_space<vmem>>
      tpu.enqueue_dma source(%dma_start3A_1539 : memref<8x128xf32, #tpu.memory_space<vmem>>) target(%dma_start3A_1535 : memref<8x128xf32, #tpu.memory_space<hbm>>) target_semaphore(%arg12 : memref<!tpu.dma_semaphore, #tpu.memory_space<semaphore_mem>>)
      %mul3A_1540 = arith.constant 4 : i32
      %mul3A_1541 = arith.muli %mul3A_1540, %add3A : i32
      %add3A_1542 = arith.addi %mul3A_1541, %select_n3A_225 : i32
      %dma_start3A_1543 = arith.constant 1 : i32
      %dma_start3A_1544 = arith.constant 1 : i32
      %dma_start3A_1545 = arith.constant 0 : i32
      %dma_start3A_1546 = arith.constant 0 : i32
      %dma_start3A_1547 = tpu.memref_slice %arg8[%dma_start3A_1543, %dma_start3A_1545, %dma_start3A_1546] : memref<4x8x129xf32, #tpu.memory_space<vmem>> -> memref<1x8x128xf32, #tpu.memory_space<vmem>>
      %dma_start3A_1548 = tpu.memref_squeeze %dma_start3A_1547 : memref<1x8x128xf32, #tpu.memory_space<vmem>> -> memref<8x128xf32, #tpu.memory_space<vmem>>
      %dma_start3A_1549 = arith.constant 0 : i32
      %dma_start3A_1550 = arith.constant 0 : i32
      %dma_start3A_1551 = tpu.memref_slice %arg4[%select_n3A, %dma_start3A_1544, %add3A_1542, %dma_start3A_1549, %dma_start3A_1550] : memref<50x4x128x8x128xf32, #tpu.memory_space<hbm>> -> memref<1x1x1x8x128xf32, #tpu.memory_space<hbm>>
      %dma_start3A_1552 = tpu.memref_squeeze %dma_start3A_1551 : memref<1x1x1x8x128xf32, #tpu.memory_space<hbm>> -> memref<8x128xf32, #tpu.memory_space<hbm>>
      %dma_start3A_1553 = arith.constant 0 : i32
      %dma_start3A_1554 = arith.constant 0 : i32
      %dma_start3A_1555 = tpu.memref_slice %arg4[%select_n3A, %dma_start3A_1544, %add3A_1542, %dma_start3A_1553, %dma_start3A_1554] : memref<50x4x128x8x128xf32, #tpu.memory_space<hbm>> -> memref<1x1x1x8x128xf32, #tpu.memory_space<hbm>>
      %dma_start3A_1556 = tpu.memref_squeeze %dma_start3A_1555 : memref<1x1x1x8x128xf32, #tpu.memory_space<hbm>> -> memref<8x128xf32, #tpu.memory_space<hbm>>
      %dma_start3A_1557 = arith.constant 0 : i32
      %dma_start3A_1558 = arith.constant 0 : i32
      %dma_start3A_1559 = tpu.memref_slice %arg8[%dma_start3A_1543, %dma_start3A_1557, %dma_start3A_1558] : memref<4x8x129xf32, #tpu.memory_space<vmem>> -> memref<1x8x128xf32, #tpu.memory_space<vmem>>
      %dma_start3A_1560 = tpu.memref_squeeze %dma_start3A_1559 : memref<1x8x128xf32, #tpu.memory_space<vmem>> -> memref<8x128xf32, #tpu.memory_space<vmem>>
      tpu.enqueue_dma source(%dma_start3A_1560 : memref<8x128xf32, #tpu.memory_space<vmem>>) target(%dma_start3A_1556 : memref<8x128xf32, #tpu.memory_space<hbm>>) target_semaphore(%arg12 : memref<!tpu.dma_semaphore, #tpu.memory_space<semaphore_mem>>)
      %mul3A_1561 = arith.constant 4 : i32
      %mul3A_1562 = arith.muli %mul3A_1561, %add3A : i32
      %add3A_1563 = arith.addi %mul3A_1562, %select_n3A_225 : i32
      %dma_start3A_1564 = arith.constant 2 : i32
      %dma_start3A_1565 = arith.constant 2 : i32
      %dma_start3A_1566 = arith.constant 0 : i32
      %dma_start3A_1567 = arith.constant 0 : i32
      %dma_start3A_1568 = tpu.memref_slice %arg8[%dma_start3A_1564, %dma_start3A_1566, %dma_start3A_1567] : memref<4x8x129xf32, #tpu.memory_space<vmem>> -> memref<1x8x128xf32, #tpu.memory_space<vmem>>
      %dma_start3A_1569 = tpu.memref_squeeze %dma_start3A_1568 : memref<1x8x128xf32, #tpu.memory_space<vmem>> -> memref<8x128xf32, #tpu.memory_space<vmem>>
      %dma_start3A_1570 = arith.constant 0 : i32
      %dma_start3A_1571 = arith.constant 0 : i32
      %dma_start3A_1572 = tpu.memref_slice %arg4[%select_n3A, %dma_start3A_1565, %add3A_1563, %dma_start3A_1570, %dma_start3A_1571] : memref<50x4x128x8x128xf32, #tpu.memory_space<hbm>> -> memref<1x1x1x8x128xf32, #tpu.memory_space<hbm>>
      %dma_start3A_1573 = tpu.memref_squeeze %dma_start3A_1572 : memref<1x1x1x8x128xf32, #tpu.memory_space<hbm>> -> memref<8x128xf32, #tpu.memory_space<hbm>>
      %dma_start3A_1574 = arith.constant 0 : i32
      %dma_start3A_1575 = arith.constant 0 : i32
      %dma_start3A_1576 = tpu.memref_slice %arg4[%select_n3A, %dma_start3A_1565, %add3A_1563, %dma_start3A_1574, %dma_start3A_1575] : memref<50x4x128x8x128xf32, #tpu.memory_space<hbm>> -> memref<1x1x1x8x128xf32, #tpu.memory_space<hbm>>
      %dma_start3A_1577 = tpu.memref_squeeze %dma_start3A_1576 : memref<1x1x1x8x128xf32, #tpu.memory_space<hbm>> -> memref<8x128xf32, #tpu.memory_space<hbm>>
      %dma_start3A_1578 = arith.constant 0 : i32
      %dma_start3A_1579 = arith.constant 0 : i32
      %dma_start3A_1580 = tpu.memref_slice %arg8[%dma_start3A_1564, %dma_start3A_1578, %dma_start3A_1579] : memref<4x8x129xf32, #tpu.memory_space<vmem>> -> memref<1x8x128xf32, #tpu.memory_space<vmem>>
      %dma_start3A_1581 = tpu.memref_squeeze %dma_start3A_1580 : memref<1x8x128xf32, #tpu.memory_space<vmem>> -> memref<8x128xf32, #tpu.memory_space<vmem>>
      tpu.enqueue_dma source(%dma_start3A_1581 : memref<8x128xf32, #tpu.memory_space<vmem>>) target(%dma_start3A_1577 : memref<8x128xf32, #tpu.memory_space<hbm>>) target_semaphore(%arg12 : memref<!tpu.dma_semaphore, #tpu.memory_space<semaphore_mem>>)
      %mul3A_1582 = arith.constant 4 : i32
      %mul3A_1583 = arith.muli %mul3A_1582, %add3A : i32
      %add3A_1584 = arith.addi %mul3A_1583, %select_n3A_225 : i32
      %dma_start3A_1585 = arith.constant 3 : i32
      %dma_start3A_1586 = arith.constant 3 : i32
      %dma_start3A_1587 = arith.constant 0 : i32
      %dma_start3A_1588 = arith.constant 0 : i32
      %dma_start3A_1589 = tpu.memref_slice %arg8[%dma_start3A_1585, %dma_start3A_1587, %dma_start3A_1588] : memref<4x8x129xf32, #tpu.memory_space<vmem>> -> memref<1x8x128xf32, #tpu.memory_space<vmem>>
      %dma_start3A_1590 = tpu.memref_squeeze %dma_start3A_1589 : memref<1x8x128xf32, #tpu.memory_space<vmem>> -> memref<8x128xf32, #tpu.memory_space<vmem>>
      %dma_start3A_1591 = arith.constant 0 : i32
      %dma_start3A_1592 = arith.constant 0 : i32
      %dma_start3A_1593 = tpu.memref_slice %arg4[%select_n3A, %dma_start3A_1586, %add3A_1584, %dma_start3A_1591, %dma_start3A_1592] : memref<50x4x128x8x128xf32, #tpu.memory_space<hbm>> -> memref<1x1x1x8x128xf32, #tpu.memory_space<hbm>>
      %dma_start3A_1594 = tpu.memref_squeeze %dma_start3A_1593 : memref<1x1x1x8x128xf32, #tpu.memory_space<hbm>> -> memref<8x128xf32, #tpu.memory_space<hbm>>
      %dma_start3A_1595 = arith.constant 0 : i32
      %dma_start3A_1596 = arith.constant 0 : i32
      %dma_start3A_1597 = tpu.memref_slice %arg4[%select_n3A, %dma_start3A_1586, %add3A_1584, %dma_start3A_1595, %dma_start3A_1596] : memref<50x4x128x8x128xf32, #tpu.memory_space<hbm>> -> memref<1x1x1x8x128xf32, #tpu.memory_space<hbm>>
      %dma_start3A_1598 = tpu.memref_squeeze %dma_start3A_1597 : memref<1x1x1x8x128xf32, #tpu.memory_space<hbm>> -> memref<8x128xf32, #tpu.memory_space<hbm>>
      %dma_start3A_1599 = arith.constant 0 : i32
      %dma_start3A_1600 = arith.constant 0 : i32
      %dma_start3A_1601 = tpu.memref_slice %arg8[%dma_start3A_1585, %dma_start3A_1599, %dma_start3A_1600] : memref<4x8x129xf32, #tpu.memory_space<vmem>> -> memref<1x8x128xf32, #tpu.memory_space<vmem>>
      %dma_start3A_1602 = tpu.memref_squeeze %dma_start3A_1601 : memref<1x8x128xf32, #tpu.memory_space<vmem>> -> memref<8x128xf32, #tpu.memory_space<vmem>>
      tpu.enqueue_dma source(%dma_start3A_1602 : memref<8x128xf32, #tpu.memory_space<vmem>>) target(%dma_start3A_1598 : memref<8x128xf32, #tpu.memory_space<hbm>>) target_semaphore(%arg12 : memref<!tpu.dma_semaphore, #tpu.memory_space<semaphore_mem>>)
      %add3A_1603 = arith.constant 1 : i32
      %add3A_1604 = arith.addi %add3A_192, %add3A_1603 : i32
      %jit3A_1605 = arith.constant 4 : i32
      %div3A_1606 = arith.divsi %add3A_1604, %jit3A_1605 : i32
      %sign3A_1607 = arith.constant 0 : i32
      %sign3A_1608 = arith.cmpi sgt, %add3A_1604, %sign3A_1607 : i32
      %sign3A_1609 = arith.extui %sign3A_1608 : i1 to i32
      %sign3A_1610 = arith.constant 0 : i32
      %sign3A_1611 = arith.cmpi slt, %add3A_1604, %sign3A_1610 : i32
      %sign3A_1612 = arith.extui %sign3A_1611 : i1 to i32
      %sign3A_1613 = arith.subi %sign3A_1609, %sign3A_1612 : i32
      %sign3A_1614 = arith.constant 0 : i32
      %sign3A_1615 = arith.cmpi sgt, %jit3A_1605, %sign3A_1614 : i32
      %sign3A_1616 = arith.extui %sign3A_1615 : i1 to i32
      %sign3A_1617 = arith.constant 0 : i32
      %sign3A_1618 = arith.cmpi slt, %jit3A_1605, %sign3A_1617 : i32
      %sign3A_1619 = arith.extui %sign3A_1618 : i1 to i32
      %sign3A_1620 = arith.subi %sign3A_1616, %sign3A_1619 : i32
      %ne3A_1621 = arith.cmpi ne, %sign3A_1613, %sign3A_1620 : i32
      %rem3A_1622 = arith.remsi %add3A_1604, %jit3A_1605 : i32
      %ne3A_1623 = arith.constant 0 : i32
      %ne3A_1624 = arith.cmpi ne, %rem3A_1622, %ne3A_1623 : i32
      %and3A_1625 = arith.andi %ne3A_1621, %ne3A_1624 : i1
      %sub3A_1626 = arith.constant 1 : i32
      %sub3A_1627 = arith.subi %div3A_1606, %sub3A_1626 : i32
      %select_n3A_1628 = arith.select %and3A_1625, %sub3A_1627, %div3A_1606 : i32
      %jit3A_1629 = arith.constant 4 : i32
      %eq3A_1630 = arith.constant 0 : i32
      %eq3A_1631 = arith.cmpi eq, %jit3A_1629, %eq3A_1630 : i32
      %jit3A_1632 = arith.constant 1 : i32
      %select_n3A_1633 = arith.select %eq3A_1631, %jit3A_1632, %jit3A_1629 : i32
      %rem3A_1634 = arith.remsi %add3A_1604, %select_n3A_1633 : i32
      %ne3A_1635 = arith.constant 0 : i32
      %ne3A_1636 = arith.cmpi ne, %rem3A_1634, %ne3A_1635 : i32
      %lt3A_1637 = arith.constant 0 : i32
      %lt3A_1638 = arith.cmpi slt, %rem3A_1634, %lt3A_1637 : i32
      %lt3A_1639 = arith.constant 0 : i32
      %lt3A_1640 = arith.cmpi slt, %select_n3A_1633, %lt3A_1639 : i32
      %ne3A_1641 = arith.xori %lt3A_1638, %lt3A_1640 : i1
      %and3A_1642 = arith.andi %ne3A_1641, %ne3A_1636 : i1
      %add3A_1643 = arith.addi %rem3A_1634, %select_n3A_1633 : i32
      %select_n3A_1644 = arith.select %and3A_1642, %add3A_1643, %rem3A_1634 : i32
      %dma_wait3A_1645 = arith.constant 0 : i32
      %dma_wait3A_1646 = arith.constant 0 : i32
      %dma_wait3A_1647 = tpu.memref_slice %arg2[%dma_wait3A_1645, %dma_wait3A_1646] : memref<1000000x32xf32, #tpu.memory_space<hbm>> -> memref<128x32xf32, #tpu.memory_space<hbm>>
      %dma_wait3A_1648 = arith.constant 0 : i32
      %dma_wait3A_1649 = arith.constant 0 : i32
      %dma_wait3A_1650 = tpu.memref_slice %arg2[%dma_wait3A_1648, %dma_wait3A_1649] : memref<1000000x32xf32, #tpu.memory_space<hbm>> -> memref<128x32xf32, #tpu.memory_space<hbm>>
      tpu.wait_dma2 semaphore(%arg11 : memref<!tpu.dma_semaphore, #tpu.memory_space<semaphore_mem>>) src(%dma_wait3A_1650 : memref<128x32xf32, #tpu.memory_space<hbm>>) dst(%arg7 : memref<128x32xf32, #tpu.memory_space<vmem>>)
      %add3A_1651 = arith.constant 1 : i32
      %add3A_1652 = arith.addi %add3A_1604, %add3A_1651 : i32
      %lt3A_1653 = arith.constant 200 : i32
      %lt3A_1654 = arith.cmpi slt, %add3A_1652, %lt3A_1653 : i32
      %convert_element_type3A_1655 = arith.extui %lt3A_1654 : i1 to i32
      %cond3A_1656 = arith.constant 0 : i32
      %cond3A_1657 = arith.cmpi ne, %convert_element_type3A_1655, %cond3A_1656 : i32
      scf.if %cond3A_1657 {
        %add3A_3027 = arith.constant 1 : i32
        %add3A_3028 = arith.addi %add3A_1604, %add3A_3027 : i32
        %jit3A_3029 = arith.constant 4 : i32
        %div3A_3030 = arith.divsi %add3A_3028, %jit3A_3029 : i32
        %sign3A_3031 = arith.constant 0 : i32
        %sign3A_3032 = arith.cmpi sgt, %add3A_3028, %sign3A_3031 : i32
        %sign3A_3033 = arith.extui %sign3A_3032 : i1 to i32
        %sign3A_3034 = arith.constant 0 : i32
        %sign3A_3035 = arith.cmpi slt, %add3A_3028, %sign3A_3034 : i32
        %sign3A_3036 = arith.extui %sign3A_3035 : i1 to i32
        %sign3A_3037 = arith.subi %sign3A_3033, %sign3A_3036 : i32
        %sign3A_3038 = arith.constant 0 : i32
        %sign3A_3039 = arith.cmpi sgt, %jit3A_3029, %sign3A_3038 : i32
        %sign3A_3040 = arith.extui %sign3A_3039 : i1 to i32
        %sign3A_3041 = arith.constant 0 : i32
        %sign3A_3042 = arith.cmpi slt, %jit3A_3029, %sign3A_3041 : i32
        %sign3A_3043 = arith.extui %sign3A_3042 : i1 to i32
        %sign3A_3044 = arith.subi %sign3A_3040, %sign3A_3043 : i32
        %ne3A_3045 = arith.cmpi ne, %sign3A_3037, %sign3A_3044 : i32
        %rem3A_3046 = arith.remsi %add3A_3028, %jit3A_3029 : i32
        %ne3A_3047 = arith.constant 0 : i32
        %ne3A_3048 = arith.cmpi ne, %rem3A_3046, %ne3A_3047 : i32
        %and3A_3049 = arith.andi %ne3A_3045, %ne3A_3048 : i1
        %sub3A_3050 = arith.constant 1 : i32
        %sub3A_3051 = arith.subi %div3A_3030, %sub3A_3050 : i32
        %select_n3A_3052 = arith.select %and3A_3049, %sub3A_3051, %div3A_3030 : i32
        %jit3A_3053 = arith.constant 4 : i32
        %eq3A_3054 = arith.constant 0 : i32
        %eq3A_3055 = arith.cmpi eq, %jit3A_3053, %eq3A_3054 : i32
        %jit3A_3056 = arith.constant 1 : i32
        %select_n3A_3057 = arith.select %eq3A_3055, %jit3A_3056, %jit3A_3053 : i32
        %rem3A_3058 = arith.remsi %add3A_3028, %select_n3A_3057 : i32
        %ne3A_3059 = arith.constant 0 : i32
        %ne3A_3060 = arith.cmpi ne, %rem3A_3058, %ne3A_3059 : i32
        %lt3A_3061 = arith.constant 0 : i32
        %lt3A_3062 = arith.cmpi slt, %rem3A_3058, %lt3A_3061 : i32
        %lt3A_3063 = arith.constant 0 : i32
        %lt3A_3064 = arith.cmpi slt, %select_n3A_3057, %lt3A_3063 : i32
        %ne3A_3065 = arith.xori %lt3A_3062, %lt3A_3064 : i1
        %and3A_3066 = arith.andi %ne3A_3065, %ne3A_3060 : i1
        %add3A_3067 = arith.addi %rem3A_3058, %select_n3A_3057 : i32
        %select_n3A_3068 = arith.select %and3A_3066, %add3A_3067, %rem3A_3058 : i32
        %mul3A_3069 = arith.constant 128 : i32
        %mul3A_3070 = arith.muli %mul3A_3069, %select_n3A_3068 : i32
        %dma_start3A_3071 = tpu.memref_slice %arg5[%select_n3A_3052, %mul3A_3070] : memref<50x512xi32, #tpu.memory_space<vmem>> -> memref<1x128xi32, #tpu.memory_space<vmem>>
        %dma_start3A_3072 = tpu.memref_squeeze %dma_start3A_3071 : memref<1x128xi32, #tpu.memory_space<vmem>> -> memref<128xi32, #tpu.memory_space<vmem>>
        %dma_start3A_3073 = arith.constant 0 : i32
        %dma_start3A_3074 = arith.constant 0 : i32
        %dma_start3A_3075 = tpu.memref_slice %arg2[%dma_start3A_3073, %dma_start3A_3074] : memref<1000000x32xf32, #tpu.memory_space<hbm>> -> memref<1000000x32xf32, #tpu.memory_space<hbm>>
        tpu.enqueue_indirect_dma source(%dma_start3A_3075 : memref<1000000x32xf32, #tpu.memory_space<hbm>>) target(%arg6 : memref<128x32xf32, #tpu.memory_space<vmem>>) offsets(%dma_start3A_3072 : memref<128xi32, #tpu.memory_space<vmem>>) semaphore(%arg10 : memref<!tpu.dma_semaphore, #tpu.memory_space<semaphore_mem>>)
      } else {
      }
      %ge3A_1658 = arith.constant 2 : i32
      %ge3A_1659 = arith.cmpi sge, %add3A_1604, %ge3A_1658 : i32
      %convert_element_type3A_1660 = arith.extui %ge3A_1659 : i1 to i32
      %cond3A_1661 = arith.constant 0 : i32
      %cond3A_1662 = arith.cmpi ne, %convert_element_type3A_1660, %cond3A_1661 : i32
      scf.if %cond3A_1662 {
        %dma_wait3A_3027 = arith.constant 0 : i32
        %dma_wait3A_3028 = arith.constant 0 : i32
        %dma_wait3A_3029 = arith.constant 0 : i32
        %dma_wait3A_3030 = arith.constant 0 : i32
        %dma_wait3A_3031 = arith.constant 0 : i32
        %dma_wait3A_3032 = arith.constant 0 : i32
        %dma_wait3A_3033 = tpu.memref_slice %arg9[%dma_wait3A_3030, %dma_wait3A_3031, %dma_wait3A_3032] : memref<4x8x129xf32, #tpu.memory_space<vmem>> -> memref<1x8x128xf32, #tpu.memory_space<vmem>>
        %dma_wait3A_3034 = tpu.memref_squeeze %dma_wait3A_3033 : memref<1x8x128xf32, #tpu.memory_space<vmem>> -> memref<8x128xf32, #tpu.memory_space<vmem>>
        %dma_wait3A_3035 = arith.constant 0 : i32
        %dma_wait3A_3036 = arith.constant 0 : i32
        %dma_wait3A_3037 = tpu.memref_slice %arg4[%dma_wait3A_3027, %dma_wait3A_3028, %dma_wait3A_3029, %dma_wait3A_3035, %dma_wait3A_3036] : memref<50x4x128x8x128xf32, #tpu.memory_space<hbm>> -> memref<1x1x1x8x128xf32, #tpu.memory_space<hbm>>
        %dma_wait3A_3038 = tpu.memref_squeeze %dma_wait3A_3037 : memref<1x1x1x8x128xf32, #tpu.memory_space<hbm>> -> memref<8x128xf32, #tpu.memory_space<hbm>>
        %dma_wait3A_3039 = arith.constant 0 : i32
        %dma_wait3A_3040 = arith.constant 0 : i32
        %dma_wait3A_3041 = tpu.memref_slice %arg9[%dma_wait3A_3030, %dma_wait3A_3039, %dma_wait3A_3040] : memref<4x8x129xf32, #tpu.memory_space<vmem>> -> memref<1x8x128xf32, #tpu.memory_space<vmem>>
        %dma_wait3A_3042 = tpu.memref_squeeze %dma_wait3A_3041 : memref<1x8x128xf32, #tpu.memory_space<vmem>> -> memref<8x128xf32, #tpu.memory_space<vmem>>
        %dma_wait3A_3043 = arith.constant 0 : i32
        %dma_wait3A_3044 = arith.constant 0 : i32
        %dma_wait3A_3045 = tpu.memref_slice %arg4[%dma_wait3A_3027, %dma_wait3A_3028, %dma_wait3A_3029, %dma_wait3A_3043, %dma_wait3A_3044] : memref<50x4x128x8x128xf32, #tpu.memory_space<hbm>> -> memref<1x1x1x8x128xf32, #tpu.memory_space<hbm>>
        %dma_wait3A_3046 = tpu.memref_squeeze %dma_wait3A_3045 : memref<1x1x1x8x128xf32, #tpu.memory_space<hbm>> -> memref<8x128xf32, #tpu.memory_space<hbm>>
        tpu.wait_dma2 semaphore(%arg13 : memref<!tpu.dma_semaphore, #tpu.memory_space<semaphore_mem>>) src(%dma_wait3A_3046 : memref<8x128xf32, #tpu.memory_space<hbm>>) dst(%dma_wait3A_3042 : memref<8x128xf32, #tpu.memory_space<vmem>>)
        %dma_wait3A_3047 = arith.constant 0 : i32
        %dma_wait3A_3048 = arith.constant 0 : i32
        %dma_wait3A_3049 = arith.constant 0 : i32
        %dma_wait3A_3050 = arith.constant 1 : i32
        %dma_wait3A_3051 = arith.constant 0 : i32
        %dma_wait3A_3052 = arith.constant 0 : i32
        %dma_wait3A_3053 = tpu.memref_slice %arg9[%dma_wait3A_3050, %dma_wait3A_3051, %dma_wait3A_3052] : memref<4x8x129xf32, #tpu.memory_space<vmem>> -> memref<1x8x128xf32, #tpu.memory_space<vmem>>
        %dma_wait3A_3054 = tpu.memref_squeeze %dma_wait3A_3053 : memref<1x8x128xf32, #tpu.memory_space<vmem>> -> memref<8x128xf32, #tpu.memory_space<vmem>>
        %dma_wait3A_3055 = arith.constant 0 : i32
        %dma_wait3A_3056 = arith.constant 0 : i32
        %dma_wait3A_3057 = tpu.memref_slice %arg4[%dma_wait3A_3047, %dma_wait3A_3048, %dma_wait3A_3049, %dma_wait3A_3055, %dma_wait3A_3056] : memref<50x4x128x8x128xf32, #tpu.memory_space<hbm>> -> memref<1x1x1x8x128xf32, #tpu.memory_space<hbm>>
        %dma_wait3A_3058 = tpu.memref_squeeze %dma_wait3A_3057 : memref<1x1x1x8x128xf32, #tpu.memory_space<hbm>> -> memref<8x128xf32, #tpu.memory_space<hbm>>
        %dma_wait3A_3059 = arith.constant 0 : i32
        %dma_wait3A_3060 = arith.constant 0 : i32
        %dma_wait3A_3061 = tpu.memref_slice %arg9[%dma_wait3A_3050, %dma_wait3A_3059, %dma_wait3A_3060] : memref<4x8x129xf32, #tpu.memory_space<vmem>> -> memref<1x8x128xf32, #tpu.memory_space<vmem>>
        %dma_wait3A_3062 = tpu.memref_squeeze %dma_wait3A_3061 : memref<1x8x128xf32, #tpu.memory_space<vmem>> -> memref<8x128xf32, #tpu.memory_space<vmem>>
        %dma_wait3A_3063 = arith.constant 0 : i32
        %dma_wait3A_3064 = arith.constant 0 : i32
        %dma_wait3A_3065 = tpu.memref_slice %arg4[%dma_wait3A_3047, %dma_wait3A_3048, %dma_wait3A_3049, %dma_wait3A_3063, %dma_wait3A_3064] : memref<50x4x128x8x128xf32, #tpu.memory_space<hbm>> -> memref<1x1x1x8x128xf32, #tpu.memory_space<hbm>>
        %dma_wait3A_3066 = tpu.memref_squeeze %dma_wait3A_3065 : memref<1x1x1x8x128xf32, #tpu.memory_space<hbm>> -> memref<8x128xf32, #tpu.memory_space<hbm>>
        tpu.wait_dma2 semaphore(%arg13 : memref<!tpu.dma_semaphore, #tpu.memory_space<semaphore_mem>>) src(%dma_wait3A_3066 : memref<8x128xf32, #tpu.memory_space<hbm>>) dst(%dma_wait3A_3062 : memref<8x128xf32, #tpu.memory_space<vmem>>)
        %dma_wait3A_3067 = arith.constant 0 : i32
        %dma_wait3A_3068 = arith.constant 0 : i32
        %dma_wait3A_3069 = arith.constant 0 : i32
        %dma_wait3A_3070 = arith.constant 2 : i32
        %dma_wait3A_3071 = arith.constant 0 : i32
        %dma_wait3A_3072 = arith.constant 0 : i32
        %dma_wait3A_3073 = tpu.memref_slice %arg9[%dma_wait3A_3070, %dma_wait3A_3071, %dma_wait3A_3072] : memref<4x8x129xf32, #tpu.memory_space<vmem>> -> memref<1x8x128xf32, #tpu.memory_space<vmem>>
        %dma_wait3A_3074 = tpu.memref_squeeze %dma_wait3A_3073 : memref<1x8x128xf32, #tpu.memory_space<vmem>> -> memref<8x128xf32, #tpu.memory_space<vmem>>
        %dma_wait3A_3075 = arith.constant 0 : i32
        %dma_wait3A_3076 = arith.constant 0 : i32
        %dma_wait3A_3077 = tpu.memref_slice %arg4[%dma_wait3A_3067, %dma_wait3A_3068, %dma_wait3A_3069, %dma_wait3A_3075, %dma_wait3A_3076] : memref<50x4x128x8x128xf32, #tpu.memory_space<hbm>> -> memref<1x1x1x8x128xf32, #tpu.memory_space<hbm>>
        %dma_wait3A_3078 = tpu.memref_squeeze %dma_wait3A_3077 : memref<1x1x1x8x128xf32, #tpu.memory_space<hbm>> -> memref<8x128xf32, #tpu.memory_space<hbm>>
        %dma_wait3A_3079 = arith.constant 0 : i32
        %dma_wait3A_3080 = arith.constant 0 : i32
        %dma_wait3A_3081 = tpu.memref_slice %arg9[%dma_wait3A_3070, %dma_wait3A_3079, %dma_wait3A_3080] : memref<4x8x129xf32, #tpu.memory_space<vmem>> -> memref<1x8x128xf32, #tpu.memory_space<vmem>>
        %dma_wait3A_3082 = tpu.memref_squeeze %dma_wait3A_3081 : memref<1x8x128xf32, #tpu.memory_space<vmem>> -> memref<8x128xf32, #tpu.memory_space<vmem>>
        %dma_wait3A_3083 = arith.constant 0 : i32
        %dma_wait3A_3084 = arith.constant 0 : i32
        %dma_wait3A_3085 = tpu.memref_slice %arg4[%dma_wait3A_3067, %dma_wait3A_3068, %dma_wait3A_3069, %dma_wait3A_3083, %dma_wait3A_3084] : memref<50x4x128x8x128xf32, #tpu.memory_space<hbm>> -> memref<1x1x1x8x128xf32, #tpu.memory_space<hbm>>
        %dma_wait3A_3086 = tpu.memref_squeeze %dma_wait3A_3085 : memref<1x1x1x8x128xf32, #tpu.memory_space<hbm>> -> memref<8x128xf32, #tpu.memory_space<hbm>>
        tpu.wait_dma2 semaphore(%arg13 : memref<!tpu.dma_semaphore, #tpu.memory_space<semaphore_mem>>) src(%dma_wait3A_3086 : memref<8x128xf32, #tpu.memory_space<hbm>>) dst(%dma_wait3A_3082 : memref<8x128xf32, #tpu.memory_space<vmem>>)
        %dma_wait3A_3087 = arith.constant 0 : i32
        %dma_wait3A_3088 = arith.constant 0 : i32
        %dma_wait3A_3089 = arith.constant 0 : i32
        %dma_wait3A_3090 = arith.constant 3 : i32
        %dma_wait3A_3091 = arith.constant 0 : i32
        %dma_wait3A_3092 = arith.constant 0 : i32
        %dma_wait3A_3093 = tpu.memref_slice %arg9[%dma_wait3A_3090, %dma_wait3A_3091, %dma_wait3A_3092] : memref<4x8x129xf32, #tpu.memory_space<vmem>> -> memref<1x8x128xf32, #tpu.memory_space<vmem>>
        %dma_wait3A_3094 = tpu.memref_squeeze %dma_wait3A_3093 : memref<1x8x128xf32, #tpu.memory_space<vmem>> -> memref<8x128xf32, #tpu.memory_space<vmem>>
        %dma_wait3A_3095 = arith.constant 0 : i32
        %dma_wait3A_3096 = arith.constant 0 : i32
        %dma_wait3A_3097 = tpu.memref_slice %arg4[%dma_wait3A_3087, %dma_wait3A_3088, %dma_wait3A_3089, %dma_wait3A_3095, %dma_wait3A_3096] : memref<50x4x128x8x128xf32, #tpu.memory_space<hbm>> -> memref<1x1x1x8x128xf32, #tpu.memory_space<hbm>>
        %dma_wait3A_3098 = tpu.memref_squeeze %dma_wait3A_3097 : memref<1x1x1x8x128xf32, #tpu.memory_space<hbm>> -> memref<8x128xf32, #tpu.memory_space<hbm>>
        %dma_wait3A_3099 = arith.constant 0 : i32
        %dma_wait3A_3100 = arith.constant 0 : i32
        %dma_wait3A_3101 = tpu.memref_slice %arg9[%dma_wait3A_3090, %dma_wait3A_3099, %dma_wait3A_3100] : memref<4x8x129xf32, #tpu.memory_space<vmem>> -> memref<1x8x128xf32, #tpu.memory_space<vmem>>
        %dma_wait3A_3102 = tpu.memref_squeeze %dma_wait3A_3101 : memref<1x8x128xf32, #tpu.memory_space<vmem>> -> memref<8x128xf32, #tpu.memory_space<vmem>>
        %dma_wait3A_3103 = arith.constant 0 : i32
        %dma_wait3A_3104 = arith.constant 0 : i32
        %dma_wait3A_3105 = tpu.memref_slice %arg4[%dma_wait3A_3087, %dma_wait3A_3088, %dma_wait3A_3089, %dma_wait3A_3103, %dma_wait3A_3104] : memref<50x4x128x8x128xf32, #tpu.memory_space<hbm>> -> memref<1x1x1x8x128xf32, #tpu.memory_space<hbm>>
        %dma_wait3A_3106 = tpu.memref_squeeze %dma_wait3A_3105 : memref<1x1x1x8x128xf32, #tpu.memory_space<hbm>> -> memref<8x128xf32, #tpu.memory_space<hbm>>
        tpu.wait_dma2 semaphore(%arg13 : memref<!tpu.dma_semaphore, #tpu.memory_space<semaphore_mem>>) src(%dma_wait3A_3106 : memref<8x128xf32, #tpu.memory_space<hbm>>) dst(%dma_wait3A_3102 : memref<8x128xf32, #tpu.memory_space<vmem>>)
      } else {
      }
      %broadcast_in_dim3A_1663 = arith.constant 0 : i32
      %broadcast_in_dim3A_1664 = vector.broadcast %broadcast_in_dim3A_1663 : i32 to vector<16xi32>
      %get3A_1665 = arith.constant 0 : i32
      %get3A_1666 = arith.index_cast %get3A_1665 : i32 to index
      %get3A_1667 = arith.constant 0 : index
      %get3A_1668 = tpu.vector_load %arg7[%get3A_1666, %get3A_1667] {strides = array<i32>} : memref<128x32xf32, #tpu.memory_space<vmem>>, vector<16xf32>,
      %get3A_1669 = arith.constant 0 : i32
      %get3A_1670 = arith.index_cast %get3A_1669 : i32 to index
      %get3A_1671 = arith.constant 16 : index
      %get3A_1672 = tpu.vector_load %arg7[%get3A_1670, %get3A_1671] {strides = array<i32>} : memref<128x32xf32, #tpu.memory_space<vmem>>, vector<16xf32>,
      tpu.vector_store_idx %arg9[%shift_right_arithmetic3A_4, %and3A_6, %broadcast_in_dim3A_1664], %get3A_1668 : memref<4x8x129xf32, #tpu.memory_space<vmem>>[vector<16xi32>, vector<16xi32>, vector<16xi32>], vector<16xf32>,
      tpu.vector_store_idx %arg9[%shift_right_arithmetic3A_12, %and3A_18, %broadcast_in_dim3A_1664], %get3A_1672 : memref<4x8x129xf32, #tpu.memory_space<vmem>>[vector<16xi32>, vector<16xi32>, vector<16xi32>], vector<16xf32>,
      %broadcast_in_dim3A_1673 = arith.constant 1 : i32
      %broadcast_in_dim3A_1674 = vector.broadcast %broadcast_in_dim3A_1673 : i32 to vector<16xi32>
      %get3A_1675 = arith.constant 1 : i32
      %get3A_1676 = arith.index_cast %get3A_1675 : i32 to index
      %get3A_1677 = arith.constant 0 : index
      %get3A_1678 = tpu.vector_load %arg7[%get3A_1676, %get3A_1677] {strides = array<i32>} : memref<128x32xf32, #tpu.memory_space<vmem>>, vector<16xf32>,
      %get3A_1679 = arith.constant 1 : i32
      %get3A_1680 = arith.index_cast %get3A_1679 : i32 to index
      %get3A_1681 = arith.constant 16 : index
      %get3A_1682 = tpu.vector_load %arg7[%get3A_1680, %get3A_1681] {strides = array<i32>} : memref<128x32xf32, #tpu.memory_space<vmem>>, vector<16xf32>,
      tpu.vector_store_idx %arg9[%shift_right_arithmetic3A_4, %and3A_6, %broadcast_in_dim3A_1674], %get3A_1678 : memref<4x8x129xf32, #tpu.memory_space<vmem>>[vector<16xi32>, vector<16xi32>, vector<16xi32>], vector<16xf32>,
      tpu.vector_store_idx %arg9[%shift_right_arithmetic3A_12, %and3A_18, %broadcast_in_dim3A_1674], %get3A_1682 : memref<4x8x129xf32, #tpu.memory_space<vmem>>[vector<16xi32>, vector<16xi32>, vector<16xi32>], vector<16xf32>,
      %broadcast_in_dim3A_1683 = arith.constant 2 : i32
      %broadcast_in_dim3A_1684 = vector.broadcast %broadcast_in_dim3A_1683 : i32 to vector<16xi32>
      %get3A_1685 = arith.constant 2 : i32
      %get3A_1686 = arith.index_cast %get3A_1685 : i32 to index
      %get3A_1687 = arith.constant 0 : index
      %get3A_1688 = tpu.vector_load %arg7[%get3A_1686, %get3A_1687] {strides = array<i32>} : memref<128x32xf32, #tpu.memory_space<vmem>>, vector<16xf32>,
      %get3A_1689 = arith.constant 2 : i32
      %get3A_1690 = arith.index_cast %get3A_1689 : i32 to index
      %get3A_1691 = arith.constant 16 : index
      %get3A_1692 = tpu.vector_load %arg7[%get3A_1690, %get3A_1691] {strides = array<i32>} : memref<128x32xf32, #tpu.memory_space<vmem>>, vector<16xf32>,
      tpu.vector_store_idx %arg9[%shift_right_arithmetic3A_4, %and3A_6, %broadcast_in_dim3A_1684], %get3A_1688 : memref<4x8x129xf32, #tpu.memory_space<vmem>>[vector<16xi32>, vector<16xi32>, vector<16xi32>], vector<16xf32>,
      tpu.vector_store_idx %arg9[%shift_right_arithmetic3A_12, %and3A_18, %broadcast_in_dim3A_1684], %get3A_1692 : memref<4x8x129xf32, #tpu.memory_space<vmem>>[vector<16xi32>, vector<16xi32>, vector<16xi32>], vector<16xf32>,
      %broadcast_in_dim3A_1693 = arith.constant 3 : i32
      %broadcast_in_dim3A_1694 = vector.broadcast %broadcast_in_dim3A_1693 : i32 to vector<16xi32>
      %get3A_1695 = arith.constant 3 : i32
      %get3A_1696 = arith.index_cast %get3A_1695 : i32 to index
      %get3A_1697 = arith.constant 0 : index
      %get3A_1698 = tpu.vector_load %arg7[%get3A_1696, %get3A_1697] {strides = array<i32>} : memref<128x32xf32, #tpu.memory_space<vmem>>, vector<16xf32>,
      %get3A_1699 = arith.constant 3 : i32
      %get3A_1700 = arith.index_cast %get3A_1699 : i32 to index
      %get3A_1701 = arith.constant 16 : index
      %get3A_1702 = tpu.vector_load %arg7[%get3A_1700, %get3A_1701] {strides = array<i32>} : memref<128x32xf32, #tpu.memory_space<vmem>>, vector<16xf32>,
      tpu.vector_store_idx %arg9[%shift_right_arithmetic3A_4, %and3A_6, %broadcast_in_dim3A_1694], %get3A_1698 : memref<4x8x129xf32, #tpu.memory_space<vmem>>[vector<16xi32>, vector<16xi32>, vector<16xi32>], vector<16xf32>,
      tpu.vector_store_idx %arg9[%shift_right_arithmetic3A_12, %and3A_18, %broadcast_in_dim3A_1694], %get3A_1702 : memref<4x8x129xf32, #tpu.memory_space<vmem>>[vector<16xi32>, vector<16xi32>, vector<16xi32>], vector<16xf32>,
      %broadcast_in_dim3A_1703 = arith.constant 4 : i32
      %broadcast_in_dim3A_1704 = vector.broadcast %broadcast_in_dim3A_1703 : i32 to vector<16xi32>
      %get3A_1705 = arith.constant 4 : i32
      %get3A_1706 = arith.index_cast %get3A_1705 : i32 to index
      %get3A_1707 = arith.constant 0 : index
      %get3A_1708 = tpu.vector_load %arg7[%get3A_1706, %get3A_1707] {strides = array<i32>} : memref<128x32xf32, #tpu.memory_space<vmem>>, vector<16xf32>,
      %get3A_1709 = arith.constant 4 : i32
      %get3A_1710 = arith.index_cast %get3A_1709 : i32 to index
      %get3A_1711 = arith.constant 16 : index
      %get3A_1712 = tpu.vector_load %arg7[%get3A_1710, %get3A_1711] {strides = array<i32>} : memref<128x32xf32, #tpu.memory_space<vmem>>, vector<16xf32>,
      tpu.vector_store_idx %arg9[%shift_right_arithmetic3A_4, %and3A_6, %broadcast_in_dim3A_1704], %get3A_1708 : memref<4x8x129xf32, #tpu.memory_space<vmem>>[vector<16xi32>, vector<16xi32>, vector<16xi32>], vector<16xf32>,
      tpu.vector_store_idx %arg9[%shift_right_arithmetic3A_12, %and3A_18, %broadcast_in_dim3A_1704], %get3A_1712 : memref<4x8x129xf32, #tpu.memory_space<vmem>>[vector<16xi32>, vector<16xi32>, vector<16xi32>], vector<16xf32>,
      %broadcast_in_dim3A_1713 = arith.constant 5 : i32
      %broadcast_in_dim3A_1714 = vector.broadcast %broadcast_in_dim3A_1713 : i32 to vector<16xi32>
      %get3A_1715 = arith.constant 5 : i32
      %get3A_1716 = arith.index_cast %get3A_1715 : i32 to index
      %get3A_1717 = arith.constant 0 : index
      %get3A_1718 = tpu.vector_load %arg7[%get3A_1716, %get3A_1717] {strides = array<i32>} : memref<128x32xf32, #tpu.memory_space<vmem>>, vector<16xf32>,
      %get3A_1719 = arith.constant 5 : i32
      %get3A_1720 = arith.index_cast %get3A_1719 : i32 to index
      %get3A_1721 = arith.constant 16 : index
      %get3A_1722 = tpu.vector_load %arg7[%get3A_1720, %get3A_1721] {strides = array<i32>} : memref<128x32xf32, #tpu.memory_space<vmem>>, vector<16xf32>,
      tpu.vector_store_idx %arg9[%shift_right_arithmetic3A_4, %and3A_6, %broadcast_in_dim3A_1714], %get3A_1718 : memref<4x8x129xf32, #tpu.memory_space<vmem>>[vector<16xi32>, vector<16xi32>, vector<16xi32>], vector<16xf32>,
      tpu.vector_store_idx %arg9[%shift_right_arithmetic3A_12, %and3A_18, %broadcast_in_dim3A_1714], %get3A_1722 : memref<4x8x129xf32, #tpu.memory_space<vmem>>[vector<16xi32>, vector<16xi32>, vector<16xi32>], vector<16xf32>,
      %broadcast_in_dim3A_1723 = arith.constant 6 : i32
      %broadcast_in_dim3A_1724 = vector.broadcast %broadcast_in_dim3A_1723 : i32 to vector<16xi32>
      %get3A_1725 = arith.constant 6 : i32
      %get3A_1726 = arith.index_cast %get3A_1725 : i32 to index
      %get3A_1727 = arith.constant 0 : index
      %get3A_1728 = tpu.vector_load %arg7[%get3A_1726, %get3A_1727] {strides = array<i32>} : memref<128x32xf32, #tpu.memory_space<vmem>>, vector<16xf32>,
      %get3A_1729 = arith.constant 6 : i32
      %get3A_1730 = arith.index_cast %get3A_1729 : i32 to index
      %get3A_1731 = arith.constant 16 : index
      %get3A_1732 = tpu.vector_load %arg7[%get3A_1730, %get3A_1731] {strides = array<i32>} : memref<128x32xf32, #tpu.memory_space<vmem>>, vector<16xf32>,
      tpu.vector_store_idx %arg9[%shift_right_arithmetic3A_4, %and3A_6, %broadcast_in_dim3A_1724], %get3A_1728 : memref<4x8x129xf32, #tpu.memory_space<vmem>>[vector<16xi32>, vector<16xi32>, vector<16xi32>], vector<16xf32>,
      tpu.vector_store_idx %arg9[%shift_right_arithmetic3A_12, %and3A_18, %broadcast_in_dim3A_1724], %get3A_1732 : memref<4x8x129xf32, #tpu.memory_space<vmem>>[vector<16xi32>, vector<16xi32>, vector<16xi32>], vector<16xf32>,
      %broadcast_in_dim3A_1733 = arith.constant 7 : i32
      %broadcast_in_dim3A_1734 = vector.broadcast %broadcast_in_dim3A_1733 : i32 to vector<16xi32>
      %get3A_1735 = arith.constant 7 : i32
      %get3A_1736 = arith.index_cast %get3A_1735 : i32 to index
      %get3A_1737 = arith.constant 0 : index
      %get3A_1738 = tpu.vector_load %arg7[%get3A_1736, %get3A_1737] {strides = array<i32>} : memref<128x32xf32, #tpu.memory_space<vmem>>, vector<16xf32>,
      %get3A_1739 = arith.constant 7 : i32
      %get3A_1740 = arith.index_cast %get3A_1739 : i32 to index
      %get3A_1741 = arith.constant 16 : index
      %get3A_1742 = tpu.vector_load %arg7[%get3A_1740, %get3A_1741] {strides = array<i32>} : memref<128x32xf32, #tpu.memory_space<vmem>>, vector<16xf32>,
      tpu.vector_store_idx %arg9[%shift_right_arithmetic3A_4, %and3A_6, %broadcast_in_dim3A_1734], %get3A_1738 : memref<4x8x129xf32, #tpu.memory_space<vmem>>[vector<16xi32>, vector<16xi32>, vector<16xi32>], vector<16xf32>,
      tpu.vector_store_idx %arg9[%shift_right_arithmetic3A_12, %and3A_18, %broadcast_in_dim3A_1734], %get3A_1742 : memref<4x8x129xf32, #tpu.memory_space<vmem>>[vector<16xi32>, vector<16xi32>, vector<16xi32>], vector<16xf32>,
      %broadcast_in_dim3A_1743 = arith.constant 8 : i32
      %broadcast_in_dim3A_1744 = vector.broadcast %broadcast_in_dim3A_1743 : i32 to vector<16xi32>
      %get3A_1745 = arith.constant 8 : i32
      %get3A_1746 = arith.index_cast %get3A_1745 : i32 to index
      %get3A_1747 = arith.constant 0 : index
      %get3A_1748 = tpu.vector_load %arg7[%get3A_1746, %get3A_1747] {strides = array<i32>} : memref<128x32xf32, #tpu.memory_space<vmem>>, vector<16xf32>,
      %get3A_1749 = arith.constant 8 : i32
      %get3A_1750 = arith.index_cast %get3A_1749 : i32 to index
      %get3A_1751 = arith.constant 16 : index
      %get3A_1752 = tpu.vector_load %arg7[%get3A_1750, %get3A_1751] {strides = array<i32>} : memref<128x32xf32, #tpu.memory_space<vmem>>, vector<16xf32>,
      tpu.vector_store_idx %arg9[%shift_right_arithmetic3A_4, %and3A_6, %broadcast_in_dim3A_1744], %get3A_1748 : memref<4x8x129xf32, #tpu.memory_space<vmem>>[vector<16xi32>, vector<16xi32>, vector<16xi32>], vector<16xf32>,
      tpu.vector_store_idx %arg9[%shift_right_arithmetic3A_12, %and3A_18, %broadcast_in_dim3A_1744], %get3A_1752 : memref<4x8x129xf32, #tpu.memory_space<vmem>>[vector<16xi32>, vector<16xi32>, vector<16xi32>], vector<16xf32>,
      %broadcast_in_dim3A_1753 = arith.constant 9 : i32
      %broadcast_in_dim3A_1754 = vector.broadcast %broadcast_in_dim3A_1753 : i32 to vector<16xi32>
      %get3A_1755 = arith.constant 9 : i32
      %get3A_1756 = arith.index_cast %get3A_1755 : i32 to index
      %get3A_1757 = arith.constant 0 : index
      %get3A_1758 = tpu.vector_load %arg7[%get3A_1756, %get3A_1757] {strides = array<i32>} : memref<128x32xf32, #tpu.memory_space<vmem>>, vector<16xf32>,
      %get3A_1759 = arith.constant 9 : i32
      %get3A_1760 = arith.index_cast %get3A_1759 : i32 to index
      %get3A_1761 = arith.constant 16 : index
      %get3A_1762 = tpu.vector_load %arg7[%get3A_1760, %get3A_1761] {strides = array<i32>} : memref<128x32xf32, #tpu.memory_space<vmem>>, vector<16xf32>,
      tpu.vector_store_idx %arg9[%shift_right_arithmetic3A_4, %and3A_6, %broadcast_in_dim3A_1754], %get3A_1758 : memref<4x8x129xf32, #tpu.memory_space<vmem>>[vector<16xi32>, vector<16xi32>, vector<16xi32>], vector<16xf32>,
      tpu.vector_store_idx %arg9[%shift_right_arithmetic3A_12, %and3A_18, %broadcast_in_dim3A_1754], %get3A_1762 : memref<4x8x129xf32, #tpu.memory_space<vmem>>[vector<16xi32>, vector<16xi32>, vector<16xi32>], vector<16xf32>,
      %broadcast_in_dim3A_1763 = arith.constant 10 : i32
      %broadcast_in_dim3A_1764 = vector.broadcast %broadcast_in_dim3A_1763 : i32 to vector<16xi32>
      %get3A_1765 = arith.constant 10 : i32
      %get3A_1766 = arith.index_cast %get3A_1765 : i32 to index
      %get3A_1767 = arith.constant 0 : index
      %get3A_1768 = tpu.vector_load %arg7[%get3A_1766, %get3A_1767] {strides = array<i32>} : memref<128x32xf32, #tpu.memory_space<vmem>>, vector<16xf32>,
      %get3A_1769 = arith.constant 10 : i32
      %get3A_1770 = arith.index_cast %get3A_1769 : i32 to index
      %get3A_1771 = arith.constant 16 : index
      %get3A_1772 = tpu.vector_load %arg7[%get3A_1770, %get3A_1771] {strides = array<i32>} : memref<128x32xf32, #tpu.memory_space<vmem>>, vector<16xf32>,
      tpu.vector_store_idx %arg9[%shift_right_arithmetic3A_4, %and3A_6, %broadcast_in_dim3A_1764], %get3A_1768 : memref<4x8x129xf32, #tpu.memory_space<vmem>>[vector<16xi32>, vector<16xi32>, vector<16xi32>], vector<16xf32>,
      tpu.vector_store_idx %arg9[%shift_right_arithmetic3A_12, %and3A_18, %broadcast_in_dim3A_1764], %get3A_1772 : memref<4x8x129xf32, #tpu.memory_space<vmem>>[vector<16xi32>, vector<16xi32>, vector<16xi32>], vector<16xf32>,
      %broadcast_in_dim3A_1773 = arith.constant 11 : i32
      %broadcast_in_dim3A_1774 = vector.broadcast %broadcast_in_dim3A_1773 : i32 to vector<16xi32>
      %get3A_1775 = arith.constant 11 : i32
      %get3A_1776 = arith.index_cast %get3A_1775 : i32 to index
      %get3A_1777 = arith.constant 0 : index
      %get3A_1778 = tpu.vector_load %arg7[%get3A_1776, %get3A_1777] {strides = array<i32>} : memref<128x32xf32, #tpu.memory_space<vmem>>, vector<16xf32>,
      %get3A_1779 = arith.constant 11 : i32
      %get3A_1780 = arith.index_cast %get3A_1779 : i32 to index
      %get3A_1781 = arith.constant 16 : index
      %get3A_1782 = tpu.vector_load %arg7[%get3A_1780, %get3A_1781] {strides = array<i32>} : memref<128x32xf32, #tpu.memory_space<vmem>>, vector<16xf32>,
      tpu.vector_store_idx %arg9[%shift_right_arithmetic3A_4, %and3A_6, %broadcast_in_dim3A_1774], %get3A_1778 : memref<4x8x129xf32, #tpu.memory_space<vmem>>[vector<16xi32>, vector<16xi32>, vector<16xi32>], vector<16xf32>,
      tpu.vector_store_idx %arg9[%shift_right_arithmetic3A_12, %and3A_18, %broadcast_in_dim3A_1774], %get3A_1782 : memref<4x8x129xf32, #tpu.memory_space<vmem>>[vector<16xi32>, vector<16xi32>, vector<16xi32>], vector<16xf32>,
      %broadcast_in_dim3A_1783 = arith.constant 12 : i32
      %broadcast_in_dim3A_1784 = vector.broadcast %broadcast_in_dim3A_1783 : i32 to vector<16xi32>
      %get3A_1785 = arith.constant 12 : i32
      %get3A_1786 = arith.index_cast %get3A_1785 : i32 to index
      %get3A_1787 = arith.constant 0 : index
      %get3A_1788 = tpu.vector_load %arg7[%get3A_1786, %get3A_1787] {strides = array<i32>} : memref<128x32xf32, #tpu.memory_space<vmem>>, vector<16xf32>,
      %get3A_1789 = arith.constant 12 : i32
      %get3A_1790 = arith.index_cast %get3A_1789 : i32 to index
      %get3A_1791 = arith.constant 16 : index
      %get3A_1792 = tpu.vector_load %arg7[%get3A_1790, %get3A_1791] {strides = array<i32>} : memref<128x32xf32, #tpu.memory_space<vmem>>, vector<16xf32>,
      tpu.vector_store_idx %arg9[%shift_right_arithmetic3A_4, %and3A_6, %broadcast_in_dim3A_1784], %get3A_1788 : memref<4x8x129xf32, #tpu.memory_space<vmem>>[vector<16xi32>, vector<16xi32>, vector<16xi32>], vector<16xf32>,
      tpu.vector_store_idx %arg9[%shift_right_arithmetic3A_12, %and3A_18, %broadcast_in_dim3A_1784], %get3A_1792 : memref<4x8x129xf32, #tpu.memory_space<vmem>>[vector<16xi32>, vector<16xi32>, vector<16xi32>], vector<16xf32>,
      %broadcast_in_dim3A_1793 = arith.constant 13 : i32
      %broadcast_in_dim3A_1794 = vector.broadcast %broadcast_in_dim3A_1793 : i32 to vector<16xi32>
      %get3A_1795 = arith.constant 13 : i32
      %get3A_1796 = arith.index_cast %get3A_1795 : i32 to index
      %get3A_1797 = arith.constant 0 : index
      %get3A_1798 = tpu.vector_load %arg7[%get3A_1796, %get3A_1797] {strides = array<i32>} : memref<128x32xf32, #tpu.memory_space<vmem>>, vector<16xf32>,
      %get3A_1799 = arith.constant 13 : i32
      %get3A_1800 = arith.index_cast %get3A_1799 : i32 to index
      %get3A_1801 = arith.constant 16 : index
      %get3A_1802 = tpu.vector_load %arg7[%get3A_1800, %get3A_1801] {strides = array<i32>} : memref<128x32xf32, #tpu.memory_space<vmem>>, vector<16xf32>,
      tpu.vector_store_idx %arg9[%shift_right_arithmetic3A_4, %and3A_6, %broadcast_in_dim3A_1794], %get3A_1798 : memref<4x8x129xf32, #tpu.memory_space<vmem>>[vector<16xi32>, vector<16xi32>, vector<16xi32>], vector<16xf32>,
      tpu.vector_store_idx %arg9[%shift_right_arithmetic3A_12, %and3A_18, %broadcast_in_dim3A_1794], %get3A_1802 : memref<4x8x129xf32, #tpu.memory_space<vmem>>[vector<16xi32>, vector<16xi32>, vector<16xi32>], vector<16xf32>,
      %broadcast_in_dim3A_1803 = arith.constant 14 : i32
      %broadcast_in_dim3A_1804 = vector.broadcast %broadcast_in_dim3A_1803 : i32 to vector<16xi32>
      %get3A_1805 = arith.constant 14 : i32
      %get3A_1806 = arith.index_cast %get3A_1805 : i32 to index
      %get3A_1807 = arith.constant 0 : index
      %get3A_1808 = tpu.vector_load %arg7[%get3A_1806, %get3A_1807] {strides = array<i32>} : memref<128x32xf32, #tpu.memory_space<vmem>>, vector<16xf32>,
      %get3A_1809 = arith.constant 14 : i32
      %get3A_1810 = arith.index_cast %get3A_1809 : i32 to index
      %get3A_1811 = arith.constant 16 : index
      %get3A_1812 = tpu.vector_load %arg7[%get3A_1810, %get3A_1811] {strides = array<i32>} : memref<128x32xf32, #tpu.memory_space<vmem>>, vector<16xf32>,
      tpu.vector_store_idx %arg9[%shift_right_arithmetic3A_4, %and3A_6, %broadcast_in_dim3A_1804], %get3A_1808 : memref<4x8x129xf32, #tpu.memory_space<vmem>>[vector<16xi32>, vector<16xi32>, vector<16xi32>], vector<16xf32>,
      tpu.vector_store_idx %arg9[%shift_right_arithmetic3A_12, %and3A_18, %broadcast_in_dim3A_1804], %get3A_1812 : memref<4x8x129xf32, #tpu.memory_space<vmem>>[vector<16xi32>, vector<16xi32>, vector<16xi32>], vector<16xf32>,
      %broadcast_in_dim3A_1813 = arith.constant 15 : i32
      %broadcast_in_dim3A_1814 = vector.broadcast %broadcast_in_dim3A_1813 : i32 to vector<16xi32>
      %get3A_1815 = arith.constant 15 : i32
      %get3A_1816 = arith.index_cast %get3A_1815 : i32 to index
      %get3A_1817 = arith.constant 0 : index
      %get3A_1818 = tpu.vector_load %arg7[%get3A_1816, %get3A_1817] {strides = array<i32>} : memref<128x32xf32, #tpu.memory_space<vmem>>, vector<16xf32>,
      %get3A_1819 = arith.constant 15 : i32
      %get3A_1820 = arith.index_cast %get3A_1819 : i32 to index
      %get3A_1821 = arith.constant 16 : index
      %get3A_1822 = tpu.vector_load %arg7[%get3A_1820, %get3A_1821] {strides = array<i32>} : memref<128x32xf32, #tpu.memory_space<vmem>>, vector<16xf32>,
      tpu.vector_store_idx %arg9[%shift_right_arithmetic3A_4, %and3A_6, %broadcast_in_dim3A_1814], %get3A_1818 : memref<4x8x129xf32, #tpu.memory_space<vmem>>[vector<16xi32>, vector<16xi32>, vector<16xi32>], vector<16xf32>,
      tpu.vector_store_idx %arg9[%shift_right_arithmetic3A_12, %and3A_18, %broadcast_in_dim3A_1814], %get3A_1822 : memref<4x8x129xf32, #tpu.memory_space<vmem>>[vector<16xi32>, vector<16xi32>, vector<16xi32>], vector<16xf32>,
      %broadcast_in_dim3A_1823 = arith.constant 16 : i32
      %broadcast_in_dim3A_1824 = vector.broadcast %broadcast_in_dim3A_1823 : i32 to vector<16xi32>
      %get3A_1825 = arith.constant 16 : i32
      %get3A_1826 = arith.index_cast %get3A_1825 : i32 to index
      %get3A_1827 = arith.constant 0 : index
      %get3A_1828 = tpu.vector_load %arg7[%get3A_1826, %get3A_1827] {strides = array<i32>} : memref<128x32xf32, #tpu.memory_space<vmem>>, vector<16xf32>,
      %get3A_1829 = arith.constant 16 : i32
      %get3A_1830 = arith.index_cast %get3A_1829 : i32 to index
      %get3A_1831 = arith.constant 16 : index
      %get3A_1832 = tpu.vector_load %arg7[%get3A_1830, %get3A_1831] {strides = array<i32>} : memref<128x32xf32, #tpu.memory_space<vmem>>, vector<16xf32>,
      tpu.vector_store_idx %arg9[%shift_right_arithmetic3A_4, %and3A_6, %broadcast_in_dim3A_1824], %get3A_1828 : memref<4x8x129xf32, #tpu.memory_space<vmem>>[vector<16xi32>, vector<16xi32>, vector<16xi32>], vector<16xf32>,
      tpu.vector_store_idx %arg9[%shift_right_arithmetic3A_12, %and3A_18, %broadcast_in_dim3A_1824], %get3A_1832 : memref<4x8x129xf32, #tpu.memory_space<vmem>>[vector<16xi32>, vector<16xi32>, vector<16xi32>], vector<16xf32>,
      %broadcast_in_dim3A_1833 = arith.constant 17 : i32
      %broadcast_in_dim3A_1834 = vector.broadcast %broadcast_in_dim3A_1833 : i32 to vector<16xi32>
      %get3A_1835 = arith.constant 17 : i32
      %get3A_1836 = arith.index_cast %get3A_1835 : i32 to index
      %get3A_1837 = arith.constant 0 : index
      %get3A_1838 = tpu.vector_load %arg7[%get3A_1836, %get3A_1837] {strides = array<i32>} : memref<128x32xf32, #tpu.memory_space<vmem>>, vector<16xf32>,
      %get3A_1839 = arith.constant 17 : i32
      %get3A_1840 = arith.index_cast %get3A_1839 : i32 to index
      %get3A_1841 = arith.constant 16 : index
      %get3A_1842 = tpu.vector_load %arg7[%get3A_1840, %get3A_1841] {strides = array<i32>} : memref<128x32xf32, #tpu.memory_space<vmem>>, vector<16xf32>,
      tpu.vector_store_idx %arg9[%shift_right_arithmetic3A_4, %and3A_6, %broadcast_in_dim3A_1834], %get3A_1838 : memref<4x8x129xf32, #tpu.memory_space<vmem>>[vector<16xi32>, vector<16xi32>, vector<16xi32>], vector<16xf32>,
      tpu.vector_store_idx %arg9[%shift_right_arithmetic3A_12, %and3A_18, %broadcast_in_dim3A_1834], %get3A_1842 : memref<4x8x129xf32, #tpu.memory_space<vmem>>[vector<16xi32>, vector<16xi32>, vector<16xi32>], vector<16xf32>,
      %broadcast_in_dim3A_1843 = arith.constant 18 : i32
      %broadcast_in_dim3A_1844 = vector.broadcast %broadcast_in_dim3A_1843 : i32 to vector<16xi32>
      %get3A_1845 = arith.constant 18 : i32
      %get3A_1846 = arith.index_cast %get3A_1845 : i32 to index
      %get3A_1847 = arith.constant 0 : index
      %get3A_1848 = tpu.vector_load %arg7[%get3A_1846, %get3A_1847] {strides = array<i32>} : memref<128x32xf32, #tpu.memory_space<vmem>>, vector<16xf32>,
      %get3A_1849 = arith.constant 18 : i32
      %get3A_1850 = arith.index_cast %get3A_1849 : i32 to index
      %get3A_1851 = arith.constant 16 : index
      %get3A_1852 = tpu.vector_load %arg7[%get3A_1850, %get3A_1851] {strides = array<i32>} : memref<128x32xf32, #tpu.memory_space<vmem>>, vector<16xf32>,
      tpu.vector_store_idx %arg9[%shift_right_arithmetic3A_4, %and3A_6, %broadcast_in_dim3A_1844], %get3A_1848 : memref<4x8x129xf32, #tpu.memory_space<vmem>>[vector<16xi32>, vector<16xi32>, vector<16xi32>], vector<16xf32>,
      tpu.vector_store_idx %arg9[%shift_right_arithmetic3A_12, %and3A_18, %broadcast_in_dim3A_1844], %get3A_1852 : memref<4x8x129xf32, #tpu.memory_space<vmem>>[vector<16xi32>, vector<16xi32>, vector<16xi32>], vector<16xf32>,
      %broadcast_in_dim3A_1853 = arith.constant 19 : i32
      %broadcast_in_dim3A_1854 = vector.broadcast %broadcast_in_dim3A_1853 : i32 to vector<16xi32>
      %get3A_1855 = arith.constant 19 : i32
      %get3A_1856 = arith.index_cast %get3A_1855 : i32 to index
      %get3A_1857 = arith.constant 0 : index
      %get3A_1858 = tpu.vector_load %arg7[%get3A_1856, %get3A_1857] {strides = array<i32>} : memref<128x32xf32, #tpu.memory_space<vmem>>, vector<16xf32>,
      %get3A_1859 = arith.constant 19 : i32
      %get3A_1860 = arith.index_cast %get3A_1859 : i32 to index
      %get3A_1861 = arith.constant 16 : index
      %get3A_1862 = tpu.vector_load %arg7[%get3A_1860, %get3A_1861] {strides = array<i32>} : memref<128x32xf32, #tpu.memory_space<vmem>>, vector<16xf32>,
      tpu.vector_store_idx %arg9[%shift_right_arithmetic3A_4, %and3A_6, %broadcast_in_dim3A_1854], %get3A_1858 : memref<4x8x129xf32, #tpu.memory_space<vmem>>[vector<16xi32>, vector<16xi32>, vector<16xi32>], vector<16xf32>,
      tpu.vector_store_idx %arg9[%shift_right_arithmetic3A_12, %and3A_18, %broadcast_in_dim3A_1854], %get3A_1862 : memref<4x8x129xf32, #tpu.memory_space<vmem>>[vector<16xi32>, vector<16xi32>, vector<16xi32>], vector<16xf32>,
      %broadcast_in_dim3A_1863 = arith.constant 20 : i32
      %broadcast_in_dim3A_1864 = vector.broadcast %broadcast_in_dim3A_1863 : i32 to vector<16xi32>
      %get3A_1865 = arith.constant 20 : i32
      %get3A_1866 = arith.index_cast %get3A_1865 : i32 to index
      %get3A_1867 = arith.constant 0 : index
      %get3A_1868 = tpu.vector_load %arg7[%get3A_1866, %get3A_1867] {strides = array<i32>} : memref<128x32xf32, #tpu.memory_space<vmem>>, vector<16xf32>,
      %get3A_1869 = arith.constant 20 : i32
      %get3A_1870 = arith.index_cast %get3A_1869 : i32 to index
      %get3A_1871 = arith.constant 16 : index
      %get3A_1872 = tpu.vector_load %arg7[%get3A_1870, %get3A_1871] {strides = array<i32>} : memref<128x32xf32, #tpu.memory_space<vmem>>, vector<16xf32>,
      tpu.vector_store_idx %arg9[%shift_right_arithmetic3A_4, %and3A_6, %broadcast_in_dim3A_1864], %get3A_1868 : memref<4x8x129xf32, #tpu.memory_space<vmem>>[vector<16xi32>, vector<16xi32>, vector<16xi32>], vector<16xf32>,
      tpu.vector_store_idx %arg9[%shift_right_arithmetic3A_12, %and3A_18, %broadcast_in_dim3A_1864], %get3A_1872 : memref<4x8x129xf32, #tpu.memory_space<vmem>>[vector<16xi32>, vector<16xi32>, vector<16xi32>], vector<16xf32>,
      %broadcast_in_dim3A_1873 = arith.constant 21 : i32
      %broadcast_in_dim3A_1874 = vector.broadcast %broadcast_in_dim3A_1873 : i32 to vector<16xi32>
      %get3A_1875 = arith.constant 21 : i32
      %get3A_1876 = arith.index_cast %get3A_1875 : i32 to index
      %get3A_1877 = arith.constant 0 : index
      %get3A_1878 = tpu.vector_load %arg7[%get3A_1876, %get3A_1877] {strides = array<i32>} : memref<128x32xf32, #tpu.memory_space<vmem>>, vector<16xf32>,
      %get3A_1879 = arith.constant 21 : i32
      %get3A_1880 = arith.index_cast %get3A_1879 : i32 to index
      %get3A_1881 = arith.constant 16 : index
      %get3A_1882 = tpu.vector_load %arg7[%get3A_1880, %get3A_1881] {strides = array<i32>} : memref<128x32xf32, #tpu.memory_space<vmem>>, vector<16xf32>,
      tpu.vector_store_idx %arg9[%shift_right_arithmetic3A_4, %and3A_6, %broadcast_in_dim3A_1874], %get3A_1878 : memref<4x8x129xf32, #tpu.memory_space<vmem>>[vector<16xi32>, vector<16xi32>, vector<16xi32>], vector<16xf32>,
      tpu.vector_store_idx %arg9[%shift_right_arithmetic3A_12, %and3A_18, %broadcast_in_dim3A_1874], %get3A_1882 : memref<4x8x129xf32, #tpu.memory_space<vmem>>[vector<16xi32>, vector<16xi32>, vector<16xi32>], vector<16xf32>,
      %broadcast_in_dim3A_1883 = arith.constant 22 : i32
      %broadcast_in_dim3A_1884 = vector.broadcast %broadcast_in_dim3A_1883 : i32 to vector<16xi32>
      %get3A_1885 = arith.constant 22 : i32
      %get3A_1886 = arith.index_cast %get3A_1885 : i32 to index
      %get3A_1887 = arith.constant 0 : index
      %get3A_1888 = tpu.vector_load %arg7[%get3A_1886, %get3A_1887] {strides = array<i32>} : memref<128x32xf32, #tpu.memory_space<vmem>>, vector<16xf32>,
      %get3A_1889 = arith.constant 22 : i32
      %get3A_1890 = arith.index_cast %get3A_1889 : i32 to index
      %get3A_1891 = arith.constant 16 : index
      %get3A_1892 = tpu.vector_load %arg7[%get3A_1890, %get3A_1891] {strides = array<i32>} : memref<128x32xf32, #tpu.memory_space<vmem>>, vector<16xf32>,
      tpu.vector_store_idx %arg9[%shift_right_arithmetic3A_4, %and3A_6, %broadcast_in_dim3A_1884], %get3A_1888 : memref<4x8x129xf32, #tpu.memory_space<vmem>>[vector<16xi32>, vector<16xi32>, vector<16xi32>], vector<16xf32>,
      tpu.vector_store_idx %arg9[%shift_right_arithmetic3A_12, %and3A_18, %broadcast_in_dim3A_1884], %get3A_1892 : memref<4x8x129xf32, #tpu.memory_space<vmem>>[vector<16xi32>, vector<16xi32>, vector<16xi32>], vector<16xf32>,
      %broadcast_in_dim3A_1893 = arith.constant 23 : i32
      %broadcast_in_dim3A_1894 = vector.broadcast %broadcast_in_dim3A_1893 : i32 to vector<16xi32>
      %get3A_1895 = arith.constant 23 : i32
      %get3A_1896 = arith.index_cast %get3A_1895 : i32 to index
      %get3A_1897 = arith.constant 0 : index
      %get3A_1898 = tpu.vector_load %arg7[%get3A_1896, %get3A_1897] {strides = array<i32>} : memref<128x32xf32, #tpu.memory_space<vmem>>, vector<16xf32>,
      %get3A_1899 = arith.constant 23 : i32
      %get3A_1900 = arith.index_cast %get3A_1899 : i32 to index
      %get3A_1901 = arith.constant 16 : index
      %get3A_1902 = tpu.vector_load %arg7[%get3A_1900, %get3A_1901] {strides = array<i32>} : memref<128x32xf32, #tpu.memory_space<vmem>>, vector<16xf32>,
      tpu.vector_store_idx %arg9[%shift_right_arithmetic3A_4, %and3A_6, %broadcast_in_dim3A_1894], %get3A_1898 : memref<4x8x129xf32, #tpu.memory_space<vmem>>[vector<16xi32>, vector<16xi32>, vector<16xi32>], vector<16xf32>,
      tpu.vector_store_idx %arg9[%shift_right_arithmetic3A_12, %and3A_18, %broadcast_in_dim3A_1894], %get3A_1902 : memref<4x8x129xf32, #tpu.memory_space<vmem>>[vector<16xi32>, vector<16xi32>, vector<16xi32>], vector<16xf32>,
      %broadcast_in_dim3A_1903 = arith.constant 24 : i32
      %broadcast_in_dim3A_1904 = vector.broadcast %broadcast_in_dim3A_1903 : i32 to vector<16xi32>
      %get3A_1905 = arith.constant 24 : i32
      %get3A_1906 = arith.index_cast %get3A_1905 : i32 to index
      %get3A_1907 = arith.constant 0 : index
      %get3A_1908 = tpu.vector_load %arg7[%get3A_1906, %get3A_1907] {strides = array<i32>} : memref<128x32xf32, #tpu.memory_space<vmem>>, vector<16xf32>,
      %get3A_1909 = arith.constant 24 : i32
      %get3A_1910 = arith.index_cast %get3A_1909 : i32 to index
      %get3A_1911 = arith.constant 16 : index
      %get3A_1912 = tpu.vector_load %arg7[%get3A_1910, %get3A_1911] {strides = array<i32>} : memref<128x32xf32, #tpu.memory_space<vmem>>, vector<16xf32>,
      tpu.vector_store_idx %arg9[%shift_right_arithmetic3A_4, %and3A_6, %broadcast_in_dim3A_1904], %get3A_1908 : memref<4x8x129xf32, #tpu.memory_space<vmem>>[vector<16xi32>, vector<16xi32>, vector<16xi32>], vector<16xf32>,
      tpu.vector_store_idx %arg9[%shift_right_arithmetic3A_12, %and3A_18, %broadcast_in_dim3A_1904], %get3A_1912 : memref<4x8x129xf32, #tpu.memory_space<vmem>>[vector<16xi32>, vector<16xi32>, vector<16xi32>], vector<16xf32>,
      %broadcast_in_dim3A_1913 = arith.constant 25 : i32
      %broadcast_in_dim3A_1914 = vector.broadcast %broadcast_in_dim3A_1913 : i32 to vector<16xi32>
      %get3A_1915 = arith.constant 25 : i32
      %get3A_1916 = arith.index_cast %get3A_1915 : i32 to index
      %get3A_1917 = arith.constant 0 : index
      %get3A_1918 = tpu.vector_load %arg7[%get3A_1916, %get3A_1917] {strides = array<i32>} : memref<128x32xf32, #tpu.memory_space<vmem>>, vector<16xf32>,
      %get3A_1919 = arith.constant 25 : i32
      %get3A_1920 = arith.index_cast %get3A_1919 : i32 to index
      %get3A_1921 = arith.constant 16 : index
      %get3A_1922 = tpu.vector_load %arg7[%get3A_1920, %get3A_1921] {strides = array<i32>} : memref<128x32xf32, #tpu.memory_space<vmem>>, vector<16xf32>,
      tpu.vector_store_idx %arg9[%shift_right_arithmetic3A_4, %and3A_6, %broadcast_in_dim3A_1914], %get3A_1918 : memref<4x8x129xf32, #tpu.memory_space<vmem>>[vector<16xi32>, vector<16xi32>, vector<16xi32>], vector<16xf32>,
      tpu.vector_store_idx %arg9[%shift_right_arithmetic3A_12, %and3A_18, %broadcast_in_dim3A_1914], %get3A_1922 : memref<4x8x129xf32, #tpu.memory_space<vmem>>[vector<16xi32>, vector<16xi32>, vector<16xi32>], vector<16xf32>,
      %broadcast_in_dim3A_1923 = arith.constant 26 : i32
      %broadcast_in_dim3A_1924 = vector.broadcast %broadcast_in_dim3A_1923 : i32 to vector<16xi32>
      %get3A_1925 = arith.constant 26 : i32
      %get3A_1926 = arith.index_cast %get3A_1925 : i32 to index
      %get3A_1927 = arith.constant 0 : index
      %get3A_1928 = tpu.vector_load %arg7[%get3A_1926, %get3A_1927] {strides = array<i32>} : memref<128x32xf32, #tpu.memory_space<vmem>>, vector<16xf32>,
      %get3A_1929 = arith.constant 26 : i32
      %get3A_1930 = arith.index_cast %get3A_1929 : i32 to index
      %get3A_1931 = arith.constant 16 : index
      %get3A_1932 = tpu.vector_load %arg7[%get3A_1930, %get3A_1931] {strides = array<i32>} : memref<128x32xf32, #tpu.memory_space<vmem>>, vector<16xf32>,
      tpu.vector_store_idx %arg9[%shift_right_arithmetic3A_4, %and3A_6, %broadcast_in_dim3A_1924], %get3A_1928 : memref<4x8x129xf32, #tpu.memory_space<vmem>>[vector<16xi32>, vector<16xi32>, vector<16xi32>], vector<16xf32>,
      tpu.vector_store_idx %arg9[%shift_right_arithmetic3A_12, %and3A_18, %broadcast_in_dim3A_1924], %get3A_1932 : memref<4x8x129xf32, #tpu.memory_space<vmem>>[vector<16xi32>, vector<16xi32>, vector<16xi32>], vector<16xf32>,
      %broadcast_in_dim3A_1933 = arith.constant 27 : i32
      %broadcast_in_dim3A_1934 = vector.broadcast %broadcast_in_dim3A_1933 : i32 to vector<16xi32>
      %get3A_1935 = arith.constant 27 : i32
      %get3A_1936 = arith.index_cast %get3A_1935 : i32 to index
      %get3A_1937 = arith.constant 0 : index
      %get3A_1938 = tpu.vector_load %arg7[%get3A_1936, %get3A_1937] {strides = array<i32>} : memref<128x32xf32, #tpu.memory_space<vmem>>, vector<16xf32>,
      %get3A_1939 = arith.constant 27 : i32
      %get3A_1940 = arith.index_cast %get3A_1939 : i32 to index
      %get3A_1941 = arith.constant 16 : index
      %get3A_1942 = tpu.vector_load %arg7[%get3A_1940, %get3A_1941] {strides = array<i32>} : memref<128x32xf32, #tpu.memory_space<vmem>>, vector<16xf32>,
      tpu.vector_store_idx %arg9[%shift_right_arithmetic3A_4, %and3A_6, %broadcast_in_dim3A_1934], %get3A_1938 : memref<4x8x129xf32, #tpu.memory_space<vmem>>[vector<16xi32>, vector<16xi32>, vector<16xi32>], vector<16xf32>,
      tpu.vector_store_idx %arg9[%shift_right_arithmetic3A_12, %and3A_18, %broadcast_in_dim3A_1934], %get3A_1942 : memref<4x8x129xf32, #tpu.memory_space<vmem>>[vector<16xi32>, vector<16xi32>, vector<16xi32>], vector<16xf32>,
      %broadcast_in_dim3A_1943 = arith.constant 28 : i32
      %broadcast_in_dim3A_1944 = vector.broadcast %broadcast_in_dim3A_1943 : i32 to vector<16xi32>
      %get3A_1945 = arith.constant 28 : i32
      %get3A_1946 = arith.index_cast %get3A_1945 : i32 to index
      %get3A_1947 = arith.constant 0 : index
      %get3A_1948 = tpu.vector_load %arg7[%get3A_1946, %get3A_1947] {strides = array<i32>} : memref<128x32xf32, #tpu.memory_space<vmem>>, vector<16xf32>,
      %get3A_1949 = arith.constant 28 : i32
      %get3A_1950 = arith.index_cast %get3A_1949 : i32 to index
      %get3A_1951 = arith.constant 16 : index
      %get3A_1952 = tpu.vector_load %arg7[%get3A_1950, %get3A_1951] {strides = array<i32>} : memref<128x32xf32, #tpu.memory_space<vmem>>, vector<16xf32>,
      tpu.vector_store_idx %arg9[%shift_right_arithmetic3A_4, %and3A_6, %broadcast_in_dim3A_1944], %get3A_1948 : memref<4x8x129xf32, #tpu.memory_space<vmem>>[vector<16xi32>, vector<16xi32>, vector<16xi32>], vector<16xf32>,
      tpu.vector_store_idx %arg9[%shift_right_arithmetic3A_12, %and3A_18, %broadcast_in_dim3A_1944], %get3A_1952 : memref<4x8x129xf32, #tpu.memory_space<vmem>>[vector<16xi32>, vector<16xi32>, vector<16xi32>], vector<16xf32>,
      %broadcast_in_dim3A_1953 = arith.constant 29 : i32
      %broadcast_in_dim3A_1954 = vector.broadcast %broadcast_in_dim3A_1953 : i32 to vector<16xi32>
      %get3A_1955 = arith.constant 29 : i32
      %get3A_1956 = arith.index_cast %get3A_1955 : i32 to index
      %get3A_1957 = arith.constant 0 : index
      %get3A_1958 = tpu.vector_load %arg7[%get3A_1956, %get3A_1957] {strides = array<i32>} : memref<128x32xf32, #tpu.memory_space<vmem>>, vector<16xf32>,
      %get3A_1959 = arith.constant 29 : i32
      %get3A_1960 = arith.index_cast %get3A_1959 : i32 to index
      %get3A_1961 = arith.constant 16 : index
      %get3A_1962 = tpu.vector_load %arg7[%get3A_1960, %get3A_1961] {strides = array<i32>} : memref<128x32xf32, #tpu.memory_space<vmem>>, vector<16xf32>,
      tpu.vector_store_idx %arg9[%shift_right_arithmetic3A_4, %and3A_6, %broadcast_in_dim3A_1954], %get3A_1958 : memref<4x8x129xf32, #tpu.memory_space<vmem>>[vector<16xi32>, vector<16xi32>, vector<16xi32>], vector<16xf32>,
      tpu.vector_store_idx %arg9[%shift_right_arithmetic3A_12, %and3A_18, %broadcast_in_dim3A_1954], %get3A_1962 : memref<4x8x129xf32, #tpu.memory_space<vmem>>[vector<16xi32>, vector<16xi32>, vector<16xi32>], vector<16xf32>,
      %broadcast_in_dim3A_1963 = arith.constant 30 : i32
      %broadcast_in_dim3A_1964 = vector.broadcast %broadcast_in_dim3A_1963 : i32 to vector<16xi32>
      %get3A_1965 = arith.constant 30 : i32
      %get3A_1966 = arith.index_cast %get3A_1965 : i32 to index
      %get3A_1967 = arith.constant 0 : index
      %get3A_1968 = tpu.vector_load %arg7[%get3A_1966, %get3A_1967] {strides = array<i32>} : memref<128x32xf32, #tpu.memory_space<vmem>>, vector<16xf32>,
      %get3A_1969 = arith.constant 30 : i32
      %get3A_1970 = arith.index_cast %get3A_1969 : i32 to index
      %get3A_1971 = arith.constant 16 : index
      %get3A_1972 = tpu.vector_load %arg7[%get3A_1970, %get3A_1971] {strides = array<i32>} : memref<128x32xf32, #tpu.memory_space<vmem>>, vector<16xf32>,
      tpu.vector_store_idx %arg9[%shift_right_arithmetic3A_4, %and3A_6, %broadcast_in_dim3A_1964], %get3A_1968 : memref<4x8x129xf32, #tpu.memory_space<vmem>>[vector<16xi32>, vector<16xi32>, vector<16xi32>], vector<16xf32>,
      tpu.vector_store_idx %arg9[%shift_right_arithmetic3A_12, %and3A_18, %broadcast_in_dim3A_1964], %get3A_1972 : memref<4x8x129xf32, #tpu.memory_space<vmem>>[vector<16xi32>, vector<16xi32>, vector<16xi32>], vector<16xf32>,
      %broadcast_in_dim3A_1973 = arith.constant 31 : i32
      %broadcast_in_dim3A_1974 = vector.broadcast %broadcast_in_dim3A_1973 : i32 to vector<16xi32>
      %get3A_1975 = arith.constant 31 : i32
      %get3A_1976 = arith.index_cast %get3A_1975 : i32 to index
      %get3A_1977 = arith.constant 0 : index
      %get3A_1978 = tpu.vector_load %arg7[%get3A_1976, %get3A_1977] {strides = array<i32>} : memref<128x32xf32, #tpu.memory_space<vmem>>, vector<16xf32>,
      %get3A_1979 = arith.constant 31 : i32
      %get3A_1980 = arith.index_cast %get3A_1979 : i32 to index
      %get3A_1981 = arith.constant 16 : index
      %get3A_1982 = tpu.vector_load %arg7[%get3A_1980, %get3A_1981] {strides = array<i32>} : memref<128x32xf32, #tpu.memory_space<vmem>>, vector<16xf32>,
      tpu.vector_store_idx %arg9[%shift_right_arithmetic3A_4, %and3A_6, %broadcast_in_dim3A_1974], %get3A_1978 : memref<4x8x129xf32, #tpu.memory_space<vmem>>[vector<16xi32>, vector<16xi32>, vector<16xi32>], vector<16xf32>,
      tpu.vector_store_idx %arg9[%shift_right_arithmetic3A_12, %and3A_18, %broadcast_in_dim3A_1974], %get3A_1982 : memref<4x8x129xf32, #tpu.memory_space<vmem>>[vector<16xi32>, vector<16xi32>, vector<16xi32>], vector<16xf32>,
      %broadcast_in_dim3A_1983 = arith.constant 32 : i32
      %broadcast_in_dim3A_1984 = vector.broadcast %broadcast_in_dim3A_1983 : i32 to vector<16xi32>
      %get3A_1985 = arith.constant 32 : i32
      %get3A_1986 = arith.index_cast %get3A_1985 : i32 to index
      %get3A_1987 = arith.constant 0 : index
      %get3A_1988 = tpu.vector_load %arg7[%get3A_1986, %get3A_1987] {strides = array<i32>} : memref<128x32xf32, #tpu.memory_space<vmem>>, vector<16xf32>,
      %get3A_1989 = arith.constant 32 : i32
      %get3A_1990 = arith.index_cast %get3A_1989 : i32 to index
      %get3A_1991 = arith.constant 16 : index
      %get3A_1992 = tpu.vector_load %arg7[%get3A_1990, %get3A_1991] {strides = array<i32>} : memref<128x32xf32, #tpu.memory_space<vmem>>, vector<16xf32>,
      tpu.vector_store_idx %arg9[%shift_right_arithmetic3A_4, %and3A_6, %broadcast_in_dim3A_1984], %get3A_1988 : memref<4x8x129xf32, #tpu.memory_space<vmem>>[vector<16xi32>, vector<16xi32>, vector<16xi32>], vector<16xf32>,
      tpu.vector_store_idx %arg9[%shift_right_arithmetic3A_12, %and3A_18, %broadcast_in_dim3A_1984], %get3A_1992 : memref<4x8x129xf32, #tpu.memory_space<vmem>>[vector<16xi32>, vector<16xi32>, vector<16xi32>], vector<16xf32>,
      %broadcast_in_dim3A_1993 = arith.constant 33 : i32
      %broadcast_in_dim3A_1994 = vector.broadcast %broadcast_in_dim3A_1993 : i32 to vector<16xi32>
      %get3A_1995 = arith.constant 33 : i32
      %get3A_1996 = arith.index_cast %get3A_1995 : i32 to index
      %get3A_1997 = arith.constant 0 : index
      %get3A_1998 = tpu.vector_load %arg7[%get3A_1996, %get3A_1997] {strides = array<i32>} : memref<128x32xf32, #tpu.memory_space<vmem>>, vector<16xf32>,
      %get3A_1999 = arith.constant 33 : i32
      %get3A_2000 = arith.index_cast %get3A_1999 : i32 to index
      %get3A_2001 = arith.constant 16 : index
      %get3A_2002 = tpu.vector_load %arg7[%get3A_2000, %get3A_2001] {strides = array<i32>} : memref<128x32xf32, #tpu.memory_space<vmem>>, vector<16xf32>,
      tpu.vector_store_idx %arg9[%shift_right_arithmetic3A_4, %and3A_6, %broadcast_in_dim3A_1994], %get3A_1998 : memref<4x8x129xf32, #tpu.memory_space<vmem>>[vector<16xi32>, vector<16xi32>, vector<16xi32>], vector<16xf32>,
      tpu.vector_store_idx %arg9[%shift_right_arithmetic3A_12, %and3A_18, %broadcast_in_dim3A_1994], %get3A_2002 : memref<4x8x129xf32, #tpu.memory_space<vmem>>[vector<16xi32>, vector<16xi32>, vector<16xi32>], vector<16xf32>,
      %broadcast_in_dim3A_2003 = arith.constant 34 : i32
      %broadcast_in_dim3A_2004 = vector.broadcast %broadcast_in_dim3A_2003 : i32 to vector<16xi32>
      %get3A_2005 = arith.constant 34 : i32
      %get3A_2006 = arith.index_cast %get3A_2005 : i32 to index
      %get3A_2007 = arith.constant 0 : index
      %get3A_2008 = tpu.vector_load %arg7[%get3A_2006, %get3A_2007] {strides = array<i32>} : memref<128x32xf32, #tpu.memory_space<vmem>>, vector<16xf32>,
      %get3A_2009 = arith.constant 34 : i32
      %get3A_2010 = arith.index_cast %get3A_2009 : i32 to index
      %get3A_2011 = arith.constant 16 : index
      %get3A_2012 = tpu.vector_load %arg7[%get3A_2010, %get3A_2011] {strides = array<i32>} : memref<128x32xf32, #tpu.memory_space<vmem>>, vector<16xf32>,
      tpu.vector_store_idx %arg9[%shift_right_arithmetic3A_4, %and3A_6, %broadcast_in_dim3A_2004], %get3A_2008 : memref<4x8x129xf32, #tpu.memory_space<vmem>>[vector<16xi32>, vector<16xi32>, vector<16xi32>], vector<16xf32>,
      tpu.vector_store_idx %arg9[%shift_right_arithmetic3A_12, %and3A_18, %broadcast_in_dim3A_2004], %get3A_2012 : memref<4x8x129xf32, #tpu.memory_space<vmem>>[vector<16xi32>, vector<16xi32>, vector<16xi32>], vector<16xf32>,
      %broadcast_in_dim3A_2013 = arith.constant 35 : i32
      %broadcast_in_dim3A_2014 = vector.broadcast %broadcast_in_dim3A_2013 : i32 to vector<16xi32>
      %get3A_2015 = arith.constant 35 : i32
      %get3A_2016 = arith.index_cast %get3A_2015 : i32 to index
      %get3A_2017 = arith.constant 0 : index
      %get3A_2018 = tpu.vector_load %arg7[%get3A_2016, %get3A_2017] {strides = array<i32>} : memref<128x32xf32, #tpu.memory_space<vmem>>, vector<16xf32>,
      %get3A_2019 = arith.constant 35 : i32
      %get3A_2020 = arith.index_cast %get3A_2019 : i32 to index
      %get3A_2021 = arith.constant 16 : index
      %get3A_2022 = tpu.vector_load %arg7[%get3A_2020, %get3A_2021] {strides = array<i32>} : memref<128x32xf32, #tpu.memory_space<vmem>>, vector<16xf32>,
      tpu.vector_store_idx %arg9[%shift_right_arithmetic3A_4, %and3A_6, %broadcast_in_dim3A_2014], %get3A_2018 : memref<4x8x129xf32, #tpu.memory_space<vmem>>[vector<16xi32>, vector<16xi32>, vector<16xi32>], vector<16xf32>,
      tpu.vector_store_idx %arg9[%shift_right_arithmetic3A_12, %and3A_18, %broadcast_in_dim3A_2014], %get3A_2022 : memref<4x8x129xf32, #tpu.memory_space<vmem>>[vector<16xi32>, vector<16xi32>, vector<16xi32>], vector<16xf32>,
      %broadcast_in_dim3A_2023 = arith.constant 36 : i32
      %broadcast_in_dim3A_2024 = vector.broadcast %broadcast_in_dim3A_2023 : i32 to vector<16xi32>
      %get3A_2025 = arith.constant 36 : i32
      %get3A_2026 = arith.index_cast %get3A_2025 : i32 to index
      %get3A_2027 = arith.constant 0 : index
      %get3A_2028 = tpu.vector_load %arg7[%get3A_2026, %get3A_2027] {strides = array<i32>} : memref<128x32xf32, #tpu.memory_space<vmem>>, vector<16xf32>,
      %get3A_2029 = arith.constant 36 : i32
      %get3A_2030 = arith.index_cast %get3A_2029 : i32 to index
      %get3A_2031 = arith.constant 16 : index
      %get3A_2032 = tpu.vector_load %arg7[%get3A_2030, %get3A_2031] {strides = array<i32>} : memref<128x32xf32, #tpu.memory_space<vmem>>, vector<16xf32>,
      tpu.vector_store_idx %arg9[%shift_right_arithmetic3A_4, %and3A_6, %broadcast_in_dim3A_2024], %get3A_2028 : memref<4x8x129xf32, #tpu.memory_space<vmem>>[vector<16xi32>, vector<16xi32>, vector<16xi32>], vector<16xf32>,
      tpu.vector_store_idx %arg9[%shift_right_arithmetic3A_12, %and3A_18, %broadcast_in_dim3A_2024], %get3A_2032 : memref<4x8x129xf32, #tpu.memory_space<vmem>>[vector<16xi32>, vector<16xi32>, vector<16xi32>], vector<16xf32>,
      %broadcast_in_dim3A_2033 = arith.constant 37 : i32
      %broadcast_in_dim3A_2034 = vector.broadcast %broadcast_in_dim3A_2033 : i32 to vector<16xi32>
      %get3A_2035 = arith.constant 37 : i32
      %get3A_2036 = arith.index_cast %get3A_2035 : i32 to index
      %get3A_2037 = arith.constant 0 : index
      %get3A_2038 = tpu.vector_load %arg7[%get3A_2036, %get3A_2037] {strides = array<i32>} : memref<128x32xf32, #tpu.memory_space<vmem>>, vector<16xf32>,
      %get3A_2039 = arith.constant 37 : i32
      %get3A_2040 = arith.index_cast %get3A_2039 : i32 to index
      %get3A_2041 = arith.constant 16 : index
      %get3A_2042 = tpu.vector_load %arg7[%get3A_2040, %get3A_2041] {strides = array<i32>} : memref<128x32xf32, #tpu.memory_space<vmem>>, vector<16xf32>,
      tpu.vector_store_idx %arg9[%shift_right_arithmetic3A_4, %and3A_6, %broadcast_in_dim3A_2034], %get3A_2038 : memref<4x8x129xf32, #tpu.memory_space<vmem>>[vector<16xi32>, vector<16xi32>, vector<16xi32>], vector<16xf32>,
      tpu.vector_store_idx %arg9[%shift_right_arithmetic3A_12, %and3A_18, %broadcast_in_dim3A_2034], %get3A_2042 : memref<4x8x129xf32, #tpu.memory_space<vmem>>[vector<16xi32>, vector<16xi32>, vector<16xi32>], vector<16xf32>,
      %broadcast_in_dim3A_2043 = arith.constant 38 : i32
      %broadcast_in_dim3A_2044 = vector.broadcast %broadcast_in_dim3A_2043 : i32 to vector<16xi32>
      %get3A_2045 = arith.constant 38 : i32
      %get3A_2046 = arith.index_cast %get3A_2045 : i32 to index
      %get3A_2047 = arith.constant 0 : index
      %get3A_2048 = tpu.vector_load %arg7[%get3A_2046, %get3A_2047] {strides = array<i32>} : memref<128x32xf32, #tpu.memory_space<vmem>>, vector<16xf32>,
      %get3A_2049 = arith.constant 38 : i32
      %get3A_2050 = arith.index_cast %get3A_2049 : i32 to index
      %get3A_2051 = arith.constant 16 : index
      %get3A_2052 = tpu.vector_load %arg7[%get3A_2050, %get3A_2051] {strides = array<i32>} : memref<128x32xf32, #tpu.memory_space<vmem>>, vector<16xf32>,
      tpu.vector_store_idx %arg9[%shift_right_arithmetic3A_4, %and3A_6, %broadcast_in_dim3A_2044], %get3A_2048 : memref<4x8x129xf32, #tpu.memory_space<vmem>>[vector<16xi32>, vector<16xi32>, vector<16xi32>], vector<16xf32>,
      tpu.vector_store_idx %arg9[%shift_right_arithmetic3A_12, %and3A_18, %broadcast_in_dim3A_2044], %get3A_2052 : memref<4x8x129xf32, #tpu.memory_space<vmem>>[vector<16xi32>, vector<16xi32>, vector<16xi32>], vector<16xf32>,
      %broadcast_in_dim3A_2053 = arith.constant 39 : i32
      %broadcast_in_dim3A_2054 = vector.broadcast %broadcast_in_dim3A_2053 : i32 to vector<16xi32>
      %get3A_2055 = arith.constant 39 : i32
      %get3A_2056 = arith.index_cast %get3A_2055 : i32 to index
      %get3A_2057 = arith.constant 0 : index
      %get3A_2058 = tpu.vector_load %arg7[%get3A_2056, %get3A_2057] {strides = array<i32>} : memref<128x32xf32, #tpu.memory_space<vmem>>, vector<16xf32>,
      %get3A_2059 = arith.constant 39 : i32
      %get3A_2060 = arith.index_cast %get3A_2059 : i32 to index
      %get3A_2061 = arith.constant 16 : index
      %get3A_2062 = tpu.vector_load %arg7[%get3A_2060, %get3A_2061] {strides = array<i32>} : memref<128x32xf32, #tpu.memory_space<vmem>>, vector<16xf32>,
      tpu.vector_store_idx %arg9[%shift_right_arithmetic3A_4, %and3A_6, %broadcast_in_dim3A_2054], %get3A_2058 : memref<4x8x129xf32, #tpu.memory_space<vmem>>[vector<16xi32>, vector<16xi32>, vector<16xi32>], vector<16xf32>,
      tpu.vector_store_idx %arg9[%shift_right_arithmetic3A_12, %and3A_18, %broadcast_in_dim3A_2054], %get3A_2062 : memref<4x8x129xf32, #tpu.memory_space<vmem>>[vector<16xi32>, vector<16xi32>, vector<16xi32>], vector<16xf32>,
      %broadcast_in_dim3A_2063 = arith.constant 40 : i32
      %broadcast_in_dim3A_2064 = vector.broadcast %broadcast_in_dim3A_2063 : i32 to vector<16xi32>
      %get3A_2065 = arith.constant 40 : i32
      %get3A_2066 = arith.index_cast %get3A_2065 : i32 to index
      %get3A_2067 = arith.constant 0 : index
      %get3A_2068 = tpu.vector_load %arg7[%get3A_2066, %get3A_2067] {strides = array<i32>} : memref<128x32xf32, #tpu.memory_space<vmem>>, vector<16xf32>,
      %get3A_2069 = arith.constant 40 : i32
      %get3A_2070 = arith.index_cast %get3A_2069 : i32 to index
      %get3A_2071 = arith.constant 16 : index
      %get3A_2072 = tpu.vector_load %arg7[%get3A_2070, %get3A_2071] {strides = array<i32>} : memref<128x32xf32, #tpu.memory_space<vmem>>, vector<16xf32>,
      tpu.vector_store_idx %arg9[%shift_right_arithmetic3A_4, %and3A_6, %broadcast_in_dim3A_2064], %get3A_2068 : memref<4x8x129xf32, #tpu.memory_space<vmem>>[vector<16xi32>, vector<16xi32>, vector<16xi32>], vector<16xf32>,
      tpu.vector_store_idx %arg9[%shift_right_arithmetic3A_12, %and3A_18, %broadcast_in_dim3A_2064], %get3A_2072 : memref<4x8x129xf32, #tpu.memory_space<vmem>>[vector<16xi32>, vector<16xi32>, vector<16xi32>], vector<16xf32>,
      %broadcast_in_dim3A_2073 = arith.constant 41 : i32
      %broadcast_in_dim3A_2074 = vector.broadcast %broadcast_in_dim3A_2073 : i32 to vector<16xi32>
      %get3A_2075 = arith.constant 41 : i32
      %get3A_2076 = arith.index_cast %get3A_2075 : i32 to index
      %get3A_2077 = arith.constant 0 : index
      %get3A_2078 = tpu.vector_load %arg7[%get3A_2076, %get3A_2077] {strides = array<i32>} : memref<128x32xf32, #tpu.memory_space<vmem>>, vector<16xf32>,
      %get3A_2079 = arith.constant 41 : i32
      %get3A_2080 = arith.index_cast %get3A_2079 : i32 to index
      %get3A_2081 = arith.constant 16 : index
      %get3A_2082 = tpu.vector_load %arg7[%get3A_2080, %get3A_2081] {strides = array<i32>} : memref<128x32xf32, #tpu.memory_space<vmem>>, vector<16xf32>,
      tpu.vector_store_idx %arg9[%shift_right_arithmetic3A_4, %and3A_6, %broadcast_in_dim3A_2074], %get3A_2078 : memref<4x8x129xf32, #tpu.memory_space<vmem>>[vector<16xi32>, vector<16xi32>, vector<16xi32>], vector<16xf32>,
      tpu.vector_store_idx %arg9[%shift_right_arithmetic3A_12, %and3A_18, %broadcast_in_dim3A_2074], %get3A_2082 : memref<4x8x129xf32, #tpu.memory_space<vmem>>[vector<16xi32>, vector<16xi32>, vector<16xi32>], vector<16xf32>,
      %broadcast_in_dim3A_2083 = arith.constant 42 : i32
      %broadcast_in_dim3A_2084 = vector.broadcast %broadcast_in_dim3A_2083 : i32 to vector<16xi32>
      %get3A_2085 = arith.constant 42 : i32
      %get3A_2086 = arith.index_cast %get3A_2085 : i32 to index
      %get3A_2087 = arith.constant 0 : index
      %get3A_2088 = tpu.vector_load %arg7[%get3A_2086, %get3A_2087] {strides = array<i32>} : memref<128x32xf32, #tpu.memory_space<vmem>>, vector<16xf32>,
      %get3A_2089 = arith.constant 42 : i32
      %get3A_2090 = arith.index_cast %get3A_2089 : i32 to index
      %get3A_2091 = arith.constant 16 : index
      %get3A_2092 = tpu.vector_load %arg7[%get3A_2090, %get3A_2091] {strides = array<i32>} : memref<128x32xf32, #tpu.memory_space<vmem>>, vector<16xf32>,
      tpu.vector_store_idx %arg9[%shift_right_arithmetic3A_4, %and3A_6, %broadcast_in_dim3A_2084], %get3A_2088 : memref<4x8x129xf32, #tpu.memory_space<vmem>>[vector<16xi32>, vector<16xi32>, vector<16xi32>], vector<16xf32>,
      tpu.vector_store_idx %arg9[%shift_right_arithmetic3A_12, %and3A_18, %broadcast_in_dim3A_2084], %get3A_2092 : memref<4x8x129xf32, #tpu.memory_space<vmem>>[vector<16xi32>, vector<16xi32>, vector<16xi32>], vector<16xf32>,
      %broadcast_in_dim3A_2093 = arith.constant 43 : i32
      %broadcast_in_dim3A_2094 = vector.broadcast %broadcast_in_dim3A_2093 : i32 to vector<16xi32>
      %get3A_2095 = arith.constant 43 : i32
      %get3A_2096 = arith.index_cast %get3A_2095 : i32 to index
      %get3A_2097 = arith.constant 0 : index
      %get3A_2098 = tpu.vector_load %arg7[%get3A_2096, %get3A_2097] {strides = array<i32>} : memref<128x32xf32, #tpu.memory_space<vmem>>, vector<16xf32>,
      %get3A_2099 = arith.constant 43 : i32
      %get3A_2100 = arith.index_cast %get3A_2099 : i32 to index
      %get3A_2101 = arith.constant 16 : index
      %get3A_2102 = tpu.vector_load %arg7[%get3A_2100, %get3A_2101] {strides = array<i32>} : memref<128x32xf32, #tpu.memory_space<vmem>>, vector<16xf32>,
      tpu.vector_store_idx %arg9[%shift_right_arithmetic3A_4, %and3A_6, %broadcast_in_dim3A_2094], %get3A_2098 : memref<4x8x129xf32, #tpu.memory_space<vmem>>[vector<16xi32>, vector<16xi32>, vector<16xi32>], vector<16xf32>,
      tpu.vector_store_idx %arg9[%shift_right_arithmetic3A_12, %and3A_18, %broadcast_in_dim3A_2094], %get3A_2102 : memref<4x8x129xf32, #tpu.memory_space<vmem>>[vector<16xi32>, vector<16xi32>, vector<16xi32>], vector<16xf32>,
      %broadcast_in_dim3A_2103 = arith.constant 44 : i32
      %broadcast_in_dim3A_2104 = vector.broadcast %broadcast_in_dim3A_2103 : i32 to vector<16xi32>
      %get3A_2105 = arith.constant 44 : i32
      %get3A_2106 = arith.index_cast %get3A_2105 : i32 to index
      %get3A_2107 = arith.constant 0 : index
      %get3A_2108 = tpu.vector_load %arg7[%get3A_2106, %get3A_2107] {strides = array<i32>} : memref<128x32xf32, #tpu.memory_space<vmem>>, vector<16xf32>,
      %get3A_2109 = arith.constant 44 : i32
      %get3A_2110 = arith.index_cast %get3A_2109 : i32 to index
      %get3A_2111 = arith.constant 16 : index
      %get3A_2112 = tpu.vector_load %arg7[%get3A_2110, %get3A_2111] {strides = array<i32>} : memref<128x32xf32, #tpu.memory_space<vmem>>, vector<16xf32>,
      tpu.vector_store_idx %arg9[%shift_right_arithmetic3A_4, %and3A_6, %broadcast_in_dim3A_2104], %get3A_2108 : memref<4x8x129xf32, #tpu.memory_space<vmem>>[vector<16xi32>, vector<16xi32>, vector<16xi32>], vector<16xf32>,
      tpu.vector_store_idx %arg9[%shift_right_arithmetic3A_12, %and3A_18, %broadcast_in_dim3A_2104], %get3A_2112 : memref<4x8x129xf32, #tpu.memory_space<vmem>>[vector<16xi32>, vector<16xi32>, vector<16xi32>], vector<16xf32>,
      %broadcast_in_dim3A_2113 = arith.constant 45 : i32
      %broadcast_in_dim3A_2114 = vector.broadcast %broadcast_in_dim3A_2113 : i32 to vector<16xi32>
      %get3A_2115 = arith.constant 45 : i32
      %get3A_2116 = arith.index_cast %get3A_2115 : i32 to index
      %get3A_2117 = arith.constant 0 : index
      %get3A_2118 = tpu.vector_load %arg7[%get3A_2116, %get3A_2117] {strides = array<i32>} : memref<128x32xf32, #tpu.memory_space<vmem>>, vector<16xf32>,
      %get3A_2119 = arith.constant 45 : i32
      %get3A_2120 = arith.index_cast %get3A_2119 : i32 to index
      %get3A_2121 = arith.constant 16 : index
      %get3A_2122 = tpu.vector_load %arg7[%get3A_2120, %get3A_2121] {strides = array<i32>} : memref<128x32xf32, #tpu.memory_space<vmem>>, vector<16xf32>,
      tpu.vector_store_idx %arg9[%shift_right_arithmetic3A_4, %and3A_6, %broadcast_in_dim3A_2114], %get3A_2118 : memref<4x8x129xf32, #tpu.memory_space<vmem>>[vector<16xi32>, vector<16xi32>, vector<16xi32>], vector<16xf32>,
      tpu.vector_store_idx %arg9[%shift_right_arithmetic3A_12, %and3A_18, %broadcast_in_dim3A_2114], %get3A_2122 : memref<4x8x129xf32, #tpu.memory_space<vmem>>[vector<16xi32>, vector<16xi32>, vector<16xi32>], vector<16xf32>,
      %broadcast_in_dim3A_2123 = arith.constant 46 : i32
      %broadcast_in_dim3A_2124 = vector.broadcast %broadcast_in_dim3A_2123 : i32 to vector<16xi32>
      %get3A_2125 = arith.constant 46 : i32
      %get3A_2126 = arith.index_cast %get3A_2125 : i32 to index
      %get3A_2127 = arith.constant 0 : index
      %get3A_2128 = tpu.vector_load %arg7[%get3A_2126, %get3A_2127] {strides = array<i32>} : memref<128x32xf32, #tpu.memory_space<vmem>>, vector<16xf32>,
      %get3A_2129 = arith.constant 46 : i32
      %get3A_2130 = arith.index_cast %get3A_2129 : i32 to index
      %get3A_2131 = arith.constant 16 : index
      %get3A_2132 = tpu.vector_load %arg7[%get3A_2130, %get3A_2131] {strides = array<i32>} : memref<128x32xf32, #tpu.memory_space<vmem>>, vector<16xf32>,
      tpu.vector_store_idx %arg9[%shift_right_arithmetic3A_4, %and3A_6, %broadcast_in_dim3A_2124], %get3A_2128 : memref<4x8x129xf32, #tpu.memory_space<vmem>>[vector<16xi32>, vector<16xi32>, vector<16xi32>], vector<16xf32>,
      tpu.vector_store_idx %arg9[%shift_right_arithmetic3A_12, %and3A_18, %broadcast_in_dim3A_2124], %get3A_2132 : memref<4x8x129xf32, #tpu.memory_space<vmem>>[vector<16xi32>, vector<16xi32>, vector<16xi32>], vector<16xf32>,
      %broadcast_in_dim3A_2133 = arith.constant 47 : i32
      %broadcast_in_dim3A_2134 = vector.broadcast %broadcast_in_dim3A_2133 : i32 to vector<16xi32>
      %get3A_2135 = arith.constant 47 : i32
      %get3A_2136 = arith.index_cast %get3A_2135 : i32 to index
      %get3A_2137 = arith.constant 0 : index
      %get3A_2138 = tpu.vector_load %arg7[%get3A_2136, %get3A_2137] {strides = array<i32>} : memref<128x32xf32, #tpu.memory_space<vmem>>, vector<16xf32>,
      %get3A_2139 = arith.constant 47 : i32
      %get3A_2140 = arith.index_cast %get3A_2139 : i32 to index
      %get3A_2141 = arith.constant 16 : index
      %get3A_2142 = tpu.vector_load %arg7[%get3A_2140, %get3A_2141] {strides = array<i32>} : memref<128x32xf32, #tpu.memory_space<vmem>>, vector<16xf32>,
      tpu.vector_store_idx %arg9[%shift_right_arithmetic3A_4, %and3A_6, %broadcast_in_dim3A_2134], %get3A_2138 : memref<4x8x129xf32, #tpu.memory_space<vmem>>[vector<16xi32>, vector<16xi32>, vector<16xi32>], vector<16xf32>,
      tpu.vector_store_idx %arg9[%shift_right_arithmetic3A_12, %and3A_18, %broadcast_in_dim3A_2134], %get3A_2142 : memref<4x8x129xf32, #tpu.memory_space<vmem>>[vector<16xi32>, vector<16xi32>, vector<16xi32>], vector<16xf32>,
      %broadcast_in_dim3A_2143 = arith.constant 48 : i32
      %broadcast_in_dim3A_2144 = vector.broadcast %broadcast_in_dim3A_2143 : i32 to vector<16xi32>
      %get3A_2145 = arith.constant 48 : i32
      %get3A_2146 = arith.index_cast %get3A_2145 : i32 to index
      %get3A_2147 = arith.constant 0 : index
      %get3A_2148 = tpu.vector_load %arg7[%get3A_2146, %get3A_2147] {strides = array<i32>} : memref<128x32xf32, #tpu.memory_space<vmem>>, vector<16xf32>,
      %get3A_2149 = arith.constant 48 : i32
      %get3A_2150 = arith.index_cast %get3A_2149 : i32 to index
      %get3A_2151 = arith.constant 16 : index
      %get3A_2152 = tpu.vector_load %arg7[%get3A_2150, %get3A_2151] {strides = array<i32>} : memref<128x32xf32, #tpu.memory_space<vmem>>, vector<16xf32>,
      tpu.vector_store_idx %arg9[%shift_right_arithmetic3A_4, %and3A_6, %broadcast_in_dim3A_2144], %get3A_2148 : memref<4x8x129xf32, #tpu.memory_space<vmem>>[vector<16xi32>, vector<16xi32>, vector<16xi32>], vector<16xf32>,
      tpu.vector_store_idx %arg9[%shift_right_arithmetic3A_12, %and3A_18, %broadcast_in_dim3A_2144], %get3A_2152 : memref<4x8x129xf32, #tpu.memory_space<vmem>>[vector<16xi32>, vector<16xi32>, vector<16xi32>], vector<16xf32>,
      %broadcast_in_dim3A_2153 = arith.constant 49 : i32
      %broadcast_in_dim3A_2154 = vector.broadcast %broadcast_in_dim3A_2153 : i32 to vector<16xi32>
      %get3A_2155 = arith.constant 49 : i32
      %get3A_2156 = arith.index_cast %get3A_2155 : i32 to index
      %get3A_2157 = arith.constant 0 : index
      %get3A_2158 = tpu.vector_load %arg7[%get3A_2156, %get3A_2157] {strides = array<i32>} : memref<128x32xf32, #tpu.memory_space<vmem>>, vector<16xf32>,
      %get3A_2159 = arith.constant 49 : i32
      %get3A_2160 = arith.index_cast %get3A_2159 : i32 to index
      %get3A_2161 = arith.constant 16 : index
      %get3A_2162 = tpu.vector_load %arg7[%get3A_2160, %get3A_2161] {strides = array<i32>} : memref<128x32xf32, #tpu.memory_space<vmem>>, vector<16xf32>,
      tpu.vector_store_idx %arg9[%shift_right_arithmetic3A_4, %and3A_6, %broadcast_in_dim3A_2154], %get3A_2158 : memref<4x8x129xf32, #tpu.memory_space<vmem>>[vector<16xi32>, vector<16xi32>, vector<16xi32>], vector<16xf32>,
      tpu.vector_store_idx %arg9[%shift_right_arithmetic3A_12, %and3A_18, %broadcast_in_dim3A_2154], %get3A_2162 : memref<4x8x129xf32, #tpu.memory_space<vmem>>[vector<16xi32>, vector<16xi32>, vector<16xi32>], vector<16xf32>,
      %broadcast_in_dim3A_2163 = arith.constant 50 : i32
      %broadcast_in_dim3A_2164 = vector.broadcast %broadcast_in_dim3A_2163 : i32 to vector<16xi32>
      %get3A_2165 = arith.constant 50 : i32
      %get3A_2166 = arith.index_cast %get3A_2165 : i32 to index
      %get3A_2167 = arith.constant 0 : index
      %get3A_2168 = tpu.vector_load %arg7[%get3A_2166, %get3A_2167] {strides = array<i32>} : memref<128x32xf32, #tpu.memory_space<vmem>>, vector<16xf32>,
      %get3A_2169 = arith.constant 50 : i32
      %get3A_2170 = arith.index_cast %get3A_2169 : i32 to index
      %get3A_2171 = arith.constant 16 : index
      %get3A_2172 = tpu.vector_load %arg7[%get3A_2170, %get3A_2171] {strides = array<i32>} : memref<128x32xf32, #tpu.memory_space<vmem>>, vector<16xf32>,
      tpu.vector_store_idx %arg9[%shift_right_arithmetic3A_4, %and3A_6, %broadcast_in_dim3A_2164], %get3A_2168 : memref<4x8x129xf32, #tpu.memory_space<vmem>>[vector<16xi32>, vector<16xi32>, vector<16xi32>], vector<16xf32>,
      tpu.vector_store_idx %arg9[%shift_right_arithmetic3A_12, %and3A_18, %broadcast_in_dim3A_2164], %get3A_2172 : memref<4x8x129xf32, #tpu.memory_space<vmem>>[vector<16xi32>, vector<16xi32>, vector<16xi32>], vector<16xf32>,
      %broadcast_in_dim3A_2173 = arith.constant 51 : i32
      %broadcast_in_dim3A_2174 = vector.broadcast %broadcast_in_dim3A_2173 : i32 to vector<16xi32>
      %get3A_2175 = arith.constant 51 : i32
      %get3A_2176 = arith.index_cast %get3A_2175 : i32 to index
      %get3A_2177 = arith.constant 0 : index
      %get3A_2178 = tpu.vector_load %arg7[%get3A_2176, %get3A_2177] {strides = array<i32>} : memref<128x32xf32, #tpu.memory_space<vmem>>, vector<16xf32>,
      %get3A_2179 = arith.constant 51 : i32
      %get3A_2180 = arith.index_cast %get3A_2179 : i32 to index
      %get3A_2181 = arith.constant 16 : index
      %get3A_2182 = tpu.vector_load %arg7[%get3A_2180, %get3A_2181] {strides = array<i32>} : memref<128x32xf32, #tpu.memory_space<vmem>>, vector<16xf32>,
      tpu.vector_store_idx %arg9[%shift_right_arithmetic3A_4, %and3A_6, %broadcast_in_dim3A_2174], %get3A_2178 : memref<4x8x129xf32, #tpu.memory_space<vmem>>[vector<16xi32>, vector<16xi32>, vector<16xi32>], vector<16xf32>,
      tpu.vector_store_idx %arg9[%shift_right_arithmetic3A_12, %and3A_18, %broadcast_in_dim3A_2174], %get3A_2182 : memref<4x8x129xf32, #tpu.memory_space<vmem>>[vector<16xi32>, vector<16xi32>, vector<16xi32>], vector<16xf32>,
      %broadcast_in_dim3A_2183 = arith.constant 52 : i32
      %broadcast_in_dim3A_2184 = vector.broadcast %broadcast_in_dim3A_2183 : i32 to vector<16xi32>
      %get3A_2185 = arith.constant 52 : i32
      %get3A_2186 = arith.index_cast %get3A_2185 : i32 to index
      %get3A_2187 = arith.constant 0 : index
      %get3A_2188 = tpu.vector_load %arg7[%get3A_2186, %get3A_2187] {strides = array<i32>} : memref<128x32xf32, #tpu.memory_space<vmem>>, vector<16xf32>,
      %get3A_2189 = arith.constant 52 : i32
      %get3A_2190 = arith.index_cast %get3A_2189 : i32 to index
      %get3A_2191 = arith.constant 16 : index
      %get3A_2192 = tpu.vector_load %arg7[%get3A_2190, %get3A_2191] {strides = array<i32>} : memref<128x32xf32, #tpu.memory_space<vmem>>, vector<16xf32>,
      tpu.vector_store_idx %arg9[%shift_right_arithmetic3A_4, %and3A_6, %broadcast_in_dim3A_2184], %get3A_2188 : memref<4x8x129xf32, #tpu.memory_space<vmem>>[vector<16xi32>, vector<16xi32>, vector<16xi32>], vector<16xf32>,
      tpu.vector_store_idx %arg9[%shift_right_arithmetic3A_12, %and3A_18, %broadcast_in_dim3A_2184], %get3A_2192 : memref<4x8x129xf32, #tpu.memory_space<vmem>>[vector<16xi32>, vector<16xi32>, vector<16xi32>], vector<16xf32>,
      %broadcast_in_dim3A_2193 = arith.constant 53 : i32
      %broadcast_in_dim3A_2194 = vector.broadcast %broadcast_in_dim3A_2193 : i32 to vector<16xi32>
      %get3A_2195 = arith.constant 53 : i32
      %get3A_2196 = arith.index_cast %get3A_2195 : i32 to index
      %get3A_2197 = arith.constant 0 : index
      %get3A_2198 = tpu.vector_load %arg7[%get3A_2196, %get3A_2197] {strides = array<i32>} : memref<128x32xf32, #tpu.memory_space<vmem>>, vector<16xf32>,
      %get3A_2199 = arith.constant 53 : i32
      %get3A_2200 = arith.index_cast %get3A_2199 : i32 to index
      %get3A_2201 = arith.constant 16 : index
      %get3A_2202 = tpu.vector_load %arg7[%get3A_2200, %get3A_2201] {strides = array<i32>} : memref<128x32xf32, #tpu.memory_space<vmem>>, vector<16xf32>,
      tpu.vector_store_idx %arg9[%shift_right_arithmetic3A_4, %and3A_6, %broadcast_in_dim3A_2194], %get3A_2198 : memref<4x8x129xf32, #tpu.memory_space<vmem>>[vector<16xi32>, vector<16xi32>, vector<16xi32>], vector<16xf32>,
      tpu.vector_store_idx %arg9[%shift_right_arithmetic3A_12, %and3A_18, %broadcast_in_dim3A_2194], %get3A_2202 : memref<4x8x129xf32, #tpu.memory_space<vmem>>[vector<16xi32>, vector<16xi32>, vector<16xi32>], vector<16xf32>,
      %broadcast_in_dim3A_2203 = arith.constant 54 : i32
      %broadcast_in_dim3A_2204 = vector.broadcast %broadcast_in_dim3A_2203 : i32 to vector<16xi32>
      %get3A_2205 = arith.constant 54 : i32
      %get3A_2206 = arith.index_cast %get3A_2205 : i32 to index
      %get3A_2207 = arith.constant 0 : index
      %get3A_2208 = tpu.vector_load %arg7[%get3A_2206, %get3A_2207] {strides = array<i32>} : memref<128x32xf32, #tpu.memory_space<vmem>>, vector<16xf32>,
      %get3A_2209 = arith.constant 54 : i32
      %get3A_2210 = arith.index_cast %get3A_2209 : i32 to index
      %get3A_2211 = arith.constant 16 : index
      %get3A_2212 = tpu.vector_load %arg7[%get3A_2210, %get3A_2211] {strides = array<i32>} : memref<128x32xf32, #tpu.memory_space<vmem>>, vector<16xf32>,
      tpu.vector_store_idx %arg9[%shift_right_arithmetic3A_4, %and3A_6, %broadcast_in_dim3A_2204], %get3A_2208 : memref<4x8x129xf32, #tpu.memory_space<vmem>>[vector<16xi32>, vector<16xi32>, vector<16xi32>], vector<16xf32>,
      tpu.vector_store_idx %arg9[%shift_right_arithmetic3A_12, %and3A_18, %broadcast_in_dim3A_2204], %get3A_2212 : memref<4x8x129xf32, #tpu.memory_space<vmem>>[vector<16xi32>, vector<16xi32>, vector<16xi32>], vector<16xf32>,
      %broadcast_in_dim3A_2213 = arith.constant 55 : i32
      %broadcast_in_dim3A_2214 = vector.broadcast %broadcast_in_dim3A_2213 : i32 to vector<16xi32>
      %get3A_2215 = arith.constant 55 : i32
      %get3A_2216 = arith.index_cast %get3A_2215 : i32 to index
      %get3A_2217 = arith.constant 0 : index
      %get3A_2218 = tpu.vector_load %arg7[%get3A_2216, %get3A_2217] {strides = array<i32>} : memref<128x32xf32, #tpu.memory_space<vmem>>, vector<16xf32>,
      %get3A_2219 = arith.constant 55 : i32
      %get3A_2220 = arith.index_cast %get3A_2219 : i32 to index
      %get3A_2221 = arith.constant 16 : index
      %get3A_2222 = tpu.vector_load %arg7[%get3A_2220, %get3A_2221] {strides = array<i32>} : memref<128x32xf32, #tpu.memory_space<vmem>>, vector<16xf32>,
      tpu.vector_store_idx %arg9[%shift_right_arithmetic3A_4, %and3A_6, %broadcast_in_dim3A_2214], %get3A_2218 : memref<4x8x129xf32, #tpu.memory_space<vmem>>[vector<16xi32>, vector<16xi32>, vector<16xi32>], vector<16xf32>,
      tpu.vector_store_idx %arg9[%shift_right_arithmetic3A_12, %and3A_18, %broadcast_in_dim3A_2214], %get3A_2222 : memref<4x8x129xf32, #tpu.memory_space<vmem>>[vector<16xi32>, vector<16xi32>, vector<16xi32>], vector<16xf32>,
      %broadcast_in_dim3A_2223 = arith.constant 56 : i32
      %broadcast_in_dim3A_2224 = vector.broadcast %broadcast_in_dim3A_2223 : i32 to vector<16xi32>
      %get3A_2225 = arith.constant 56 : i32
      %get3A_2226 = arith.index_cast %get3A_2225 : i32 to index
      %get3A_2227 = arith.constant 0 : index
      %get3A_2228 = tpu.vector_load %arg7[%get3A_2226, %get3A_2227] {strides = array<i32>} : memref<128x32xf32, #tpu.memory_space<vmem>>, vector<16xf32>,
      %get3A_2229 = arith.constant 56 : i32
      %get3A_2230 = arith.index_cast %get3A_2229 : i32 to index
      %get3A_2231 = arith.constant 16 : index
      %get3A_2232 = tpu.vector_load %arg7[%get3A_2230, %get3A_2231] {strides = array<i32>} : memref<128x32xf32, #tpu.memory_space<vmem>>, vector<16xf32>,
      tpu.vector_store_idx %arg9[%shift_right_arithmetic3A_4, %and3A_6, %broadcast_in_dim3A_2224], %get3A_2228 : memref<4x8x129xf32, #tpu.memory_space<vmem>>[vector<16xi32>, vector<16xi32>, vector<16xi32>], vector<16xf32>,
      tpu.vector_store_idx %arg9[%shift_right_arithmetic3A_12, %and3A_18, %broadcast_in_dim3A_2224], %get3A_2232 : memref<4x8x129xf32, #tpu.memory_space<vmem>>[vector<16xi32>, vector<16xi32>, vector<16xi32>], vector<16xf32>,
      %broadcast_in_dim3A_2233 = arith.constant 57 : i32
      %broadcast_in_dim3A_2234 = vector.broadcast %broadcast_in_dim3A_2233 : i32 to vector<16xi32>
      %get3A_2235 = arith.constant 57 : i32
      %get3A_2236 = arith.index_cast %get3A_2235 : i32 to index
      %get3A_2237 = arith.constant 0 : index
      %get3A_2238 = tpu.vector_load %arg7[%get3A_2236, %get3A_2237] {strides = array<i32>} : memref<128x32xf32, #tpu.memory_space<vmem>>, vector<16xf32>,
      %get3A_2239 = arith.constant 57 : i32
      %get3A_2240 = arith.index_cast %get3A_2239 : i32 to index
      %get3A_2241 = arith.constant 16 : index
      %get3A_2242 = tpu.vector_load %arg7[%get3A_2240, %get3A_2241] {strides = array<i32>} : memref<128x32xf32, #tpu.memory_space<vmem>>, vector<16xf32>,
      tpu.vector_store_idx %arg9[%shift_right_arithmetic3A_4, %and3A_6, %broadcast_in_dim3A_2234], %get3A_2238 : memref<4x8x129xf32, #tpu.memory_space<vmem>>[vector<16xi32>, vector<16xi32>, vector<16xi32>], vector<16xf32>,
      tpu.vector_store_idx %arg9[%shift_right_arithmetic3A_12, %and3A_18, %broadcast_in_dim3A_2234], %get3A_2242 : memref<4x8x129xf32, #tpu.memory_space<vmem>>[vector<16xi32>, vector<16xi32>, vector<16xi32>], vector<16xf32>,
      %broadcast_in_dim3A_2243 = arith.constant 58 : i32
      %broadcast_in_dim3A_2244 = vector.broadcast %broadcast_in_dim3A_2243 : i32 to vector<16xi32>
      %get3A_2245 = arith.constant 58 : i32
      %get3A_2246 = arith.index_cast %get3A_2245 : i32 to index
      %get3A_2247 = arith.constant 0 : index
      %get3A_2248 = tpu.vector_load %arg7[%get3A_2246, %get3A_2247] {strides = array<i32>} : memref<128x32xf32, #tpu.memory_space<vmem>>, vector<16xf32>,
      %get3A_2249 = arith.constant 58 : i32
      %get3A_2250 = arith.index_cast %get3A_2249 : i32 to index
      %get3A_2251 = arith.constant 16 : index
      %get3A_2252 = tpu.vector_load %arg7[%get3A_2250, %get3A_2251] {strides = array<i32>} : memref<128x32xf32, #tpu.memory_space<vmem>>, vector<16xf32>,
      tpu.vector_store_idx %arg9[%shift_right_arithmetic3A_4, %and3A_6, %broadcast_in_dim3A_2244], %get3A_2248 : memref<4x8x129xf32, #tpu.memory_space<vmem>>[vector<16xi32>, vector<16xi32>, vector<16xi32>], vector<16xf32>,
      tpu.vector_store_idx %arg9[%shift_right_arithmetic3A_12, %and3A_18, %broadcast_in_dim3A_2244], %get3A_2252 : memref<4x8x129xf32, #tpu.memory_space<vmem>>[vector<16xi32>, vector<16xi32>, vector<16xi32>], vector<16xf32>,
      %broadcast_in_dim3A_2253 = arith.constant 59 : i32
      %broadcast_in_dim3A_2254 = vector.broadcast %broadcast_in_dim3A_2253 : i32 to vector<16xi32>
      %get3A_2255 = arith.constant 59 : i32
      %get3A_2256 = arith.index_cast %get3A_2255 : i32 to index
      %get3A_2257 = arith.constant 0 : index
      %get3A_2258 = tpu.vector_load %arg7[%get3A_2256, %get3A_2257] {strides = array<i32>} : memref<128x32xf32, #tpu.memory_space<vmem>>, vector<16xf32>,
      %get3A_2259 = arith.constant 59 : i32
      %get3A_2260 = arith.index_cast %get3A_2259 : i32 to index
      %get3A_2261 = arith.constant 16 : index
      %get3A_2262 = tpu.vector_load %arg7[%get3A_2260, %get3A_2261] {strides = array<i32>} : memref<128x32xf32, #tpu.memory_space<vmem>>, vector<16xf32>,
      tpu.vector_store_idx %arg9[%shift_right_arithmetic3A_4, %and3A_6, %broadcast_in_dim3A_2254], %get3A_2258 : memref<4x8x129xf32, #tpu.memory_space<vmem>>[vector<16xi32>, vector<16xi32>, vector<16xi32>], vector<16xf32>,
      tpu.vector_store_idx %arg9[%shift_right_arithmetic3A_12, %and3A_18, %broadcast_in_dim3A_2254], %get3A_2262 : memref<4x8x129xf32, #tpu.memory_space<vmem>>[vector<16xi32>, vector<16xi32>, vector<16xi32>], vector<16xf32>,
      %broadcast_in_dim3A_2263 = arith.constant 60 : i32
      %broadcast_in_dim3A_2264 = vector.broadcast %broadcast_in_dim3A_2263 : i32 to vector<16xi32>
      %get3A_2265 = arith.constant 60 : i32
      %get3A_2266 = arith.index_cast %get3A_2265 : i32 to index
      %get3A_2267 = arith.constant 0 : index
      %get3A_2268 = tpu.vector_load %arg7[%get3A_2266, %get3A_2267] {strides = array<i32>} : memref<128x32xf32, #tpu.memory_space<vmem>>, vector<16xf32>,
      %get3A_2269 = arith.constant 60 : i32
      %get3A_2270 = arith.index_cast %get3A_2269 : i32 to index
      %get3A_2271 = arith.constant 16 : index
      %get3A_2272 = tpu.vector_load %arg7[%get3A_2270, %get3A_2271] {strides = array<i32>} : memref<128x32xf32, #tpu.memory_space<vmem>>, vector<16xf32>,
      tpu.vector_store_idx %arg9[%shift_right_arithmetic3A_4, %and3A_6, %broadcast_in_dim3A_2264], %get3A_2268 : memref<4x8x129xf32, #tpu.memory_space<vmem>>[vector<16xi32>, vector<16xi32>, vector<16xi32>], vector<16xf32>,
      tpu.vector_store_idx %arg9[%shift_right_arithmetic3A_12, %and3A_18, %broadcast_in_dim3A_2264], %get3A_2272 : memref<4x8x129xf32, #tpu.memory_space<vmem>>[vector<16xi32>, vector<16xi32>, vector<16xi32>], vector<16xf32>,
      %broadcast_in_dim3A_2273 = arith.constant 61 : i32
      %broadcast_in_dim3A_2274 = vector.broadcast %broadcast_in_dim3A_2273 : i32 to vector<16xi32>
      %get3A_2275 = arith.constant 61 : i32
      %get3A_2276 = arith.index_cast %get3A_2275 : i32 to index
      %get3A_2277 = arith.constant 0 : index
      %get3A_2278 = tpu.vector_load %arg7[%get3A_2276, %get3A_2277] {strides = array<i32>} : memref<128x32xf32, #tpu.memory_space<vmem>>, vector<16xf32>,
      %get3A_2279 = arith.constant 61 : i32
      %get3A_2280 = arith.index_cast %get3A_2279 : i32 to index
      %get3A_2281 = arith.constant 16 : index
      %get3A_2282 = tpu.vector_load %arg7[%get3A_2280, %get3A_2281] {strides = array<i32>} : memref<128x32xf32, #tpu.memory_space<vmem>>, vector<16xf32>,
      tpu.vector_store_idx %arg9[%shift_right_arithmetic3A_4, %and3A_6, %broadcast_in_dim3A_2274], %get3A_2278 : memref<4x8x129xf32, #tpu.memory_space<vmem>>[vector<16xi32>, vector<16xi32>, vector<16xi32>], vector<16xf32>,
      tpu.vector_store_idx %arg9[%shift_right_arithmetic3A_12, %and3A_18, %broadcast_in_dim3A_2274], %get3A_2282 : memref<4x8x129xf32, #tpu.memory_space<vmem>>[vector<16xi32>, vector<16xi32>, vector<16xi32>], vector<16xf32>,
      %broadcast_in_dim3A_2283 = arith.constant 62 : i32
      %broadcast_in_dim3A_2284 = vector.broadcast %broadcast_in_dim3A_2283 : i32 to vector<16xi32>
      %get3A_2285 = arith.constant 62 : i32
      %get3A_2286 = arith.index_cast %get3A_2285 : i32 to index
      %get3A_2287 = arith.constant 0 : index
      %get3A_2288 = tpu.vector_load %arg7[%get3A_2286, %get3A_2287] {strides = array<i32>} : memref<128x32xf32, #tpu.memory_space<vmem>>, vector<16xf32>,
      %get3A_2289 = arith.constant 62 : i32
      %get3A_2290 = arith.index_cast %get3A_2289 : i32 to index
      %get3A_2291 = arith.constant 16 : index
      %get3A_2292 = tpu.vector_load %arg7[%get3A_2290, %get3A_2291] {strides = array<i32>} : memref<128x32xf32, #tpu.memory_space<vmem>>, vector<16xf32>,
      tpu.vector_store_idx %arg9[%shift_right_arithmetic3A_4, %and3A_6, %broadcast_in_dim3A_2284], %get3A_2288 : memref<4x8x129xf32, #tpu.memory_space<vmem>>[vector<16xi32>, vector<16xi32>, vector<16xi32>], vector<16xf32>,
      tpu.vector_store_idx %arg9[%shift_right_arithmetic3A_12, %and3A_18, %broadcast_in_dim3A_2284], %get3A_2292 : memref<4x8x129xf32, #tpu.memory_space<vmem>>[vector<16xi32>, vector<16xi32>, vector<16xi32>], vector<16xf32>,
      %broadcast_in_dim3A_2293 = arith.constant 63 : i32
      %broadcast_in_dim3A_2294 = vector.broadcast %broadcast_in_dim3A_2293 : i32 to vector<16xi32>
      %get3A_2295 = arith.constant 63 : i32
      %get3A_2296 = arith.index_cast %get3A_2295 : i32 to index
      %get3A_2297 = arith.constant 0 : index
      %get3A_2298 = tpu.vector_load %arg7[%get3A_2296, %get3A_2297] {strides = array<i32>} : memref<128x32xf32, #tpu.memory_space<vmem>>, vector<16xf32>,
      %get3A_2299 = arith.constant 63 : i32
      %get3A_2300 = arith.index_cast %get3A_2299 : i32 to index
      %get3A_2301 = arith.constant 16 : index
      %get3A_2302 = tpu.vector_load %arg7[%get3A_2300, %get3A_2301] {strides = array<i32>} : memref<128x32xf32, #tpu.memory_space<vmem>>, vector<16xf32>,
      tpu.vector_store_idx %arg9[%shift_right_arithmetic3A_4, %and3A_6, %broadcast_in_dim3A_2294], %get3A_2298 : memref<4x8x129xf32, #tpu.memory_space<vmem>>[vector<16xi32>, vector<16xi32>, vector<16xi32>], vector<16xf32>,
      tpu.vector_store_idx %arg9[%shift_right_arithmetic3A_12, %and3A_18, %broadcast_in_dim3A_2294], %get3A_2302 : memref<4x8x129xf32, #tpu.memory_space<vmem>>[vector<16xi32>, vector<16xi32>, vector<16xi32>], vector<16xf32>,
      %broadcast_in_dim3A_2303 = arith.constant 64 : i32
      %broadcast_in_dim3A_2304 = vector.broadcast %broadcast_in_dim3A_2303 : i32 to vector<16xi32>
      %get3A_2305 = arith.constant 64 : i32
      %get3A_2306 = arith.index_cast %get3A_2305 : i32 to index
      %get3A_2307 = arith.constant 0 : index
      %get3A_2308 = tpu.vector_load %arg7[%get3A_2306, %get3A_2307] {strides = array<i32>} : memref<128x32xf32, #tpu.memory_space<vmem>>, vector<16xf32>,
      %get3A_2309 = arith.constant 64 : i32
      %get3A_2310 = arith.index_cast %get3A_2309 : i32 to index
      %get3A_2311 = arith.constant 16 : index
      %get3A_2312 = tpu.vector_load %arg7[%get3A_2310, %get3A_2311] {strides = array<i32>} : memref<128x32xf32, #tpu.memory_space<vmem>>, vector<16xf32>,
      tpu.vector_store_idx %arg9[%shift_right_arithmetic3A_4, %and3A_6, %broadcast_in_dim3A_2304], %get3A_2308 : memref<4x8x129xf32, #tpu.memory_space<vmem>>[vector<16xi32>, vector<16xi32>, vector<16xi32>], vector<16xf32>,
      tpu.vector_store_idx %arg9[%shift_right_arithmetic3A_12, %and3A_18, %broadcast_in_dim3A_2304], %get3A_2312 : memref<4x8x129xf32, #tpu.memory_space<vmem>>[vector<16xi32>, vector<16xi32>, vector<16xi32>], vector<16xf32>,
      %broadcast_in_dim3A_2313 = arith.constant 65 : i32
      %broadcast_in_dim3A_2314 = vector.broadcast %broadcast_in_dim3A_2313 : i32 to vector<16xi32>
      %get3A_2315 = arith.constant 65 : i32
      %get3A_2316 = arith.index_cast %get3A_2315 : i32 to index
      %get3A_2317 = arith.constant 0 : index
      %get3A_2318 = tpu.vector_load %arg7[%get3A_2316, %get3A_2317] {strides = array<i32>} : memref<128x32xf32, #tpu.memory_space<vmem>>, vector<16xf32>,
      %get3A_2319 = arith.constant 65 : i32
      %get3A_2320 = arith.index_cast %get3A_2319 : i32 to index
      %get3A_2321 = arith.constant 16 : index
      %get3A_2322 = tpu.vector_load %arg7[%get3A_2320, %get3A_2321] {strides = array<i32>} : memref<128x32xf32, #tpu.memory_space<vmem>>, vector<16xf32>,
      tpu.vector_store_idx %arg9[%shift_right_arithmetic3A_4, %and3A_6, %broadcast_in_dim3A_2314], %get3A_2318 : memref<4x8x129xf32, #tpu.memory_space<vmem>>[vector<16xi32>, vector<16xi32>, vector<16xi32>], vector<16xf32>,
      tpu.vector_store_idx %arg9[%shift_right_arithmetic3A_12, %and3A_18, %broadcast_in_dim3A_2314], %get3A_2322 : memref<4x8x129xf32, #tpu.memory_space<vmem>>[vector<16xi32>, vector<16xi32>, vector<16xi32>], vector<16xf32>,
      %broadcast_in_dim3A_2323 = arith.constant 66 : i32
      %broadcast_in_dim3A_2324 = vector.broadcast %broadcast_in_dim3A_2323 : i32 to vector<16xi32>
      %get3A_2325 = arith.constant 66 : i32
      %get3A_2326 = arith.index_cast %get3A_2325 : i32 to index
      %get3A_2327 = arith.constant 0 : index
      %get3A_2328 = tpu.vector_load %arg7[%get3A_2326, %get3A_2327] {strides = array<i32>} : memref<128x32xf32, #tpu.memory_space<vmem>>, vector<16xf32>,
      %get3A_2329 = arith.constant 66 : i32
      %get3A_2330 = arith.index_cast %get3A_2329 : i32 to index
      %get3A_2331 = arith.constant 16 : index
      %get3A_2332 = tpu.vector_load %arg7[%get3A_2330, %get3A_2331] {strides = array<i32>} : memref<128x32xf32, #tpu.memory_space<vmem>>, vector<16xf32>,
      tpu.vector_store_idx %arg9[%shift_right_arithmetic3A_4, %and3A_6, %broadcast_in_dim3A_2324], %get3A_2328 : memref<4x8x129xf32, #tpu.memory_space<vmem>>[vector<16xi32>, vector<16xi32>, vector<16xi32>], vector<16xf32>,
      tpu.vector_store_idx %arg9[%shift_right_arithmetic3A_12, %and3A_18, %broadcast_in_dim3A_2324], %get3A_2332 : memref<4x8x129xf32, #tpu.memory_space<vmem>>[vector<16xi32>, vector<16xi32>, vector<16xi32>], vector<16xf32>,
      %broadcast_in_dim3A_2333 = arith.constant 67 : i32
      %broadcast_in_dim3A_2334 = vector.broadcast %broadcast_in_dim3A_2333 : i32 to vector<16xi32>
      %get3A_2335 = arith.constant 67 : i32
      %get3A_2336 = arith.index_cast %get3A_2335 : i32 to index
      %get3A_2337 = arith.constant 0 : index
      %get3A_2338 = tpu.vector_load %arg7[%get3A_2336, %get3A_2337] {strides = array<i32>} : memref<128x32xf32, #tpu.memory_space<vmem>>, vector<16xf32>,
      %get3A_2339 = arith.constant 67 : i32
      %get3A_2340 = arith.index_cast %get3A_2339 : i32 to index
      %get3A_2341 = arith.constant 16 : index
      %get3A_2342 = tpu.vector_load %arg7[%get3A_2340, %get3A_2341] {strides = array<i32>} : memref<128x32xf32, #tpu.memory_space<vmem>>, vector<16xf32>,
      tpu.vector_store_idx %arg9[%shift_right_arithmetic3A_4, %and3A_6, %broadcast_in_dim3A_2334], %get3A_2338 : memref<4x8x129xf32, #tpu.memory_space<vmem>>[vector<16xi32>, vector<16xi32>, vector<16xi32>], vector<16xf32>,
      tpu.vector_store_idx %arg9[%shift_right_arithmetic3A_12, %and3A_18, %broadcast_in_dim3A_2334], %get3A_2342 : memref<4x8x129xf32, #tpu.memory_space<vmem>>[vector<16xi32>, vector<16xi32>, vector<16xi32>], vector<16xf32>,
      %broadcast_in_dim3A_2343 = arith.constant 68 : i32
      %broadcast_in_dim3A_2344 = vector.broadcast %broadcast_in_dim3A_2343 : i32 to vector<16xi32>
      %get3A_2345 = arith.constant 68 : i32
      %get3A_2346 = arith.index_cast %get3A_2345 : i32 to index
      %get3A_2347 = arith.constant 0 : index
      %get3A_2348 = tpu.vector_load %arg7[%get3A_2346, %get3A_2347] {strides = array<i32>} : memref<128x32xf32, #tpu.memory_space<vmem>>, vector<16xf32>,
      %get3A_2349 = arith.constant 68 : i32
      %get3A_2350 = arith.index_cast %get3A_2349 : i32 to index
      %get3A_2351 = arith.constant 16 : index
      %get3A_2352 = tpu.vector_load %arg7[%get3A_2350, %get3A_2351] {strides = array<i32>} : memref<128x32xf32, #tpu.memory_space<vmem>>, vector<16xf32>,
      tpu.vector_store_idx %arg9[%shift_right_arithmetic3A_4, %and3A_6, %broadcast_in_dim3A_2344], %get3A_2348 : memref<4x8x129xf32, #tpu.memory_space<vmem>>[vector<16xi32>, vector<16xi32>, vector<16xi32>], vector<16xf32>,
      tpu.vector_store_idx %arg9[%shift_right_arithmetic3A_12, %and3A_18, %broadcast_in_dim3A_2344], %get3A_2352 : memref<4x8x129xf32, #tpu.memory_space<vmem>>[vector<16xi32>, vector<16xi32>, vector<16xi32>], vector<16xf32>,
      %broadcast_in_dim3A_2353 = arith.constant 69 : i32
      %broadcast_in_dim3A_2354 = vector.broadcast %broadcast_in_dim3A_2353 : i32 to vector<16xi32>
      %get3A_2355 = arith.constant 69 : i32
      %get3A_2356 = arith.index_cast %get3A_2355 : i32 to index
      %get3A_2357 = arith.constant 0 : index
      %get3A_2358 = tpu.vector_load %arg7[%get3A_2356, %get3A_2357] {strides = array<i32>} : memref<128x32xf32, #tpu.memory_space<vmem>>, vector<16xf32>,
      %get3A_2359 = arith.constant 69 : i32
      %get3A_2360 = arith.index_cast %get3A_2359 : i32 to index
      %get3A_2361 = arith.constant 16 : index
      %get3A_2362 = tpu.vector_load %arg7[%get3A_2360, %get3A_2361] {strides = array<i32>} : memref<128x32xf32, #tpu.memory_space<vmem>>, vector<16xf32>,
      tpu.vector_store_idx %arg9[%shift_right_arithmetic3A_4, %and3A_6, %broadcast_in_dim3A_2354], %get3A_2358 : memref<4x8x129xf32, #tpu.memory_space<vmem>>[vector<16xi32>, vector<16xi32>, vector<16xi32>], vector<16xf32>,
      tpu.vector_store_idx %arg9[%shift_right_arithmetic3A_12, %and3A_18, %broadcast_in_dim3A_2354], %get3A_2362 : memref<4x8x129xf32, #tpu.memory_space<vmem>>[vector<16xi32>, vector<16xi32>, vector<16xi32>], vector<16xf32>,
      %broadcast_in_dim3A_2363 = arith.constant 70 : i32
      %broadcast_in_dim3A_2364 = vector.broadcast %broadcast_in_dim3A_2363 : i32 to vector<16xi32>
      %get3A_2365 = arith.constant 70 : i32
      %get3A_2366 = arith.index_cast %get3A_2365 : i32 to index
      %get3A_2367 = arith.constant 0 : index
      %get3A_2368 = tpu.vector_load %arg7[%get3A_2366, %get3A_2367] {strides = array<i32>} : memref<128x32xf32, #tpu.memory_space<vmem>>, vector<16xf32>,
      %get3A_2369 = arith.constant 70 : i32
      %get3A_2370 = arith.index_cast %get3A_2369 : i32 to index
      %get3A_2371 = arith.constant 16 : index
      %get3A_2372 = tpu.vector_load %arg7[%get3A_2370, %get3A_2371] {strides = array<i32>} : memref<128x32xf32, #tpu.memory_space<vmem>>, vector<16xf32>,
      tpu.vector_store_idx %arg9[%shift_right_arithmetic3A_4, %and3A_6, %broadcast_in_dim3A_2364], %get3A_2368 : memref<4x8x129xf32, #tpu.memory_space<vmem>>[vector<16xi32>, vector<16xi32>, vector<16xi32>], vector<16xf32>,
      tpu.vector_store_idx %arg9[%shift_right_arithmetic3A_12, %and3A_18, %broadcast_in_dim3A_2364], %get3A_2372 : memref<4x8x129xf32, #tpu.memory_space<vmem>>[vector<16xi32>, vector<16xi32>, vector<16xi32>], vector<16xf32>,
      %broadcast_in_dim3A_2373 = arith.constant 71 : i32
      %broadcast_in_dim3A_2374 = vector.broadcast %broadcast_in_dim3A_2373 : i32 to vector<16xi32>
      %get3A_2375 = arith.constant 71 : i32
      %get3A_2376 = arith.index_cast %get3A_2375 : i32 to index
      %get3A_2377 = arith.constant 0 : index
      %get3A_2378 = tpu.vector_load %arg7[%get3A_2376, %get3A_2377] {strides = array<i32>} : memref<128x32xf32, #tpu.memory_space<vmem>>, vector<16xf32>,
      %get3A_2379 = arith.constant 71 : i32
      %get3A_2380 = arith.index_cast %get3A_2379 : i32 to index
      %get3A_2381 = arith.constant 16 : index
      %get3A_2382 = tpu.vector_load %arg7[%get3A_2380, %get3A_2381] {strides = array<i32>} : memref<128x32xf32, #tpu.memory_space<vmem>>, vector<16xf32>,
      tpu.vector_store_idx %arg9[%shift_right_arithmetic3A_4, %and3A_6, %broadcast_in_dim3A_2374], %get3A_2378 : memref<4x8x129xf32, #tpu.memory_space<vmem>>[vector<16xi32>, vector<16xi32>, vector<16xi32>], vector<16xf32>,
      tpu.vector_store_idx %arg9[%shift_right_arithmetic3A_12, %and3A_18, %broadcast_in_dim3A_2374], %get3A_2382 : memref<4x8x129xf32, #tpu.memory_space<vmem>>[vector<16xi32>, vector<16xi32>, vector<16xi32>], vector<16xf32>,
      %broadcast_in_dim3A_2383 = arith.constant 72 : i32
      %broadcast_in_dim3A_2384 = vector.broadcast %broadcast_in_dim3A_2383 : i32 to vector<16xi32>
      %get3A_2385 = arith.constant 72 : i32
      %get3A_2386 = arith.index_cast %get3A_2385 : i32 to index
      %get3A_2387 = arith.constant 0 : index
      %get3A_2388 = tpu.vector_load %arg7[%get3A_2386, %get3A_2387] {strides = array<i32>} : memref<128x32xf32, #tpu.memory_space<vmem>>, vector<16xf32>,
      %get3A_2389 = arith.constant 72 : i32
      %get3A_2390 = arith.index_cast %get3A_2389 : i32 to index
      %get3A_2391 = arith.constant 16 : index
      %get3A_2392 = tpu.vector_load %arg7[%get3A_2390, %get3A_2391] {strides = array<i32>} : memref<128x32xf32, #tpu.memory_space<vmem>>, vector<16xf32>,
      tpu.vector_store_idx %arg9[%shift_right_arithmetic3A_4, %and3A_6, %broadcast_in_dim3A_2384], %get3A_2388 : memref<4x8x129xf32, #tpu.memory_space<vmem>>[vector<16xi32>, vector<16xi32>, vector<16xi32>], vector<16xf32>,
      tpu.vector_store_idx %arg9[%shift_right_arithmetic3A_12, %and3A_18, %broadcast_in_dim3A_2384], %get3A_2392 : memref<4x8x129xf32, #tpu.memory_space<vmem>>[vector<16xi32>, vector<16xi32>, vector<16xi32>], vector<16xf32>,
      %broadcast_in_dim3A_2393 = arith.constant 73 : i32
      %broadcast_in_dim3A_2394 = vector.broadcast %broadcast_in_dim3A_2393 : i32 to vector<16xi32>
      %get3A_2395 = arith.constant 73 : i32
      %get3A_2396 = arith.index_cast %get3A_2395 : i32 to index
      %get3A_2397 = arith.constant 0 : index
      %get3A_2398 = tpu.vector_load %arg7[%get3A_2396, %get3A_2397] {strides = array<i32>} : memref<128x32xf32, #tpu.memory_space<vmem>>, vector<16xf32>,
      %get3A_2399 = arith.constant 73 : i32
      %get3A_2400 = arith.index_cast %get3A_2399 : i32 to index
      %get3A_2401 = arith.constant 16 : index
      %get3A_2402 = tpu.vector_load %arg7[%get3A_2400, %get3A_2401] {strides = array<i32>} : memref<128x32xf32, #tpu.memory_space<vmem>>, vector<16xf32>,
      tpu.vector_store_idx %arg9[%shift_right_arithmetic3A_4, %and3A_6, %broadcast_in_dim3A_2394], %get3A_2398 : memref<4x8x129xf32, #tpu.memory_space<vmem>>[vector<16xi32>, vector<16xi32>, vector<16xi32>], vector<16xf32>,
      tpu.vector_store_idx %arg9[%shift_right_arithmetic3A_12, %and3A_18, %broadcast_in_dim3A_2394], %get3A_2402 : memref<4x8x129xf32, #tpu.memory_space<vmem>>[vector<16xi32>, vector<16xi32>, vector<16xi32>], vector<16xf32>,
      %broadcast_in_dim3A_2403 = arith.constant 74 : i32
      %broadcast_in_dim3A_2404 = vector.broadcast %broadcast_in_dim3A_2403 : i32 to vector<16xi32>
      %get3A_2405 = arith.constant 74 : i32
      %get3A_2406 = arith.index_cast %get3A_2405 : i32 to index
      %get3A_2407 = arith.constant 0 : index
      %get3A_2408 = tpu.vector_load %arg7[%get3A_2406, %get3A_2407] {strides = array<i32>} : memref<128x32xf32, #tpu.memory_space<vmem>>, vector<16xf32>,
      %get3A_2409 = arith.constant 74 : i32
      %get3A_2410 = arith.index_cast %get3A_2409 : i32 to index
      %get3A_2411 = arith.constant 16 : index
      %get3A_2412 = tpu.vector_load %arg7[%get3A_2410, %get3A_2411] {strides = array<i32>} : memref<128x32xf32, #tpu.memory_space<vmem>>, vector<16xf32>,
      tpu.vector_store_idx %arg9[%shift_right_arithmetic3A_4, %and3A_6, %broadcast_in_dim3A_2404], %get3A_2408 : memref<4x8x129xf32, #tpu.memory_space<vmem>>[vector<16xi32>, vector<16xi32>, vector<16xi32>], vector<16xf32>,
      tpu.vector_store_idx %arg9[%shift_right_arithmetic3A_12, %and3A_18, %broadcast_in_dim3A_2404], %get3A_2412 : memref<4x8x129xf32, #tpu.memory_space<vmem>>[vector<16xi32>, vector<16xi32>, vector<16xi32>], vector<16xf32>,
      %broadcast_in_dim3A_2413 = arith.constant 75 : i32
      %broadcast_in_dim3A_2414 = vector.broadcast %broadcast_in_dim3A_2413 : i32 to vector<16xi32>
      %get3A_2415 = arith.constant 75 : i32
      %get3A_2416 = arith.index_cast %get3A_2415 : i32 to index
      %get3A_2417 = arith.constant 0 : index
      %get3A_2418 = tpu.vector_load %arg7[%get3A_2416, %get3A_2417] {strides = array<i32>} : memref<128x32xf32, #tpu.memory_space<vmem>>, vector<16xf32>,
      %get3A_2419 = arith.constant 75 : i32
      %get3A_2420 = arith.index_cast %get3A_2419 : i32 to index
      %get3A_2421 = arith.constant 16 : index
      %get3A_2422 = tpu.vector_load %arg7[%get3A_2420, %get3A_2421] {strides = array<i32>} : memref<128x32xf32, #tpu.memory_space<vmem>>, vector<16xf32>,
      tpu.vector_store_idx %arg9[%shift_right_arithmetic3A_4, %and3A_6, %broadcast_in_dim3A_2414], %get3A_2418 : memref<4x8x129xf32, #tpu.memory_space<vmem>>[vector<16xi32>, vector<16xi32>, vector<16xi32>], vector<16xf32>,
      tpu.vector_store_idx %arg9[%shift_right_arithmetic3A_12, %and3A_18, %broadcast_in_dim3A_2414], %get3A_2422 : memref<4x8x129xf32, #tpu.memory_space<vmem>>[vector<16xi32>, vector<16xi32>, vector<16xi32>], vector<16xf32>,
      %broadcast_in_dim3A_2423 = arith.constant 76 : i32
      %broadcast_in_dim3A_2424 = vector.broadcast %broadcast_in_dim3A_2423 : i32 to vector<16xi32>
      %get3A_2425 = arith.constant 76 : i32
      %get3A_2426 = arith.index_cast %get3A_2425 : i32 to index
      %get3A_2427 = arith.constant 0 : index
      %get3A_2428 = tpu.vector_load %arg7[%get3A_2426, %get3A_2427] {strides = array<i32>} : memref<128x32xf32, #tpu.memory_space<vmem>>, vector<16xf32>,
      %get3A_2429 = arith.constant 76 : i32
      %get3A_2430 = arith.index_cast %get3A_2429 : i32 to index
      %get3A_2431 = arith.constant 16 : index
      %get3A_2432 = tpu.vector_load %arg7[%get3A_2430, %get3A_2431] {strides = array<i32>} : memref<128x32xf32, #tpu.memory_space<vmem>>, vector<16xf32>,
      tpu.vector_store_idx %arg9[%shift_right_arithmetic3A_4, %and3A_6, %broadcast_in_dim3A_2424], %get3A_2428 : memref<4x8x129xf32, #tpu.memory_space<vmem>>[vector<16xi32>, vector<16xi32>, vector<16xi32>], vector<16xf32>,
      tpu.vector_store_idx %arg9[%shift_right_arithmetic3A_12, %and3A_18, %broadcast_in_dim3A_2424], %get3A_2432 : memref<4x8x129xf32, #tpu.memory_space<vmem>>[vector<16xi32>, vector<16xi32>, vector<16xi32>], vector<16xf32>,
      %broadcast_in_dim3A_2433 = arith.constant 77 : i32
      %broadcast_in_dim3A_2434 = vector.broadcast %broadcast_in_dim3A_2433 : i32 to vector<16xi32>
      %get3A_2435 = arith.constant 77 : i32
      %get3A_2436 = arith.index_cast %get3A_2435 : i32 to index
      %get3A_2437 = arith.constant 0 : index
      %get3A_2438 = tpu.vector_load %arg7[%get3A_2436, %get3A_2437] {strides = array<i32>} : memref<128x32xf32, #tpu.memory_space<vmem>>, vector<16xf32>,
      %get3A_2439 = arith.constant 77 : i32
      %get3A_2440 = arith.index_cast %get3A_2439 : i32 to index
      %get3A_2441 = arith.constant 16 : index
      %get3A_2442 = tpu.vector_load %arg7[%get3A_2440, %get3A_2441] {strides = array<i32>} : memref<128x32xf32, #tpu.memory_space<vmem>>, vector<16xf32>,
      tpu.vector_store_idx %arg9[%shift_right_arithmetic3A_4, %and3A_6, %broadcast_in_dim3A_2434], %get3A_2438 : memref<4x8x129xf32, #tpu.memory_space<vmem>>[vector<16xi32>, vector<16xi32>, vector<16xi32>], vector<16xf32>,
      tpu.vector_store_idx %arg9[%shift_right_arithmetic3A_12, %and3A_18, %broadcast_in_dim3A_2434], %get3A_2442 : memref<4x8x129xf32, #tpu.memory_space<vmem>>[vector<16xi32>, vector<16xi32>, vector<16xi32>], vector<16xf32>,
      %broadcast_in_dim3A_2443 = arith.constant 78 : i32
      %broadcast_in_dim3A_2444 = vector.broadcast %broadcast_in_dim3A_2443 : i32 to vector<16xi32>
      %get3A_2445 = arith.constant 78 : i32
      %get3A_2446 = arith.index_cast %get3A_2445 : i32 to index
      %get3A_2447 = arith.constant 0 : index
      %get3A_2448 = tpu.vector_load %arg7[%get3A_2446, %get3A_2447] {strides = array<i32>} : memref<128x32xf32, #tpu.memory_space<vmem>>, vector<16xf32>,
      %get3A_2449 = arith.constant 78 : i32
      %get3A_2450 = arith.index_cast %get3A_2449 : i32 to index
      %get3A_2451 = arith.constant 16 : index
      %get3A_2452 = tpu.vector_load %arg7[%get3A_2450, %get3A_2451] {strides = array<i32>} : memref<128x32xf32, #tpu.memory_space<vmem>>, vector<16xf32>,
      tpu.vector_store_idx %arg9[%shift_right_arithmetic3A_4, %and3A_6, %broadcast_in_dim3A_2444], %get3A_2448 : memref<4x8x129xf32, #tpu.memory_space<vmem>>[vector<16xi32>, vector<16xi32>, vector<16xi32>], vector<16xf32>,
      tpu.vector_store_idx %arg9[%shift_right_arithmetic3A_12, %and3A_18, %broadcast_in_dim3A_2444], %get3A_2452 : memref<4x8x129xf32, #tpu.memory_space<vmem>>[vector<16xi32>, vector<16xi32>, vector<16xi32>], vector<16xf32>,
      %broadcast_in_dim3A_2453 = arith.constant 79 : i32
      %broadcast_in_dim3A_2454 = vector.broadcast %broadcast_in_dim3A_2453 : i32 to vector<16xi32>
      %get3A_2455 = arith.constant 79 : i32
      %get3A_2456 = arith.index_cast %get3A_2455 : i32 to index
      %get3A_2457 = arith.constant 0 : index
      %get3A_2458 = tpu.vector_load %arg7[%get3A_2456, %get3A_2457] {strides = array<i32>} : memref<128x32xf32, #tpu.memory_space<vmem>>, vector<16xf32>,
      %get3A_2459 = arith.constant 79 : i32
      %get3A_2460 = arith.index_cast %get3A_2459 : i32 to index
      %get3A_2461 = arith.constant 16 : index
      %get3A_2462 = tpu.vector_load %arg7[%get3A_2460, %get3A_2461] {strides = array<i32>} : memref<128x32xf32, #tpu.memory_space<vmem>>, vector<16xf32>,
      tpu.vector_store_idx %arg9[%shift_right_arithmetic3A_4, %and3A_6, %broadcast_in_dim3A_2454], %get3A_2458 : memref<4x8x129xf32, #tpu.memory_space<vmem>>[vector<16xi32>, vector<16xi32>, vector<16xi32>], vector<16xf32>,
      tpu.vector_store_idx %arg9[%shift_right_arithmetic3A_12, %and3A_18, %broadcast_in_dim3A_2454], %get3A_2462 : memref<4x8x129xf32, #tpu.memory_space<vmem>>[vector<16xi32>, vector<16xi32>, vector<16xi32>], vector<16xf32>,
      %broadcast_in_dim3A_2463 = arith.constant 80 : i32
      %broadcast_in_dim3A_2464 = vector.broadcast %broadcast_in_dim3A_2463 : i32 to vector<16xi32>
      %get3A_2465 = arith.constant 80 : i32
      %get3A_2466 = arith.index_cast %get3A_2465 : i32 to index
      %get3A_2467 = arith.constant 0 : index
      %get3A_2468 = tpu.vector_load %arg7[%get3A_2466, %get3A_2467] {strides = array<i32>} : memref<128x32xf32, #tpu.memory_space<vmem>>, vector<16xf32>,
      %get3A_2469 = arith.constant 80 : i32
      %get3A_2470 = arith.index_cast %get3A_2469 : i32 to index
      %get3A_2471 = arith.constant 16 : index
      %get3A_2472 = tpu.vector_load %arg7[%get3A_2470, %get3A_2471] {strides = array<i32>} : memref<128x32xf32, #tpu.memory_space<vmem>>, vector<16xf32>,
      tpu.vector_store_idx %arg9[%shift_right_arithmetic3A_4, %and3A_6, %broadcast_in_dim3A_2464], %get3A_2468 : memref<4x8x129xf32, #tpu.memory_space<vmem>>[vector<16xi32>, vector<16xi32>, vector<16xi32>], vector<16xf32>,
      tpu.vector_store_idx %arg9[%shift_right_arithmetic3A_12, %and3A_18, %broadcast_in_dim3A_2464], %get3A_2472 : memref<4x8x129xf32, #tpu.memory_space<vmem>>[vector<16xi32>, vector<16xi32>, vector<16xi32>], vector<16xf32>,
      %broadcast_in_dim3A_2473 = arith.constant 81 : i32
      %broadcast_in_dim3A_2474 = vector.broadcast %broadcast_in_dim3A_2473 : i32 to vector<16xi32>
      %get3A_2475 = arith.constant 81 : i32
      %get3A_2476 = arith.index_cast %get3A_2475 : i32 to index
      %get3A_2477 = arith.constant 0 : index
      %get3A_2478 = tpu.vector_load %arg7[%get3A_2476, %get3A_2477] {strides = array<i32>} : memref<128x32xf32, #tpu.memory_space<vmem>>, vector<16xf32>,
      %get3A_2479 = arith.constant 81 : i32
      %get3A_2480 = arith.index_cast %get3A_2479 : i32 to index
      %get3A_2481 = arith.constant 16 : index
      %get3A_2482 = tpu.vector_load %arg7[%get3A_2480, %get3A_2481] {strides = array<i32>} : memref<128x32xf32, #tpu.memory_space<vmem>>, vector<16xf32>,
      tpu.vector_store_idx %arg9[%shift_right_arithmetic3A_4, %and3A_6, %broadcast_in_dim3A_2474], %get3A_2478 : memref<4x8x129xf32, #tpu.memory_space<vmem>>[vector<16xi32>, vector<16xi32>, vector<16xi32>], vector<16xf32>,
      tpu.vector_store_idx %arg9[%shift_right_arithmetic3A_12, %and3A_18, %broadcast_in_dim3A_2474], %get3A_2482 : memref<4x8x129xf32, #tpu.memory_space<vmem>>[vector<16xi32>, vector<16xi32>, vector<16xi32>], vector<16xf32>,
      %broadcast_in_dim3A_2483 = arith.constant 82 : i32
      %broadcast_in_dim3A_2484 = vector.broadcast %broadcast_in_dim3A_2483 : i32 to vector<16xi32>
      %get3A_2485 = arith.constant 82 : i32
      %get3A_2486 = arith.index_cast %get3A_2485 : i32 to index
      %get3A_2487 = arith.constant 0 : index
      %get3A_2488 = tpu.vector_load %arg7[%get3A_2486, %get3A_2487] {strides = array<i32>} : memref<128x32xf32, #tpu.memory_space<vmem>>, vector<16xf32>,
      %get3A_2489 = arith.constant 82 : i32
      %get3A_2490 = arith.index_cast %get3A_2489 : i32 to index
      %get3A_2491 = arith.constant 16 : index
      %get3A_2492 = tpu.vector_load %arg7[%get3A_2490, %get3A_2491] {strides = array<i32>} : memref<128x32xf32, #tpu.memory_space<vmem>>, vector<16xf32>,
      tpu.vector_store_idx %arg9[%shift_right_arithmetic3A_4, %and3A_6, %broadcast_in_dim3A_2484], %get3A_2488 : memref<4x8x129xf32, #tpu.memory_space<vmem>>[vector<16xi32>, vector<16xi32>, vector<16xi32>], vector<16xf32>,
      tpu.vector_store_idx %arg9[%shift_right_arithmetic3A_12, %and3A_18, %broadcast_in_dim3A_2484], %get3A_2492 : memref<4x8x129xf32, #tpu.memory_space<vmem>>[vector<16xi32>, vector<16xi32>, vector<16xi32>], vector<16xf32>,
      %broadcast_in_dim3A_2493 = arith.constant 83 : i32
      %broadcast_in_dim3A_2494 = vector.broadcast %broadcast_in_dim3A_2493 : i32 to vector<16xi32>
      %get3A_2495 = arith.constant 83 : i32
      %get3A_2496 = arith.index_cast %get3A_2495 : i32 to index
      %get3A_2497 = arith.constant 0 : index
      %get3A_2498 = tpu.vector_load %arg7[%get3A_2496, %get3A_2497] {strides = array<i32>} : memref<128x32xf32, #tpu.memory_space<vmem>>, vector<16xf32>,
      %get3A_2499 = arith.constant 83 : i32
      %get3A_2500 = arith.index_cast %get3A_2499 : i32 to index
      %get3A_2501 = arith.constant 16 : index
      %get3A_2502 = tpu.vector_load %arg7[%get3A_2500, %get3A_2501] {strides = array<i32>} : memref<128x32xf32, #tpu.memory_space<vmem>>, vector<16xf32>,
      tpu.vector_store_idx %arg9[%shift_right_arithmetic3A_4, %and3A_6, %broadcast_in_dim3A_2494], %get3A_2498 : memref<4x8x129xf32, #tpu.memory_space<vmem>>[vector<16xi32>, vector<16xi32>, vector<16xi32>], vector<16xf32>,
      tpu.vector_store_idx %arg9[%shift_right_arithmetic3A_12, %and3A_18, %broadcast_in_dim3A_2494], %get3A_2502 : memref<4x8x129xf32, #tpu.memory_space<vmem>>[vector<16xi32>, vector<16xi32>, vector<16xi32>], vector<16xf32>,
      %broadcast_in_dim3A_2503 = arith.constant 84 : i32
      %broadcast_in_dim3A_2504 = vector.broadcast %broadcast_in_dim3A_2503 : i32 to vector<16xi32>
      %get3A_2505 = arith.constant 84 : i32
      %get3A_2506 = arith.index_cast %get3A_2505 : i32 to index
      %get3A_2507 = arith.constant 0 : index
      %get3A_2508 = tpu.vector_load %arg7[%get3A_2506, %get3A_2507] {strides = array<i32>} : memref<128x32xf32, #tpu.memory_space<vmem>>, vector<16xf32>,
      %get3A_2509 = arith.constant 84 : i32
      %get3A_2510 = arith.index_cast %get3A_2509 : i32 to index
      %get3A_2511 = arith.constant 16 : index
      %get3A_2512 = tpu.vector_load %arg7[%get3A_2510, %get3A_2511] {strides = array<i32>} : memref<128x32xf32, #tpu.memory_space<vmem>>, vector<16xf32>,
      tpu.vector_store_idx %arg9[%shift_right_arithmetic3A_4, %and3A_6, %broadcast_in_dim3A_2504], %get3A_2508 : memref<4x8x129xf32, #tpu.memory_space<vmem>>[vector<16xi32>, vector<16xi32>, vector<16xi32>], vector<16xf32>,
      tpu.vector_store_idx %arg9[%shift_right_arithmetic3A_12, %and3A_18, %broadcast_in_dim3A_2504], %get3A_2512 : memref<4x8x129xf32, #tpu.memory_space<vmem>>[vector<16xi32>, vector<16xi32>, vector<16xi32>], vector<16xf32>,
      %broadcast_in_dim3A_2513 = arith.constant 85 : i32
      %broadcast_in_dim3A_2514 = vector.broadcast %broadcast_in_dim3A_2513 : i32 to vector<16xi32>
      %get3A_2515 = arith.constant 85 : i32
      %get3A_2516 = arith.index_cast %get3A_2515 : i32 to index
      %get3A_2517 = arith.constant 0 : index
      %get3A_2518 = tpu.vector_load %arg7[%get3A_2516, %get3A_2517] {strides = array<i32>} : memref<128x32xf32, #tpu.memory_space<vmem>>, vector<16xf32>,
      %get3A_2519 = arith.constant 85 : i32
      %get3A_2520 = arith.index_cast %get3A_2519 : i32 to index
      %get3A_2521 = arith.constant 16 : index
      %get3A_2522 = tpu.vector_load %arg7[%get3A_2520, %get3A_2521] {strides = array<i32>} : memref<128x32xf32, #tpu.memory_space<vmem>>, vector<16xf32>,
      tpu.vector_store_idx %arg9[%shift_right_arithmetic3A_4, %and3A_6, %broadcast_in_dim3A_2514], %get3A_2518 : memref<4x8x129xf32, #tpu.memory_space<vmem>>[vector<16xi32>, vector<16xi32>, vector<16xi32>], vector<16xf32>,
      tpu.vector_store_idx %arg9[%shift_right_arithmetic3A_12, %and3A_18, %broadcast_in_dim3A_2514], %get3A_2522 : memref<4x8x129xf32, #tpu.memory_space<vmem>>[vector<16xi32>, vector<16xi32>, vector<16xi32>], vector<16xf32>,
      %broadcast_in_dim3A_2523 = arith.constant 86 : i32
      %broadcast_in_dim3A_2524 = vector.broadcast %broadcast_in_dim3A_2523 : i32 to vector<16xi32>
      %get3A_2525 = arith.constant 86 : i32
      %get3A_2526 = arith.index_cast %get3A_2525 : i32 to index
      %get3A_2527 = arith.constant 0 : index
      %get3A_2528 = tpu.vector_load %arg7[%get3A_2526, %get3A_2527] {strides = array<i32>} : memref<128x32xf32, #tpu.memory_space<vmem>>, vector<16xf32>,
      %get3A_2529 = arith.constant 86 : i32
      %get3A_2530 = arith.index_cast %get3A_2529 : i32 to index
      %get3A_2531 = arith.constant 16 : index
      %get3A_2532 = tpu.vector_load %arg7[%get3A_2530, %get3A_2531] {strides = array<i32>} : memref<128x32xf32, #tpu.memory_space<vmem>>, vector<16xf32>,
      tpu.vector_store_idx %arg9[%shift_right_arithmetic3A_4, %and3A_6, %broadcast_in_dim3A_2524], %get3A_2528 : memref<4x8x129xf32, #tpu.memory_space<vmem>>[vector<16xi32>, vector<16xi32>, vector<16xi32>], vector<16xf32>,
      tpu.vector_store_idx %arg9[%shift_right_arithmetic3A_12, %and3A_18, %broadcast_in_dim3A_2524], %get3A_2532 : memref<4x8x129xf32, #tpu.memory_space<vmem>>[vector<16xi32>, vector<16xi32>, vector<16xi32>], vector<16xf32>,
      %broadcast_in_dim3A_2533 = arith.constant 87 : i32
      %broadcast_in_dim3A_2534 = vector.broadcast %broadcast_in_dim3A_2533 : i32 to vector<16xi32>
      %get3A_2535 = arith.constant 87 : i32
      %get3A_2536 = arith.index_cast %get3A_2535 : i32 to index
      %get3A_2537 = arith.constant 0 : index
      %get3A_2538 = tpu.vector_load %arg7[%get3A_2536, %get3A_2537] {strides = array<i32>} : memref<128x32xf32, #tpu.memory_space<vmem>>, vector<16xf32>,
      %get3A_2539 = arith.constant 87 : i32
      %get3A_2540 = arith.index_cast %get3A_2539 : i32 to index
      %get3A_2541 = arith.constant 16 : index
      %get3A_2542 = tpu.vector_load %arg7[%get3A_2540, %get3A_2541] {strides = array<i32>} : memref<128x32xf32, #tpu.memory_space<vmem>>, vector<16xf32>,
      tpu.vector_store_idx %arg9[%shift_right_arithmetic3A_4, %and3A_6, %broadcast_in_dim3A_2534], %get3A_2538 : memref<4x8x129xf32, #tpu.memory_space<vmem>>[vector<16xi32>, vector<16xi32>, vector<16xi32>], vector<16xf32>,
      tpu.vector_store_idx %arg9[%shift_right_arithmetic3A_12, %and3A_18, %broadcast_in_dim3A_2534], %get3A_2542 : memref<4x8x129xf32, #tpu.memory_space<vmem>>[vector<16xi32>, vector<16xi32>, vector<16xi32>], vector<16xf32>,
      %broadcast_in_dim3A_2543 = arith.constant 88 : i32
      %broadcast_in_dim3A_2544 = vector.broadcast %broadcast_in_dim3A_2543 : i32 to vector<16xi32>
      %get3A_2545 = arith.constant 88 : i32
      %get3A_2546 = arith.index_cast %get3A_2545 : i32 to index
      %get3A_2547 = arith.constant 0 : index
      %get3A_2548 = tpu.vector_load %arg7[%get3A_2546, %get3A_2547] {strides = array<i32>} : memref<128x32xf32, #tpu.memory_space<vmem>>, vector<16xf32>,
      %get3A_2549 = arith.constant 88 : i32
      %get3A_2550 = arith.index_cast %get3A_2549 : i32 to index
      %get3A_2551 = arith.constant 16 : index
      %get3A_2552 = tpu.vector_load %arg7[%get3A_2550, %get3A_2551] {strides = array<i32>} : memref<128x32xf32, #tpu.memory_space<vmem>>, vector<16xf32>,
      tpu.vector_store_idx %arg9[%shift_right_arithmetic3A_4, %and3A_6, %broadcast_in_dim3A_2544], %get3A_2548 : memref<4x8x129xf32, #tpu.memory_space<vmem>>[vector<16xi32>, vector<16xi32>, vector<16xi32>], vector<16xf32>,
      tpu.vector_store_idx %arg9[%shift_right_arithmetic3A_12, %and3A_18, %broadcast_in_dim3A_2544], %get3A_2552 : memref<4x8x129xf32, #tpu.memory_space<vmem>>[vector<16xi32>, vector<16xi32>, vector<16xi32>], vector<16xf32>,
      %broadcast_in_dim3A_2553 = arith.constant 89 : i32
      %broadcast_in_dim3A_2554 = vector.broadcast %broadcast_in_dim3A_2553 : i32 to vector<16xi32>
      %get3A_2555 = arith.constant 89 : i32
      %get3A_2556 = arith.index_cast %get3A_2555 : i32 to index
      %get3A_2557 = arith.constant 0 : index
      %get3A_2558 = tpu.vector_load %arg7[%get3A_2556, %get3A_2557] {strides = array<i32>} : memref<128x32xf32, #tpu.memory_space<vmem>>, vector<16xf32>,
      %get3A_2559 = arith.constant 89 : i32
      %get3A_2560 = arith.index_cast %get3A_2559 : i32 to index
      %get3A_2561 = arith.constant 16 : index
      %get3A_2562 = tpu.vector_load %arg7[%get3A_2560, %get3A_2561] {strides = array<i32>} : memref<128x32xf32, #tpu.memory_space<vmem>>, vector<16xf32>,
      tpu.vector_store_idx %arg9[%shift_right_arithmetic3A_4, %and3A_6, %broadcast_in_dim3A_2554], %get3A_2558 : memref<4x8x129xf32, #tpu.memory_space<vmem>>[vector<16xi32>, vector<16xi32>, vector<16xi32>], vector<16xf32>,
      tpu.vector_store_idx %arg9[%shift_right_arithmetic3A_12, %and3A_18, %broadcast_in_dim3A_2554], %get3A_2562 : memref<4x8x129xf32, #tpu.memory_space<vmem>>[vector<16xi32>, vector<16xi32>, vector<16xi32>], vector<16xf32>,
      %broadcast_in_dim3A_2563 = arith.constant 90 : i32
      %broadcast_in_dim3A_2564 = vector.broadcast %broadcast_in_dim3A_2563 : i32 to vector<16xi32>
      %get3A_2565 = arith.constant 90 : i32
      %get3A_2566 = arith.index_cast %get3A_2565 : i32 to index
      %get3A_2567 = arith.constant 0 : index
      %get3A_2568 = tpu.vector_load %arg7[%get3A_2566, %get3A_2567] {strides = array<i32>} : memref<128x32xf32, #tpu.memory_space<vmem>>, vector<16xf32>,
      %get3A_2569 = arith.constant 90 : i32
      %get3A_2570 = arith.index_cast %get3A_2569 : i32 to index
      %get3A_2571 = arith.constant 16 : index
      %get3A_2572 = tpu.vector_load %arg7[%get3A_2570, %get3A_2571] {strides = array<i32>} : memref<128x32xf32, #tpu.memory_space<vmem>>, vector<16xf32>,
      tpu.vector_store_idx %arg9[%shift_right_arithmetic3A_4, %and3A_6, %broadcast_in_dim3A_2564], %get3A_2568 : memref<4x8x129xf32, #tpu.memory_space<vmem>>[vector<16xi32>, vector<16xi32>, vector<16xi32>], vector<16xf32>,
      tpu.vector_store_idx %arg9[%shift_right_arithmetic3A_12, %and3A_18, %broadcast_in_dim3A_2564], %get3A_2572 : memref<4x8x129xf32, #tpu.memory_space<vmem>>[vector<16xi32>, vector<16xi32>, vector<16xi32>], vector<16xf32>,
      %broadcast_in_dim3A_2573 = arith.constant 91 : i32
      %broadcast_in_dim3A_2574 = vector.broadcast %broadcast_in_dim3A_2573 : i32 to vector<16xi32>
      %get3A_2575 = arith.constant 91 : i32
      %get3A_2576 = arith.index_cast %get3A_2575 : i32 to index
      %get3A_2577 = arith.constant 0 : index
      %get3A_2578 = tpu.vector_load %arg7[%get3A_2576, %get3A_2577] {strides = array<i32>} : memref<128x32xf32, #tpu.memory_space<vmem>>, vector<16xf32>,
      %get3A_2579 = arith.constant 91 : i32
      %get3A_2580 = arith.index_cast %get3A_2579 : i32 to index
      %get3A_2581 = arith.constant 16 : index
      %get3A_2582 = tpu.vector_load %arg7[%get3A_2580, %get3A_2581] {strides = array<i32>} : memref<128x32xf32, #tpu.memory_space<vmem>>, vector<16xf32>,
      tpu.vector_store_idx %arg9[%shift_right_arithmetic3A_4, %and3A_6, %broadcast_in_dim3A_2574], %get3A_2578 : memref<4x8x129xf32, #tpu.memory_space<vmem>>[vector<16xi32>, vector<16xi32>, vector<16xi32>], vector<16xf32>,
      tpu.vector_store_idx %arg9[%shift_right_arithmetic3A_12, %and3A_18, %broadcast_in_dim3A_2574], %get3A_2582 : memref<4x8x129xf32, #tpu.memory_space<vmem>>[vector<16xi32>, vector<16xi32>, vector<16xi32>], vector<16xf32>,
      %broadcast_in_dim3A_2583 = arith.constant 92 : i32
      %broadcast_in_dim3A_2584 = vector.broadcast %broadcast_in_dim3A_2583 : i32 to vector<16xi32>
      %get3A_2585 = arith.constant 92 : i32
      %get3A_2586 = arith.index_cast %get3A_2585 : i32 to index
      %get3A_2587 = arith.constant 0 : index
      %get3A_2588 = tpu.vector_load %arg7[%get3A_2586, %get3A_2587] {strides = array<i32>} : memref<128x32xf32, #tpu.memory_space<vmem>>, vector<16xf32>,
      %get3A_2589 = arith.constant 92 : i32
      %get3A_2590 = arith.index_cast %get3A_2589 : i32 to index
      %get3A_2591 = arith.constant 16 : index
      %get3A_2592 = tpu.vector_load %arg7[%get3A_2590, %get3A_2591] {strides = array<i32>} : memref<128x32xf32, #tpu.memory_space<vmem>>, vector<16xf32>,
      tpu.vector_store_idx %arg9[%shift_right_arithmetic3A_4, %and3A_6, %broadcast_in_dim3A_2584], %get3A_2588 : memref<4x8x129xf32, #tpu.memory_space<vmem>>[vector<16xi32>, vector<16xi32>, vector<16xi32>], vector<16xf32>,
      tpu.vector_store_idx %arg9[%shift_right_arithmetic3A_12, %and3A_18, %broadcast_in_dim3A_2584], %get3A_2592 : memref<4x8x129xf32, #tpu.memory_space<vmem>>[vector<16xi32>, vector<16xi32>, vector<16xi32>], vector<16xf32>,
      %broadcast_in_dim3A_2593 = arith.constant 93 : i32
      %broadcast_in_dim3A_2594 = vector.broadcast %broadcast_in_dim3A_2593 : i32 to vector<16xi32>
      %get3A_2595 = arith.constant 93 : i32
      %get3A_2596 = arith.index_cast %get3A_2595 : i32 to index
      %get3A_2597 = arith.constant 0 : index
      %get3A_2598 = tpu.vector_load %arg7[%get3A_2596, %get3A_2597] {strides = array<i32>} : memref<128x32xf32, #tpu.memory_space<vmem>>, vector<16xf32>,
      %get3A_2599 = arith.constant 93 : i32
      %get3A_2600 = arith.index_cast %get3A_2599 : i32 to index
      %get3A_2601 = arith.constant 16 : index
      %get3A_2602 = tpu.vector_load %arg7[%get3A_2600, %get3A_2601] {strides = array<i32>} : memref<128x32xf32, #tpu.memory_space<vmem>>, vector<16xf32>,
      tpu.vector_store_idx %arg9[%shift_right_arithmetic3A_4, %and3A_6, %broadcast_in_dim3A_2594], %get3A_2598 : memref<4x8x129xf32, #tpu.memory_space<vmem>>[vector<16xi32>, vector<16xi32>, vector<16xi32>], vector<16xf32>,
      tpu.vector_store_idx %arg9[%shift_right_arithmetic3A_12, %and3A_18, %broadcast_in_dim3A_2594], %get3A_2602 : memref<4x8x129xf32, #tpu.memory_space<vmem>>[vector<16xi32>, vector<16xi32>, vector<16xi32>], vector<16xf32>,
      %broadcast_in_dim3A_2603 = arith.constant 94 : i32
      %broadcast_in_dim3A_2604 = vector.broadcast %broadcast_in_dim3A_2603 : i32 to vector<16xi32>
      %get3A_2605 = arith.constant 94 : i32
      %get3A_2606 = arith.index_cast %get3A_2605 : i32 to index
      %get3A_2607 = arith.constant 0 : index
      %get3A_2608 = tpu.vector_load %arg7[%get3A_2606, %get3A_2607] {strides = array<i32>} : memref<128x32xf32, #tpu.memory_space<vmem>>, vector<16xf32>,
      %get3A_2609 = arith.constant 94 : i32
      %get3A_2610 = arith.index_cast %get3A_2609 : i32 to index
      %get3A_2611 = arith.constant 16 : index
      %get3A_2612 = tpu.vector_load %arg7[%get3A_2610, %get3A_2611] {strides = array<i32>} : memref<128x32xf32, #tpu.memory_space<vmem>>, vector<16xf32>,
      tpu.vector_store_idx %arg9[%shift_right_arithmetic3A_4, %and3A_6, %broadcast_in_dim3A_2604], %get3A_2608 : memref<4x8x129xf32, #tpu.memory_space<vmem>>[vector<16xi32>, vector<16xi32>, vector<16xi32>], vector<16xf32>,
      tpu.vector_store_idx %arg9[%shift_right_arithmetic3A_12, %and3A_18, %broadcast_in_dim3A_2604], %get3A_2612 : memref<4x8x129xf32, #tpu.memory_space<vmem>>[vector<16xi32>, vector<16xi32>, vector<16xi32>], vector<16xf32>,
      %broadcast_in_dim3A_2613 = arith.constant 95 : i32
      %broadcast_in_dim3A_2614 = vector.broadcast %broadcast_in_dim3A_2613 : i32 to vector<16xi32>
      %get3A_2615 = arith.constant 95 : i32
      %get3A_2616 = arith.index_cast %get3A_2615 : i32 to index
      %get3A_2617 = arith.constant 0 : index
      %get3A_2618 = tpu.vector_load %arg7[%get3A_2616, %get3A_2617] {strides = array<i32>} : memref<128x32xf32, #tpu.memory_space<vmem>>, vector<16xf32>,
      %get3A_2619 = arith.constant 95 : i32
      %get3A_2620 = arith.index_cast %get3A_2619 : i32 to index
      %get3A_2621 = arith.constant 16 : index
      %get3A_2622 = tpu.vector_load %arg7[%get3A_2620, %get3A_2621] {strides = array<i32>} : memref<128x32xf32, #tpu.memory_space<vmem>>, vector<16xf32>,
      tpu.vector_store_idx %arg9[%shift_right_arithmetic3A_4, %and3A_6, %broadcast_in_dim3A_2614], %get3A_2618 : memref<4x8x129xf32, #tpu.memory_space<vmem>>[vector<16xi32>, vector<16xi32>, vector<16xi32>], vector<16xf32>,
      tpu.vector_store_idx %arg9[%shift_right_arithmetic3A_12, %and3A_18, %broadcast_in_dim3A_2614], %get3A_2622 : memref<4x8x129xf32, #tpu.memory_space<vmem>>[vector<16xi32>, vector<16xi32>, vector<16xi32>], vector<16xf32>,
      %broadcast_in_dim3A_2623 = arith.constant 96 : i32
      %broadcast_in_dim3A_2624 = vector.broadcast %broadcast_in_dim3A_2623 : i32 to vector<16xi32>
      %get3A_2625 = arith.constant 96 : i32
      %get3A_2626 = arith.index_cast %get3A_2625 : i32 to index
      %get3A_2627 = arith.constant 0 : index
      %get3A_2628 = tpu.vector_load %arg7[%get3A_2626, %get3A_2627] {strides = array<i32>} : memref<128x32xf32, #tpu.memory_space<vmem>>, vector<16xf32>,
      %get3A_2629 = arith.constant 96 : i32
      %get3A_2630 = arith.index_cast %get3A_2629 : i32 to index
      %get3A_2631 = arith.constant 16 : index
      %get3A_2632 = tpu.vector_load %arg7[%get3A_2630, %get3A_2631] {strides = array<i32>} : memref<128x32xf32, #tpu.memory_space<vmem>>, vector<16xf32>,
      tpu.vector_store_idx %arg9[%shift_right_arithmetic3A_4, %and3A_6, %broadcast_in_dim3A_2624], %get3A_2628 : memref<4x8x129xf32, #tpu.memory_space<vmem>>[vector<16xi32>, vector<16xi32>, vector<16xi32>], vector<16xf32>,
      tpu.vector_store_idx %arg9[%shift_right_arithmetic3A_12, %and3A_18, %broadcast_in_dim3A_2624], %get3A_2632 : memref<4x8x129xf32, #tpu.memory_space<vmem>>[vector<16xi32>, vector<16xi32>, vector<16xi32>], vector<16xf32>,
      %broadcast_in_dim3A_2633 = arith.constant 97 : i32
      %broadcast_in_dim3A_2634 = vector.broadcast %broadcast_in_dim3A_2633 : i32 to vector<16xi32>
      %get3A_2635 = arith.constant 97 : i32
      %get3A_2636 = arith.index_cast %get3A_2635 : i32 to index
      %get3A_2637 = arith.constant 0 : index
      %get3A_2638 = tpu.vector_load %arg7[%get3A_2636, %get3A_2637] {strides = array<i32>} : memref<128x32xf32, #tpu.memory_space<vmem>>, vector<16xf32>,
      %get3A_2639 = arith.constant 97 : i32
      %get3A_2640 = arith.index_cast %get3A_2639 : i32 to index
      %get3A_2641 = arith.constant 16 : index
      %get3A_2642 = tpu.vector_load %arg7[%get3A_2640, %get3A_2641] {strides = array<i32>} : memref<128x32xf32, #tpu.memory_space<vmem>>, vector<16xf32>,
      tpu.vector_store_idx %arg9[%shift_right_arithmetic3A_4, %and3A_6, %broadcast_in_dim3A_2634], %get3A_2638 : memref<4x8x129xf32, #tpu.memory_space<vmem>>[vector<16xi32>, vector<16xi32>, vector<16xi32>], vector<16xf32>,
      tpu.vector_store_idx %arg9[%shift_right_arithmetic3A_12, %and3A_18, %broadcast_in_dim3A_2634], %get3A_2642 : memref<4x8x129xf32, #tpu.memory_space<vmem>>[vector<16xi32>, vector<16xi32>, vector<16xi32>], vector<16xf32>,
      %broadcast_in_dim3A_2643 = arith.constant 98 : i32
      %broadcast_in_dim3A_2644 = vector.broadcast %broadcast_in_dim3A_2643 : i32 to vector<16xi32>
      %get3A_2645 = arith.constant 98 : i32
      %get3A_2646 = arith.index_cast %get3A_2645 : i32 to index
      %get3A_2647 = arith.constant 0 : index
      %get3A_2648 = tpu.vector_load %arg7[%get3A_2646, %get3A_2647] {strides = array<i32>} : memref<128x32xf32, #tpu.memory_space<vmem>>, vector<16xf32>,
      %get3A_2649 = arith.constant 98 : i32
      %get3A_2650 = arith.index_cast %get3A_2649 : i32 to index
      %get3A_2651 = arith.constant 16 : index
      %get3A_2652 = tpu.vector_load %arg7[%get3A_2650, %get3A_2651] {strides = array<i32>} : memref<128x32xf32, #tpu.memory_space<vmem>>, vector<16xf32>,
      tpu.vector_store_idx %arg9[%shift_right_arithmetic3A_4, %and3A_6, %broadcast_in_dim3A_2644], %get3A_2648 : memref<4x8x129xf32, #tpu.memory_space<vmem>>[vector<16xi32>, vector<16xi32>, vector<16xi32>], vector<16xf32>,
      tpu.vector_store_idx %arg9[%shift_right_arithmetic3A_12, %and3A_18, %broadcast_in_dim3A_2644], %get3A_2652 : memref<4x8x129xf32, #tpu.memory_space<vmem>>[vector<16xi32>, vector<16xi32>, vector<16xi32>], vector<16xf32>,
      %broadcast_in_dim3A_2653 = arith.constant 99 : i32
      %broadcast_in_dim3A_2654 = vector.broadcast %broadcast_in_dim3A_2653 : i32 to vector<16xi32>
      %get3A_2655 = arith.constant 99 : i32
      %get3A_2656 = arith.index_cast %get3A_2655 : i32 to index
      %get3A_2657 = arith.constant 0 : index
      %get3A_2658 = tpu.vector_load %arg7[%get3A_2656, %get3A_2657] {strides = array<i32>} : memref<128x32xf32, #tpu.memory_space<vmem>>, vector<16xf32>,
      %get3A_2659 = arith.constant 99 : i32
      %get3A_2660 = arith.index_cast %get3A_2659 : i32 to index
      %get3A_2661 = arith.constant 16 : index
      %get3A_2662 = tpu.vector_load %arg7[%get3A_2660, %get3A_2661] {strides = array<i32>} : memref<128x32xf32, #tpu.memory_space<vmem>>, vector<16xf32>,
      tpu.vector_store_idx %arg9[%shift_right_arithmetic3A_4, %and3A_6, %broadcast_in_dim3A_2654], %get3A_2658 : memref<4x8x129xf32, #tpu.memory_space<vmem>>[vector<16xi32>, vector<16xi32>, vector<16xi32>], vector<16xf32>,
      tpu.vector_store_idx %arg9[%shift_right_arithmetic3A_12, %and3A_18, %broadcast_in_dim3A_2654], %get3A_2662 : memref<4x8x129xf32, #tpu.memory_space<vmem>>[vector<16xi32>, vector<16xi32>, vector<16xi32>], vector<16xf32>,
      %broadcast_in_dim3A_2663 = arith.constant 100 : i32
      %broadcast_in_dim3A_2664 = vector.broadcast %broadcast_in_dim3A_2663 : i32 to vector<16xi32>
      %get3A_2665 = arith.constant 100 : i32
      %get3A_2666 = arith.index_cast %get3A_2665 : i32 to index
      %get3A_2667 = arith.constant 0 : index
      %get3A_2668 = tpu.vector_load %arg7[%get3A_2666, %get3A_2667] {strides = array<i32>} : memref<128x32xf32, #tpu.memory_space<vmem>>, vector<16xf32>,
      %get3A_2669 = arith.constant 100 : i32
      %get3A_2670 = arith.index_cast %get3A_2669 : i32 to index
      %get3A_2671 = arith.constant 16 : index
      %get3A_2672 = tpu.vector_load %arg7[%get3A_2670, %get3A_2671] {strides = array<i32>} : memref<128x32xf32, #tpu.memory_space<vmem>>, vector<16xf32>,
      tpu.vector_store_idx %arg9[%shift_right_arithmetic3A_4, %and3A_6, %broadcast_in_dim3A_2664], %get3A_2668 : memref<4x8x129xf32, #tpu.memory_space<vmem>>[vector<16xi32>, vector<16xi32>, vector<16xi32>], vector<16xf32>,
      tpu.vector_store_idx %arg9[%shift_right_arithmetic3A_12, %and3A_18, %broadcast_in_dim3A_2664], %get3A_2672 : memref<4x8x129xf32, #tpu.memory_space<vmem>>[vector<16xi32>, vector<16xi32>, vector<16xi32>], vector<16xf32>,
      %broadcast_in_dim3A_2673 = arith.constant 101 : i32
      %broadcast_in_dim3A_2674 = vector.broadcast %broadcast_in_dim3A_2673 : i32 to vector<16xi32>
      %get3A_2675 = arith.constant 101 : i32
      %get3A_2676 = arith.index_cast %get3A_2675 : i32 to index
      %get3A_2677 = arith.constant 0 : index
      %get3A_2678 = tpu.vector_load %arg7[%get3A_2676, %get3A_2677] {strides = array<i32>} : memref<128x32xf32, #tpu.memory_space<vmem>>, vector<16xf32>,
      %get3A_2679 = arith.constant 101 : i32
      %get3A_2680 = arith.index_cast %get3A_2679 : i32 to index
      %get3A_2681 = arith.constant 16 : index
      %get3A_2682 = tpu.vector_load %arg7[%get3A_2680, %get3A_2681] {strides = array<i32>} : memref<128x32xf32, #tpu.memory_space<vmem>>, vector<16xf32>,
      tpu.vector_store_idx %arg9[%shift_right_arithmetic3A_4, %and3A_6, %broadcast_in_dim3A_2674], %get3A_2678 : memref<4x8x129xf32, #tpu.memory_space<vmem>>[vector<16xi32>, vector<16xi32>, vector<16xi32>], vector<16xf32>,
      tpu.vector_store_idx %arg9[%shift_right_arithmetic3A_12, %and3A_18, %broadcast_in_dim3A_2674], %get3A_2682 : memref<4x8x129xf32, #tpu.memory_space<vmem>>[vector<16xi32>, vector<16xi32>, vector<16xi32>], vector<16xf32>,
      %broadcast_in_dim3A_2683 = arith.constant 102 : i32
      %broadcast_in_dim3A_2684 = vector.broadcast %broadcast_in_dim3A_2683 : i32 to vector<16xi32>
      %get3A_2685 = arith.constant 102 : i32
      %get3A_2686 = arith.index_cast %get3A_2685 : i32 to index
      %get3A_2687 = arith.constant 0 : index
      %get3A_2688 = tpu.vector_load %arg7[%get3A_2686, %get3A_2687] {strides = array<i32>} : memref<128x32xf32, #tpu.memory_space<vmem>>, vector<16xf32>,
      %get3A_2689 = arith.constant 102 : i32
      %get3A_2690 = arith.index_cast %get3A_2689 : i32 to index
      %get3A_2691 = arith.constant 16 : index
      %get3A_2692 = tpu.vector_load %arg7[%get3A_2690, %get3A_2691] {strides = array<i32>} : memref<128x32xf32, #tpu.memory_space<vmem>>, vector<16xf32>,
      tpu.vector_store_idx %arg9[%shift_right_arithmetic3A_4, %and3A_6, %broadcast_in_dim3A_2684], %get3A_2688 : memref<4x8x129xf32, #tpu.memory_space<vmem>>[vector<16xi32>, vector<16xi32>, vector<16xi32>], vector<16xf32>,
      tpu.vector_store_idx %arg9[%shift_right_arithmetic3A_12, %and3A_18, %broadcast_in_dim3A_2684], %get3A_2692 : memref<4x8x129xf32, #tpu.memory_space<vmem>>[vector<16xi32>, vector<16xi32>, vector<16xi32>], vector<16xf32>,
      %broadcast_in_dim3A_2693 = arith.constant 103 : i32
      %broadcast_in_dim3A_2694 = vector.broadcast %broadcast_in_dim3A_2693 : i32 to vector<16xi32>
      %get3A_2695 = arith.constant 103 : i32
      %get3A_2696 = arith.index_cast %get3A_2695 : i32 to index
      %get3A_2697 = arith.constant 0 : index
      %get3A_2698 = tpu.vector_load %arg7[%get3A_2696, %get3A_2697] {strides = array<i32>} : memref<128x32xf32, #tpu.memory_space<vmem>>, vector<16xf32>,
      %get3A_2699 = arith.constant 103 : i32
      %get3A_2700 = arith.index_cast %get3A_2699 : i32 to index
      %get3A_2701 = arith.constant 16 : index
      %get3A_2702 = tpu.vector_load %arg7[%get3A_2700, %get3A_2701] {strides = array<i32>} : memref<128x32xf32, #tpu.memory_space<vmem>>, vector<16xf32>,
      tpu.vector_store_idx %arg9[%shift_right_arithmetic3A_4, %and3A_6, %broadcast_in_dim3A_2694], %get3A_2698 : memref<4x8x129xf32, #tpu.memory_space<vmem>>[vector<16xi32>, vector<16xi32>, vector<16xi32>], vector<16xf32>,
      tpu.vector_store_idx %arg9[%shift_right_arithmetic3A_12, %and3A_18, %broadcast_in_dim3A_2694], %get3A_2702 : memref<4x8x129xf32, #tpu.memory_space<vmem>>[vector<16xi32>, vector<16xi32>, vector<16xi32>], vector<16xf32>,
      %broadcast_in_dim3A_2703 = arith.constant 104 : i32
      %broadcast_in_dim3A_2704 = vector.broadcast %broadcast_in_dim3A_2703 : i32 to vector<16xi32>
      %get3A_2705 = arith.constant 104 : i32
      %get3A_2706 = arith.index_cast %get3A_2705 : i32 to index
      %get3A_2707 = arith.constant 0 : index
      %get3A_2708 = tpu.vector_load %arg7[%get3A_2706, %get3A_2707] {strides = array<i32>} : memref<128x32xf32, #tpu.memory_space<vmem>>, vector<16xf32>,
      %get3A_2709 = arith.constant 104 : i32
      %get3A_2710 = arith.index_cast %get3A_2709 : i32 to index
      %get3A_2711 = arith.constant 16 : index
      %get3A_2712 = tpu.vector_load %arg7[%get3A_2710, %get3A_2711] {strides = array<i32>} : memref<128x32xf32, #tpu.memory_space<vmem>>, vector<16xf32>,
      tpu.vector_store_idx %arg9[%shift_right_arithmetic3A_4, %and3A_6, %broadcast_in_dim3A_2704], %get3A_2708 : memref<4x8x129xf32, #tpu.memory_space<vmem>>[vector<16xi32>, vector<16xi32>, vector<16xi32>], vector<16xf32>,
      tpu.vector_store_idx %arg9[%shift_right_arithmetic3A_12, %and3A_18, %broadcast_in_dim3A_2704], %get3A_2712 : memref<4x8x129xf32, #tpu.memory_space<vmem>>[vector<16xi32>, vector<16xi32>, vector<16xi32>], vector<16xf32>,
      %broadcast_in_dim3A_2713 = arith.constant 105 : i32
      %broadcast_in_dim3A_2714 = vector.broadcast %broadcast_in_dim3A_2713 : i32 to vector<16xi32>
      %get3A_2715 = arith.constant 105 : i32
      %get3A_2716 = arith.index_cast %get3A_2715 : i32 to index
      %get3A_2717 = arith.constant 0 : index
      %get3A_2718 = tpu.vector_load %arg7[%get3A_2716, %get3A_2717] {strides = array<i32>} : memref<128x32xf32, #tpu.memory_space<vmem>>, vector<16xf32>,
      %get3A_2719 = arith.constant 105 : i32
      %get3A_2720 = arith.index_cast %get3A_2719 : i32 to index
      %get3A_2721 = arith.constant 16 : index
      %get3A_2722 = tpu.vector_load %arg7[%get3A_2720, %get3A_2721] {strides = array<i32>} : memref<128x32xf32, #tpu.memory_space<vmem>>, vector<16xf32>,
      tpu.vector_store_idx %arg9[%shift_right_arithmetic3A_4, %and3A_6, %broadcast_in_dim3A_2714], %get3A_2718 : memref<4x8x129xf32, #tpu.memory_space<vmem>>[vector<16xi32>, vector<16xi32>, vector<16xi32>], vector<16xf32>,
      tpu.vector_store_idx %arg9[%shift_right_arithmetic3A_12, %and3A_18, %broadcast_in_dim3A_2714], %get3A_2722 : memref<4x8x129xf32, #tpu.memory_space<vmem>>[vector<16xi32>, vector<16xi32>, vector<16xi32>], vector<16xf32>,
      %broadcast_in_dim3A_2723 = arith.constant 106 : i32
      %broadcast_in_dim3A_2724 = vector.broadcast %broadcast_in_dim3A_2723 : i32 to vector<16xi32>
      %get3A_2725 = arith.constant 106 : i32
      %get3A_2726 = arith.index_cast %get3A_2725 : i32 to index
      %get3A_2727 = arith.constant 0 : index
      %get3A_2728 = tpu.vector_load %arg7[%get3A_2726, %get3A_2727] {strides = array<i32>} : memref<128x32xf32, #tpu.memory_space<vmem>>, vector<16xf32>,
      %get3A_2729 = arith.constant 106 : i32
      %get3A_2730 = arith.index_cast %get3A_2729 : i32 to index
      %get3A_2731 = arith.constant 16 : index
      %get3A_2732 = tpu.vector_load %arg7[%get3A_2730, %get3A_2731] {strides = array<i32>} : memref<128x32xf32, #tpu.memory_space<vmem>>, vector<16xf32>,
      tpu.vector_store_idx %arg9[%shift_right_arithmetic3A_4, %and3A_6, %broadcast_in_dim3A_2724], %get3A_2728 : memref<4x8x129xf32, #tpu.memory_space<vmem>>[vector<16xi32>, vector<16xi32>, vector<16xi32>], vector<16xf32>,
      tpu.vector_store_idx %arg9[%shift_right_arithmetic3A_12, %and3A_18, %broadcast_in_dim3A_2724], %get3A_2732 : memref<4x8x129xf32, #tpu.memory_space<vmem>>[vector<16xi32>, vector<16xi32>, vector<16xi32>], vector<16xf32>,
      %broadcast_in_dim3A_2733 = arith.constant 107 : i32
      %broadcast_in_dim3A_2734 = vector.broadcast %broadcast_in_dim3A_2733 : i32 to vector<16xi32>
      %get3A_2735 = arith.constant 107 : i32
      %get3A_2736 = arith.index_cast %get3A_2735 : i32 to index
      %get3A_2737 = arith.constant 0 : index
      %get3A_2738 = tpu.vector_load %arg7[%get3A_2736, %get3A_2737] {strides = array<i32>} : memref<128x32xf32, #tpu.memory_space<vmem>>, vector<16xf32>,
      %get3A_2739 = arith.constant 107 : i32
      %get3A_2740 = arith.index_cast %get3A_2739 : i32 to index
      %get3A_2741 = arith.constant 16 : index
      %get3A_2742 = tpu.vector_load %arg7[%get3A_2740, %get3A_2741] {strides = array<i32>} : memref<128x32xf32, #tpu.memory_space<vmem>>, vector<16xf32>,
      tpu.vector_store_idx %arg9[%shift_right_arithmetic3A_4, %and3A_6, %broadcast_in_dim3A_2734], %get3A_2738 : memref<4x8x129xf32, #tpu.memory_space<vmem>>[vector<16xi32>, vector<16xi32>, vector<16xi32>], vector<16xf32>,
      tpu.vector_store_idx %arg9[%shift_right_arithmetic3A_12, %and3A_18, %broadcast_in_dim3A_2734], %get3A_2742 : memref<4x8x129xf32, #tpu.memory_space<vmem>>[vector<16xi32>, vector<16xi32>, vector<16xi32>], vector<16xf32>,
      %broadcast_in_dim3A_2743 = arith.constant 108 : i32
      %broadcast_in_dim3A_2744 = vector.broadcast %broadcast_in_dim3A_2743 : i32 to vector<16xi32>
      %get3A_2745 = arith.constant 108 : i32
      %get3A_2746 = arith.index_cast %get3A_2745 : i32 to index
      %get3A_2747 = arith.constant 0 : index
      %get3A_2748 = tpu.vector_load %arg7[%get3A_2746, %get3A_2747] {strides = array<i32>} : memref<128x32xf32, #tpu.memory_space<vmem>>, vector<16xf32>,
      %get3A_2749 = arith.constant 108 : i32
      %get3A_2750 = arith.index_cast %get3A_2749 : i32 to index
      %get3A_2751 = arith.constant 16 : index
      %get3A_2752 = tpu.vector_load %arg7[%get3A_2750, %get3A_2751] {strides = array<i32>} : memref<128x32xf32, #tpu.memory_space<vmem>>, vector<16xf32>,
      tpu.vector_store_idx %arg9[%shift_right_arithmetic3A_4, %and3A_6, %broadcast_in_dim3A_2744], %get3A_2748 : memref<4x8x129xf32, #tpu.memory_space<vmem>>[vector<16xi32>, vector<16xi32>, vector<16xi32>], vector<16xf32>,
      tpu.vector_store_idx %arg9[%shift_right_arithmetic3A_12, %and3A_18, %broadcast_in_dim3A_2744], %get3A_2752 : memref<4x8x129xf32, #tpu.memory_space<vmem>>[vector<16xi32>, vector<16xi32>, vector<16xi32>], vector<16xf32>,
      %broadcast_in_dim3A_2753 = arith.constant 109 : i32
      %broadcast_in_dim3A_2754 = vector.broadcast %broadcast_in_dim3A_2753 : i32 to vector<16xi32>
      %get3A_2755 = arith.constant 109 : i32
      %get3A_2756 = arith.index_cast %get3A_2755 : i32 to index
      %get3A_2757 = arith.constant 0 : index
      %get3A_2758 = tpu.vector_load %arg7[%get3A_2756, %get3A_2757] {strides = array<i32>} : memref<128x32xf32, #tpu.memory_space<vmem>>, vector<16xf32>,
      %get3A_2759 = arith.constant 109 : i32
      %get3A_2760 = arith.index_cast %get3A_2759 : i32 to index
      %get3A_2761 = arith.constant 16 : index
      %get3A_2762 = tpu.vector_load %arg7[%get3A_2760, %get3A_2761] {strides = array<i32>} : memref<128x32xf32, #tpu.memory_space<vmem>>, vector<16xf32>,
      tpu.vector_store_idx %arg9[%shift_right_arithmetic3A_4, %and3A_6, %broadcast_in_dim3A_2754], %get3A_2758 : memref<4x8x129xf32, #tpu.memory_space<vmem>>[vector<16xi32>, vector<16xi32>, vector<16xi32>], vector<16xf32>,
      tpu.vector_store_idx %arg9[%shift_right_arithmetic3A_12, %and3A_18, %broadcast_in_dim3A_2754], %get3A_2762 : memref<4x8x129xf32, #tpu.memory_space<vmem>>[vector<16xi32>, vector<16xi32>, vector<16xi32>], vector<16xf32>,
      %broadcast_in_dim3A_2763 = arith.constant 110 : i32
      %broadcast_in_dim3A_2764 = vector.broadcast %broadcast_in_dim3A_2763 : i32 to vector<16xi32>
      %get3A_2765 = arith.constant 110 : i32
      %get3A_2766 = arith.index_cast %get3A_2765 : i32 to index
      %get3A_2767 = arith.constant 0 : index
      %get3A_2768 = tpu.vector_load %arg7[%get3A_2766, %get3A_2767] {strides = array<i32>} : memref<128x32xf32, #tpu.memory_space<vmem>>, vector<16xf32>,
      %get3A_2769 = arith.constant 110 : i32
      %get3A_2770 = arith.index_cast %get3A_2769 : i32 to index
      %get3A_2771 = arith.constant 16 : index
      %get3A_2772 = tpu.vector_load %arg7[%get3A_2770, %get3A_2771] {strides = array<i32>} : memref<128x32xf32, #tpu.memory_space<vmem>>, vector<16xf32>,
      tpu.vector_store_idx %arg9[%shift_right_arithmetic3A_4, %and3A_6, %broadcast_in_dim3A_2764], %get3A_2768 : memref<4x8x129xf32, #tpu.memory_space<vmem>>[vector<16xi32>, vector<16xi32>, vector<16xi32>], vector<16xf32>,
      tpu.vector_store_idx %arg9[%shift_right_arithmetic3A_12, %and3A_18, %broadcast_in_dim3A_2764], %get3A_2772 : memref<4x8x129xf32, #tpu.memory_space<vmem>>[vector<16xi32>, vector<16xi32>, vector<16xi32>], vector<16xf32>,
      %broadcast_in_dim3A_2773 = arith.constant 111 : i32
      %broadcast_in_dim3A_2774 = vector.broadcast %broadcast_in_dim3A_2773 : i32 to vector<16xi32>
      %get3A_2775 = arith.constant 111 : i32
      %get3A_2776 = arith.index_cast %get3A_2775 : i32 to index
      %get3A_2777 = arith.constant 0 : index
      %get3A_2778 = tpu.vector_load %arg7[%get3A_2776, %get3A_2777] {strides = array<i32>} : memref<128x32xf32, #tpu.memory_space<vmem>>, vector<16xf32>,
      %get3A_2779 = arith.constant 111 : i32
      %get3A_2780 = arith.index_cast %get3A_2779 : i32 to index
      %get3A_2781 = arith.constant 16 : index
      %get3A_2782 = tpu.vector_load %arg7[%get3A_2780, %get3A_2781] {strides = array<i32>} : memref<128x32xf32, #tpu.memory_space<vmem>>, vector<16xf32>,
      tpu.vector_store_idx %arg9[%shift_right_arithmetic3A_4, %and3A_6, %broadcast_in_dim3A_2774], %get3A_2778 : memref<4x8x129xf32, #tpu.memory_space<vmem>>[vector<16xi32>, vector<16xi32>, vector<16xi32>], vector<16xf32>,
      tpu.vector_store_idx %arg9[%shift_right_arithmetic3A_12, %and3A_18, %broadcast_in_dim3A_2774], %get3A_2782 : memref<4x8x129xf32, #tpu.memory_space<vmem>>[vector<16xi32>, vector<16xi32>, vector<16xi32>], vector<16xf32>,
      %broadcast_in_dim3A_2783 = arith.constant 112 : i32
      %broadcast_in_dim3A_2784 = vector.broadcast %broadcast_in_dim3A_2783 : i32 to vector<16xi32>
      %get3A_2785 = arith.constant 112 : i32
      %get3A_2786 = arith.index_cast %get3A_2785 : i32 to index
      %get3A_2787 = arith.constant 0 : index
      %get3A_2788 = tpu.vector_load %arg7[%get3A_2786, %get3A_2787] {strides = array<i32>} : memref<128x32xf32, #tpu.memory_space<vmem>>, vector<16xf32>,
      %get3A_2789 = arith.constant 112 : i32
      %get3A_2790 = arith.index_cast %get3A_2789 : i32 to index
      %get3A_2791 = arith.constant 16 : index
      %get3A_2792 = tpu.vector_load %arg7[%get3A_2790, %get3A_2791] {strides = array<i32>} : memref<128x32xf32, #tpu.memory_space<vmem>>, vector<16xf32>,
      tpu.vector_store_idx %arg9[%shift_right_arithmetic3A_4, %and3A_6, %broadcast_in_dim3A_2784], %get3A_2788 : memref<4x8x129xf32, #tpu.memory_space<vmem>>[vector<16xi32>, vector<16xi32>, vector<16xi32>], vector<16xf32>,
      tpu.vector_store_idx %arg9[%shift_right_arithmetic3A_12, %and3A_18, %broadcast_in_dim3A_2784], %get3A_2792 : memref<4x8x129xf32, #tpu.memory_space<vmem>>[vector<16xi32>, vector<16xi32>, vector<16xi32>], vector<16xf32>,
      %broadcast_in_dim3A_2793 = arith.constant 113 : i32
      %broadcast_in_dim3A_2794 = vector.broadcast %broadcast_in_dim3A_2793 : i32 to vector<16xi32>
      %get3A_2795 = arith.constant 113 : i32
      %get3A_2796 = arith.index_cast %get3A_2795 : i32 to index
      %get3A_2797 = arith.constant 0 : index
      %get3A_2798 = tpu.vector_load %arg7[%get3A_2796, %get3A_2797] {strides = array<i32>} : memref<128x32xf32, #tpu.memory_space<vmem>>, vector<16xf32>,
      %get3A_2799 = arith.constant 113 : i32
      %get3A_2800 = arith.index_cast %get3A_2799 : i32 to index
      %get3A_2801 = arith.constant 16 : index
      %get3A_2802 = tpu.vector_load %arg7[%get3A_2800, %get3A_2801] {strides = array<i32>} : memref<128x32xf32, #tpu.memory_space<vmem>>, vector<16xf32>,
      tpu.vector_store_idx %arg9[%shift_right_arithmetic3A_4, %and3A_6, %broadcast_in_dim3A_2794], %get3A_2798 : memref<4x8x129xf32, #tpu.memory_space<vmem>>[vector<16xi32>, vector<16xi32>, vector<16xi32>], vector<16xf32>,
      tpu.vector_store_idx %arg9[%shift_right_arithmetic3A_12, %and3A_18, %broadcast_in_dim3A_2794], %get3A_2802 : memref<4x8x129xf32, #tpu.memory_space<vmem>>[vector<16xi32>, vector<16xi32>, vector<16xi32>], vector<16xf32>,
      %broadcast_in_dim3A_2803 = arith.constant 114 : i32
      %broadcast_in_dim3A_2804 = vector.broadcast %broadcast_in_dim3A_2803 : i32 to vector<16xi32>
      %get3A_2805 = arith.constant 114 : i32
      %get3A_2806 = arith.index_cast %get3A_2805 : i32 to index
      %get3A_2807 = arith.constant 0 : index
      %get3A_2808 = tpu.vector_load %arg7[%get3A_2806, %get3A_2807] {strides = array<i32>} : memref<128x32xf32, #tpu.memory_space<vmem>>, vector<16xf32>,
      %get3A_2809 = arith.constant 114 : i32
      %get3A_2810 = arith.index_cast %get3A_2809 : i32 to index
      %get3A_2811 = arith.constant 16 : index
      %get3A_2812 = tpu.vector_load %arg7[%get3A_2810, %get3A_2811] {strides = array<i32>} : memref<128x32xf32, #tpu.memory_space<vmem>>, vector<16xf32>,
      tpu.vector_store_idx %arg9[%shift_right_arithmetic3A_4, %and3A_6, %broadcast_in_dim3A_2804], %get3A_2808 : memref<4x8x129xf32, #tpu.memory_space<vmem>>[vector<16xi32>, vector<16xi32>, vector<16xi32>], vector<16xf32>,
      tpu.vector_store_idx %arg9[%shift_right_arithmetic3A_12, %and3A_18, %broadcast_in_dim3A_2804], %get3A_2812 : memref<4x8x129xf32, #tpu.memory_space<vmem>>[vector<16xi32>, vector<16xi32>, vector<16xi32>], vector<16xf32>,
      %broadcast_in_dim3A_2813 = arith.constant 115 : i32
      %broadcast_in_dim3A_2814 = vector.broadcast %broadcast_in_dim3A_2813 : i32 to vector<16xi32>
      %get3A_2815 = arith.constant 115 : i32
      %get3A_2816 = arith.index_cast %get3A_2815 : i32 to index
      %get3A_2817 = arith.constant 0 : index
      %get3A_2818 = tpu.vector_load %arg7[%get3A_2816, %get3A_2817] {strides = array<i32>} : memref<128x32xf32, #tpu.memory_space<vmem>>, vector<16xf32>,
      %get3A_2819 = arith.constant 115 : i32
      %get3A_2820 = arith.index_cast %get3A_2819 : i32 to index
      %get3A_2821 = arith.constant 16 : index
      %get3A_2822 = tpu.vector_load %arg7[%get3A_2820, %get3A_2821] {strides = array<i32>} : memref<128x32xf32, #tpu.memory_space<vmem>>, vector<16xf32>,
      tpu.vector_store_idx %arg9[%shift_right_arithmetic3A_4, %and3A_6, %broadcast_in_dim3A_2814], %get3A_2818 : memref<4x8x129xf32, #tpu.memory_space<vmem>>[vector<16xi32>, vector<16xi32>, vector<16xi32>], vector<16xf32>,
      tpu.vector_store_idx %arg9[%shift_right_arithmetic3A_12, %and3A_18, %broadcast_in_dim3A_2814], %get3A_2822 : memref<4x8x129xf32, #tpu.memory_space<vmem>>[vector<16xi32>, vector<16xi32>, vector<16xi32>], vector<16xf32>,
      %broadcast_in_dim3A_2823 = arith.constant 116 : i32
      %broadcast_in_dim3A_2824 = vector.broadcast %broadcast_in_dim3A_2823 : i32 to vector<16xi32>
      %get3A_2825 = arith.constant 116 : i32
      %get3A_2826 = arith.index_cast %get3A_2825 : i32 to index
      %get3A_2827 = arith.constant 0 : index
      %get3A_2828 = tpu.vector_load %arg7[%get3A_2826, %get3A_2827] {strides = array<i32>} : memref<128x32xf32, #tpu.memory_space<vmem>>, vector<16xf32>,
      %get3A_2829 = arith.constant 116 : i32
      %get3A_2830 = arith.index_cast %get3A_2829 : i32 to index
      %get3A_2831 = arith.constant 16 : index
      %get3A_2832 = tpu.vector_load %arg7[%get3A_2830, %get3A_2831] {strides = array<i32>} : memref<128x32xf32, #tpu.memory_space<vmem>>, vector<16xf32>,
      tpu.vector_store_idx %arg9[%shift_right_arithmetic3A_4, %and3A_6, %broadcast_in_dim3A_2824], %get3A_2828 : memref<4x8x129xf32, #tpu.memory_space<vmem>>[vector<16xi32>, vector<16xi32>, vector<16xi32>], vector<16xf32>,
      tpu.vector_store_idx %arg9[%shift_right_arithmetic3A_12, %and3A_18, %broadcast_in_dim3A_2824], %get3A_2832 : memref<4x8x129xf32, #tpu.memory_space<vmem>>[vector<16xi32>, vector<16xi32>, vector<16xi32>], vector<16xf32>,
      %broadcast_in_dim3A_2833 = arith.constant 117 : i32
      %broadcast_in_dim3A_2834 = vector.broadcast %broadcast_in_dim3A_2833 : i32 to vector<16xi32>
      %get3A_2835 = arith.constant 117 : i32
      %get3A_2836 = arith.index_cast %get3A_2835 : i32 to index
      %get3A_2837 = arith.constant 0 : index
      %get3A_2838 = tpu.vector_load %arg7[%get3A_2836, %get3A_2837] {strides = array<i32>} : memref<128x32xf32, #tpu.memory_space<vmem>>, vector<16xf32>,
      %get3A_2839 = arith.constant 117 : i32
      %get3A_2840 = arith.index_cast %get3A_2839 : i32 to index
      %get3A_2841 = arith.constant 16 : index
      %get3A_2842 = tpu.vector_load %arg7[%get3A_2840, %get3A_2841] {strides = array<i32>} : memref<128x32xf32, #tpu.memory_space<vmem>>, vector<16xf32>,
      tpu.vector_store_idx %arg9[%shift_right_arithmetic3A_4, %and3A_6, %broadcast_in_dim3A_2834], %get3A_2838 : memref<4x8x129xf32, #tpu.memory_space<vmem>>[vector<16xi32>, vector<16xi32>, vector<16xi32>], vector<16xf32>,
      tpu.vector_store_idx %arg9[%shift_right_arithmetic3A_12, %and3A_18, %broadcast_in_dim3A_2834], %get3A_2842 : memref<4x8x129xf32, #tpu.memory_space<vmem>>[vector<16xi32>, vector<16xi32>, vector<16xi32>], vector<16xf32>,
      %broadcast_in_dim3A_2843 = arith.constant 118 : i32
      %broadcast_in_dim3A_2844 = vector.broadcast %broadcast_in_dim3A_2843 : i32 to vector<16xi32>
      %get3A_2845 = arith.constant 118 : i32
      %get3A_2846 = arith.index_cast %get3A_2845 : i32 to index
      %get3A_2847 = arith.constant 0 : index
      %get3A_2848 = tpu.vector_load %arg7[%get3A_2846, %get3A_2847] {strides = array<i32>} : memref<128x32xf32, #tpu.memory_space<vmem>>, vector<16xf32>,
      %get3A_2849 = arith.constant 118 : i32
      %get3A_2850 = arith.index_cast %get3A_2849 : i32 to index
      %get3A_2851 = arith.constant 16 : index
      %get3A_2852 = tpu.vector_load %arg7[%get3A_2850, %get3A_2851] {strides = array<i32>} : memref<128x32xf32, #tpu.memory_space<vmem>>, vector<16xf32>,
      tpu.vector_store_idx %arg9[%shift_right_arithmetic3A_4, %and3A_6, %broadcast_in_dim3A_2844], %get3A_2848 : memref<4x8x129xf32, #tpu.memory_space<vmem>>[vector<16xi32>, vector<16xi32>, vector<16xi32>], vector<16xf32>,
      tpu.vector_store_idx %arg9[%shift_right_arithmetic3A_12, %and3A_18, %broadcast_in_dim3A_2844], %get3A_2852 : memref<4x8x129xf32, #tpu.memory_space<vmem>>[vector<16xi32>, vector<16xi32>, vector<16xi32>], vector<16xf32>,
      %broadcast_in_dim3A_2853 = arith.constant 119 : i32
      %broadcast_in_dim3A_2854 = vector.broadcast %broadcast_in_dim3A_2853 : i32 to vector<16xi32>
      %get3A_2855 = arith.constant 119 : i32
      %get3A_2856 = arith.index_cast %get3A_2855 : i32 to index
      %get3A_2857 = arith.constant 0 : index
      %get3A_2858 = tpu.vector_load %arg7[%get3A_2856, %get3A_2857] {strides = array<i32>} : memref<128x32xf32, #tpu.memory_space<vmem>>, vector<16xf32>,
      %get3A_2859 = arith.constant 119 : i32
      %get3A_2860 = arith.index_cast %get3A_2859 : i32 to index
      %get3A_2861 = arith.constant 16 : index
      %get3A_2862 = tpu.vector_load %arg7[%get3A_2860, %get3A_2861] {strides = array<i32>} : memref<128x32xf32, #tpu.memory_space<vmem>>, vector<16xf32>,
      tpu.vector_store_idx %arg9[%shift_right_arithmetic3A_4, %and3A_6, %broadcast_in_dim3A_2854], %get3A_2858 : memref<4x8x129xf32, #tpu.memory_space<vmem>>[vector<16xi32>, vector<16xi32>, vector<16xi32>], vector<16xf32>,
      tpu.vector_store_idx %arg9[%shift_right_arithmetic3A_12, %and3A_18, %broadcast_in_dim3A_2854], %get3A_2862 : memref<4x8x129xf32, #tpu.memory_space<vmem>>[vector<16xi32>, vector<16xi32>, vector<16xi32>], vector<16xf32>,
      %broadcast_in_dim3A_2863 = arith.constant 120 : i32
      %broadcast_in_dim3A_2864 = vector.broadcast %broadcast_in_dim3A_2863 : i32 to vector<16xi32>
      %get3A_2865 = arith.constant 120 : i32
      %get3A_2866 = arith.index_cast %get3A_2865 : i32 to index
      %get3A_2867 = arith.constant 0 : index
      %get3A_2868 = tpu.vector_load %arg7[%get3A_2866, %get3A_2867] {strides = array<i32>} : memref<128x32xf32, #tpu.memory_space<vmem>>, vector<16xf32>,
      %get3A_2869 = arith.constant 120 : i32
      %get3A_2870 = arith.index_cast %get3A_2869 : i32 to index
      %get3A_2871 = arith.constant 16 : index
      %get3A_2872 = tpu.vector_load %arg7[%get3A_2870, %get3A_2871] {strides = array<i32>} : memref<128x32xf32, #tpu.memory_space<vmem>>, vector<16xf32>,
      tpu.vector_store_idx %arg9[%shift_right_arithmetic3A_4, %and3A_6, %broadcast_in_dim3A_2864], %get3A_2868 : memref<4x8x129xf32, #tpu.memory_space<vmem>>[vector<16xi32>, vector<16xi32>, vector<16xi32>], vector<16xf32>,
      tpu.vector_store_idx %arg9[%shift_right_arithmetic3A_12, %and3A_18, %broadcast_in_dim3A_2864], %get3A_2872 : memref<4x8x129xf32, #tpu.memory_space<vmem>>[vector<16xi32>, vector<16xi32>, vector<16xi32>], vector<16xf32>,
      %broadcast_in_dim3A_2873 = arith.constant 121 : i32
      %broadcast_in_dim3A_2874 = vector.broadcast %broadcast_in_dim3A_2873 : i32 to vector<16xi32>
      %get3A_2875 = arith.constant 121 : i32
      %get3A_2876 = arith.index_cast %get3A_2875 : i32 to index
      %get3A_2877 = arith.constant 0 : index
      %get3A_2878 = tpu.vector_load %arg7[%get3A_2876, %get3A_2877] {strides = array<i32>} : memref<128x32xf32, #tpu.memory_space<vmem>>, vector<16xf32>,
      %get3A_2879 = arith.constant 121 : i32
      %get3A_2880 = arith.index_cast %get3A_2879 : i32 to index
      %get3A_2881 = arith.constant 16 : index
      %get3A_2882 = tpu.vector_load %arg7[%get3A_2880, %get3A_2881] {strides = array<i32>} : memref<128x32xf32, #tpu.memory_space<vmem>>, vector<16xf32>,
      tpu.vector_store_idx %arg9[%shift_right_arithmetic3A_4, %and3A_6, %broadcast_in_dim3A_2874], %get3A_2878 : memref<4x8x129xf32, #tpu.memory_space<vmem>>[vector<16xi32>, vector<16xi32>, vector<16xi32>], vector<16xf32>,
      tpu.vector_store_idx %arg9[%shift_right_arithmetic3A_12, %and3A_18, %broadcast_in_dim3A_2874], %get3A_2882 : memref<4x8x129xf32, #tpu.memory_space<vmem>>[vector<16xi32>, vector<16xi32>, vector<16xi32>], vector<16xf32>,
      %broadcast_in_dim3A_2883 = arith.constant 122 : i32
      %broadcast_in_dim3A_2884 = vector.broadcast %broadcast_in_dim3A_2883 : i32 to vector<16xi32>
      %get3A_2885 = arith.constant 122 : i32
      %get3A_2886 = arith.index_cast %get3A_2885 : i32 to index
      %get3A_2887 = arith.constant 0 : index
      %get3A_2888 = tpu.vector_load %arg7[%get3A_2886, %get3A_2887] {strides = array<i32>} : memref<128x32xf32, #tpu.memory_space<vmem>>, vector<16xf32>,
      %get3A_2889 = arith.constant 122 : i32
      %get3A_2890 = arith.index_cast %get3A_2889 : i32 to index
      %get3A_2891 = arith.constant 16 : index
      %get3A_2892 = tpu.vector_load %arg7[%get3A_2890, %get3A_2891] {strides = array<i32>} : memref<128x32xf32, #tpu.memory_space<vmem>>, vector<16xf32>,
      tpu.vector_store_idx %arg9[%shift_right_arithmetic3A_4, %and3A_6, %broadcast_in_dim3A_2884], %get3A_2888 : memref<4x8x129xf32, #tpu.memory_space<vmem>>[vector<16xi32>, vector<16xi32>, vector<16xi32>], vector<16xf32>,
      tpu.vector_store_idx %arg9[%shift_right_arithmetic3A_12, %and3A_18, %broadcast_in_dim3A_2884], %get3A_2892 : memref<4x8x129xf32, #tpu.memory_space<vmem>>[vector<16xi32>, vector<16xi32>, vector<16xi32>], vector<16xf32>,
      %broadcast_in_dim3A_2893 = arith.constant 123 : i32
      %broadcast_in_dim3A_2894 = vector.broadcast %broadcast_in_dim3A_2893 : i32 to vector<16xi32>
      %get3A_2895 = arith.constant 123 : i32
      %get3A_2896 = arith.index_cast %get3A_2895 : i32 to index
      %get3A_2897 = arith.constant 0 : index
      %get3A_2898 = tpu.vector_load %arg7[%get3A_2896, %get3A_2897] {strides = array<i32>} : memref<128x32xf32, #tpu.memory_space<vmem>>, vector<16xf32>,
      %get3A_2899 = arith.constant 123 : i32
      %get3A_2900 = arith.index_cast %get3A_2899 : i32 to index
      %get3A_2901 = arith.constant 16 : index
      %get3A_2902 = tpu.vector_load %arg7[%get3A_2900, %get3A_2901] {strides = array<i32>} : memref<128x32xf32, #tpu.memory_space<vmem>>, vector<16xf32>,
      tpu.vector_store_idx %arg9[%shift_right_arithmetic3A_4, %and3A_6, %broadcast_in_dim3A_2894], %get3A_2898 : memref<4x8x129xf32, #tpu.memory_space<vmem>>[vector<16xi32>, vector<16xi32>, vector<16xi32>], vector<16xf32>,
      tpu.vector_store_idx %arg9[%shift_right_arithmetic3A_12, %and3A_18, %broadcast_in_dim3A_2894], %get3A_2902 : memref<4x8x129xf32, #tpu.memory_space<vmem>>[vector<16xi32>, vector<16xi32>, vector<16xi32>], vector<16xf32>,
      %broadcast_in_dim3A_2903 = arith.constant 124 : i32
      %broadcast_in_dim3A_2904 = vector.broadcast %broadcast_in_dim3A_2903 : i32 to vector<16xi32>
      %get3A_2905 = arith.constant 124 : i32
      %get3A_2906 = arith.index_cast %get3A_2905 : i32 to index
      %get3A_2907 = arith.constant 0 : index
      %get3A_2908 = tpu.vector_load %arg7[%get3A_2906, %get3A_2907] {strides = array<i32>} : memref<128x32xf32, #tpu.memory_space<vmem>>, vector<16xf32>,
      %get3A_2909 = arith.constant 124 : i32
      %get3A_2910 = arith.index_cast %get3A_2909 : i32 to index
      %get3A_2911 = arith.constant 16 : index
      %get3A_2912 = tpu.vector_load %arg7[%get3A_2910, %get3A_2911] {strides = array<i32>} : memref<128x32xf32, #tpu.memory_space<vmem>>, vector<16xf32>,
      tpu.vector_store_idx %arg9[%shift_right_arithmetic3A_4, %and3A_6, %broadcast_in_dim3A_2904], %get3A_2908 : memref<4x8x129xf32, #tpu.memory_space<vmem>>[vector<16xi32>, vector<16xi32>, vector<16xi32>], vector<16xf32>,
      tpu.vector_store_idx %arg9[%shift_right_arithmetic3A_12, %and3A_18, %broadcast_in_dim3A_2904], %get3A_2912 : memref<4x8x129xf32, #tpu.memory_space<vmem>>[vector<16xi32>, vector<16xi32>, vector<16xi32>], vector<16xf32>,
      %broadcast_in_dim3A_2913 = arith.constant 125 : i32
      %broadcast_in_dim3A_2914 = vector.broadcast %broadcast_in_dim3A_2913 : i32 to vector<16xi32>
      %get3A_2915 = arith.constant 125 : i32
      %get3A_2916 = arith.index_cast %get3A_2915 : i32 to index
      %get3A_2917 = arith.constant 0 : index
      %get3A_2918 = tpu.vector_load %arg7[%get3A_2916, %get3A_2917] {strides = array<i32>} : memref<128x32xf32, #tpu.memory_space<vmem>>, vector<16xf32>,
      %get3A_2919 = arith.constant 125 : i32
      %get3A_2920 = arith.index_cast %get3A_2919 : i32 to index
      %get3A_2921 = arith.constant 16 : index
      %get3A_2922 = tpu.vector_load %arg7[%get3A_2920, %get3A_2921] {strides = array<i32>} : memref<128x32xf32, #tpu.memory_space<vmem>>, vector<16xf32>,
      tpu.vector_store_idx %arg9[%shift_right_arithmetic3A_4, %and3A_6, %broadcast_in_dim3A_2914], %get3A_2918 : memref<4x8x129xf32, #tpu.memory_space<vmem>>[vector<16xi32>, vector<16xi32>, vector<16xi32>], vector<16xf32>,
      tpu.vector_store_idx %arg9[%shift_right_arithmetic3A_12, %and3A_18, %broadcast_in_dim3A_2914], %get3A_2922 : memref<4x8x129xf32, #tpu.memory_space<vmem>>[vector<16xi32>, vector<16xi32>, vector<16xi32>], vector<16xf32>,
      %broadcast_in_dim3A_2923 = arith.constant 126 : i32
      %broadcast_in_dim3A_2924 = vector.broadcast %broadcast_in_dim3A_2923 : i32 to vector<16xi32>
      %get3A_2925 = arith.constant 126 : i32
      %get3A_2926 = arith.index_cast %get3A_2925 : i32 to index
      %get3A_2927 = arith.constant 0 : index
      %get3A_2928 = tpu.vector_load %arg7[%get3A_2926, %get3A_2927] {strides = array<i32>} : memref<128x32xf32, #tpu.memory_space<vmem>>, vector<16xf32>,
      %get3A_2929 = arith.constant 126 : i32
      %get3A_2930 = arith.index_cast %get3A_2929 : i32 to index
      %get3A_2931 = arith.constant 16 : index
      %get3A_2932 = tpu.vector_load %arg7[%get3A_2930, %get3A_2931] {strides = array<i32>} : memref<128x32xf32, #tpu.memory_space<vmem>>, vector<16xf32>,
      tpu.vector_store_idx %arg9[%shift_right_arithmetic3A_4, %and3A_6, %broadcast_in_dim3A_2924], %get3A_2928 : memref<4x8x129xf32, #tpu.memory_space<vmem>>[vector<16xi32>, vector<16xi32>, vector<16xi32>], vector<16xf32>,
      tpu.vector_store_idx %arg9[%shift_right_arithmetic3A_12, %and3A_18, %broadcast_in_dim3A_2924], %get3A_2932 : memref<4x8x129xf32, #tpu.memory_space<vmem>>[vector<16xi32>, vector<16xi32>, vector<16xi32>], vector<16xf32>,
      %broadcast_in_dim3A_2933 = arith.constant 127 : i32
      %broadcast_in_dim3A_2934 = vector.broadcast %broadcast_in_dim3A_2933 : i32 to vector<16xi32>
      %get3A_2935 = arith.constant 127 : i32
      %get3A_2936 = arith.index_cast %get3A_2935 : i32 to index
      %get3A_2937 = arith.constant 0 : index
      %get3A_2938 = tpu.vector_load %arg7[%get3A_2936, %get3A_2937] {strides = array<i32>} : memref<128x32xf32, #tpu.memory_space<vmem>>, vector<16xf32>,
      %get3A_2939 = arith.constant 127 : i32
      %get3A_2940 = arith.index_cast %get3A_2939 : i32 to index
      %get3A_2941 = arith.constant 16 : index
      %get3A_2942 = tpu.vector_load %arg7[%get3A_2940, %get3A_2941] {strides = array<i32>} : memref<128x32xf32, #tpu.memory_space<vmem>>, vector<16xf32>,
      tpu.vector_store_idx %arg9[%shift_right_arithmetic3A_4, %and3A_6, %broadcast_in_dim3A_2934], %get3A_2938 : memref<4x8x129xf32, #tpu.memory_space<vmem>>[vector<16xi32>, vector<16xi32>, vector<16xi32>], vector<16xf32>,
      tpu.vector_store_idx %arg9[%shift_right_arithmetic3A_12, %and3A_18, %broadcast_in_dim3A_2934], %get3A_2942 : memref<4x8x129xf32, #tpu.memory_space<vmem>>[vector<16xi32>, vector<16xi32>, vector<16xi32>], vector<16xf32>,
      %mul3A_2943 = arith.constant 4 : i32
      %mul3A_2944 = arith.muli %mul3A_2943, %add3A : i32
      %add3A_2945 = arith.addi %mul3A_2944, %select_n3A_1644 : i32
      %dma_start3A_2946 = arith.constant 0 : i32
      %dma_start3A_2947 = arith.constant 0 : i32
      %dma_start3A_2948 = arith.constant 0 : i32
      %dma_start3A_2949 = arith.constant 0 : i32
      %dma_start3A_2950 = tpu.memref_slice %arg9[%dma_start3A_2946, %dma_start3A_2948, %dma_start3A_2949] : memref<4x8x129xf32, #tpu.memory_space<vmem>> -> memref<1x8x128xf32, #tpu.memory_space<vmem>>
      %dma_start3A_2951 = tpu.memref_squeeze %dma_start3A_2950 : memref<1x8x128xf32, #tpu.memory_space<vmem>> -> memref<8x128xf32, #tpu.memory_space<vmem>>
      %dma_start3A_2952 = arith.constant 0 : i32
      %dma_start3A_2953 = arith.constant 0 : i32
      %dma_start3A_2954 = tpu.memref_slice %arg4[%select_n3A_1628, %dma_start3A_2947, %add3A_2945, %dma_start3A_2952, %dma_start3A_2953] : memref<50x4x128x8x128xf32, #tpu.memory_space<hbm>> -> memref<1x1x1x8x128xf32, #tpu.memory_space<hbm>>
      %dma_start3A_2955 = tpu.memref_squeeze %dma_start3A_2954 : memref<1x1x1x8x128xf32, #tpu.memory_space<hbm>> -> memref<8x128xf32, #tpu.memory_space<hbm>>
      %dma_start3A_2956 = arith.constant 0 : i32
      %dma_start3A_2957 = arith.constant 0 : i32
      %dma_start3A_2958 = tpu.memref_slice %arg4[%select_n3A_1628, %dma_start3A_2947, %add3A_2945, %dma_start3A_2956, %dma_start3A_2957] : memref<50x4x128x8x128xf32, #tpu.memory_space<hbm>> -> memref<1x1x1x8x128xf32, #tpu.memory_space<hbm>>
      %dma_start3A_2959 = tpu.memref_squeeze %dma_start3A_2958 : memref<1x1x1x8x128xf32, #tpu.memory_space<hbm>> -> memref<8x128xf32, #tpu.memory_space<hbm>>
      %dma_start3A_2960 = arith.constant 0 : i32
      %dma_start3A_2961 = arith.constant 0 : i32
      %dma_start3A_2962 = tpu.memref_slice %arg9[%dma_start3A_2946, %dma_start3A_2960, %dma_start3A_2961] : memref<4x8x129xf32, #tpu.memory_space<vmem>> -> memref<1x8x128xf32, #tpu.memory_space<vmem>>
      %dma_start3A_2963 = tpu.memref_squeeze %dma_start3A_2962 : memref<1x8x128xf32, #tpu.memory_space<vmem>> -> memref<8x128xf32, #tpu.memory_space<vmem>>
      tpu.enqueue_dma source(%dma_start3A_2963 : memref<8x128xf32, #tpu.memory_space<vmem>>) target(%dma_start3A_2959 : memref<8x128xf32, #tpu.memory_space<hbm>>) target_semaphore(%arg13 : memref<!tpu.dma_semaphore, #tpu.memory_space<semaphore_mem>>)
      %mul3A_2964 = arith.constant 4 : i32
      %mul3A_2965 = arith.muli %mul3A_2964, %add3A : i32
      %add3A_2966 = arith.addi %mul3A_2965, %select_n3A_1644 : i32
      %dma_start3A_2967 = arith.constant 1 : i32
      %dma_start3A_2968 = arith.constant 1 : i32
      %dma_start3A_2969 = arith.constant 0 : i32
      %dma_start3A_2970 = arith.constant 0 : i32
      %dma_start3A_2971 = tpu.memref_slice %arg9[%dma_start3A_2967, %dma_start3A_2969, %dma_start3A_2970] : memref<4x8x129xf32, #tpu.memory_space<vmem>> -> memref<1x8x128xf32, #tpu.memory_space<vmem>>
      %dma_start3A_2972 = tpu.memref_squeeze %dma_start3A_2971 : memref<1x8x128xf32, #tpu.memory_space<vmem>> -> memref<8x128xf32, #tpu.memory_space<vmem>>
      %dma_start3A_2973 = arith.constant 0 : i32
      %dma_start3A_2974 = arith.constant 0 : i32
      %dma_start3A_2975 = tpu.memref_slice %arg4[%select_n3A_1628, %dma_start3A_2968, %add3A_2966, %dma_start3A_2973, %dma_start3A_2974] : memref<50x4x128x8x128xf32, #tpu.memory_space<hbm>> -> memref<1x1x1x8x128xf32, #tpu.memory_space<hbm>>
      %dma_start3A_2976 = tpu.memref_squeeze %dma_start3A_2975 : memref<1x1x1x8x128xf32, #tpu.memory_space<hbm>> -> memref<8x128xf32, #tpu.memory_space<hbm>>
      %dma_start3A_2977 = arith.constant 0 : i32
      %dma_start3A_2978 = arith.constant 0 : i32
      %dma_start3A_2979 = tpu.memref_slice %arg4[%select_n3A_1628, %dma_start3A_2968, %add3A_2966, %dma_start3A_2977, %dma_start3A_2978] : memref<50x4x128x8x128xf32, #tpu.memory_space<hbm>> -> memref<1x1x1x8x128xf32, #tpu.memory_space<hbm>>
      %dma_start3A_2980 = tpu.memref_squeeze %dma_start3A_2979 : memref<1x1x1x8x128xf32, #tpu.memory_space<hbm>> -> memref<8x128xf32, #tpu.memory_space<hbm>>
      %dma_start3A_2981 = arith.constant 0 : i32
      %dma_start3A_2982 = arith.constant 0 : i32
      %dma_start3A_2983 = tpu.memref_slice %arg9[%dma_start3A_2967, %dma_start3A_2981, %dma_start3A_2982] : memref<4x8x129xf32, #tpu.memory_space<vmem>> -> memref<1x8x128xf32, #tpu.memory_space<vmem>>
      %dma_start3A_2984 = tpu.memref_squeeze %dma_start3A_2983 : memref<1x8x128xf32, #tpu.memory_space<vmem>> -> memref<8x128xf32, #tpu.memory_space<vmem>>
      tpu.enqueue_dma source(%dma_start3A_2984 : memref<8x128xf32, #tpu.memory_space<vmem>>) target(%dma_start3A_2980 : memref<8x128xf32, #tpu.memory_space<hbm>>) target_semaphore(%arg13 : memref<!tpu.dma_semaphore, #tpu.memory_space<semaphore_mem>>)
      %mul3A_2985 = arith.constant 4 : i32
      %mul3A_2986 = arith.muli %mul3A_2985, %add3A : i32
      %add3A_2987 = arith.addi %mul3A_2986, %select_n3A_1644 : i32
      %dma_start3A_2988 = arith.constant 2 : i32
      %dma_start3A_2989 = arith.constant 2 : i32
      %dma_start3A_2990 = arith.constant 0 : i32
      %dma_start3A_2991 = arith.constant 0 : i32
      %dma_start3A_2992 = tpu.memref_slice %arg9[%dma_start3A_2988, %dma_start3A_2990, %dma_start3A_2991] : memref<4x8x129xf32, #tpu.memory_space<vmem>> -> memref<1x8x128xf32, #tpu.memory_space<vmem>>
      %dma_start3A_2993 = tpu.memref_squeeze %dma_start3A_2992 : memref<1x8x128xf32, #tpu.memory_space<vmem>> -> memref<8x128xf32, #tpu.memory_space<vmem>>
      %dma_start3A_2994 = arith.constant 0 : i32
      %dma_start3A_2995 = arith.constant 0 : i32
      %dma_start3A_2996 = tpu.memref_slice %arg4[%select_n3A_1628, %dma_start3A_2989, %add3A_2987, %dma_start3A_2994, %dma_start3A_2995] : memref<50x4x128x8x128xf32, #tpu.memory_space<hbm>> -> memref<1x1x1x8x128xf32, #tpu.memory_space<hbm>>
      %dma_start3A_2997 = tpu.memref_squeeze %dma_start3A_2996 : memref<1x1x1x8x128xf32, #tpu.memory_space<hbm>> -> memref<8x128xf32, #tpu.memory_space<hbm>>
      %dma_start3A_2998 = arith.constant 0 : i32
      %dma_start3A_2999 = arith.constant 0 : i32
      %dma_start3A_3000 = tpu.memref_slice %arg4[%select_n3A_1628, %dma_start3A_2989, %add3A_2987, %dma_start3A_2998, %dma_start3A_2999] : memref<50x4x128x8x128xf32, #tpu.memory_space<hbm>> -> memref<1x1x1x8x128xf32, #tpu.memory_space<hbm>>
      %dma_start3A_3001 = tpu.memref_squeeze %dma_start3A_3000 : memref<1x1x1x8x128xf32, #tpu.memory_space<hbm>> -> memref<8x128xf32, #tpu.memory_space<hbm>>
      %dma_start3A_3002 = arith.constant 0 : i32
      %dma_start3A_3003 = arith.constant 0 : i32
      %dma_start3A_3004 = tpu.memref_slice %arg9[%dma_start3A_2988, %dma_start3A_3002, %dma_start3A_3003] : memref<4x8x129xf32, #tpu.memory_space<vmem>> -> memref<1x8x128xf32, #tpu.memory_space<vmem>>
      %dma_start3A_3005 = tpu.memref_squeeze %dma_start3A_3004 : memref<1x8x128xf32, #tpu.memory_space<vmem>> -> memref<8x128xf32, #tpu.memory_space<vmem>>
      tpu.enqueue_dma source(%dma_start3A_3005 : memref<8x128xf32, #tpu.memory_space<vmem>>) target(%dma_start3A_3001 : memref<8x128xf32, #tpu.memory_space<hbm>>) target_semaphore(%arg13 : memref<!tpu.dma_semaphore, #tpu.memory_space<semaphore_mem>>)
      %mul3A_3006 = arith.constant 4 : i32
      %mul3A_3007 = arith.muli %mul3A_3006, %add3A : i32
      %add3A_3008 = arith.addi %mul3A_3007, %select_n3A_1644 : i32
      %dma_start3A_3009 = arith.constant 3 : i32
      %dma_start3A_3010 = arith.constant 3 : i32
      %dma_start3A_3011 = arith.constant 0 : i32
      %dma_start3A_3012 = arith.constant 0 : i32
      %dma_start3A_3013 = tpu.memref_slice %arg9[%dma_start3A_3009, %dma_start3A_3011, %dma_start3A_3012] : memref<4x8x129xf32, #tpu.memory_space<vmem>> -> memref<1x8x128xf32, #tpu.memory_space<vmem>>
      %dma_start3A_3014 = tpu.memref_squeeze %dma_start3A_3013 : memref<1x8x128xf32, #tpu.memory_space<vmem>> -> memref<8x128xf32, #tpu.memory_space<vmem>>
      %dma_start3A_3015 = arith.constant 0 : i32
      %dma_start3A_3016 = arith.constant 0 : i32
      %dma_start3A_3017 = tpu.memref_slice %arg4[%select_n3A_1628, %dma_start3A_3010, %add3A_3008, %dma_start3A_3015, %dma_start3A_3016] : memref<50x4x128x8x128xf32, #tpu.memory_space<hbm>> -> memref<1x1x1x8x128xf32, #tpu.memory_space<hbm>>
      %dma_start3A_3018 = tpu.memref_squeeze %dma_start3A_3017 : memref<1x1x1x8x128xf32, #tpu.memory_space<hbm>> -> memref<8x128xf32, #tpu.memory_space<hbm>>
      %dma_start3A_3019 = arith.constant 0 : i32
      %dma_start3A_3020 = arith.constant 0 : i32
      %dma_start3A_3021 = tpu.memref_slice %arg4[%select_n3A_1628, %dma_start3A_3010, %add3A_3008, %dma_start3A_3019, %dma_start3A_3020] : memref<50x4x128x8x128xf32, #tpu.memory_space<hbm>> -> memref<1x1x1x8x128xf32, #tpu.memory_space<hbm>>
      %dma_start3A_3022 = tpu.memref_squeeze %dma_start3A_3021 : memref<1x1x1x8x128xf32, #tpu.memory_space<hbm>> -> memref<8x128xf32, #tpu.memory_space<hbm>>
      %dma_start3A_3023 = arith.constant 0 : i32
      %dma_start3A_3024 = arith.constant 0 : i32
      %dma_start3A_3025 = tpu.memref_slice %arg9[%dma_start3A_3009, %dma_start3A_3023, %dma_start3A_3024] : memref<4x8x129xf32, #tpu.memory_space<vmem>> -> memref<1x8x128xf32, #tpu.memory_space<vmem>>
      %dma_start3A_3026 = tpu.memref_squeeze %dma_start3A_3025 : memref<1x8x128xf32, #tpu.memory_space<vmem>> -> memref<8x128xf32, #tpu.memory_space<vmem>>
      tpu.enqueue_dma source(%dma_start3A_3026 : memref<8x128xf32, #tpu.memory_space<vmem>>) target(%dma_start3A_3022 : memref<8x128xf32, #tpu.memory_space<hbm>>) target_semaphore(%arg13 : memref<!tpu.dma_semaphore, #tpu.memory_space<semaphore_mem>>)
    }
    %scan3A_28 = arith.constant 100 : i32
    %dma_wait3A = arith.constant 0 : i32
    %dma_wait3A_29 = arith.constant 0 : i32
    %dma_wait3A_30 = arith.constant 0 : i32
    %dma_wait3A_31 = arith.constant 0 : i32
    %dma_wait3A_32 = arith.constant 0 : i32
    %dma_wait3A_33 = arith.constant 0 : i32
    %dma_wait3A_34 = tpu.memref_slice %arg8[%dma_wait3A_31, %dma_wait3A_32, %dma_wait3A_33] : memref<4x8x129xf32, #tpu.memory_space<vmem>> -> memref<1x8x128xf32, #tpu.memory_space<vmem>>
    %dma_wait3A_35 = tpu.memref_squeeze %dma_wait3A_34 : memref<1x8x128xf32, #tpu.memory_space<vmem>> -> memref<8x128xf32, #tpu.memory_space<vmem>>
    %dma_wait3A_36 = arith.constant 0 : i32
    %dma_wait3A_37 = arith.constant 0 : i32
    %dma_wait3A_38 = tpu.memref_slice %arg4[%dma_wait3A, %dma_wait3A_29, %dma_wait3A_30, %dma_wait3A_36, %dma_wait3A_37] : memref<50x4x128x8x128xf32, #tpu.memory_space<hbm>> -> memref<1x1x1x8x128xf32, #tpu.memory_space<hbm>>
    %dma_wait3A_39 = tpu.memref_squeeze %dma_wait3A_38 : memref<1x1x1x8x128xf32, #tpu.memory_space<hbm>> -> memref<8x128xf32, #tpu.memory_space<hbm>>
    %dma_wait3A_40 = arith.constant 0 : i32
    %dma_wait3A_41 = arith.constant 0 : i32
    %dma_wait3A_42 = tpu.memref_slice %arg8[%dma_wait3A_31, %dma_wait3A_40, %dma_wait3A_41] : memref<4x8x129xf32, #tpu.memory_space<vmem>> -> memref<1x8x128xf32, #tpu.memory_space<vmem>>
    %dma_wait3A_43 = tpu.memref_squeeze %dma_wait3A_42 : memref<1x8x128xf32, #tpu.memory_space<vmem>> -> memref<8x128xf32, #tpu.memory_space<vmem>>
    %dma_wait3A_44 = arith.constant 0 : i32
    %dma_wait3A_45 = arith.constant 0 : i32
    %dma_wait3A_46 = tpu.memref_slice %arg4[%dma_wait3A, %dma_wait3A_29, %dma_wait3A_30, %dma_wait3A_44, %dma_wait3A_45] : memref<50x4x128x8x128xf32, #tpu.memory_space<hbm>> -> memref<1x1x1x8x128xf32, #tpu.memory_space<hbm>>
    %dma_wait3A_47 = tpu.memref_squeeze %dma_wait3A_46 : memref<1x1x1x8x128xf32, #tpu.memory_space<hbm>> -> memref<8x128xf32, #tpu.memory_space<hbm>>
    tpu.wait_dma2 semaphore(%arg12 : memref<!tpu.dma_semaphore, #tpu.memory_space<semaphore_mem>>) src(%dma_wait3A_47 : memref<8x128xf32, #tpu.memory_space<hbm>>) dst(%dma_wait3A_43 : memref<8x128xf32, #tpu.memory_space<vmem>>)
    %dma_wait3A_48 = arith.constant 0 : i32
    %dma_wait3A_49 = arith.constant 0 : i32
    %dma_wait3A_50 = arith.constant 0 : i32
    %dma_wait3A_51 = arith.constant 1 : i32
    %dma_wait3A_52 = arith.constant 0 : i32
    %dma_wait3A_53 = arith.constant 0 : i32
    %dma_wait3A_54 = tpu.memref_slice %arg8[%dma_wait3A_51, %dma_wait3A_52, %dma_wait3A_53] : memref<4x8x129xf32, #tpu.memory_space<vmem>> -> memref<1x8x128xf32, #tpu.memory_space<vmem>>
    %dma_wait3A_55 = tpu.memref_squeeze %dma_wait3A_54 : memref<1x8x128xf32, #tpu.memory_space<vmem>> -> memref<8x128xf32, #tpu.memory_space<vmem>>
    %dma_wait3A_56 = arith.constant 0 : i32
    %dma_wait3A_57 = arith.constant 0 : i32
    %dma_wait3A_58 = tpu.memref_slice %arg4[%dma_wait3A_48, %dma_wait3A_49, %dma_wait3A_50, %dma_wait3A_56, %dma_wait3A_57] : memref<50x4x128x8x128xf32, #tpu.memory_space<hbm>> -> memref<1x1x1x8x128xf32, #tpu.memory_space<hbm>>
    %dma_wait3A_59 = tpu.memref_squeeze %dma_wait3A_58 : memref<1x1x1x8x128xf32, #tpu.memory_space<hbm>> -> memref<8x128xf32, #tpu.memory_space<hbm>>
    %dma_wait3A_60 = arith.constant 0 : i32
    %dma_wait3A_61 = arith.constant 0 : i32
    %dma_wait3A_62 = tpu.memref_slice %arg8[%dma_wait3A_51, %dma_wait3A_60, %dma_wait3A_61] : memref<4x8x129xf32, #tpu.memory_space<vmem>> -> memref<1x8x128xf32, #tpu.memory_space<vmem>>
    %dma_wait3A_63 = tpu.memref_squeeze %dma_wait3A_62 : memref<1x8x128xf32, #tpu.memory_space<vmem>> -> memref<8x128xf32, #tpu.memory_space<vmem>>
    %dma_wait3A_64 = arith.constant 0 : i32
    %dma_wait3A_65 = arith.constant 0 : i32
    %dma_wait3A_66 = tpu.memref_slice %arg4[%dma_wait3A_48, %dma_wait3A_49, %dma_wait3A_50, %dma_wait3A_64, %dma_wait3A_65] : memref<50x4x128x8x128xf32, #tpu.memory_space<hbm>> -> memref<1x1x1x8x128xf32, #tpu.memory_space<hbm>>
    %dma_wait3A_67 = tpu.memref_squeeze %dma_wait3A_66 : memref<1x1x1x8x128xf32, #tpu.memory_space<hbm>> -> memref<8x128xf32, #tpu.memory_space<hbm>>
    tpu.wait_dma2 semaphore(%arg12 : memref<!tpu.dma_semaphore, #tpu.memory_space<semaphore_mem>>) src(%dma_wait3A_67 : memref<8x128xf32, #tpu.memory_space<hbm>>) dst(%dma_wait3A_63 : memref<8x128xf32, #tpu.memory_space<vmem>>)
    %dma_wait3A_68 = arith.constant 0 : i32
    %dma_wait3A_69 = arith.constant 0 : i32
    %dma_wait3A_70 = arith.constant 0 : i32
    %dma_wait3A_71 = arith.constant 2 : i32
    %dma_wait3A_72 = arith.constant 0 : i32
    %dma_wait3A_73 = arith.constant 0 : i32
    %dma_wait3A_74 = tpu.memref_slice %arg8[%dma_wait3A_71, %dma_wait3A_72, %dma_wait3A_73] : memref<4x8x129xf32, #tpu.memory_space<vmem>> -> memref<1x8x128xf32, #tpu.memory_space<vmem>>
    %dma_wait3A_75 = tpu.memref_squeeze %dma_wait3A_74 : memref<1x8x128xf32, #tpu.memory_space<vmem>> -> memref<8x128xf32, #tpu.memory_space<vmem>>
    %dma_wait3A_76 = arith.constant 0 : i32
    %dma_wait3A_77 = arith.constant 0 : i32
    %dma_wait3A_78 = tpu.memref_slice %arg4[%dma_wait3A_68, %dma_wait3A_69, %dma_wait3A_70, %dma_wait3A_76, %dma_wait3A_77] : memref<50x4x128x8x128xf32, #tpu.memory_space<hbm>> -> memref<1x1x1x8x128xf32, #tpu.memory_space<hbm>>
    %dma_wait3A_79 = tpu.memref_squeeze %dma_wait3A_78 : memref<1x1x1x8x128xf32, #tpu.memory_space<hbm>> -> memref<8x128xf32, #tpu.memory_space<hbm>>
    %dma_wait3A_80 = arith.constant 0 : i32
    %dma_wait3A_81 = arith.constant 0 : i32
    %dma_wait3A_82 = tpu.memref_slice %arg8[%dma_wait3A_71, %dma_wait3A_80, %dma_wait3A_81] : memref<4x8x129xf32, #tpu.memory_space<vmem>> -> memref<1x8x128xf32, #tpu.memory_space<vmem>>
    %dma_wait3A_83 = tpu.memref_squeeze %dma_wait3A_82 : memref<1x8x128xf32, #tpu.memory_space<vmem>> -> memref<8x128xf32, #tpu.memory_space<vmem>>
    %dma_wait3A_84 = arith.constant 0 : i32
    %dma_wait3A_85 = arith.constant 0 : i32
    %dma_wait3A_86 = tpu.memref_slice %arg4[%dma_wait3A_68, %dma_wait3A_69, %dma_wait3A_70, %dma_wait3A_84, %dma_wait3A_85] : memref<50x4x128x8x128xf32, #tpu.memory_space<hbm>> -> memref<1x1x1x8x128xf32, #tpu.memory_space<hbm>>
    %dma_wait3A_87 = tpu.memref_squeeze %dma_wait3A_86 : memref<1x1x1x8x128xf32, #tpu.memory_space<hbm>> -> memref<8x128xf32, #tpu.memory_space<hbm>>
    tpu.wait_dma2 semaphore(%arg12 : memref<!tpu.dma_semaphore, #tpu.memory_space<semaphore_mem>>) src(%dma_wait3A_87 : memref<8x128xf32, #tpu.memory_space<hbm>>) dst(%dma_wait3A_83 : memref<8x128xf32, #tpu.memory_space<vmem>>)
    %dma_wait3A_88 = arith.constant 0 : i32
    %dma_wait3A_89 = arith.constant 0 : i32
    %dma_wait3A_90 = arith.constant 0 : i32
    %dma_wait3A_91 = arith.constant 3 : i32
    %dma_wait3A_92 = arith.constant 0 : i32
    %dma_wait3A_93 = arith.constant 0 : i32
    %dma_wait3A_94 = tpu.memref_slice %arg8[%dma_wait3A_91, %dma_wait3A_92, %dma_wait3A_93] : memref<4x8x129xf32, #tpu.memory_space<vmem>> -> memref<1x8x128xf32, #tpu.memory_space<vmem>>
    %dma_wait3A_95 = tpu.memref_squeeze %dma_wait3A_94 : memref<1x8x128xf32, #tpu.memory_space<vmem>> -> memref<8x128xf32, #tpu.memory_space<vmem>>
    %dma_wait3A_96 = arith.constant 0 : i32
    %dma_wait3A_97 = arith.constant 0 : i32
    %dma_wait3A_98 = tpu.memref_slice %arg4[%dma_wait3A_88, %dma_wait3A_89, %dma_wait3A_90, %dma_wait3A_96, %dma_wait3A_97] : memref<50x4x128x8x128xf32, #tpu.memory_space<hbm>> -> memref<1x1x1x8x128xf32, #tpu.memory_space<hbm>>
    %dma_wait3A_99 = tpu.memref_squeeze %dma_wait3A_98 : memref<1x1x1x8x128xf32, #tpu.memory_space<hbm>> -> memref<8x128xf32, #tpu.memory_space<hbm>>
    %dma_wait3A_100 = arith.constant 0 : i32
    %dma_wait3A_101 = arith.constant 0 : i32
    %dma_wait3A_102 = tpu.memref_slice %arg8[%dma_wait3A_91, %dma_wait3A_100, %dma_wait3A_101] : memref<4x8x129xf32, #tpu.memory_space<vmem>> -> memref<1x8x128xf32, #tpu.memory_space<vmem>>
    %dma_wait3A_103 = tpu.memref_squeeze %dma_wait3A_102 : memref<1x8x128xf32, #tpu.memory_space<vmem>> -> memref<8x128xf32, #tpu.memory_space<vmem>>
    %dma_wait3A_104 = arith.constant 0 : i32
    %dma_wait3A_105 = arith.constant 0 : i32
    %dma_wait3A_106 = tpu.memref_slice %arg4[%dma_wait3A_88, %dma_wait3A_89, %dma_wait3A_90, %dma_wait3A_104, %dma_wait3A_105] : memref<50x4x128x8x128xf32, #tpu.memory_space<hbm>> -> memref<1x1x1x8x128xf32, #tpu.memory_space<hbm>>
    %dma_wait3A_107 = tpu.memref_squeeze %dma_wait3A_106 : memref<1x1x1x8x128xf32, #tpu.memory_space<hbm>> -> memref<8x128xf32, #tpu.memory_space<hbm>>
    tpu.wait_dma2 semaphore(%arg12 : memref<!tpu.dma_semaphore, #tpu.memory_space<semaphore_mem>>) src(%dma_wait3A_107 : memref<8x128xf32, #tpu.memory_space<hbm>>) dst(%dma_wait3A_103 : memref<8x128xf32, #tpu.memory_space<vmem>>)
    %dma_wait3A_108 = arith.constant 0 : i32
    %dma_wait3A_109 = arith.constant 0 : i32
    %dma_wait3A_110 = arith.constant 0 : i32
    %dma_wait3A_111 = arith.constant 0 : i32
    %dma_wait3A_112 = arith.constant 0 : i32
    %dma_wait3A_113 = arith.constant 0 : i32
    %dma_wait3A_114 = tpu.memref_slice %arg9[%dma_wait3A_111, %dma_wait3A_112, %dma_wait3A_113] : memref<4x8x129xf32, #tpu.memory_space<vmem>> -> memref<1x8x128xf32, #tpu.memory_space<vmem>>
    %dma_wait3A_115 = tpu.memref_squeeze %dma_wait3A_114 : memref<1x8x128xf32, #tpu.memory_space<vmem>> -> memref<8x128xf32, #tpu.memory_space<vmem>>
    %dma_wait3A_116 = arith.constant 0 : i32
    %dma_wait3A_117 = arith.constant 0 : i32
    %dma_wait3A_118 = tpu.memref_slice %arg4[%dma_wait3A_108, %dma_wait3A_109, %dma_wait3A_110, %dma_wait3A_116, %dma_wait3A_117] : memref<50x4x128x8x128xf32, #tpu.memory_space<hbm>> -> memref<1x1x1x8x128xf32, #tpu.memory_space<hbm>>
    %dma_wait3A_119 = tpu.memref_squeeze %dma_wait3A_118 : memref<1x1x1x8x128xf32, #tpu.memory_space<hbm>> -> memref<8x128xf32, #tpu.memory_space<hbm>>
    %dma_wait3A_120 = arith.constant 0 : i32
    %dma_wait3A_121 = arith.constant 0 : i32
    %dma_wait3A_122 = tpu.memref_slice %arg9[%dma_wait3A_111, %dma_wait3A_120, %dma_wait3A_121] : memref<4x8x129xf32, #tpu.memory_space<vmem>> -> memref<1x8x128xf32, #tpu.memory_space<vmem>>
    %dma_wait3A_123 = tpu.memref_squeeze %dma_wait3A_122 : memref<1x8x128xf32, #tpu.memory_space<vmem>> -> memref<8x128xf32, #tpu.memory_space<vmem>>
    %dma_wait3A_124 = arith.constant 0 : i32
    %dma_wait3A_125 = arith.constant 0 : i32
    %dma_wait3A_126 = tpu.memref_slice %arg4[%dma_wait3A_108, %dma_wait3A_109, %dma_wait3A_110, %dma_wait3A_124, %dma_wait3A_125] : memref<50x4x128x8x128xf32, #tpu.memory_space<hbm>> -> memref<1x1x1x8x128xf32, #tpu.memory_space<hbm>>
    %dma_wait3A_127 = tpu.memref_squeeze %dma_wait3A_126 : memref<1x1x1x8x128xf32, #tpu.memory_space<hbm>> -> memref<8x128xf32, #tpu.memory_space<hbm>>
    tpu.wait_dma2 semaphore(%arg13 : memref<!tpu.dma_semaphore, #tpu.memory_space<semaphore_mem>>) src(%dma_wait3A_127 : memref<8x128xf32, #tpu.memory_space<hbm>>) dst(%dma_wait3A_123 : memref<8x128xf32, #tpu.memory_space<vmem>>)
    %dma_wait3A_128 = arith.constant 0 : i32
    %dma_wait3A_129 = arith.constant 0 : i32
    %dma_wait3A_130 = arith.constant 0 : i32
    %dma_wait3A_131 = arith.constant 1 : i32
    %dma_wait3A_132 = arith.constant 0 : i32
    %dma_wait3A_133 = arith.constant 0 : i32
    %dma_wait3A_134 = tpu.memref_slice %arg9[%dma_wait3A_131, %dma_wait3A_132, %dma_wait3A_133] : memref<4x8x129xf32, #tpu.memory_space<vmem>> -> memref<1x8x128xf32, #tpu.memory_space<vmem>>
    %dma_wait3A_135 = tpu.memref_squeeze %dma_wait3A_134 : memref<1x8x128xf32, #tpu.memory_space<vmem>> -> memref<8x128xf32, #tpu.memory_space<vmem>>
    %dma_wait3A_136 = arith.constant 0 : i32
    %dma_wait3A_137 = arith.constant 0 : i32
    %dma_wait3A_138 = tpu.memref_slice %arg4[%dma_wait3A_128, %dma_wait3A_129, %dma_wait3A_130, %dma_wait3A_136, %dma_wait3A_137] : memref<50x4x128x8x128xf32, #tpu.memory_space<hbm>> -> memref<1x1x1x8x128xf32, #tpu.memory_space<hbm>>
    %dma_wait3A_139 = tpu.memref_squeeze %dma_wait3A_138 : memref<1x1x1x8x128xf32, #tpu.memory_space<hbm>> -> memref<8x128xf32, #tpu.memory_space<hbm>>
    %dma_wait3A_140 = arith.constant 0 : i32
    %dma_wait3A_141 = arith.constant 0 : i32
    %dma_wait3A_142 = tpu.memref_slice %arg9[%dma_wait3A_131, %dma_wait3A_140, %dma_wait3A_141] : memref<4x8x129xf32, #tpu.memory_space<vmem>> -> memref<1x8x128xf32, #tpu.memory_space<vmem>>
    %dma_wait3A_143 = tpu.memref_squeeze %dma_wait3A_142 : memref<1x8x128xf32, #tpu.memory_space<vmem>> -> memref<8x128xf32, #tpu.memory_space<vmem>>
    %dma_wait3A_144 = arith.constant 0 : i32
    %dma_wait3A_145 = arith.constant 0 : i32
    %dma_wait3A_146 = tpu.memref_slice %arg4[%dma_wait3A_128, %dma_wait3A_129, %dma_wait3A_130, %dma_wait3A_144, %dma_wait3A_145] : memref<50x4x128x8x128xf32, #tpu.memory_space<hbm>> -> memref<1x1x1x8x128xf32, #tpu.memory_space<hbm>>
    %dma_wait3A_147 = tpu.memref_squeeze %dma_wait3A_146 : memref<1x1x1x8x128xf32, #tpu.memory_space<hbm>> -> memref<8x128xf32, #tpu.memory_space<hbm>>
    tpu.wait_dma2 semaphore(%arg13 : memref<!tpu.dma_semaphore, #tpu.memory_space<semaphore_mem>>) src(%dma_wait3A_147 : memref<8x128xf32, #tpu.memory_space<hbm>>) dst(%dma_wait3A_143 : memref<8x128xf32, #tpu.memory_space<vmem>>)
    %dma_wait3A_148 = arith.constant 0 : i32
    %dma_wait3A_149 = arith.constant 0 : i32
    %dma_wait3A_150 = arith.constant 0 : i32
    %dma_wait3A_151 = arith.constant 2 : i32
    %dma_wait3A_152 = arith.constant 0 : i32
    %dma_wait3A_153 = arith.constant 0 : i32
    %dma_wait3A_154 = tpu.memref_slice %arg9[%dma_wait3A_151, %dma_wait3A_152, %dma_wait3A_153] : memref<4x8x129xf32, #tpu.memory_space<vmem>> -> memref<1x8x128xf32, #tpu.memory_space<vmem>>
    %dma_wait3A_155 = tpu.memref_squeeze %dma_wait3A_154 : memref<1x8x128xf32, #tpu.memory_space<vmem>> -> memref<8x128xf32, #tpu.memory_space<vmem>>
    %dma_wait3A_156 = arith.constant 0 : i32
    %dma_wait3A_157 = arith.constant 0 : i32
    %dma_wait3A_158 = tpu.memref_slice %arg4[%dma_wait3A_148, %dma_wait3A_149, %dma_wait3A_150, %dma_wait3A_156, %dma_wait3A_157] : memref<50x4x128x8x128xf32, #tpu.memory_space<hbm>> -> memref<1x1x1x8x128xf32, #tpu.memory_space<hbm>>
    %dma_wait3A_159 = tpu.memref_squeeze %dma_wait3A_158 : memref<1x1x1x8x128xf32, #tpu.memory_space<hbm>> -> memref<8x128xf32, #tpu.memory_space<hbm>>
    %dma_wait3A_160 = arith.constant 0 : i32
    %dma_wait3A_161 = arith.constant 0 : i32
    %dma_wait3A_162 = tpu.memref_slice %arg9[%dma_wait3A_151, %dma_wait3A_160, %dma_wait3A_161] : memref<4x8x129xf32, #tpu.memory_space<vmem>> -> memref<1x8x128xf32, #tpu.memory_space<vmem>>
    %dma_wait3A_163 = tpu.memref_squeeze %dma_wait3A_162 : memref<1x8x128xf32, #tpu.memory_space<vmem>> -> memref<8x128xf32, #tpu.memory_space<vmem>>
    %dma_wait3A_164 = arith.constant 0 : i32
    %dma_wait3A_165 = arith.constant 0 : i32
    %dma_wait3A_166 = tpu.memref_slice %arg4[%dma_wait3A_148, %dma_wait3A_149, %dma_wait3A_150, %dma_wait3A_164, %dma_wait3A_165] : memref<50x4x128x8x128xf32, #tpu.memory_space<hbm>> -> memref<1x1x1x8x128xf32, #tpu.memory_space<hbm>>
    %dma_wait3A_167 = tpu.memref_squeeze %dma_wait3A_166 : memref<1x1x1x8x128xf32, #tpu.memory_space<hbm>> -> memref<8x128xf32, #tpu.memory_space<hbm>>
    tpu.wait_dma2 semaphore(%arg13 : memref<!tpu.dma_semaphore, #tpu.memory_space<semaphore_mem>>) src(%dma_wait3A_167 : memref<8x128xf32, #tpu.memory_space<hbm>>) dst(%dma_wait3A_163 : memref<8x128xf32, #tpu.memory_space<vmem>>)
    %dma_wait3A_168 = arith.constant 0 : i32
    %dma_wait3A_169 = arith.constant 0 : i32
    %dma_wait3A_170 = arith.constant 0 : i32
    %dma_wait3A_171 = arith.constant 3 : i32
    %dma_wait3A_172 = arith.constant 0 : i32
    %dma_wait3A_173 = arith.constant 0 : i32
    %dma_wait3A_174 = tpu.memref_slice %arg9[%dma_wait3A_171, %dma_wait3A_172, %dma_wait3A_173] : memref<4x8x129xf32, #tpu.memory_space<vmem>> -> memref<1x8x128xf32, #tpu.memory_space<vmem>>
    %dma_wait3A_175 = tpu.memref_squeeze %dma_wait3A_174 : memref<1x8x128xf32, #tpu.memory_space<vmem>> -> memref<8x128xf32, #tpu.memory_space<vmem>>
    %dma_wait3A_176 = arith.constant 0 : i32
    %dma_wait3A_177 = arith.constant 0 : i32
    %dma_wait3A_178 = tpu.memref_slice %arg4[%dma_wait3A_168, %dma_wait3A_169, %dma_wait3A_170, %dma_wait3A_176, %dma_wait3A_177] : memref<50x4x128x8x128xf32, #tpu.memory_space<hbm>> -> memref<1x1x1x8x128xf32, #tpu.memory_space<hbm>>
    %dma_wait3A_179 = tpu.memref_squeeze %dma_wait3A_178 : memref<1x1x1x8x128xf32, #tpu.memory_space<hbm>> -> memref<8x128xf32, #tpu.memory_space<hbm>>
    %dma_wait3A_180 = arith.constant 0 : i32
    %dma_wait3A_181 = arith.constant 0 : i32
    %dma_wait3A_182 = tpu.memref_slice %arg9[%dma_wait3A_171, %dma_wait3A_180, %dma_wait3A_181] : memref<4x8x129xf32, #tpu.memory_space<vmem>> -> memref<1x8x128xf32, #tpu.memory_space<vmem>>
    %dma_wait3A_183 = tpu.memref_squeeze %dma_wait3A_182 : memref<1x8x128xf32, #tpu.memory_space<vmem>> -> memref<8x128xf32, #tpu.memory_space<vmem>>
    %dma_wait3A_184 = arith.constant 0 : i32
    %dma_wait3A_185 = arith.constant 0 : i32
    %dma_wait3A_186 = tpu.memref_slice %arg4[%dma_wait3A_168, %dma_wait3A_169, %dma_wait3A_170, %dma_wait3A_184, %dma_wait3A_185] : memref<50x4x128x8x128xf32, #tpu.memory_space<hbm>> -> memref<1x1x1x8x128xf32, #tpu.memory_space<hbm>>
    %dma_wait3A_187 = tpu.memref_squeeze %dma_wait3A_186 : memref<1x1x1x8x128xf32, #tpu.memory_space<hbm>> -> memref<8x128xf32, #tpu.memory_space<hbm>>
    tpu.wait_dma2 semaphore(%arg13 : memref<!tpu.dma_semaphore, #tpu.memory_space<semaphore_mem>>) src(%dma_wait3A_187 : memref<8x128xf32, #tpu.memory_space<hbm>>) dst(%dma_wait3A_183 : memref<8x128xf32, #tpu.memory_space<vmem>>)
    return
  }
}

</mosaic_0001>

<sc_bundles>
// kernel: kernel.3.cloned.1.call-start
scs
__scs_entry_jumppad:
0x0: {  	(pc) =	sbr.rel $0x88, $3  }
0x1: {  	(tag) =	ssettag $0x0;
	lr =	simm.s32 $0x1  }
0x2: {  	[smem:$0x3F9F] =	sst lr;
	_ =	strace $0xD0000000  }
0x3: {  	_ = 	snop  }
0x4: {  	_ = 	snop  }
0x5: {  	_ = 	snop  }
0x6: {  	_ = 	snop  }
0x7: {  	_ = 	snop  }
__scs_overlays_trampoline_lowered:
0x8: {  	[smem:$0x3FAE] =	sst s0  }
0x9: {  	[smem:$0x3FAF] =	sst s1  }
0xa: {  	[smem:$0x3FB0] =	sst s2  }
0xb: {  	[smem:$0x3FB1] =	sst s3  }
0xc: {  	[smem:$0x3FB2] =	sst s4  }
0xd: {  	[smem:$0x3FB3] =	sst s5  }
0xe: {  	[smem:$0x3FB4] =	sst s6  }
0xf: {  	[smem:$0x3FB5] =	sst s7  }
0x10: {  	[smem:$0x3FB6] =	sst s8  }
0x11: {  	[smem:$0x3FB7] =	sst s9;
	s0 =	simm.s32 @!p0 $0x0  }
0x12: {  	s1 =	sld [smem:$0x3F9D];
	s0 =	simm.s32 @p0 $0x1  }
0x13: {  	[smem:$0x3FB8] =	sst s0;
	s0 =	simm.s32 @!p1 $0x0  }
0x14: {  	s2 =	sld [smem:$0x3F9C];
	s0 =	simm.s32 @p1 $0x1  }
0x15: {  	[smem:$0x3FB9] =	sst s0;
	s0 =	simm.s32 @!p2 $0x0  }
0x16: {  	s3 =	sld [smem:$0x3FDB];
	s0 =	simm.s32 @p2 $0x1  }
0x17: {  	s4 =	simm.s32 $0x1BF5;
	[smem:$0x3FBB] =	sst s0  }
0x18: {  	s0 =	sld [smem:$0x3F9E];
	_ =	swait.ge [sflag:s4], $0x0  }
0x19: {  	s7 =	sld [smem:$0x3F9F]  }
0x1a: {  	s8 =	sadd.s32 $0xFFFFE003, lr  }
0x1b: {  	s9 =	sadd.s32 $0xFFFFFEF7, lr;
	s5 =	simm.s32 $0xFFFFFFFF;
	p2 =	slt.u32 s8, $0xFFFFF086  }
0x1c: {  	p1 =	slt.u32 s9, $0xF7A;
	s5 =	simm.s32 @!p2 $0x0  }
0x1d: {  	s5 =	simm.s32 @p1 $0x1;
	p0 =	seq.s32 s7, s2  }
0x1e: {  	s7 =	smul.u32 @!p0 $0xF7A, s2;
	p2 =	seq.s32 @!p0 s5, $0x0  }
0x1f: {  	s9 =	smul.u32 $0xF7A, s1;
	s8 =	simm.s32 @!p0 $0x1BF5;
	p2 =	por !p2, p0  }
0x20: {  	[sflag:s8] =	ssyncset.s32 @!p0 $0xFFFFF086;
	s6 =	sadd.s32 @!p0 s3, s7;
	s7 =	simm.s32 @!p0 $0x108  }
0x21: {  	s3 =	sadd.s32 s3, s9;
	s6 =	sadd.s32 @!p0 $0x88, s6;
	s7 =	simm.s32 @p2 $0x1082  }
0x22: {  	[simem:s7], [sflag:s8] =	dma.local @!p0 [hbm:s6], $0xF7A  }
0x23: {  	s9 =	sor.u32 $0xD0000000, s2;
	s6 =	simm.s32 $0x108;
	_ =	swait.ge @!p0 [sflag:s8], $0x0  }
0x24: {  	s3 =	sadd.s32 $0x88, s3;
	s6 =	simm.s32 @!p1 $0x1082;
	[sflag:s4] =	ssyncset.s32 $0xFFFFF086  }
0x25: {  	[simem:s6], [sflag:s4] =	dma.local [hbm:s3], $0xF7A  }
0x26: {  	[smem:$0x3F9F] =	sst s1;
	(tag) =	ssettag s2;
	_ =	strace s9  }
0x27: {  	s1 =	sld [smem:$0x3FAF]  }
0x28: {  	s2 =	sld [smem:$0x3FB0]  }
0x29: {  	s4 =	sld [smem:$0x3FB2]  }
0x2a: {  	p0 =	seq.s32 s5, $0x0;
	s5 =	sld [smem:$0x3FB3]  }
0x2b: {  	s6 =	sld [smem:$0x3FB4]  }
0x2c: {  	s7 =	sld [smem:$0x3FB5]  }
0x2d: {  	s3 =	simm.s32 $0x108;
	s8 =	sld [smem:$0x3FB6]  }
0x2e: {  	s3 =	simm.s32 @!p0 $0x1082;
	s9 =	sld [smem:$0x3FB7]  }
0x2f: {  	lr =	sadd.s32 s0, s3;
	s0 =	sld [smem:$0x3FAE]  }
0x30: {  	s3 =	sld [smem:$0x3FB1]  }
0x31: {  	[smem:$0x3FBA] =	sst s10  }
0x32: {  	s10 =	sld [smem:$0x3FB8];
	_ =	sdelay $0x3  }
0x33: {  	p0 =	seq.s32 s10, $0x1;
	s10 =	sld [smem:$0x3FBA];
	_ =	sdelay $0x3  }
0x34: {  	[smem:$0x3FBA] =	sst s10  }
0x35: {  	s10 =	sld [smem:$0x3FB9];
	_ =	sdelay $0x3  }
0x36: {  	p1 =	seq.s32 s10, $0x1;
	s10 =	sld [smem:$0x3FBA];
	_ =	sdelay $0x3  }
0x37: {  	[smem:$0x3FBA] =	sst s10  }
0x38: {  	s10 =	sld [smem:$0x3FBB]  }
0x39: {  	_ = 	snop;
	(pc) =	sbr.ind lr, $3  }
0x3a: {  	_ = 	snop  }
0x3b: {  	_ = 	snop  }
0x3c: {  	p2 =	seq.s32 s10, $0x1;
	s10 =	sld [smem:$0x3FBA]  }
0x3d: {  	_ =	shalt  }
0x3e: {  	_ =	shalt  }
0x3f: {  	_ =	shalt  }
0x40: {  	_ =	shalt  }
0x41: {  	_ =	shalt  }
0x42: {  	_ =	shalt  }
0x43: {  	_ =	shalt  }
0x44: {  	_ =	shalt  }
0x45: {  	_ =	shalt  }
0x46: {  	_ =	shalt  }
0x47: {  	_ =	shalt  }
0x48: {  	_ =	shalt  }
0x49: {  	_ =	shalt  }
0x4a: {  	_ =	shalt  }
0x4b: {  	_ =	shalt  }
0x4c: {  	_ =	shalt  }
0x4d: {  	_ =	shalt  }
0x4e: {  	_ =	shalt  }
0x4f: {  	_ =	shalt  }
0x50: {  	_ =	shalt  }
0x51: {  	_ =	shalt  }
0x52: {  	_ =	shalt  }
0x53: {  	_ =	shalt  }
0x54: {  	_ =	shalt  }
0x55: {  	_ =	shalt  }
0x56: {  	_ =	shalt  }
0x57: {  	_ =	shalt  }
0x58: {  	_ =	shalt  }
0x59: {  	_ =	shalt  }
0x5a: {  	_ =	shalt  }
0x5b: {  	_ =	shalt  }
0x5c: {  	_ =	shalt  }
0x5d: {  	_ =	shalt  }
0x5e: {  	_ =	shalt  }
0x5f: {  	_ =	shalt  }
0x60: {  	_ =	shalt  }
0x61: {  	_ =	shalt  }
0x62: {  	_ =	shalt  }
0x63: {  	_ =	shalt  }
0x64: {  	_ =	shalt  }
0x65: {  	_ =	shalt  }
0x66: {  	_ =	shalt  }
0x67: {  	_ =	shalt  }
0x68: {  	_ =	shalt  }
0x69: {  	_ =	shalt  }
0x6a: {  	_ =	shalt  }
0x6b: {  	_ =	shalt  }
0x6c: {  	_ =	shalt  }
0x6d: {  	_ =	shalt  }
0x6e: {  	_ =	shalt  }
0x6f: {  	_ =	shalt  }
0x70: {  	_ =	shalt  }
0x71: {  	_ =	shalt  }
0x72: {  	_ =	shalt  }
0x73: {  	_ =	shalt  }
0x74: {  	_ =	shalt  }
0x75: {  	_ =	shalt  }
0x76: {  	_ =	shalt  }
0x77: {  	_ =	shalt  }
0x78: {  	_ =	shalt  }
0x79: {  	_ =	shalt  }
0x7a: {  	_ =	shalt  }
0x7b: {  	_ =	shalt  }
0x7c: {  	_ =	shalt  }
0x7d: {  	_ =	shalt  }
0x7e: {  	_ =	shalt  }
0x7f: {  	_ =	shalt  }
0x80: {  	_ =	shalt  }
0x81: {  	_ =	shalt  }
0x82: {  	_ =	shalt  }
0x83: {  	_ =	shalt  }
0x84: {  	_ =	shalt  }
0x85: {  	_ =	shalt  }
0x86: {  	_ =	shalt  }
0x87: {  	_ =	shalt  }
.Lfunc_end0:
.L_simem_size_0:
called_computation_lowered:
.L_overlay_start_0:
0x88: {  	s2 =	sld [smem:$0x3FD9]  }
0x89: {  	s3 =	sld [smem:$0x3FFE];
	_ =	sdelay $0x1  }
0x8a: {  	s1 =	srdreg.scid  }
0x8b: {  	s0 =	sand.u32 $0x1, s1  }
0x8c: {  	s17 =	sshll.u32 s0, $0xA;
	s2 =	sadd.s32 s3, s2  }
0x8d: {  	s2 =	sadd.s32 s2, s17  }
0x8e: {  	[smem:$0x3FC6] =	sst s2  }
0x8f: {  	_ = 	snop  }
0x90: {  	s2 =	sld [smem:$0x3FD0];
	(tm) =	ssettm $0x1  }
0x91: {  	s18 =	sld [smem:$0x3FFB];
	_ =	sdelay $0x3  }
0x92: {  	_ =	strace s18  }
0x93: {  	s3 =	sld [smem:$0x3FFC];
	_ =	sdelay $0x3  }
0x94: {  	_ =	strace s3  }
0x95: {  	s3 =	sld [smem:$0x3FFD];
	_ =	sdelay $0x3  }
0x96: {  	_ =	strace s3  }
0x97: {  	_ =	strace $0x8FFFFFFF  }
0x98: {  	s19 =	sld [smem:$0x3FDB];
	_ =	sdelay $0x1  }
0x99: {  	s4 =	simm.s32 $_scs_section_size  }
0x9a: {  	s5 =	simm.s32 $_size__tile_overlayer_lowered;
	s6 =	simm.s32 $_tile_overlayer_lowered  }
0x9b: {  	s22 =	simm.s32 $0x1BFF;
	s21 =	sshll.u32 s6, $0x1;
	s3 =	sadd.s32 s4, s19  }
0x9c: {  	s7 =	simm.s32 $0x0;
	s20 =	sshll.u32 s5, $0x1;
	s5 =	sadd.s32 s21, s3  }
0x9d: {  	[timem:s7], [sflag:s22] =	dma.local [hbm:s5], s20  }
0x9e: {  	_ =	swait.ge [sflag:s22], s20  }
0x9f: {  	s4 =	ssub.s32 $0x0, s20;
	[sflag:s22] =	ssyncset.done $0x0  }
0xa0: {  	[sflag:s22] =	ssyncadd.s32 s4;
	_ =	sdelay $0x1  }
0xa1: {  	s23 =	simm.s32 $0x1B8B  }
0xa2: {  	_ =	swait.ge [sflag:s23], $0x1  }
0xa3: {  	[sflag:s23] =	ssyncset.done $0x0  }
0xa4: {  	s25 =	simm.s32 $0x1B8E;
	s24 =	sld [smem:$0x3FFE];
	[sflag:s23] =	ssyncadd.s32 $0xFFFFFFFF  }
0xa5: {  	s26 =	simm.s32 $execute0_lowered;
	[smem:$0x3FD2] =	sst s25  }
0xa6: {  	s5 =	sshll.u32 s26, $0x1;
	_ =	strace $0x80000046;
	[dreg:$0x1] =	wrdreg $0xFFFFFFFF  }
0xa7: {  	s28 =	simm.s32 $_size_execute0_lowered;
	s3 =	sadd.s32 s3, s5;
	[dreg:$0x0] =	wrdreg $0x0  }
0xa8: {  	s5 =	sshll.u32 s28, $0x1;
	[dreg:$0x2] =	wrdreg s3  }
0xa9: {  	[dreg:$0x3] =	wrdreg s5  }
0xaa: {  	[dreg:$0x4] =	wrdreg $0xC0  }
0xab: {  	_ =	task [dreg:s7], $0x5FFFF  }
0xac: {  	[dreg:$0x1] =	wrdreg $0xFFFFFFFF  }
0xad: {  	[dreg:$0x0] =	wrdreg $0x60  }
0xae: {  	[dreg:$0x2] =	wrdreg s24  }
0xaf: {  	[dreg:$0x3] =	wrdreg s2  }
0xb0: {  	[dreg:$0x4] =	wrdreg $0x9  }
0xb1: {  	_ =	task.clear_ibuf [dreg:s7], $0x5FFFF;
	_ =	strace $0x90000046  }
0xb2: {  	s29 =	simm.s32 $0x9;
	_ =	strace $0x80000048  }
0xb3: {  	_ =	swait.ge [sflag:s29], $0x1  }
0xb4: {  	[sflag:s29] =	ssyncadd.s32 $0xFFFFFFFF  }
0xb5: {  	_ =	strace $0x90000048  }
0xb6: {  	_ =	sfence  }
0xb7: {  	s30 =	sld [smem:$0x0];
	_ =	sdelay $0x2  }
0xb8: {  	s31 =	sshll.u32 s1, $0xD;
	s1 =	sshrl.u32 s1, $0x2  }
0xb9: {  	s3 =	sand.u32 $0x4000, s31;
	s1 =	sadd.s32 s1, s30  }
0xba: {  	s0 =	sor.u32 s3, s0;
	s1 =	sshll.u32 s1, $0x11  }
0xbb: {  	s0 =	sor.u32 s1, s0  }
0xbc: {  	s0 =	sadd.s32 $0x8F2B, s0  }
0xbd: {  	[sflag:s0] =	ssyncadd.remote.s32 $0x1  }
0xbe: {  	_ =	sfence.sel $0xFFFF  }
0xbf: {  	[dreg:$0x0] =	wrdreg $0xFFFFFFFF;
	(pc) =	sbr.abs _section_cstart, $3  }
0xc0: {  	[dreg:$0x1] =	wrdreg $0xFFFFFFFF  }
0xc1: {  	_ =	task.clear_ibuf [dreg:s7], $0x2FFFF;
	_ =	strace $0x9FFFFFFF  }
0xc2: {  	(tm) =	ssettm $0x7FFFFFFF  }
0xc3: {  	_ =	shalt  }
tec
execute0_lowered:
.L_overlay_start_1:
0x0: {  	(tag) =	ssettag $0x1  }
0x1: {  	v0 =	vlaneseq.u32  }
0x2: {  	v0 =	vmul.u32 $0x88, v0  }
0x3: {  	s0 =	rddreg [dreg:$0x0];
	s3 =	simm.s32 $0x0  }
0x4: {  	[smem:$0x7FF] =	sst s3;
	v1 =	vadd.s32 $0x1F, v0  }
0x5: {  	s2 =	rddreg [dreg:$0x1];
	_ =	strace $0x80000047;
	v6 =	vadd.s32 $0x880, v0;
	[tilespmem:$0x1FC10] =	vst v1  }
0x6: {  	v7 =	vor.u32 $0x1, v0;
	[tilespmem:$0x1FC30] =	vst v6  }
0x7: {  	v8 =	vadd.s32 $0x881, v0;
	[tilespmem:$0x1FC40] =	vst v7  }
0x8: {  	v9 =	vor.u32 $0x2, v0;
	[tilespmem:$0x1FC50] =	vst v8  }
0x9: {  	v10 =	vadd.s32 $0x882, v0;
	[tilespmem:$0x1FC60] =	vst v9  }
0xa: {  	v11 =	vor.u32 $0x3, v0;
	[tilespmem:$0x1FC70] =	vst v10  }
0xb: {  	v12 =	vadd.s32 $0x883, v0;
	[tilespmem:$0x1FC80] =	vst v11  }
0xc: {  	v13 =	vor.u32 $0x4, v0;
	[tilespmem:$0x1FC90] =	vst v12  }
0xd: {  	v14 =	vadd.s32 $0x884, v0;
	[tilespmem:$0x1FCA0] =	vst v13  }
0xe: {  	v15 =	vor.u32 $0x5, v0;
	[tilespmem:$0x1FCB0] =	vst v14  }
0xf: {  	v16 =	vadd.s32 $0x885, v0;
	[tilespmem:$0x1FCC0] =	vst v15  }
0x10: {  	v17 =	vor.u32 $0x6, v0;
	[tilespmem:$0x1FCD0] =	vst v16  }
0x11: {  	v18 =	vadd.s32 $0x886, v0;
	[tilespmem:$0x1FCE0] =	vst v17  }
0x12: {  	v19 =	vor.u32 $0x7, v0;
	[tilespmem:$0x1FCF0] =	vst v18  }
0x13: {  	v20 =	vadd.s32 $0x887, v0;
	[tilespmem:$0x1FD00] =	vst v19  }
0x14: {  	v21 =	vadd.s32 $0x8, v0;
	[tilespmem:$0x1FD10] =	vst v20  }
0x15: {  	v22 =	vadd.s32 $0x888, v0;
	[tilespmem:$0x1FD20] =	vst v21  }
0x16: {  	v23 =	vadd.s32 $0x9, v0;
	[tilespmem:$0x1FD30] =	vst v22  }
0x17: {  	v24 =	vadd.s32 $0x889, v0;
	[tilespmem:$0x1FD40] =	vst v23  }
0x18: {  	v25 =	vadd.s32 $0xA, v0;
	[tilespmem:$0x1FD50] =	vst v24  }
0x19: {  	v26 =	vadd.s32 $0x88A, v0;
	[tilespmem:$0x1FD60] =	vst v25  }
0x1a: {  	v27 =	vadd.s32 $0xB, v0;
	[tilespmem:$0x1FD70] =	vst v26  }
0x1b: {  	v28 =	vadd.s32 $0x88B, v0;
	[tilespmem:$0x1FD80] =	vst v27  }
0x1c: {  	v29 =	vadd.s32 $0xC, v0;
	[tilespmem:$0x1FD90] =	vst v28  }
0x1d: {  	v30 =	vadd.s32 $0x88C, v0;
	[tilespmem:$0x1FDA0] =	vst v29  }
0x1e: {  	v31 =	vadd.s32 $0xD, v0;
	[tilespmem:$0x1FDB0] =	vst v30  }
0x1f: {  	v32 =	vadd.s32 $0x88D, v0;
	[tilespmem:$0x1FDC0] =	vst v31  }
0x20: {  	v33 =	vadd.s32 $0xE, v0;
	[tilespmem:$0x1FDD0] =	vst v32  }
0x21: {  	v34 =	vadd.s32 $0x88E, v0;
	[tilespmem:$0x1FDE0] =	vst v33  }
0x22: {  	v35 =	vadd.s32 $0xF, v0;
	[tilespmem:$0x1FDF0] =	vst v34  }
0x23: {  	v36 =	vadd.s32 $0x88F, v0;
	[tilespmem:$0x1FE00] =	vst v35  }
0x24: {  	v37 =	vadd.s32 $0x10, v0;
	[tilespmem:$0x1FE10] =	vst v36  }
0x25: {  	v38 =	vadd.s32 $0x890, v0;
	[tilespmem:$0x1FE20] =	vst v37  }
0x26: {  	v39 =	vadd.s32 $0x11, v0;
	[tilespmem:$0x1FE30] =	vst v38  }
0x27: {  	v40 =	vadd.s32 $0x891, v0;
	[tilespmem:$0x1FE40] =	vst v39  }
0x28: {  	v41 =	vadd.s32 $0x12, v0;
	[tilespmem:$0x1FE50] =	vst v40  }
0x29: {  	v42 =	vadd.s32 $0x892, v0;
	[tilespmem:$0x1FE60] =	vst v41  }
0x2a: {  	v43 =	vadd.s32 $0x13, v0;
	[tilespmem:$0x1FE70] =	vst v42  }
0x2b: {  	v44 =	vadd.s32 $0x893, v0;
	[tilespmem:$0x1FE80] =	vst v43  }
0x2c: {  	v45 =	vadd.s32 $0x14, v0;
	[tilespmem:$0x1FE90] =	vst v44  }
0x2d: {  	v46 =	vadd.s32 $0x894, v0;
	[tilespmem:$0x1FEA0] =	vst v45  }
0x2e: {  	v47 =	vadd.s32 $0x15, v0;
	[tilespmem:$0x1FEB0] =	vst v46  }
0x2f: {  	v48 =	vadd.s32 $0x895, v0;
	[tilespmem:$0x1FEC0] =	vst v47  }
0x30: {  	v49 =	vadd.s32 $0x16, v0;
	[tilespmem:$0x1FED0] =	vst v48  }
0x31: {  	v50 =	vadd.s32 $0x896, v0;
	[tilespmem:$0x1FEE0] =	vst v49  }
0x32: {  	v51 =	vadd.s32 $0x17, v0;
	[tilespmem:$0x1FEF0] =	vst v50  }
0x33: {  	v52 =	vadd.s32 $0x897, v0;
	[tilespmem:$0x1FF00] =	vst v51  }
0x34: {  	v53 =	vadd.s32 $0x18, v0;
	[tilespmem:$0x1FF10] =	vst v52  }
0x35: {  	v54 =	vadd.s32 $0x898, v0;
	[tilespmem:$0x1FF20] =	vst v53  }
0x36: {  	v55 =	vadd.s32 $0x19, v0;
	[tilespmem:$0x1FF30] =	vst v54  }
0x37: {  	v56 =	vadd.s32 $0x899, v0;
	[tilespmem:$0x1FF40] =	vst v55  }
0x38: {  	s1 =	srdreg.scid;
	s4 =	stileid.u32;
	s13 =	simm.s32 $0x1;
	v57 =	vadd.s32 $0x1A, v0;
	[tilespmem:$0x1FF50] =	vst v56  }
0x39: {  	s15 =	simm.s32 $0x8400;
	s23 =	simm.s32 $0x2;
	s24 =	simm.s32 $0x9500;
	v58 =	vadd.s32 $0x89A, v0;
	[tilespmem:$0x1FF60] =	vst v57  }
0x3a: {  	s17 =	simm.s32 $0x9E90;
	s18 =	simm.s32 $0x9F18;
	s19 =	simm.s32 $0x9FA0;
	v59 =	vadd.s32 $0x1B, v0;
	[tilespmem:$0x1FF70] =	vst v58  }
0x3b: {  	s20 =	simm.s32 $0xA028;
	s21 =	simm.s32 $0xA0B0;
	s22 =	simm.s32 $0xA138;
	v60 =	vadd.s32 $0x89B, v0;
	[tilespmem:$0x1FF80] =	vst v59  }
0x3c: {  	s25 =	simm.s32 $0xA1C0;
	s28 =	simm.s32 $0xA2D0;
	s29 =	simm.s32 $0xA358;
	v61 =	vadd.s32 $0x1C, v0;
	[tilespmem:$0x1FF90] =	vst v60  }
0x3d: {  	s30 =	simm.s32 $0xA3E0;
	s1 =	sand.u32 $0x1, s1;
	s4 =	sshll.u32 s4, $0x1;
	v62 =	vadd.s32 $0x89C, v0;
	[tilespmem:$0x1FFA0] =	vst v61  }
0x3e: {  	s31 =	simm.s32 $0xA468;
	s5 =	sor.u32 s1, s4;
	s1 =	ssub.s32 $0x2, s1;
	v63 =	vadd.s32 $0x1D, v0;
	[tilespmem:$0x1FFB0] =	vst v62  }
0x3f: {  	s8 =	simm.s32 $0x4;
	s6 =	sshll.u32 s5, $0x6;
	s7 =	sshrl.u32 s1, $0x1;
	v3 =	vadd.s32 $0x89D, v0;
	[tilespmem:$0x1FFC0] =	vst v63  }
0x40: {  	s4 =	sadd.s32 $0xF42A00, s0;
	v4 =	vadd.s32 $0x1E, v0;
	s0 =	sadd.s32 s6, s0;
	s1 =	ssub.s32 s1, s7;
	[tilespmem:$0x1FFD0] =	vst v3  }
0x41: {  	v5 =	vadd.s32 $0x89E, v0;
	s6 =	sshll.u32 s5, $0x2;
	s7 =	simm.s32 $0x0;
	[tilespmem:$0x1FFE0] =	vst v4;
	s0 =	sadd.s32 $0x600, s0  }
0x42: {  	v1 =	vadd.s32 $0x89F, v0;
	[tilespmem:$0x1FFF0] =	vst v5;
	s26 =	smax.u32 s1, $0x1;
	s1 =	simm.s32 $0xA578;
	[dreg:$0x3] =	wrdreg s0  }
0x43: {  	[tilespmem:$0x1FC20] =	vst v1;
	[dreg:$0x4] =	wrdreg s26;
	s26 =	simm.s32 $0xA248;
	s0 =	simm.s32 $0xA4F0  }
.LBB2_1:
0x44: {  	[dreg:$0x5] =	wrdreg s7  }
0x45: {  	s5 =	rddreg [dreg:$0x3]  }
0x46: {  	s11 =	simm.s32 $0x200;
	s9 =	simm.s32 $0x4000;
	s12 =	simm.s32 $0x5  }
0x47: {  	[tilespmem:s3], [sflag:$0x5] =	stream.strided.gather [hbm4b:s5+s11], $0x6400, s9, s11, $0x38;
	[tilespmem:$0xA600] =	vst v63  }
0x48: {  	s14 =	simm.s32 $0x80;
	s16 =	simm.s32 $0x6400;
	_ =	swait.ge [sflag:s12], $0x6400  }
0x49: {  	s7 =	simm.s32 $0x0;
	s9 =	simm.s32 $0x100;
	[sflag:s12] =	ssyncset.done $0x0  }
0x4a: {  	s5 =	simm.s32 $0x0;
	[sflag:s12] =	ssyncadd.s32 $0xFFFF9C00;
	s12 =	simm.s32 $0x400  }
0x4b: {  	[tilespmem:s16], [sflag:$0x1] =	stream.indirect.gather [hbm4b:s4+s14], $0x20, s3, s14, $0xb8;
	[tilespmem:$0xA600] =	vst v63  }
.LBB2_2:
0x4c: {  	s10 =	sadd.s32 $0xFFFFFC00, s12;
	_ =	swait.ge [sflag:s13], $0x1000;
	s11 =	sadd.s32 $0xFFFFFF80, s9  }
0x4d: {  	s16 =	simm.s32 $0x80;
	s14 =	simm.s32 $0x7400;
	s10 =	sand.u32 $0x1F800, s10  }
0x4e: {  	[sflag:s13] =	ssyncset.done $0x0;
	s11 =	sand.u32 $0x180, s11;
	s10 =	sshrl.u32 s10, $0x2  }
0x4f: {  	p0 =	seq.s32 s7, $0x0;
	[sflag:s13] =	ssyncadd.s32 $0xFFFFF000;
	s10 =	sor.u32 s11, s10  }
0x50: {  	[tilespmem:s14], [sflag:$0x2] =	stream.indirect.gather [hbm4b:s4+s16], $0x20, s10, s16, $0xb8;
	[tilespmem:$0xA600] =	vst v63  }
0x51: {  	s10 =	simm.s32 @!p0 $0x3  }
0x52: {  	_ =	swait.ge @!p0 [sflag:s10], $0x400  }
0x53: {  	[sflag:s10] =	ssyncset.done @!p0 $0x0  }
0x54: {  	[sflag:s10] =	ssyncadd.s32 @!p0 $0xFFFFFC00  }
0x55: {  	_ =	swait.ge @!p0 [sflag:s10], $0x400  }
0x56: {  	[sflag:s10] =	ssyncset.done @!p0 $0x0  }
0x57: {  	[sflag:s10] =	ssyncadd.s32 @!p0 $0xFFFFFC00  }
0x58: {  	_ =	swait.ge @!p0 [sflag:s10], $0x400  }
0x59: {  	[sflag:s10] =	ssyncset.done @!p0 $0x0  }
0x5a: {  	[sflag:s10] =	ssyncadd.s32 @!p0 $0xFFFFFC00  }
0x5b: {  	_ =	swait.ge @!p0 [sflag:s10], $0x400  }
0x5c: {  	[sflag:s10] =	ssyncset.done @!p0 $0x0  }
0x5d: {  	[sflag:s10] =	ssyncadd.s32 @!p0 $0xFFFFFC00  }
0x5e: {  	v1 =	vld [tilespmem:$0x6400]  }
0x5f: {  	v2 =	vld [tilespmem:$0x6410];
	_ =	sdelay $0x3  }
0x60: {  	[tilespmem:v0+s15+$0x0] =	vst.idx.msk $0xffff, v1  }
0x61: {  	[tilespmem:v6+s15+$0x0] =	vst.idx.msk $0xffff, v2  }
0x62: {  	v1 =	vld [tilespmem:$0x6420]  }
0x63: {  	v2 =	vld [tilespmem:$0x6430];
	_ =	sdelay $0x3  }
0x64: {  	[tilespmem:v7+s15+$0x0] =	vst.idx.msk $0xffff, v1  }
0x65: {  	[tilespmem:v8+s15+$0x0] =	vst.idx.msk $0xffff, v2  }
0x66: {  	v1 =	vld [tilespmem:$0x6440]  }
0x67: {  	v2 =	vld [tilespmem:$0x6450];
	_ =	sdelay $0x3  }
0x68: {  	[tilespmem:v9+s15+$0x0] =	vst.idx.msk $0xffff, v1  }
0x69: {  	[tilespmem:v10+s15+$0x0] =	vst.idx.msk $0xffff, v2  }
0x6a: {  	v1 =	vld [tilespmem:$0x6460]  }
0x6b: {  	v2 =	vld [tilespmem:$0x6470];
	_ =	sdelay $0x3  }
0x6c: {  	[tilespmem:v11+s15+$0x0] =	vst.idx.msk $0xffff, v1  }
0x6d: {  	[tilespmem:v12+s15+$0x0] =	vst.idx.msk $0xffff, v2  }
0x6e: {  	v1 =	vld [tilespmem:$0x6480]  }
0x6f: {  	v2 =	vld [tilespmem:$0x6490];
	_ =	sdelay $0x3  }
0x70: {  	[tilespmem:v13+s15+$0x0] =	vst.idx.msk $0xffff, v1  }
0x71: {  	[tilespmem:v14+s15+$0x0] =	vst.idx.msk $0xffff, v2  }
0x72: {  	v1 =	vld [tilespmem:$0x64A0]  }
0x73: {  	v2 =	vld [tilespmem:$0x64B0];
	_ =	sdelay $0x3  }
0x74: {  	[tilespmem:v15+s15+$0x0] =	vst.idx.msk $0xffff, v1  }
0x75: {  	[tilespmem:v16+s15+$0x0] =	vst.idx.msk $0xffff, v2  }
0x76: {  	v1 =	vld [tilespmem:$0x64C0]  }
0x77: {  	v2 =	vld [tilespmem:$0x64D0];
	_ =	sdelay $0x3  }
0x78: {  	[tilespmem:v17+s15+$0x0] =	vst.idx.msk $0xffff, v1  }
0x79: {  	[tilespmem:v18+s15+$0x0] =	vst.idx.msk $0xffff, v2  }
0x7a: {  	v1 =	vld [tilespmem:$0x64E0]  }
0x7b: {  	v2 =	vld [tilespmem:$0x64F0];
	_ =	sdelay $0x3  }
0x7c: {  	[tilespmem:v19+s15+$0x0] =	vst.idx.msk $0xffff, v1  }
0x7d: {  	[tilespmem:v20+s15+$0x0] =	vst.idx.msk $0xffff, v2  }
0x7e: {  	v1 =	vld [tilespmem:$0x6500]  }
0x7f: {  	v2 =	vld [tilespmem:$0x6510];
	_ =	sdelay $0x3  }
0x80: {  	[tilespmem:v21+s15+$0x0] =	vst.idx.msk $0xffff, v1  }
0x81: {  	[tilespmem:v22+s15+$0x0] =	vst.idx.msk $0xffff, v2  }
0x82: {  	v1 =	vld [tilespmem:$0x6520]  }
0x83: {  	v2 =	vld [tilespmem:$0x6530];
	_ =	sdelay $0x3  }
0x84: {  	[tilespmem:v23+s15+$0x0] =	vst.idx.msk $0xffff, v1  }
0x85: {  	[tilespmem:v24+s15+$0x0] =	vst.idx.msk $0xffff, v2  }
0x86: {  	v1 =	vld [tilespmem:$0x6540]  }
0x87: {  	v2 =	vld [tilespmem:$0x6550];
	_ =	sdelay $0x3  }
0x88: {  	[tilespmem:v25+s15+$0x0] =	vst.idx.msk $0xffff, v1  }
0x89: {  	[tilespmem:v26+s15+$0x0] =	vst.idx.msk $0xffff, v2  }
0x8a: {  	v1 =	vld [tilespmem:$0x6560]  }
0x8b: {  	v2 =	vld [tilespmem:$0x6570];
	_ =	sdelay $0x3  }
0x8c: {  	[tilespmem:v27+s15+$0x0] =	vst.idx.msk $0xffff, v1  }
0x8d: {  	[tilespmem:v28+s15+$0x0] =	vst.idx.msk $0xffff, v2  }
0x8e: {  	v1 =	vld [tilespmem:$0x6580]  }
0x8f: {  	v2 =	vld [tilespmem:$0x6590];
	_ =	sdelay $0x3  }
0x90: {  	[tilespmem:v29+s15+$0x0] =	vst.idx.msk $0xffff, v1  }
0x91: {  	[tilespmem:v30+s15+$0x0] =	vst.idx.msk $0xffff, v2  }
0x92: {  	v1 =	vld [tilespmem:$0x65A0]  }
0x93: {  	v2 =	vld [tilespmem:$0x65B0];
	_ =	sdelay $0x3  }
0x94: {  	[tilespmem:v31+s15+$0x0] =	vst.idx.msk $0xffff, v1  }
0x95: {  	[tilespmem:v32+s15+$0x0] =	vst.idx.msk $0xffff, v2  }
0x96: {  	v1 =	vld [tilespmem:$0x65C0]  }
0x97: {  	v2 =	vld [tilespmem:$0x65D0];
	_ =	sdelay $0x3  }
0x98: {  	[tilespmem:v33+s15+$0x0] =	vst.idx.msk $0xffff, v1  }
0x99: {  	[tilespmem:v34+s15+$0x0] =	vst.idx.msk $0xffff, v2  }
0x9a: {  	v1 =	vld [tilespmem:$0x65E0]  }
0x9b: {  	v2 =	vld [tilespmem:$0x65F0];
	_ =	sdelay $0x3  }
0x9c: {  	[tilespmem:v35+s15+$0x0] =	vst.idx.msk $0xffff, v1  }
0x9d: {  	[tilespmem:v36+s15+$0x0] =	vst.idx.msk $0xffff, v2  }
0x9e: {  	v1 =	vld [tilespmem:$0x6600]  }
0x9f: {  	v2 =	vld [tilespmem:$0x6610];
	_ =	sdelay $0x3  }
0xa0: {  	[tilespmem:v37+s15+$0x0] =	vst.idx.msk $0xffff, v1  }
0xa1: {  	[tilespmem:v38+s15+$0x0] =	vst.idx.msk $0xffff, v2  }
0xa2: {  	v1 =	vld [tilespmem:$0x6620]  }
0xa3: {  	v2 =	vld [tilespmem:$0x6630];
	_ =	sdelay $0x3  }
0xa4: {  	[tilespmem:v39+s15+$0x0] =	vst.idx.msk $0xffff, v1  }
0xa5: {  	[tilespmem:v40+s15+$0x0] =	vst.idx.msk $0xffff, v2  }
0xa6: {  	v1 =	vld [tilespmem:$0x6640]  }
0xa7: {  	v2 =	vld [tilespmem:$0x6650];
	_ =	sdelay $0x3  }
0xa8: {  	[tilespmem:v41+s15+$0x0] =	vst.idx.msk $0xffff, v1  }
0xa9: {  	[tilespmem:v42+s15+$0x0] =	vst.idx.msk $0xffff, v2  }
0xaa: {  	v1 =	vld [tilespmem:$0x6660]  }
0xab: {  	v2 =	vld [tilespmem:$0x6670];
	_ =	sdelay $0x3  }
0xac: {  	[tilespmem:v43+s15+$0x0] =	vst.idx.msk $0xffff, v1  }
0xad: {  	[tilespmem:v44+s15+$0x0] =	vst.idx.msk $0xffff, v2  }
0xae: {  	v1 =	vld [tilespmem:$0x6680]  }
0xaf: {  	v2 =	vld [tilespmem:$0x6690];
	_ =	sdelay $0x3  }
0xb0: {  	[tilespmem:v45+s15+$0x0] =	vst.idx.msk $0xffff, v1  }
0xb1: {  	[tilespmem:v46+s15+$0x0] =	vst.idx.msk $0xffff, v2  }
0xb2: {  	v1 =	vld [tilespmem:$0x66A0]  }
0xb3: {  	v2 =	vld [tilespmem:$0x66B0];
	_ =	sdelay $0x3  }
0xb4: {  	[tilespmem:v47+s15+$0x0] =	vst.idx.msk $0xffff, v1  }
0xb5: {  	[tilespmem:v48+s15+$0x0] =	vst.idx.msk $0xffff, v2  }
0xb6: {  	v1 =	vld [tilespmem:$0x66C0]  }
0xb7: {  	v2 =	vld [tilespmem:$0x66D0];
	_ =	sdelay $0x3  }
0xb8: {  	[tilespmem:v49+s15+$0x0] =	vst.idx.msk $0xffff, v1  }
0xb9: {  	[tilespmem:v50+s15+$0x0] =	vst.idx.msk $0xffff, v2  }
0xba: {  	v1 =	vld [tilespmem:$0x66E0]  }
0xbb: {  	v2 =	vld [tilespmem:$0x66F0];
	_ =	sdelay $0x3  }
0xbc: {  	[tilespmem:v51+s15+$0x0] =	vst.idx.msk $0xffff, v1  }
0xbd: {  	[tilespmem:v52+s15+$0x0] =	vst.idx.msk $0xffff, v2  }
0xbe: {  	v1 =	vld [tilespmem:$0x6700]  }
0xbf: {  	v2 =	vld [tilespmem:$0x6710];
	_ =	sdelay $0x3  }
0xc0: {  	[tilespmem:v53+s15+$0x0] =	vst.idx.msk $0xffff, v1  }
0xc1: {  	[tilespmem:v54+s15+$0x0] =	vst.idx.msk $0xffff, v2  }
0xc2: {  	v1 =	vld [tilespmem:$0x6720]  }
0xc3: {  	v2 =	vld [tilespmem:$0x6730];
	_ =	sdelay $0x3  }
0xc4: {  	[tilespmem:v55+s15+$0x0] =	vst.idx.msk $0xffff, v1  }
0xc5: {  	[tilespmem:v56+s15+$0x0] =	vst.idx.msk $0xffff, v2  }
0xc6: {  	v1 =	vld [tilespmem:$0x6740]  }
0xc7: {  	v2 =	vld [tilespmem:$0x6750];
	_ =	sdelay $0x3  }
0xc8: {  	[tilespmem:v57+s15+$0x0] =	vst.idx.msk $0xffff, v1  }
0xc9: {  	[tilespmem:v58+s15+$0x0] =	vst.idx.msk $0xffff, v2  }
0xca: {  	v1 =	vld [tilespmem:$0x6760]  }
0xcb: {  	v2 =	vld [tilespmem:$0x6770];
	_ =	sdelay $0x3  }
0xcc: {  	[tilespmem:v59+s15+$0x0] =	vst.idx.msk $0xffff, v1  }
0xcd: {  	[tilespmem:v60+s15+$0x0] =	vst.idx.msk $0xffff, v2  }
0xce: {  	v1 =	vld [tilespmem:$0x6780]  }
0xcf: {  	v2 =	vld [tilespmem:$0x6790];
	_ =	sdelay $0x3  }
0xd0: {  	[tilespmem:v61+s15+$0x0] =	vst.idx.msk $0xffff, v1  }
0xd1: {  	[tilespmem:v62+s15+$0x0] =	vst.idx.msk $0xffff, v2  }
0xd2: {  	v1 =	vld [tilespmem:$0x67A0]  }
0xd3: {  	v2 =	vld [tilespmem:$0x67B0];
	_ =	sdelay $0x3  }
0xd4: {  	[tilespmem:v63+s15+$0x0] =	vst.idx.msk $0xffff, v1  }
0xd5: {  	[tilespmem:v3+s15+$0x0] =	vst.idx.msk $0xffff, v2  }
0xd6: {  	v1 =	vld [tilespmem:$0x67C0]  }
0xd7: {  	v2 =	vld [tilespmem:$0x67D0];
	_ =	sdelay $0x2  }
0xd8: {  	v3 =	vld [tilespmem:$0x1FC10]  }
0xd9: {  	[tilespmem:v4+s15+$0x0] =	vst.idx.msk $0xffff, v1  }
0xda: {  	[tilespmem:v5+s15+$0x0] =	vst.idx.msk $0xffff, v2  }
0xdb: {  	v1 =	vld [tilespmem:$0x67E0];
	_ =	sdelay $0x3  }
0xdc: {  	v2 =	vld [tilespmem:$0x67F0]  }
0xdd: {  	[tilespmem:v3+s15+$0x0] =	vst.idx.msk $0xffff, v1;
	v1 =	vld [tilespmem:$0x1FC20];
	_ =	sdelay $0x7  }
0xde: {  	[tilespmem:v1+s15+$0x0] =	vst.idx.msk $0xffff, v2  }
0xdf: {  	v3 =	vadd.s32 $0x20, v0;
	v1 =	vld [tilespmem:$0x6800]  }
0xe0: {  	v4 =	vadd.s32 $0x8A0, v0;
	v2 =	vld [tilespmem:$0x6810];
	_ =	sdelay $0x3  }
0xe1: {  	[tilespmem:v3+s15+$0x0] =	vst.idx.msk $0xffff, v1  }
0xe2: {  	[tilespmem:v4+s15+$0x0] =	vst.idx.msk $0xffff, v2  }
0xe3: {  	[tilespmem:$0x1F010] =	vst v3;
	v3 =	vadd.s32 $0x21, v0;
	v1 =	vld [tilespmem:$0x6820]  }
0xe4: {  	[tilespmem:$0x1F020] =	vst v4;
	v4 =	vadd.s32 $0x8A1, v0;
	v2 =	vld [tilespmem:$0x6830];
	_ =	sdelay $0x3  }
0xe5: {  	[tilespmem:v3+s15+$0x0] =	vst.idx.msk $0xffff, v1  }
0xe6: {  	[tilespmem:v4+s15+$0x0] =	vst.idx.msk $0xffff, v2  }
0xe7: {  	[tilespmem:$0x1F030] =	vst v3;
	v3 =	vadd.s32 $0x22, v0;
	v1 =	vld [tilespmem:$0x6840]  }
0xe8: {  	[tilespmem:$0x1F040] =	vst v4;
	v4 =	vadd.s32 $0x8A2, v0;
	v2 =	vld [tilespmem:$0x6850];
	_ =	sdelay $0x3  }
0xe9: {  	[tilespmem:v3+s15+$0x0] =	vst.idx.msk $0xffff, v1  }
0xea: {  	[tilespmem:v4+s15+$0x0] =	vst.idx.msk $0xffff, v2  }
0xeb: {  	[tilespmem:$0x1F050] =	vst v3;
	v3 =	vadd.s32 $0x23, v0;
	v1 =	vld [tilespmem:$0x6860]  }
0xec: {  	[tilespmem:$0x1F060] =	vst v4;
	v4 =	vadd.s32 $0x8A3, v0;
	v2 =	vld [tilespmem:$0x6870];
	_ =	sdelay $0x3  }
0xed: {  	[tilespmem:v3+s15+$0x0] =	vst.idx.msk $0xffff, v1  }
0xee: {  	[tilespmem:v4+s15+$0x0] =	vst.idx.msk $0xffff, v2  }
0xef: {  	[tilespmem:$0x1F070] =	vst v3;
	v3 =	vadd.s32 $0x24, v0;
	v1 =	vld [tilespmem:$0x6880]  }
0xf0: {  	[tilespmem:$0x1F080] =	vst v4;
	v4 =	vadd.s32 $0x8A4, v0;
	v2 =	vld [tilespmem:$0x6890];
	_ =	sdelay $0x3  }
0xf1: {  	[tilespmem:v3+s15+$0x0] =	vst.idx.msk $0xffff, v1  }
0xf2: {  	[tilespmem:v4+s15+$0x0] =	vst.idx.msk $0xffff, v2  }
0xf3: {  	[tilespmem:$0x1F090] =	vst v3;
	v3 =	vadd.s32 $0x25, v0;
	v1 =	vld [tilespmem:$0x68A0]  }
0xf4: {  	[tilespmem:$0x1F0A0] =	vst v4;
	v4 =	vadd.s32 $0x8A5, v0;
	v2 =	vld [tilespmem:$0x68B0];
	_ =	sdelay $0x3  }
0xf5: {  	[tilespmem:v3+s15+$0x0] =	vst.idx.msk $0xffff, v1  }
0xf6: {  	[tilespmem:v4+s15+$0x0] =	vst.idx.msk $0xffff, v2  }
0xf7: {  	[tilespmem:$0x1F0B0] =	vst v3;
	v3 =	vadd.s32 $0x26, v0;
	v1 =	vld [tilespmem:$0x68C0]  }
0xf8: {  	[tilespmem:$0x1F0C0] =	vst v4;
	v4 =	vadd.s32 $0x8A6, v0;
	v2 =	vld [tilespmem:$0x68D0];
	_ =	sdelay $0x3  }
0xf9: {  	[tilespmem:v3+s15+$0x0] =	vst.idx.msk $0xffff, v1  }
0xfa: {  	[tilespmem:v4+s15+$0x0] =	vst.idx.msk $0xffff, v2  }
0xfb: {  	[tilespmem:$0x1F0D0] =	vst v3;
	v3 =	vadd.s32 $0x27, v0;
	v1 =	vld [tilespmem:$0x68E0]  }
0xfc: {  	[tilespmem:$0x1F0E0] =	vst v4;
	v4 =	vadd.s32 $0x8A7, v0;
	v2 =	vld [tilespmem:$0x68F0];
	_ =	sdelay $0x3  }
0xfd: {  	[tilespmem:v3+s15+$0x0] =	vst.idx.msk $0xffff, v1  }
0xfe: {  	[tilespmem:v4+s15+$0x0] =	vst.idx.msk $0xffff, v2  }
0xff: {  	[tilespmem:$0x1F0F0] =	vst v3;
	v3 =	vadd.s32 $0x28, v0;
	v1 =	vld [tilespmem:$0x6900]  }
0x100: {  	[tilespmem:$0x1F100] =	vst v4;
	v4 =	vadd.s32 $0x8A8, v0;
	v2 =	vld [tilespmem:$0x6910];
	_ =	sdelay $0x3  }
0x101: {  	[tilespmem:v3+s15+$0x0] =	vst.idx.msk $0xffff, v1  }
0x102: {  	[tilespmem:v4+s15+$0x0] =	vst.idx.msk $0xffff, v2  }
0x103: {  	[tilespmem:$0x1F110] =	vst v3;
	v3 =	vadd.s32 $0x29, v0;
	v1 =	vld [tilespmem:$0x6920]  }
0x104: {  	[tilespmem:$0x1F120] =	vst v4;
	v4 =	vadd.s32 $0x8A9, v0;
	v2 =	vld [tilespmem:$0x6930];
	_ =	sdelay $0x3  }
0x105: {  	[tilespmem:v3+s15+$0x0] =	vst.idx.msk $0xffff, v1  }
0x106: {  	[tilespmem:v4+s15+$0x0] =	vst.idx.msk $0xffff, v2  }
0x107: {  	[tilespmem:$0x1F130] =	vst v3;
	v3 =	vadd.s32 $0x2A, v0;
	v1 =	vld [tilespmem:$0x6940]  }
0x108: {  	[tilespmem:$0x1F140] =	vst v4;
	v4 =	vadd.s32 $0x8AA, v0;
	v2 =	vld [tilespmem:$0x6950];
	_ =	sdelay $0x3  }
0x109: {  	[tilespmem:v3+s15+$0x0] =	vst.idx.msk $0xffff, v1  }
0x10a: {  	[tilespmem:v4+s15+$0x0] =	vst.idx.msk $0xffff, v2  }
0x10b: {  	[tilespmem:$0x1F150] =	vst v3;
	v3 =	vadd.s32 $0x2B, v0;
	v1 =	vld [tilespmem:$0x6960]  }
0x10c: {  	[tilespmem:$0x1F160] =	vst v4;
	v4 =	vadd.s32 $0x8AB, v0;
	v2 =	vld [tilespmem:$0x6970];
	_ =	sdelay $0x3  }
0x10d: {  	[tilespmem:v3+s15+$0x0] =	vst.idx.msk $0xffff, v1  }
0x10e: {  	[tilespmem:v4+s15+$0x0] =	vst.idx.msk $0xffff, v2  }
0x10f: {  	[tilespmem:$0x1F170] =	vst v3;
	v3 =	vadd.s32 $0x2C, v0;
	v1 =	vld [tilespmem:$0x6980]  }
0x110: {  	[tilespmem:$0x1F180] =	vst v4;
	v4 =	vadd.s32 $0x8AC, v0;
	v2 =	vld [tilespmem:$0x6990];
	_ =	sdelay $0x3  }
0x111: {  	[tilespmem:v3+s15+$0x0] =	vst.idx.msk $0xffff, v1  }
0x112: {  	[tilespmem:v4+s15+$0x0] =	vst.idx.msk $0xffff, v2  }
0x113: {  	[tilespmem:$0x1F190] =	vst v3;
	v3 =	vadd.s32 $0x2D, v0;
	v1 =	vld [tilespmem:$0x69A0]  }
0x114: {  	[tilespmem:$0x1F1A0] =	vst v4;
	v4 =	vadd.s32 $0x8AD, v0;
	v2 =	vld [tilespmem:$0x69B0];
	_ =	sdelay $0x3  }
0x115: {  	[tilespmem:v3+s15+$0x0] =	vst.idx.msk $0xffff, v1  }
0x116: {  	[tilespmem:v4+s15+$0x0] =	vst.idx.msk $0xffff, v2  }
0x117: {  	[tilespmem:$0x1F1B0] =	vst v3;
	v3 =	vadd.s32 $0x2E, v0;
	v1 =	vld [tilespmem:$0x69C0]  }
0x118: {  	[tilespmem:$0x1F1C0] =	vst v4;
	v4 =	vadd.s32 $0x8AE, v0;
	v2 =	vld [tilespmem:$0x69D0];
	_ =	sdelay $0x3  }
0x119: {  	[tilespmem:v3+s15+$0x0] =	vst.idx.msk $0xffff, v1  }
0x11a: {  	[tilespmem:v4+s15+$0x0] =	vst.idx.msk $0xffff, v2  }
0x11b: {  	[tilespmem:$0x1F1D0] =	vst v3;
	v3 =	vadd.s32 $0x2F, v0;
	v1 =	vld [tilespmem:$0x69E0]  }
0x11c: {  	[tilespmem:$0x1F1E0] =	vst v4;
	v4 =	vadd.s32 $0x8AF, v0;
	v2 =	vld [tilespmem:$0x69F0];
	_ =	sdelay $0x3  }
0x11d: {  	[tilespmem:v3+s15+$0x0] =	vst.idx.msk $0xffff, v1  }
0x11e: {  	[tilespmem:v4+s15+$0x0] =	vst.idx.msk $0xffff, v2  }
0x11f: {  	[tilespmem:$0x1F1F0] =	vst v3;
	v3 =	vadd.s32 $0x30, v0;
	v1 =	vld [tilespmem:$0x6A00]  }
0x120: {  	[tilespmem:$0x1F200] =	vst v4;
	v4 =	vadd.s32 $0x8B0, v0;
	v2 =	vld [tilespmem:$0x6A10];
	_ =	sdelay $0x3  }
0x121: {  	[tilespmem:v3+s15+$0x0] =	vst.idx.msk $0xffff, v1  }
0x122: {  	[tilespmem:v4+s15+$0x0] =	vst.idx.msk $0xffff, v2  }
0x123: {  	[tilespmem:$0x1F210] =	vst v3;
	v3 =	vadd.s32 $0x31, v0;
	v1 =	vld [tilespmem:$0x6A20]  }
0x124: {  	[tilespmem:$0x1F220] =	vst v4;
	v4 =	vadd.s32 $0x8B1, v0;
	v2 =	vld [tilespmem:$0x6A30];
	_ =	sdelay $0x3  }
0x125: {  	[tilespmem:v3+s15+$0x0] =	vst.idx.msk $0xffff, v1  }
0x126: {  	[tilespmem:v4+s15+$0x0] =	vst.idx.msk $0xffff, v2  }
0x127: {  	[tilespmem:$0x1F230] =	vst v3;
	v3 =	vadd.s32 $0x32, v0;
	v1 =	vld [tilespmem:$0x6A40]  }
0x128: {  	[tilespmem:$0x1F240] =	vst v4;
	v4 =	vadd.s32 $0x8B2, v0;
	v2 =	vld [tilespmem:$0x6A50];
	_ =	sdelay $0x3  }
0x129: {  	[tilespmem:v3+s15+$0x0] =	vst.idx.msk $0xffff, v1  }
0x12a: {  	[tilespmem:v4+s15+$0x0] =	vst.idx.msk $0xffff, v2  }
0x12b: {  	[tilespmem:$0x1F250] =	vst v3;
	v3 =	vadd.s32 $0x33, v0;
	v1 =	vld [tilespmem:$0x6A60]  }
0x12c: {  	[tilespmem:$0x1F260] =	vst v4;
	v4 =	vadd.s32 $0x8B3, v0;
	v2 =	vld [tilespmem:$0x6A70];
	_ =	sdelay $0x3  }
0x12d: {  	[tilespmem:v3+s15+$0x0] =	vst.idx.msk $0xffff, v1  }
0x12e: {  	[tilespmem:v4+s15+$0x0] =	vst.idx.msk $0xffff, v2  }
0x12f: {  	[tilespmem:$0x1F270] =	vst v3;
	v3 =	vadd.s32 $0x34, v0;
	v1 =	vld [tilespmem:$0x6A80]  }
0x130: {  	[tilespmem:$0x1F280] =	vst v4;
	v4 =	vadd.s32 $0x8B4, v0;
	v2 =	vld [tilespmem:$0x6A90];
	_ =	sdelay $0x3  }
0x131: {  	[tilespmem:v3+s15+$0x0] =	vst.idx.msk $0xffff, v1  }
0x132: {  	[tilespmem:v4+s15+$0x0] =	vst.idx.msk $0xffff, v2  }
0x133: {  	[tilespmem:$0x1F290] =	vst v3;
	v3 =	vadd.s32 $0x35, v0;
	v1 =	vld [tilespmem:$0x6AA0]  }
0x134: {  	[tilespmem:$0x1F2A0] =	vst v4;
	v4 =	vadd.s32 $0x8B5, v0;
	v2 =	vld [tilespmem:$0x6AB0];
	_ =	sdelay $0x3  }
0x135: {  	[tilespmem:v3+s15+$0x0] =	vst.idx.msk $0xffff, v1  }
0x136: {  	[tilespmem:v4+s15+$0x0] =	vst.idx.msk $0xffff, v2  }
0x137: {  	[tilespmem:$0x1F2B0] =	vst v3;
	v3 =	vadd.s32 $0x36, v0;
	v1 =	vld [tilespmem:$0x6AC0]  }
0x138: {  	[tilespmem:$0x1F2C0] =	vst v4;
	v4 =	vadd.s32 $0x8B6, v0;
	v2 =	vld [tilespmem:$0x6AD0];
	_ =	sdelay $0x3  }
0x139: {  	[tilespmem:v3+s15+$0x0] =	vst.idx.msk $0xffff, v1  }
0x13a: {  	[tilespmem:v4+s15+$0x0] =	vst.idx.msk $0xffff, v2  }
0x13b: {  	[tilespmem:$0x1F2D0] =	vst v3;
	v3 =	vadd.s32 $0x37, v0;
	v1 =	vld [tilespmem:$0x6AE0]  }
0x13c: {  	[tilespmem:$0x1F2E0] =	vst v4;
	v4 =	vadd.s32 $0x8B7, v0;
	v2 =	vld [tilespmem:$0x6AF0];
	_ =	sdelay $0x3  }
0x13d: {  	[tilespmem:v3+s15+$0x0] =	vst.idx.msk $0xffff, v1  }
0x13e: {  	[tilespmem:v4+s15+$0x0] =	vst.idx.msk $0xffff, v2  }
0x13f: {  	[tilespmem:$0x1F2F0] =	vst v3;
	v3 =	vadd.s32 $0x38, v0;
	v1 =	vld [tilespmem:$0x6B00]  }
0x140: {  	[tilespmem:$0x1F300] =	vst v4;
	v4 =	vadd.s32 $0x8B8, v0;
	v2 =	vld [tilespmem:$0x6B10];
	_ =	sdelay $0x3  }
0x141: {  	[tilespmem:v3+s15+$0x0] =	vst.idx.msk $0xffff, v1  }
0x142: {  	[tilespmem:v4+s15+$0x0] =	vst.idx.msk $0xffff, v2  }
0x143: {  	[tilespmem:$0x1F310] =	vst v3;
	v3 =	vadd.s32 $0x39, v0;
	v1 =	vld [tilespmem:$0x6B20]  }
0x144: {  	[tilespmem:$0x1F320] =	vst v4;
	v4 =	vadd.s32 $0x8B9, v0;
	v2 =	vld [tilespmem:$0x6B30];
	_ =	sdelay $0x3  }
0x145: {  	[tilespmem:v3+s15+$0x0] =	vst.idx.msk $0xffff, v1  }
0x146: {  	[tilespmem:v4+s15+$0x0] =	vst.idx.msk $0xffff, v2  }
0x147: {  	[tilespmem:$0x1F330] =	vst v3;
	v3 =	vadd.s32 $0x3A, v0;
	v1 =	vld [tilespmem:$0x6B40]  }
0x148: {  	[tilespmem:$0x1F340] =	vst v4;
	v4 =	vadd.s32 $0x8BA, v0;
	v2 =	vld [tilespmem:$0x6B50];
	_ =	sdelay $0x3  }
0x149: {  	[tilespmem:v3+s15+$0x0] =	vst.idx.msk $0xffff, v1  }
0x14a: {  	[tilespmem:v4+s15+$0x0] =	vst.idx.msk $0xffff, v2  }
0x14b: {  	[tilespmem:$0x1F350] =	vst v3;
	v3 =	vadd.s32 $0x3B, v0;
	v1 =	vld [tilespmem:$0x6B60]  }
0x14c: {  	[tilespmem:$0x1F360] =	vst v4;
	v4 =	vadd.s32 $0x8BB, v0;
	v2 =	vld [tilespmem:$0x6B70];
	_ =	sdelay $0x3  }
0x14d: {  	[tilespmem:v3+s15+$0x0] =	vst.idx.msk $0xffff, v1  }
0x14e: {  	[tilespmem:v4+s15+$0x0] =	vst.idx.msk $0xffff, v2  }
0x14f: {  	[tilespmem:$0x1F370] =	vst v3;
	v3 =	vadd.s32 $0x3C, v0;
	v1 =	vld [tilespmem:$0x6B80]  }
0x150: {  	[tilespmem:$0x1F380] =	vst v4;
	v4 =	vadd.s32 $0x8BC, v0;
	v2 =	vld [tilespmem:$0x6B90];
	_ =	sdelay $0x3  }
0x151: {  	[tilespmem:v3+s15+$0x0] =	vst.idx.msk $0xffff, v1  }
0x152: {  	[tilespmem:v4+s15+$0x0] =	vst.idx.msk $0xffff, v2  }
0x153: {  	[tilespmem:$0x1F390] =	vst v3;
	v3 =	vadd.s32 $0x3D, v0;
	v1 =	vld [tilespmem:$0x6BA0]  }
0x154: {  	[tilespmem:$0x1F3A0] =	vst v4;
	v4 =	vadd.s32 $0x8BD, v0;
	v2 =	vld [tilespmem:$0x6BB0];
	_ =	sdelay $0x3  }
0x155: {  	[tilespmem:v3+s15+$0x0] =	vst.idx.msk $0xffff, v1  }
0x156: {  	[tilespmem:v4+s15+$0x0] =	vst.idx.msk $0xffff, v2  }
0x157: {  	[tilespmem:$0x1F3B0] =	vst v3;
	v3 =	vadd.s32 $0x3E, v0;
	v1 =	vld [tilespmem:$0x6BC0]  }
0x158: {  	[tilespmem:$0x1F3C0] =	vst v4;
	v4 =	vadd.s32 $0x8BE, v0;
	v2 =	vld [tilespmem:$0x6BD0];
	_ =	sdelay $0x3  }
0x159: {  	[tilespmem:v3+s15+$0x0] =	vst.idx.msk $0xffff, v1  }
0x15a: {  	[tilespmem:v4+s15+$0x0] =	vst.idx.msk $0xffff, v2  }
0x15b: {  	[tilespmem:$0x1F3D0] =	vst v3;
	v3 =	vadd.s32 $0x3F, v0;
	v1 =	vld [tilespmem:$0x6BE0]  }
0x15c: {  	[tilespmem:$0x1F3E0] =	vst v4;
	v4 =	vadd.s32 $0x8BF, v0;
	v2 =	vld [tilespmem:$0x6BF0];
	_ =	sdelay $0x3  }
0x15d: {  	[tilespmem:v3+s15+$0x0] =	vst.idx.msk $0xffff, v1  }
0x15e: {  	[tilespmem:v4+s15+$0x0] =	vst.idx.msk $0xffff, v2  }
0x15f: {  	[tilespmem:$0x1F3F0] =	vst v3;
	v3 =	vadd.s32 $0x40, v0;
	v1 =	vld [tilespmem:$0x6C00]  }
0x160: {  	[tilespmem:$0x1F400] =	vst v4;
	v4 =	vadd.s32 $0x8C0, v0;
	v2 =	vld [tilespmem:$0x6C10];
	_ =	sdelay $0x3  }
0x161: {  	[tilespmem:v3+s15+$0x0] =	vst.idx.msk $0xffff, v1  }
0x162: {  	[tilespmem:v4+s15+$0x0] =	vst.idx.msk $0xffff, v2  }
0x163: {  	[tilespmem:$0x1F410] =	vst v3;
	v3 =	vadd.s32 $0x41, v0;
	v1 =	vld [tilespmem:$0x6C20]  }
0x164: {  	[tilespmem:$0x1F420] =	vst v4;
	v4 =	vadd.s32 $0x8C1, v0;
	v2 =	vld [tilespmem:$0x6C30];
	_ =	sdelay $0x3  }
0x165: {  	[tilespmem:v3+s15+$0x0] =	vst.idx.msk $0xffff, v1  }
0x166: {  	[tilespmem:v4+s15+$0x0] =	vst.idx.msk $0xffff, v2  }
0x167: {  	[tilespmem:$0x1F430] =	vst v3;
	v3 =	vadd.s32 $0x42, v0;
	v1 =	vld [tilespmem:$0x6C40]  }
0x168: {  	[tilespmem:$0x1F440] =	vst v4;
	v4 =	vadd.s32 $0x8C2, v0;
	v2 =	vld [tilespmem:$0x6C50];
	_ =	sdelay $0x3  }
0x169: {  	[tilespmem:v3+s15+$0x0] =	vst.idx.msk $0xffff, v1  }
0x16a: {  	[tilespmem:v4+s15+$0x0] =	vst.idx.msk $0xffff, v2  }
0x16b: {  	[tilespmem:$0x1F450] =	vst v3;
	v3 =	vadd.s32 $0x43, v0;
	v1 =	vld [tilespmem:$0x6C60]  }
0x16c: {  	[tilespmem:$0x1F460] =	vst v4;
	v4 =	vadd.s32 $0x8C3, v0;
	v2 =	vld [tilespmem:$0x6C70];
	_ =	sdelay $0x3  }
0x16d: {  	[tilespmem:v3+s15+$0x0] =	vst.idx.msk $0xffff, v1  }
0x16e: {  	[tilespmem:v4+s15+$0x0] =	vst.idx.msk $0xffff, v2  }
0x16f: {  	[tilespmem:$0x1F470] =	vst v3;
	v3 =	vadd.s32 $0x44, v0;
	v1 =	vld [tilespmem:$0x6C80]  }
0x170: {  	[tilespmem:$0x1F480] =	vst v4;
	v4 =	vadd.s32 $0x8C4, v0;
	v2 =	vld [tilespmem:$0x6C90];
	_ =	sdelay $0x3  }
0x171: {  	[tilespmem:v3+s15+$0x0] =	vst.idx.msk $0xffff, v1  }
0x172: {  	[tilespmem:v4+s15+$0x0] =	vst.idx.msk $0xffff, v2  }
0x173: {  	[tilespmem:$0x1F490] =	vst v3;
	v3 =	vadd.s32 $0x45, v0;
	v1 =	vld [tilespmem:$0x6CA0]  }
0x174: {  	[tilespmem:$0x1F4A0] =	vst v4;
	v4 =	vadd.s32 $0x8C5, v0;
	v2 =	vld [tilespmem:$0x6CB0];
	_ =	sdelay $0x3  }
0x175: {  	[tilespmem:v3+s15+$0x0] =	vst.idx.msk $0xffff, v1  }
0x176: {  	[tilespmem:v4+s15+$0x0] =	vst.idx.msk $0xffff, v2  }
0x177: {  	[tilespmem:$0x1F4B0] =	vst v3;
	v3 =	vadd.s32 $0x46, v0;
	v1 =	vld [tilespmem:$0x6CC0]  }
0x178: {  	[tilespmem:$0x1F4C0] =	vst v4;
	v4 =	vadd.s32 $0x8C6, v0;
	v2 =	vld [tilespmem:$0x6CD0];
	_ =	sdelay $0x3  }
0x179: {  	[tilespmem:v3+s15+$0x0] =	vst.idx.msk $0xffff, v1  }
0x17a: {  	[tilespmem:v4+s15+$0x0] =	vst.idx.msk $0xffff, v2  }
0x17b: {  	[tilespmem:$0x1F4D0] =	vst v3;
	v3 =	vadd.s32 $0x47, v0;
	v1 =	vld [tilespmem:$0x6CE0]  }
0x17c: {  	[tilespmem:$0x1F4E0] =	vst v4;
	v4 =	vadd.s32 $0x8C7, v0;
	v2 =	vld [tilespmem:$0x6CF0];
	_ =	sdelay $0x3  }
0x17d: {  	[tilespmem:v3+s15+$0x0] =	vst.idx.msk $0xffff, v1  }
0x17e: {  	[tilespmem:v4+s15+$0x0] =	vst.idx.msk $0xffff, v2  }
0x17f: {  	[tilespmem:$0x1F4F0] =	vst v3;
	v3 =	vadd.s32 $0x48, v0;
	v1 =	vld [tilespmem:$0x6D00]  }
0x180: {  	[tilespmem:$0x1F500] =	vst v4;
	v4 =	vadd.s32 $0x8C8, v0;
	v2 =	vld [tilespmem:$0x6D10];
	_ =	sdelay $0x3  }
0x181: {  	[tilespmem:v3+s15+$0x0] =	vst.idx.msk $0xffff, v1  }
0x182: {  	[tilespmem:v4+s15+$0x0] =	vst.idx.msk $0xffff, v2  }
0x183: {  	[tilespmem:$0x1F510] =	vst v3;
	v3 =	vadd.s32 $0x49, v0;
	v1 =	vld [tilespmem:$0x6D20]  }
0x184: {  	[tilespmem:$0x1F520] =	vst v4;
	v4 =	vadd.s32 $0x8C9, v0;
	v2 =	vld [tilespmem:$0x6D30];
	_ =	sdelay $0x3  }
0x185: {  	[tilespmem:v3+s15+$0x0] =	vst.idx.msk $0xffff, v1  }
0x186: {  	[tilespmem:v4+s15+$0x0] =	vst.idx.msk $0xffff, v2  }
0x187: {  	[tilespmem:$0x1F530] =	vst v3;
	v3 =	vadd.s32 $0x4A, v0;
	v1 =	vld [tilespmem:$0x6D40]  }
0x188: {  	[tilespmem:$0x1F540] =	vst v4;
	v4 =	vadd.s32 $0x8CA, v0;
	v2 =	vld [tilespmem:$0x6D50];
	_ =	sdelay $0x3  }
0x189: {  	[tilespmem:v3+s15+$0x0] =	vst.idx.msk $0xffff, v1  }
0x18a: {  	[tilespmem:v4+s15+$0x0] =	vst.idx.msk $0xffff, v2  }
0x18b: {  	[tilespmem:$0x1F550] =	vst v3;
	v3 =	vadd.s32 $0x4B, v0;
	v1 =	vld [tilespmem:$0x6D60]  }
0x18c: {  	[tilespmem:$0x1F560] =	vst v4;
	v4 =	vadd.s32 $0x8CB, v0;
	v2 =	vld [tilespmem:$0x6D70];
	_ =	sdelay $0x3  }
0x18d: {  	[tilespmem:v3+s15+$0x0] =	vst.idx.msk $0xffff, v1  }
0x18e: {  	[tilespmem:v4+s15+$0x0] =	vst.idx.msk $0xffff, v2  }
0x18f: {  	[tilespmem:$0x1F570] =	vst v3;
	v3 =	vadd.s32 $0x4C, v0;
	v1 =	vld [tilespmem:$0x6D80]  }
0x190: {  	[tilespmem:$0x1F580] =	vst v4;
	v4 =	vadd.s32 $0x8CC, v0;
	v2 =	vld [tilespmem:$0x6D90];
	_ =	sdelay $0x3  }
0x191: {  	[tilespmem:v3+s15+$0x0] =	vst.idx.msk $0xffff, v1  }
0x192: {  	[tilespmem:v4+s15+$0x0] =	vst.idx.msk $0xffff, v2  }
0x193: {  	[tilespmem:$0x1F590] =	vst v3;
	v3 =	vadd.s32 $0x4D, v0;
	v1 =	vld [tilespmem:$0x6DA0]  }
0x194: {  	[tilespmem:$0x1F5A0] =	vst v4;
	v4 =	vadd.s32 $0x8CD, v0;
	v2 =	vld [tilespmem:$0x6DB0];
	_ =	sdelay $0x3  }
0x195: {  	[tilespmem:v3+s15+$0x0] =	vst.idx.msk $0xffff, v1  }
0x196: {  	[tilespmem:v4+s15+$0x0] =	vst.idx.msk $0xffff, v2  }
0x197: {  	[tilespmem:$0x1F5B0] =	vst v3;
	v3 =	vadd.s32 $0x4E, v0;
	v1 =	vld [tilespmem:$0x6DC0]  }
0x198: {  	[tilespmem:$0x1F5C0] =	vst v4;
	v4 =	vadd.s32 $0x8CE, v0;
	v2 =	vld [tilespmem:$0x6DD0];
	_ =	sdelay $0x3  }
0x199: {  	[tilespmem:v3+s15+$0x0] =	vst.idx.msk $0xffff, v1  }
0x19a: {  	[tilespmem:v4+s15+$0x0] =	vst.idx.msk $0xffff, v2  }
0x19b: {  	[tilespmem:$0x1F5D0] =	vst v3;
	v3 =	vadd.s32 $0x4F, v0;
	v1 =	vld [tilespmem:$0x6DE0]  }
0x19c: {  	[tilespmem:$0x1F5E0] =	vst v4;
	v4 =	vadd.s32 $0x8CF, v0;
	v2 =	vld [tilespmem:$0x6DF0];
	_ =	sdelay $0x3  }
0x19d: {  	[tilespmem:v3+s15+$0x0] =	vst.idx.msk $0xffff, v1  }
0x19e: {  	[tilespmem:v4+s15+$0x0] =	vst.idx.msk $0xffff, v2  }
0x19f: {  	[tilespmem:$0x1F5F0] =	vst v3;
	v3 =	vadd.s32 $0x50, v0;
	v1 =	vld [tilespmem:$0x6E00]  }
0x1a0: {  	[tilespmem:$0x1F600] =	vst v4;
	v4 =	vadd.s32 $0x8D0, v0;
	v2 =	vld [tilespmem:$0x6E10];
	_ =	sdelay $0x3  }
0x1a1: {  	[tilespmem:v3+s15+$0x0] =	vst.idx.msk $0xffff, v1  }
0x1a2: {  	[tilespmem:v4+s15+$0x0] =	vst.idx.msk $0xffff, v2  }
0x1a3: {  	[tilespmem:$0x1F610] =	vst v3;
	v3 =	vadd.s32 $0x51, v0;
	v1 =	vld [tilespmem:$0x6E20]  }
0x1a4: {  	[tilespmem:$0x1F620] =	vst v4;
	v4 =	vadd.s32 $0x8D1, v0;
	v2 =	vld [tilespmem:$0x6E30];
	_ =	sdelay $0x3  }
0x1a5: {  	[tilespmem:v3+s15+$0x0] =	vst.idx.msk $0xffff, v1  }
0x1a6: {  	[tilespmem:v4+s15+$0x0] =	vst.idx.msk $0xffff, v2  }
0x1a7: {  	[tilespmem:$0x1F630] =	vst v3;
	v3 =	vadd.s32 $0x52, v0;
	v1 =	vld [tilespmem:$0x6E40]  }
0x1a8: {  	[tilespmem:$0x1F640] =	vst v4;
	v4 =	vadd.s32 $0x8D2, v0;
	v2 =	vld [tilespmem:$0x6E50];
	_ =	sdelay $0x3  }
0x1a9: {  	[tilespmem:v3+s15+$0x0] =	vst.idx.msk $0xffff, v1  }
0x1aa: {  	[tilespmem:v4+s15+$0x0] =	vst.idx.msk $0xffff, v2  }
0x1ab: {  	[tilespmem:$0x1F650] =	vst v3;
	v3 =	vadd.s32 $0x53, v0;
	v1 =	vld [tilespmem:$0x6E60]  }
0x1ac: {  	[tilespmem:$0x1F660] =	vst v4;
	v4 =	vadd.s32 $0x8D3, v0;
	v2 =	vld [tilespmem:$0x6E70];
	_ =	sdelay $0x3  }
0x1ad: {  	[tilespmem:v3+s15+$0x0] =	vst.idx.msk $0xffff, v1  }
0x1ae: {  	[tilespmem:v4+s15+$0x0] =	vst.idx.msk $0xffff, v2  }
0x1af: {  	[tilespmem:$0x1F670] =	vst v3;
	v3 =	vadd.s32 $0x54, v0;
	v1 =	vld [tilespmem:$0x6E80]  }
0x1b0: {  	[tilespmem:$0x1F680] =	vst v4;
	v4 =	vadd.s32 $0x8D4, v0;
	v2 =	vld [tilespmem:$0x6E90];
	_ =	sdelay $0x3  }
0x1b1: {  	[tilespmem:v3+s15+$0x0] =	vst.idx.msk $0xffff, v1  }
0x1b2: {  	[tilespmem:v4+s15+$0x0] =	vst.idx.msk $0xffff, v2  }
0x1b3: {  	[tilespmem:$0x1F690] =	vst v3;
	v3 =	vadd.s32 $0x55, v0;
	v1 =	vld [tilespmem:$0x6EA0]  }
0x1b4: {  	[tilespmem:$0x1F6A0] =	vst v4;
	v4 =	vadd.s32 $0x8D5, v0;
	v2 =	vld [tilespmem:$0x6EB0];
	_ =	sdelay $0x3  }
0x1b5: {  	[tilespmem:v3+s15+$0x0] =	vst.idx.msk $0xffff, v1  }
0x1b6: {  	[tilespmem:v4+s15+$0x0] =	vst.idx.msk $0xffff, v2  }
0x1b7: {  	[tilespmem:$0x1F6B0] =	vst v3;
	v3 =	vadd.s32 $0x56, v0;
	v1 =	vld [tilespmem:$0x6EC0]  }
0x1b8: {  	[tilespmem:$0x1F6C0] =	vst v4;
	v4 =	vadd.s32 $0x8D6, v0;
	v2 =	vld [tilespmem:$0x6ED0];
	_ =	sdelay $0x3  }
0x1b9: {  	[tilespmem:v3+s15+$0x0] =	vst.idx.msk $0xffff, v1  }
0x1ba: {  	[tilespmem:v4+s15+$0x0] =	vst.idx.msk $0xffff, v2  }
0x1bb: {  	[tilespmem:$0x1F6D0] =	vst v3;
	v3 =	vadd.s32 $0x57, v0;
	v1 =	vld [tilespmem:$0x6EE0]  }
0x1bc: {  	[tilespmem:$0x1F6E0] =	vst v4;
	v4 =	vadd.s32 $0x8D7, v0;
	v2 =	vld [tilespmem:$0x6EF0];
	_ =	sdelay $0x3  }
0x1bd: {  	[tilespmem:v3+s15+$0x0] =	vst.idx.msk $0xffff, v1  }
0x1be: {  	[tilespmem:v4+s15+$0x0] =	vst.idx.msk $0xffff, v2  }
0x1bf: {  	[tilespmem:$0x1F6F0] =	vst v3;
	v3 =	vadd.s32 $0x58, v0;
	v1 =	vld [tilespmem:$0x6F00]  }
0x1c0: {  	[tilespmem:$0x1F700] =	vst v4;
	v4 =	vadd.s32 $0x8D8, v0;
	v2 =	vld [tilespmem:$0x6F10];
	_ =	sdelay $0x3  }
0x1c1: {  	[tilespmem:v3+s15+$0x0] =	vst.idx.msk $0xffff, v1  }
0x1c2: {  	[tilespmem:v4+s15+$0x0] =	vst.idx.msk $0xffff, v2  }
0x1c3: {  	[tilespmem:$0x1F710] =	vst v3;
	v3 =	vadd.s32 $0x59, v0;
	v1 =	vld [tilespmem:$0x6F20]  }
0x1c4: {  	[tilespmem:$0x1F720] =	vst v4;
	v4 =	vadd.s32 $0x8D9, v0;
	v2 =	vld [tilespmem:$0x6F30];
	_ =	sdelay $0x3  }
0x1c5: {  	[tilespmem:v3+s15+$0x0] =	vst.idx.msk $0xffff, v1  }
0x1c6: {  	[tilespmem:v4+s15+$0x0] =	vst.idx.msk $0xffff, v2  }
0x1c7: {  	[tilespmem:$0x1F730] =	vst v3;
	v3 =	vadd.s32 $0x5A, v0;
	v1 =	vld [tilespmem:$0x6F40]  }
0x1c8: {  	[tilespmem:$0x1F740] =	vst v4;
	v4 =	vadd.s32 $0x8DA, v0;
	v2 =	vld [tilespmem:$0x6F50];
	_ =	sdelay $0x3  }
0x1c9: {  	[tilespmem:v3+s15+$0x0] =	vst.idx.msk $0xffff, v1  }
0x1ca: {  	[tilespmem:v4+s15+$0x0] =	vst.idx.msk $0xffff, v2  }
0x1cb: {  	[tilespmem:$0x1F750] =	vst v3;
	v3 =	vadd.s32 $0x5B, v0;
	v1 =	vld [tilespmem:$0x6F60]  }
0x1cc: {  	[tilespmem:$0x1F760] =	vst v4;
	v4 =	vadd.s32 $0x8DB, v0;
	v2 =	vld [tilespmem:$0x6F70];
	_ =	sdelay $0x3  }
0x1cd: {  	[tilespmem:v3+s15+$0x0] =	vst.idx.msk $0xffff, v1  }
0x1ce: {  	[tilespmem:v4+s15+$0x0] =	vst.idx.msk $0xffff, v2  }
0x1cf: {  	[tilespmem:$0x1F770] =	vst v3;
	v3 =	vadd.s32 $0x5C, v0;
	v1 =	vld [tilespmem:$0x6F80]  }
0x1d0: {  	[tilespmem:$0x1F780] =	vst v4;
	v4 =	vadd.s32 $0x8DC, v0;
	v2 =	vld [tilespmem:$0x6F90];
	_ =	sdelay $0x3  }
0x1d1: {  	[tilespmem:v3+s15+$0x0] =	vst.idx.msk $0xffff, v1  }
0x1d2: {  	[tilespmem:v4+s15+$0x0] =	vst.idx.msk $0xffff, v2  }
0x1d3: {  	[tilespmem:$0x1F790] =	vst v3;
	v3 =	vadd.s32 $0x5D, v0;
	v1 =	vld [tilespmem:$0x6FA0]  }
0x1d4: {  	[tilespmem:$0x1F7A0] =	vst v4;
	v4 =	vadd.s32 $0x8DD, v0;
	v2 =	vld [tilespmem:$0x6FB0];
	_ =	sdelay $0x3  }
0x1d5: {  	[tilespmem:v3+s15+$0x0] =	vst.idx.msk $0xffff, v1  }
0x1d6: {  	[tilespmem:v4+s15+$0x0] =	vst.idx.msk $0xffff, v2  }
0x1d7: {  	[tilespmem:$0x1F7B0] =	vst v3;
	v3 =	vadd.s32 $0x5E, v0;
	v1 =	vld [tilespmem:$0x6FC0]  }
0x1d8: {  	[tilespmem:$0x1F7C0] =	vst v4;
	v4 =	vadd.s32 $0x8DE, v0;
	v2 =	vld [tilespmem:$0x6FD0];
	_ =	sdelay $0x3  }
0x1d9: {  	[tilespmem:v3+s15+$0x0] =	vst.idx.msk $0xffff, v1  }
0x1da: {  	[tilespmem:v4+s15+$0x0] =	vst.idx.msk $0xffff, v2  }
0x1db: {  	[tilespmem:$0x1F7D0] =	vst v3;
	v3 =	vadd.s32 $0x5F, v0;
	v1 =	vld [tilespmem:$0x6FE0]  }
0x1dc: {  	[tilespmem:$0x1F7E0] =	vst v4;
	v4 =	vadd.s32 $0x8DF, v0;
	v2 =	vld [tilespmem:$0x6FF0];
	_ =	sdelay $0x3  }
0x1dd: {  	[tilespmem:v3+s15+$0x0] =	vst.idx.msk $0xffff, v1  }
0x1de: {  	[tilespmem:v4+s15+$0x0] =	vst.idx.msk $0xffff, v2  }
0x1df: {  	[tilespmem:$0x1F7F0] =	vst v3;
	v3 =	vadd.s32 $0x60, v0;
	v1 =	vld [tilespmem:$0x7000]  }
0x1e0: {  	[tilespmem:$0x1F800] =	vst v4;
	v4 =	vadd.s32 $0x8E0, v0;
	v2 =	vld [tilespmem:$0x7010];
	_ =	sdelay $0x3  }
0x1e1: {  	[tilespmem:v3+s15+$0x0] =	vst.idx.msk $0xffff, v1  }
0x1e2: {  	[tilespmem:v4+s15+$0x0] =	vst.idx.msk $0xffff, v2  }
0x1e3: {  	[tilespmem:$0x1F810] =	vst v3;
	v3 =	vadd.s32 $0x61, v0;
	v1 =	vld [tilespmem:$0x7020]  }
0x1e4: {  	[tilespmem:$0x1F820] =	vst v4;
	v4 =	vadd.s32 $0x8E1, v0;
	v2 =	vld [tilespmem:$0x7030];
	_ =	sdelay $0x3  }
0x1e5: {  	[tilespmem:v3+s15+$0x0] =	vst.idx.msk $0xffff, v1  }
0x1e6: {  	[tilespmem:v4+s15+$0x0] =	vst.idx.msk $0xffff, v2  }
0x1e7: {  	[tilespmem:$0x1F830] =	vst v3;
	v3 =	vadd.s32 $0x62, v0;
	v1 =	vld [tilespmem:$0x7040]  }
0x1e8: {  	[tilespmem:$0x1F840] =	vst v4;
	v4 =	vadd.s32 $0x8E2, v0;
	v2 =	vld [tilespmem:$0x7050];
	_ =	sdelay $0x3  }
0x1e9: {  	[tilespmem:v3+s15+$0x0] =	vst.idx.msk $0xffff, v1  }
0x1ea: {  	[tilespmem:v4+s15+$0x0] =	vst.idx.msk $0xffff, v2  }
0x1eb: {  	[tilespmem:$0x1F850] =	vst v3;
	v3 =	vadd.s32 $0x63, v0;
	v1 =	vld [tilespmem:$0x7060]  }
0x1ec: {  	[tilespmem:$0x1F860] =	vst v4;
	v4 =	vadd.s32 $0x8E3, v0;
	v2 =	vld [tilespmem:$0x7070];
	_ =	sdelay $0x3  }
0x1ed: {  	[tilespmem:v3+s15+$0x0] =	vst.idx.msk $0xffff, v1  }
0x1ee: {  	[tilespmem:v4+s15+$0x0] =	vst.idx.msk $0xffff, v2  }
0x1ef: {  	[tilespmem:$0x1F870] =	vst v3;
	v3 =	vadd.s32 $0x64, v0;
	v1 =	vld [tilespmem:$0x7080]  }
0x1f0: {  	[tilespmem:$0x1F880] =	vst v4;
	v4 =	vadd.s32 $0x8E4, v0;
	v2 =	vld [tilespmem:$0x7090];
	_ =	sdelay $0x3  }
0x1f1: {  	[tilespmem:v3+s15+$0x0] =	vst.idx.msk $0xffff, v1  }
0x1f2: {  	[tilespmem:v4+s15+$0x0] =	vst.idx.msk $0xffff, v2  }
0x1f3: {  	[tilespmem:$0x1F890] =	vst v3;
	v3 =	vadd.s32 $0x65, v0;
	v1 =	vld [tilespmem:$0x70A0]  }
0x1f4: {  	[tilespmem:$0x1F8A0] =	vst v4;
	v4 =	vadd.s32 $0x8E5, v0;
	v2 =	vld [tilespmem:$0x70B0];
	_ =	sdelay $0x1  }
0x1f5: {  	[tilespmem:$0x1F8B0] =	vst v3  }
0x1f6: {  	[tilespmem:$0x1F8C0] =	vst v4  }
0x1f7: {  	[tilespmem:v3+s15+$0x0] =	vst.idx.msk $0xffff, v1  }
0x1f8: {  	[tilespmem:v4+s15+$0x0] =	vst.idx.msk $0xffff, v2  }
0x1f9: {  	v3 =	vadd.s32 $0x66, v0;
	v1 =	vld [tilespmem:$0x70C0]  }
0x1fa: {  	v4 =	vadd.s32 $0x8E6, v0;
	v2 =	vld [tilespmem:$0x70D0];
	_ =	sdelay $0x3  }
0x1fb: {  	[tilespmem:v3+s15+$0x0] =	vst.idx.msk $0xffff, v1  }
0x1fc: {  	[tilespmem:v4+s15+$0x0] =	vst.idx.msk $0xffff, v2  }
0x1fd: {  	[tilespmem:$0x1F8D0] =	vst v3;
	v3 =	vadd.s32 $0x67, v0;
	v1 =	vld [tilespmem:$0x70E0]  }
0x1fe: {  	[tilespmem:$0x1F8E0] =	vst v4;
	v4 =	vadd.s32 $0x8E7, v0;
	v2 =	vld [tilespmem:$0x70F0];
	_ =	sdelay $0x3  }
0x1ff: {  	[tilespmem:v3+s15+$0x0] =	vst.idx.msk $0xffff, v1  }
0x200: {  	[tilespmem:v4+s15+$0x0] =	vst.idx.msk $0xffff, v2  }
0x201: {  	[tilespmem:$0x1F8F0] =	vst v3;
	v3 =	vadd.s32 $0x68, v0;
	v1 =	vld [tilespmem:$0x7100]  }
0x202: {  	[tilespmem:$0x1F900] =	vst v4;
	v4 =	vadd.s32 $0x8E8, v0;
	v2 =	vld [tilespmem:$0x7110];
	_ =	sdelay $0x3  }
0x203: {  	[tilespmem:v3+s15+$0x0] =	vst.idx.msk $0xffff, v1  }
0x204: {  	[tilespmem:v4+s15+$0x0] =	vst.idx.msk $0xffff, v2  }
0x205: {  	[tilespmem:$0x1F910] =	vst v3;
	v3 =	vadd.s32 $0x69, v0;
	v1 =	vld [tilespmem:$0x7120]  }
0x206: {  	[tilespmem:$0x1F920] =	vst v4;
	v4 =	vadd.s32 $0x8E9, v0;
	v2 =	vld [tilespmem:$0x7130];
	_ =	sdelay $0x3  }
0x207: {  	[tilespmem:v3+s15+$0x0] =	vst.idx.msk $0xffff, v1  }
0x208: {  	[tilespmem:v4+s15+$0x0] =	vst.idx.msk $0xffff, v2  }
0x209: {  	[tilespmem:$0x1F930] =	vst v3;
	v3 =	vadd.s32 $0x6A, v0;
	v1 =	vld [tilespmem:$0x7140]  }
0x20a: {  	[tilespmem:$0x1F940] =	vst v4;
	v4 =	vadd.s32 $0x8EA, v0;
	v2 =	vld [tilespmem:$0x7150];
	_ =	sdelay $0x3  }
0x20b: {  	[tilespmem:v3+s15+$0x0] =	vst.idx.msk $0xffff, v1  }
0x20c: {  	[tilespmem:v4+s15+$0x0] =	vst.idx.msk $0xffff, v2  }
0x20d: {  	[tilespmem:$0x1F950] =	vst v3;
	v3 =	vadd.s32 $0x6B, v0;
	v1 =	vld [tilespmem:$0x7160]  }
0x20e: {  	[tilespmem:$0x1F960] =	vst v4;
	v4 =	vadd.s32 $0x8EB, v0;
	v2 =	vld [tilespmem:$0x7170];
	_ =	sdelay $0x3  }
0x20f: {  	[tilespmem:v3+s15+$0x0] =	vst.idx.msk $0xffff, v1  }
0x210: {  	[tilespmem:v4+s15+$0x0] =	vst.idx.msk $0xffff, v2  }
0x211: {  	[tilespmem:$0x1F970] =	vst v3;
	v3 =	vadd.s32 $0x6C, v0;
	v1 =	vld [tilespmem:$0x7180]  }
0x212: {  	[tilespmem:$0x1F980] =	vst v4;
	v4 =	vadd.s32 $0x8EC, v0;
	v2 =	vld [tilespmem:$0x7190];
	_ =	sdelay $0x3  }
0x213: {  	[tilespmem:v3+s15+$0x0] =	vst.idx.msk $0xffff, v1  }
0x214: {  	[tilespmem:v4+s15+$0x0] =	vst.idx.msk $0xffff, v2  }
0x215: {  	[tilespmem:$0x1F990] =	vst v3;
	v3 =	vadd.s32 $0x6D, v0;
	v1 =	vld [tilespmem:$0x71A0]  }
0x216: {  	[tilespmem:$0x1F9A0] =	vst v4;
	v4 =	vadd.s32 $0x8ED, v0;
	v2 =	vld [tilespmem:$0x71B0];
	_ =	sdelay $0x3  }
0x217: {  	[tilespmem:v3+s15+$0x0] =	vst.idx.msk $0xffff, v1  }
0x218: {  	[tilespmem:v4+s15+$0x0] =	vst.idx.msk $0xffff, v2  }
0x219: {  	[tilespmem:$0x1F9B0] =	vst v3;
	v3 =	vadd.s32 $0x6E, v0;
	v1 =	vld [tilespmem:$0x71C0]  }
0x21a: {  	[tilespmem:$0x1F9C0] =	vst v4;
	v4 =	vadd.s32 $0x8EE, v0;
	v2 =	vld [tilespmem:$0x71D0];
	_ =	sdelay $0x3  }
0x21b: {  	[tilespmem:v3+s15+$0x0] =	vst.idx.msk $0xffff, v1  }
0x21c: {  	[tilespmem:v4+s15+$0x0] =	vst.idx.msk $0xffff, v2  }
0x21d: {  	[tilespmem:$0x1F9D0] =	vst v3;
	v3 =	vadd.s32 $0x6F, v0;
	v1 =	vld [tilespmem:$0x71E0]  }
0x21e: {  	[tilespmem:$0x1F9E0] =	vst v4;
	v4 =	vadd.s32 $0x8EF, v0;
	v2 =	vld [tilespmem:$0x71F0];
	_ =	sdelay $0x3  }
0x21f: {  	[tilespmem:v3+s15+$0x0] =	vst.idx.msk $0xffff, v1  }
0x220: {  	[tilespmem:v4+s15+$0x0] =	vst.idx.msk $0xffff, v2  }
0x221: {  	[tilespmem:$0x1F9F0] =	vst v3;
	v3 =	vadd.s32 $0x70, v0;
	v1 =	vld [tilespmem:$0x7200]  }
0x222: {  	[tilespmem:$0x1FA00] =	vst v4;
	v4 =	vadd.s32 $0x8F0, v0;
	v2 =	vld [tilespmem:$0x7210];
	_ =	sdelay $0x3  }
0x223: {  	[tilespmem:v3+s15+$0x0] =	vst.idx.msk $0xffff, v1  }
0x224: {  	[tilespmem:v4+s15+$0x0] =	vst.idx.msk $0xffff, v2  }
0x225: {  	[tilespmem:$0x1FA10] =	vst v3;
	v3 =	vadd.s32 $0x71, v0;
	v1 =	vld [tilespmem:$0x7220]  }
0x226: {  	[tilespmem:$0x1FA20] =	vst v4;
	v4 =	vadd.s32 $0x8F1, v0;
	v2 =	vld [tilespmem:$0x7230];
	_ =	sdelay $0x3  }
0x227: {  	[tilespmem:v3+s15+$0x0] =	vst.idx.msk $0xffff, v1  }
0x228: {  	[tilespmem:v4+s15+$0x0] =	vst.idx.msk $0xffff, v2  }
0x229: {  	[tilespmem:$0x1FA30] =	vst v3;
	v3 =	vadd.s32 $0x72, v0;
	v1 =	vld [tilespmem:$0x7240]  }
0x22a: {  	[tilespmem:$0x1FA40] =	vst v4;
	v4 =	vadd.s32 $0x8F2, v0;
	v2 =	vld [tilespmem:$0x7250];
	_ =	sdelay $0x3  }
0x22b: {  	[tilespmem:v3+s15+$0x0] =	vst.idx.msk $0xffff, v1  }
0x22c: {  	[tilespmem:v4+s15+$0x0] =	vst.idx.msk $0xffff, v2  }
0x22d: {  	[tilespmem:$0x1FA50] =	vst v3;
	v3 =	vadd.s32 $0x73, v0;
	v1 =	vld [tilespmem:$0x7260]  }
0x22e: {  	[tilespmem:$0x1FA60] =	vst v4;
	v4 =	vadd.s32 $0x8F3, v0;
	v2 =	vld [tilespmem:$0x7270];
	_ =	sdelay $0x3  }
0x22f: {  	[tilespmem:v3+s15+$0x0] =	vst.idx.msk $0xffff, v1  }
0x230: {  	[tilespmem:v4+s15+$0x0] =	vst.idx.msk $0xffff, v2  }
0x231: {  	[tilespmem:$0x1FA70] =	vst v3;
	v3 =	vadd.s32 $0x74, v0;
	v1 =	vld [tilespmem:$0x7280]  }
0x232: {  	[tilespmem:$0x1FA80] =	vst v4;
	v4 =	vadd.s32 $0x8F4, v0;
	v2 =	vld [tilespmem:$0x7290];
	_ =	sdelay $0x3  }
0x233: {  	[tilespmem:v3+s15+$0x0] =	vst.idx.msk $0xffff, v1  }
0x234: {  	[tilespmem:v4+s15+$0x0] =	vst.idx.msk $0xffff, v2  }
0x235: {  	[tilespmem:$0x1FA90] =	vst v3;
	v3 =	vadd.s32 $0x75, v0;
	v1 =	vld [tilespmem:$0x72A0]  }
0x236: {  	[tilespmem:$0x1FAA0] =	vst v4;
	v4 =	vadd.s32 $0x8F5, v0;
	v2 =	vld [tilespmem:$0x72B0];
	_ =	sdelay $0x3  }
0x237: {  	[tilespmem:v3+s15+$0x0] =	vst.idx.msk $0xffff, v1  }
0x238: {  	[tilespmem:v4+s15+$0x0] =	vst.idx.msk $0xffff, v2  }
0x239: {  	[tilespmem:$0x1FAB0] =	vst v3;
	v3 =	vadd.s32 $0x76, v0;
	v1 =	vld [tilespmem:$0x72C0]  }
0x23a: {  	[tilespmem:$0x1FAC0] =	vst v4;
	v4 =	vadd.s32 $0x8F6, v0;
	v2 =	vld [tilespmem:$0x72D0];
	_ =	sdelay $0x3  }
0x23b: {  	[tilespmem:v3+s15+$0x0] =	vst.idx.msk $0xffff, v1  }
0x23c: {  	[tilespmem:v4+s15+$0x0] =	vst.idx.msk $0xffff, v2  }
0x23d: {  	[tilespmem:$0x1FAD0] =	vst v3;
	v3 =	vadd.s32 $0x77, v0;
	v1 =	vld [tilespmem:$0x72E0]  }
0x23e: {  	[tilespmem:$0x1FAE0] =	vst v4;
	v4 =	vadd.s32 $0x8F7, v0;
	v2 =	vld [tilespmem:$0x72F0];
	_ =	sdelay $0x3  }
0x23f: {  	[tilespmem:v3+s15+$0x0] =	vst.idx.msk $0xffff, v1  }
0x240: {  	[tilespmem:v4+s15+$0x0] =	vst.idx.msk $0xffff, v2  }
0x241: {  	[tilespmem:$0x1FAF0] =	vst v3;
	v3 =	vadd.s32 $0x78, v0;
	v1 =	vld [tilespmem:$0x7300]  }
0x242: {  	[tilespmem:$0x1FB00] =	vst v4;
	v4 =	vadd.s32 $0x8F8, v0;
	v2 =	vld [tilespmem:$0x7310];
	_ =	sdelay $0x3  }
0x243: {  	[tilespmem:v3+s15+$0x0] =	vst.idx.msk $0xffff, v1  }
0x244: {  	[tilespmem:v4+s15+$0x0] =	vst.idx.msk $0xffff, v2  }
0x245: {  	[tilespmem:$0x1FB10] =	vst v3;
	v3 =	vadd.s32 $0x79, v0;
	v1 =	vld [tilespmem:$0x7320]  }
0x246: {  	[tilespmem:$0x1FB20] =	vst v4;
	v4 =	vadd.s32 $0x8F9, v0;
	v2 =	vld [tilespmem:$0x7330];
	_ =	sdelay $0x3  }
0x247: {  	[tilespmem:v3+s15+$0x0] =	vst.idx.msk $0xffff, v1  }
0x248: {  	[tilespmem:v4+s15+$0x0] =	vst.idx.msk $0xffff, v2  }
0x249: {  	[tilespmem:$0x1FB30] =	vst v3;
	v3 =	vadd.s32 $0x7A, v0;
	v1 =	vld [tilespmem:$0x7340]  }
0x24a: {  	[tilespmem:$0x1FB40] =	vst v4;
	v4 =	vadd.s32 $0x8FA, v0;
	v2 =	vld [tilespmem:$0x7350];
	_ =	sdelay $0x3  }
0x24b: {  	[tilespmem:v3+s15+$0x0] =	vst.idx.msk $0xffff, v1  }
0x24c: {  	[tilespmem:v4+s15+$0x0] =	vst.idx.msk $0xffff, v2  }
0x24d: {  	[tilespmem:$0x1FB50] =	vst v3;
	v3 =	vadd.s32 $0x7B, v0;
	v1 =	vld [tilespmem:$0x7360]  }
0x24e: {  	[tilespmem:$0x1FB60] =	vst v4;
	v4 =	vadd.s32 $0x8FB, v0;
	v2 =	vld [tilespmem:$0x7370];
	_ =	sdelay $0x3  }
0x24f: {  	[tilespmem:v3+s15+$0x0] =	vst.idx.msk $0xffff, v1  }
0x250: {  	[tilespmem:v4+s15+$0x0] =	vst.idx.msk $0xffff, v2  }
0x251: {  	[tilespmem:$0x1FB70] =	vst v3;
	v3 =	vadd.s32 $0x7C, v0;
	v1 =	vld [tilespmem:$0x7380]  }
0x252: {  	[tilespmem:$0x1FB80] =	vst v4;
	v4 =	vadd.s32 $0x8FC, v0;
	v2 =	vld [tilespmem:$0x7390];
	_ =	sdelay $0x3  }
0x253: {  	[tilespmem:v3+s15+$0x0] =	vst.idx.msk $0xffff, v1  }
0x254: {  	[tilespmem:v4+s15+$0x0] =	vst.idx.msk $0xffff, v2  }
0x255: {  	[tilespmem:$0x1FB90] =	vst v3;
	v3 =	vadd.s32 $0x7D, v0;
	v1 =	vld [tilespmem:$0x73A0]  }
0x256: {  	[tilespmem:$0x1FBA0] =	vst v4;
	v4 =	vadd.s32 $0x8FD, v0;
	v2 =	vld [tilespmem:$0x73B0];
	_ =	sdelay $0x3  }
0x257: {  	[tilespmem:v3+s15+$0x0] =	vst.idx.msk $0xffff, v1  }
0x258: {  	[tilespmem:v4+s15+$0x0] =	vst.idx.msk $0xffff, v2  }
0x259: {  	v1 =	vadd.s32 $0x7E, v0;
	v2 =	vld [tilespmem:$0x73C0]  }
0x25a: {  	[tilespmem:$0x1FBB0] =	vst v3;
	v3 =	vadd.s32 $0x8FE, v0;
	v59 =	vld [tilespmem:$0x73D0];
	_ =	sdelay $0x2  }
0x25b: {  	[tilespmem:$0x1FBC0] =	vst v4  }
0x25c: {  	[tilespmem:v1+s15+$0x0] =	vst.idx.msk $0xffff, v2  }
0x25d: {  	[tilespmem:v3+s15+$0x0] =	vst.idx.msk $0xffff, v59  }
0x25e: {  	[tilespmem:$0x1FBD0] =	vst v1;
	v1 =	vadd.s32 $0x7F, v0;
	v4 =	vld [tilespmem:$0x73E0]  }
0x25f: {  	s14 =	sand.u32 $0x2, s7;
	v2 =	vadd.s32 $0x8FF, v0;
	v5 =	vld [tilespmem:$0x73F0]  }
0x260: {  	s10 =	sor.u32 s6, s14  }
0x261: {  	s11 =	sand.u32 $0x1F80000, s5;
	s10 =	sshll.u32 s10, $0xA  }
0x262: {  	s10 =	sor.u32 s11, s10  }
0x263: {  	s10 =	sshrl.u32 s10, $0x3;
	[tilespmem:v1+s15+$0x0] =	vst.idx.msk $0xffff, v4  }
0x264: {  	s10 =	sadd.s32 s2, s10;
	[tilespmem:v2+s15+$0x0] =	vst.idx.msk $0xffff, v5  }
0x265: {  	[hbm4b:s10+s3] =	stream.linear.scatter [tilespmem:s15], [sflag:$0x3], $0x80, $0x38;
	[tilespmem:$0xA600] =	vst v63  }
0x266: {  	s16 =	simm.s32 $0x8488;
	s14 =	sadd.s32 $0x10, s10  }
0x267: {  	[hbm4b:s14+s3] =	stream.linear.scatter [tilespmem:s16], [sflag:$0x3], $0x80, $0x38;
	[tilespmem:$0xA600] =	vst v63  }
0x268: {  	s14 =	sadd.s32 $0x20, s10;
	s16 =	simm.s32 $0x8510  }
0x269: {  	[hbm4b:s14+s3] =	stream.linear.scatter [tilespmem:s16], [sflag:$0x3], $0x80, $0x38;
	[tilespmem:$0xA600] =	vst v63  }
0x26a: {  	s14 =	sadd.s32 $0x30, s10;
	s16 =	simm.s32 $0x8598  }
0x26b: {  	[hbm4b:s14+s3] =	stream.linear.scatter [tilespmem:s16], [sflag:$0x3], $0x80, $0x38;
	[tilespmem:$0xA600] =	vst v63  }
0x26c: {  	s14 =	sadd.s32 $0x40, s10;
	s16 =	simm.s32 $0x8620  }
0x26d: {  	[hbm4b:s14+s3] =	stream.linear.scatter [tilespmem:s16], [sflag:$0x3], $0x80, $0x38;
	[tilespmem:$0xA600] =	vst v63  }
0x26e: {  	s14 =	sadd.s32 $0x50, s10;
	s16 =	simm.s32 $0x86A8  }
0x26f: {  	[hbm4b:s14+s3] =	stream.linear.scatter [tilespmem:s16], [sflag:$0x3], $0x80, $0x38;
	[tilespmem:$0xA600] =	vst v63  }
0x270: {  	s14 =	sadd.s32 $0x60, s10;
	s16 =	simm.s32 $0x8730  }
0x271: {  	[hbm4b:s14+s3] =	stream.linear.scatter [tilespmem:s16], [sflag:$0x3], $0x80, $0x38;
	[tilespmem:$0xA600] =	vst v63  }
0x272: {  	s14 =	sadd.s32 $0x70, s10;
	s16 =	simm.s32 $0x87B8  }
0x273: {  	[hbm4b:s14+s3] =	stream.linear.scatter [tilespmem:s16], [sflag:$0x3], $0x80, $0x38;
	[tilespmem:$0xA600] =	vst v63  }
0x274: {  	s14 =	sadd.s32 $0x4000, s10;
	s16 =	simm.s32 $0x8840  }
0x275: {  	[hbm4b:s14+s3] =	stream.linear.scatter [tilespmem:s16], [sflag:$0x3], $0x80, $0x38;
	[tilespmem:$0xA600] =	vst v63  }
0x276: {  	s14 =	sadd.s32 $0x4010, s10;
	s16 =	simm.s32 $0x88C8  }
0x277: {  	[hbm4b:s14+s3] =	stream.linear.scatter [tilespmem:s16], [sflag:$0x3], $0x80, $0x38;
	[tilespmem:$0xA600] =	vst v63  }
0x278: {  	s14 =	sadd.s32 $0x4020, s10;
	s16 =	simm.s32 $0x8950  }
0x279: {  	[hbm4b:s14+s3] =	stream.linear.scatter [tilespmem:s16], [sflag:$0x3], $0x80, $0x38;
	[tilespmem:$0xA600] =	vst v63  }
0x27a: {  	s14 =	sadd.s32 $0x4030, s10;
	s16 =	simm.s32 $0x89D8  }
0x27b: {  	[hbm4b:s14+s3] =	stream.linear.scatter [tilespmem:s16], [sflag:$0x3], $0x80, $0x38;
	[tilespmem:$0xA600] =	vst v63  }
0x27c: {  	s14 =	sadd.s32 $0x4040, s10;
	s16 =	simm.s32 $0x8A60  }
0x27d: {  	[hbm4b:s14+s3] =	stream.linear.scatter [tilespmem:s16], [sflag:$0x3], $0x80, $0x38;
	[tilespmem:$0xA600] =	vst v63  }
0x27e: {  	s14 =	sadd.s32 $0x4050, s10;
	s16 =	simm.s32 $0x8AE8  }
0x27f: {  	[hbm4b:s14+s3] =	stream.linear.scatter [tilespmem:s16], [sflag:$0x3], $0x80, $0x38;
	[tilespmem:$0xA600] =	vst v63  }
0x280: {  	s14 =	sadd.s32 $0x4060, s10;
	s16 =	simm.s32 $0x8B70  }
0x281: {  	[hbm4b:s14+s3] =	stream.linear.scatter [tilespmem:s16], [sflag:$0x3], $0x80, $0x38;
	[tilespmem:$0xA600] =	vst v63  }
0x282: {  	s14 =	sadd.s32 $0x4070, s10;
	s16 =	simm.s32 $0x8BF8  }
0x283: {  	[hbm4b:s14+s3] =	stream.linear.scatter [tilespmem:s16], [sflag:$0x3], $0x80, $0x38;
	[tilespmem:$0xA600] =	vst v63  }
0x284: {  	s14 =	sadd.s32 $0x8000, s10;
	s16 =	simm.s32 $0x8C80  }
0x285: {  	[hbm4b:s14+s3] =	stream.linear.scatter [tilespmem:s16], [sflag:$0x3], $0x80, $0x38;
	[tilespmem:$0xA600] =	vst v63  }
0x286: {  	s14 =	sadd.s32 $0x8010, s10;
	s16 =	simm.s32 $0x8D08  }
0x287: {  	[hbm4b:s14+s3] =	stream.linear.scatter [tilespmem:s16], [sflag:$0x3], $0x80, $0x38;
	[tilespmem:$0xA600] =	vst v63  }
0x288: {  	s14 =	sadd.s32 $0x8020, s10;
	s16 =	simm.s32 $0x8D90  }
0x289: {  	[hbm4b:s14+s3] =	stream.linear.scatter [tilespmem:s16], [sflag:$0x3], $0x80, $0x38;
	[tilespmem:$0xA600] =	vst v63  }
0x28a: {  	s14 =	sadd.s32 $0x8030, s10;
	s16 =	simm.s32 $0x8E18  }
0x28b: {  	[hbm4b:s14+s3] =	stream.linear.scatter [tilespmem:s16], [sflag:$0x3], $0x80, $0x38;
	[tilespmem:$0xA600] =	vst v63  }
0x28c: {  	s14 =	sadd.s32 $0x8040, s10;
	s16 =	simm.s32 $0x8EA0  }
0x28d: {  	[hbm4b:s14+s3] =	stream.linear.scatter [tilespmem:s16], [sflag:$0x3], $0x80, $0x38;
	[tilespmem:$0xA600] =	vst v63  }
0x28e: {  	s14 =	sadd.s32 $0x8050, s10;
	s16 =	simm.s32 $0x8F28  }
0x28f: {  	[hbm4b:s14+s3] =	stream.linear.scatter [tilespmem:s16], [sflag:$0x3], $0x80, $0x38;
	[tilespmem:$0xA600] =	vst v63  }
0x290: {  	s14 =	sadd.s32 $0x8060, s10;
	s16 =	simm.s32 $0x8FB0  }
0x291: {  	[hbm4b:s14+s3] =	stream.linear.scatter [tilespmem:s16], [sflag:$0x3], $0x80, $0x38;
	[tilespmem:$0xA600] =	vst v63  }
0x292: {  	s14 =	sadd.s32 $0x8070, s10;
	s16 =	simm.s32 $0x9038  }
0x293: {  	[hbm4b:s14+s3] =	stream.linear.scatter [tilespmem:s16], [sflag:$0x3], $0x80, $0x38;
	[tilespmem:$0xA600] =	vst v63  }
0x294: {  	s14 =	sadd.s32 $0xC000, s10;
	s16 =	simm.s32 $0x90C0  }
0x295: {  	[hbm4b:s14+s3] =	stream.linear.scatter [tilespmem:s16], [sflag:$0x3], $0x80, $0x38;
	[tilespmem:$0xA600] =	vst v63  }
0x296: {  	s14 =	sadd.s32 $0xC010, s10;
	s16 =	simm.s32 $0x9148  }
0x297: {  	[hbm4b:s14+s3] =	stream.linear.scatter [tilespmem:s16], [sflag:$0x3], $0x80, $0x38;
	[tilespmem:$0xA600] =	vst v63  }
0x298: {  	s14 =	sadd.s32 $0xC020, s10;
	s16 =	simm.s32 $0x91D0  }
0x299: {  	[hbm4b:s14+s3] =	stream.linear.scatter [tilespmem:s16], [sflag:$0x3], $0x80, $0x38;
	[tilespmem:$0xA600] =	vst v63  }
0x29a: {  	s14 =	sadd.s32 $0xC030, s10;
	s16 =	simm.s32 $0x9258  }
0x29b: {  	[hbm4b:s14+s3] =	stream.linear.scatter [tilespmem:s16], [sflag:$0x3], $0x80, $0x38;
	[tilespmem:$0xA600] =	vst v63  }
0x29c: {  	s14 =	sadd.s32 $0xC040, s10;
	s16 =	simm.s32 $0x92E0  }
0x29d: {  	[hbm4b:s14+s3] =	stream.linear.scatter [tilespmem:s16], [sflag:$0x3], $0x80, $0x38;
	[tilespmem:$0xA600] =	vst v63  }
0x29e: {  	[tilespmem:$0x1FBE0] =	vst v3;
	s14 =	sadd.s32 $0xC050, s10;
	s16 =	simm.s32 $0x9368  }
0x29f: {  	[hbm4b:s14+s3] =	stream.linear.scatter [tilespmem:s16], [sflag:$0x3], $0x80, $0x38;
	[tilespmem:$0xA600] =	vst v63  }
0x2a0: {  	p0 =	seq.s32 s7, $0xC6;
	[tilespmem:$0x1FBF0] =	vst v1;
	s14 =	sadd.s32 $0xC060, s10;
	s16 =	simm.s32 $0x93F0  }
0x2a1: {  	[hbm4b:s14+s3] =	stream.linear.scatter [tilespmem:s16], [sflag:$0x3], $0x80, $0x38;
	[tilespmem:$0xA600] =	vst v63  }
0x2a2: {  	p1 =	seq.s32 @!p0 s7, $0x0;
	[tilespmem:$0x1FC00] =	vst v2;
	s10 =	sadd.s32 $0xC070, s10;
	s16 =	simm.s32 $0x9478  }
0x2a3: {  	[hbm4b:s10+s3] =	stream.linear.scatter [tilespmem:s16], [sflag:$0x3], $0x80, $0x38;
	[tilespmem:$0xA600] =	vst v63  }
0x2a4: {  	s14 =	sand.u32 @!p0 $0x100, s9;
	s10 =	sand.u32 @!p0 $0x3F800, s12;
	_ =	swait.ge [sflag:s23], $0x1000  }
0x2a5: {  	s16 =	simm.s32 @!p0 $0x6400;
	s10 =	sshrl.u32 @!p0 s10, $0x2;
	[sflag:s23] =	ssyncset.done $0x0  }
0x2a6: {  	s10 =	sor.u32 @!p0 s14, s10;
	s14 =	simm.s32 @!p0 $0x80;
	[sflag:s23] =	ssyncadd.s32 $0xFFFFF000  }
0x2a7: {  	[tilespmem:s16], [sflag:$0x1] =	stream.indirect.gather @!p0 [hbm4b:s4+s14], $0x20, s10, s14, $0xb8;
	[tilespmem:$0xA600] =	vst v63  }
0x2a8: {  	p0 =	por p0, !p1  }
0x2a9: {  	_ =	swait.ge @p0 [sflag:s8], $0x400  }
0x2aa: {  	[sflag:s8] =	ssyncset.done @p0 $0x0  }
0x2ab: {  	[sflag:s8] =	ssyncadd.s32 @p0 $0xFFFFFC00  }
0x2ac: {  	_ =	swait.ge @p0 [sflag:s8], $0x400  }
0x2ad: {  	[sflag:s8] =	ssyncset.done @p0 $0x0  }
0x2ae: {  	[sflag:s8] =	ssyncadd.s32 @p0 $0xFFFFFC00  }
0x2af: {  	_ =	swait.ge @p0 [sflag:s8], $0x400  }
0x2b0: {  	[sflag:s8] =	ssyncset.done @p0 $0x0  }
0x2b1: {  	[sflag:s8] =	ssyncadd.s32 @p0 $0xFFFFFC00  }
0x2b2: {  	_ =	swait.ge @p0 [sflag:s8], $0x400  }
0x2b3: {  	[sflag:s8] =	ssyncset.done @p0 $0x0;
	v1 =	vld [tilespmem:$0x1FC30]  }
0x2b4: {  	[sflag:s8] =	ssyncadd.s32 @p0 $0xFFFFFC00  }
0x2b5: {  	v4 =	vld [tilespmem:$0x7400]  }
0x2b6: {  	v5 =	vld [tilespmem:$0x7410];
	_ =	sdelay $0x2  }
0x2b7: {  	v7 =	vld [tilespmem:$0x1FC40]  }
0x2b8: {  	v8 =	vld [tilespmem:$0x1FC50];
	[tilespmem:v0+s24+$0x0] =	vst.idx.msk $0xffff, v4  }
0x2b9: {  	[tilespmem:v1+s24+$0x0] =	vst.idx.msk $0xffff, v5  }
0x2ba: {  	v4 =	vld [tilespmem:$0x7420]  }
0x2bb: {  	v5 =	vld [tilespmem:$0x7430];
	_ =	sdelay $0x2  }
0x2bc: {  	v9 =	vld [tilespmem:$0x1FC60]  }
0x2bd: {  	v10 =	vld [tilespmem:$0x1FC70];
	[tilespmem:v7+s24+$0x0] =	vst.idx.msk $0xffff, v4  }
0x2be: {  	[tilespmem:v8+s24+$0x0] =	vst.idx.msk $0xffff, v5  }
0x2bf: {  	v4 =	vld [tilespmem:$0x7440]  }
0x2c0: {  	v5 =	vld [tilespmem:$0x7450];
	_ =	sdelay $0x2  }
0x2c1: {  	v11 =	vld [tilespmem:$0x1FC80]  }
0x2c2: {  	v12 =	vld [tilespmem:$0x1FC90];
	[tilespmem:v9+s24+$0x0] =	vst.idx.msk $0xffff, v4  }
0x2c3: {  	[tilespmem:v10+s24+$0x0] =	vst.idx.msk $0xffff, v5  }
0x2c4: {  	v4 =	vld [tilespmem:$0x7460]  }
0x2c5: {  	v5 =	vld [tilespmem:$0x7470];
	_ =	sdelay $0x2  }
0x2c6: {  	v13 =	vld [tilespmem:$0x1FCA0]  }
0x2c7: {  	v14 =	vld [tilespmem:$0x1FCB0];
	[tilespmem:v11+s24+$0x0] =	vst.idx.msk $0xffff, v4  }
0x2c8: {  	[tilespmem:v12+s24+$0x0] =	vst.idx.msk $0xffff, v5  }
0x2c9: {  	v4 =	vld [tilespmem:$0x7480]  }
0x2ca: {  	v5 =	vld [tilespmem:$0x7490];
	_ =	sdelay $0x2  }
0x2cb: {  	v15 =	vld [tilespmem:$0x1FCC0]  }
0x2cc: {  	v16 =	vld [tilespmem:$0x1FCD0];
	[tilespmem:v13+s24+$0x0] =	vst.idx.msk $0xffff, v4  }
0x2cd: {  	[tilespmem:v14+s24+$0x0] =	vst.idx.msk $0xffff, v5  }
0x2ce: {  	v4 =	vld [tilespmem:$0x74A0]  }
0x2cf: {  	v5 =	vld [tilespmem:$0x74B0];
	_ =	sdelay $0x2  }
0x2d0: {  	v17 =	vld [tilespmem:$0x1FCE0]  }
0x2d1: {  	v18 =	vld [tilespmem:$0x1FCF0];
	[tilespmem:v15+s24+$0x0] =	vst.idx.msk $0xffff, v4  }
0x2d2: {  	[tilespmem:v16+s24+$0x0] =	vst.idx.msk $0xffff, v5  }
0x2d3: {  	v4 =	vld [tilespmem:$0x74C0]  }
0x2d4: {  	v5 =	vld [tilespmem:$0x74D0];
	_ =	sdelay $0x2  }
0x2d5: {  	v19 =	vld [tilespmem:$0x1FD00]  }
0x2d6: {  	v20 =	vld [tilespmem:$0x1FD10];
	[tilespmem:v17+s24+$0x0] =	vst.idx.msk $0xffff, v4  }
0x2d7: {  	[tilespmem:v18+s24+$0x0] =	vst.idx.msk $0xffff, v5  }
0x2d8: {  	v4 =	vld [tilespmem:$0x74E0]  }
0x2d9: {  	v5 =	vld [tilespmem:$0x74F0];
	_ =	sdelay $0x2  }
0x2da: {  	v21 =	vld [tilespmem:$0x1FD20]  }
0x2db: {  	v22 =	vld [tilespmem:$0x1FD30];
	[tilespmem:v19+s24+$0x0] =	vst.idx.msk $0xffff, v4  }
0x2dc: {  	[tilespmem:v20+s24+$0x0] =	vst.idx.msk $0xffff, v5  }
0x2dd: {  	v4 =	vld [tilespmem:$0x7500]  }
0x2de: {  	v5 =	vld [tilespmem:$0x7510];
	_ =	sdelay $0x2  }
0x2df: {  	v23 =	vld [tilespmem:$0x1FD40]  }
0x2e0: {  	v24 =	vld [tilespmem:$0x1FD50];
	[tilespmem:v21+s24+$0x0] =	vst.idx.msk $0xffff, v4  }
0x2e1: {  	[tilespmem:v22+s24+$0x0] =	vst.idx.msk $0xffff, v5  }
0x2e2: {  	v4 =	vld [tilespmem:$0x7520]  }
0x2e3: {  	v5 =	vld [tilespmem:$0x7530];
	_ =	sdelay $0x2  }
0x2e4: {  	v25 =	vld [tilespmem:$0x1FD60]  }
0x2e5: {  	v26 =	vld [tilespmem:$0x1FD70];
	[tilespmem:v23+s24+$0x0] =	vst.idx.msk $0xffff, v4  }
0x2e6: {  	[tilespmem:v24+s24+$0x0] =	vst.idx.msk $0xffff, v5  }
0x2e7: {  	v4 =	vld [tilespmem:$0x7540]  }
0x2e8: {  	v5 =	vld [tilespmem:$0x7550];
	_ =	sdelay $0x2  }
0x2e9: {  	v27 =	vld [tilespmem:$0x1FD80]  }
0x2ea: {  	v28 =	vld [tilespmem:$0x1FD90];
	[tilespmem:v25+s24+$0x0] =	vst.idx.msk $0xffff, v4  }
0x2eb: {  	[tilespmem:v26+s24+$0x0] =	vst.idx.msk $0xffff, v5  }
0x2ec: {  	v4 =	vld [tilespmem:$0x7560]  }
0x2ed: {  	v5 =	vld [tilespmem:$0x7570];
	_ =	sdelay $0x2  }
0x2ee: {  	v29 =	vld [tilespmem:$0x1FDA0]  }
0x2ef: {  	v30 =	vld [tilespmem:$0x1FDB0];
	[tilespmem:v27+s24+$0x0] =	vst.idx.msk $0xffff, v4  }
0x2f0: {  	[tilespmem:v28+s24+$0x0] =	vst.idx.msk $0xffff, v5  }
0x2f1: {  	v4 =	vld [tilespmem:$0x7580]  }
0x2f2: {  	v5 =	vld [tilespmem:$0x7590];
	_ =	sdelay $0x2  }
0x2f3: {  	v31 =	vld [tilespmem:$0x1FDC0]  }
0x2f4: {  	v32 =	vld [tilespmem:$0x1FDD0];
	[tilespmem:v29+s24+$0x0] =	vst.idx.msk $0xffff, v4  }
0x2f5: {  	[tilespmem:v30+s24+$0x0] =	vst.idx.msk $0xffff, v5  }
0x2f6: {  	v4 =	vld [tilespmem:$0x75A0]  }
0x2f7: {  	v5 =	vld [tilespmem:$0x75B0];
	_ =	sdelay $0x2  }
0x2f8: {  	v33 =	vld [tilespmem:$0x1FDE0]  }
0x2f9: {  	v34 =	vld [tilespmem:$0x1FDF0];
	[tilespmem:v31+s24+$0x0] =	vst.idx.msk $0xffff, v4  }
0x2fa: {  	[tilespmem:v32+s24+$0x0] =	vst.idx.msk $0xffff, v5  }
0x2fb: {  	v4 =	vld [tilespmem:$0x75C0]  }
0x2fc: {  	v5 =	vld [tilespmem:$0x75D0];
	_ =	sdelay $0x2  }
0x2fd: {  	v35 =	vld [tilespmem:$0x1FE00]  }
0x2fe: {  	v36 =	vld [tilespmem:$0x1FE10];
	[tilespmem:v33+s24+$0x0] =	vst.idx.msk $0xffff, v4  }
0x2ff: {  	[tilespmem:v34+s24+$0x0] =	vst.idx.msk $0xffff, v5  }
0x300: {  	v4 =	vld [tilespmem:$0x75E0]  }
0x301: {  	v5 =	vld [tilespmem:$0x75F0];
	_ =	sdelay $0x2  }
0x302: {  	v37 =	vld [tilespmem:$0x1FE20]  }
0x303: {  	v38 =	vld [tilespmem:$0x1FE30];
	[tilespmem:v35+s24+$0x0] =	vst.idx.msk $0xffff, v4  }
0x304: {  	[tilespmem:v36+s24+$0x0] =	vst.idx.msk $0xffff, v5  }
0x305: {  	v4 =	vld [tilespmem:$0x7600]  }
0x306: {  	v5 =	vld [tilespmem:$0x7610];
	_ =	sdelay $0x2  }
0x307: {  	v39 =	vld [tilespmem:$0x1FE40]  }
0x308: {  	v40 =	vld [tilespmem:$0x1FE50];
	[tilespmem:v37+s24+$0x0] =	vst.idx.msk $0xffff, v4  }
0x309: {  	[tilespmem:v38+s24+$0x0] =	vst.idx.msk $0xffff, v5  }
0x30a: {  	v4 =	vld [tilespmem:$0x7620]  }
0x30b: {  	v5 =	vld [tilespmem:$0x7630];
	_ =	sdelay $0x2  }
0x30c: {  	v41 =	vld [tilespmem:$0x1FE60]  }
0x30d: {  	v42 =	vld [tilespmem:$0x1FE70];
	[tilespmem:v39+s24+$0x0] =	vst.idx.msk $0xffff, v4  }
0x30e: {  	[tilespmem:v40+s24+$0x0] =	vst.idx.msk $0xffff, v5  }
0x30f: {  	v4 =	vld [tilespmem:$0x7640]  }
0x310: {  	v5 =	vld [tilespmem:$0x7650];
	_ =	sdelay $0x2  }
0x311: {  	v43 =	vld [tilespmem:$0x1FE80]  }
0x312: {  	v44 =	vld [tilespmem:$0x1FE90];
	[tilespmem:v41+s24+$0x0] =	vst.idx.msk $0xffff, v4  }
0x313: {  	[tilespmem:v42+s24+$0x0] =	vst.idx.msk $0xffff, v5  }
0x314: {  	v4 =	vld [tilespmem:$0x7660]  }
0x315: {  	v5 =	vld [tilespmem:$0x7670];
	_ =	sdelay $0x2  }
0x316: {  	v45 =	vld [tilespmem:$0x1FEA0]  }
0x317: {  	v46 =	vld [tilespmem:$0x1FEB0];
	[tilespmem:v43+s24+$0x0] =	vst.idx.msk $0xffff, v4  }
0x318: {  	[tilespmem:v44+s24+$0x0] =	vst.idx.msk $0xffff, v5  }
0x319: {  	v4 =	vld [tilespmem:$0x7680]  }
0x31a: {  	v5 =	vld [tilespmem:$0x7690];
	_ =	sdelay $0x2  }
0x31b: {  	v47 =	vld [tilespmem:$0x1FEC0]  }
0x31c: {  	v48 =	vld [tilespmem:$0x1FED0];
	[tilespmem:v45+s24+$0x0] =	vst.idx.msk $0xffff, v4  }
0x31d: {  	[tilespmem:v46+s24+$0x0] =	vst.idx.msk $0xffff, v5  }
0x31e: {  	v4 =	vld [tilespmem:$0x76A0]  }
0x31f: {  	v5 =	vld [tilespmem:$0x76B0];
	_ =	sdelay $0x2  }
0x320: {  	v49 =	vld [tilespmem:$0x1FEE0]  }
0x321: {  	v50 =	vld [tilespmem:$0x1FEF0];
	[tilespmem:v47+s24+$0x0] =	vst.idx.msk $0xffff, v4  }
0x322: {  	[tilespmem:v48+s24+$0x0] =	vst.idx.msk $0xffff, v5  }
0x323: {  	v4 =	vld [tilespmem:$0x76C0]  }
0x324: {  	v5 =	vld [tilespmem:$0x76D0];
	_ =	sdelay $0x2  }
0x325: {  	v51 =	vld [tilespmem:$0x1FF00]  }
0x326: {  	v52 =	vld [tilespmem:$0x1FF10];
	[tilespmem:v49+s24+$0x0] =	vst.idx.msk $0xffff, v4  }
0x327: {  	[tilespmem:v50+s24+$0x0] =	vst.idx.msk $0xffff, v5  }
0x328: {  	v4 =	vld [tilespmem:$0x76E0]  }
0x329: {  	v5 =	vld [tilespmem:$0x76F0];
	_ =	sdelay $0x2  }
0x32a: {  	v53 =	vld [tilespmem:$0x1FF20]  }
0x32b: {  	v54 =	vld [tilespmem:$0x1FF30];
	[tilespmem:v51+s24+$0x0] =	vst.idx.msk $0xffff, v4  }
0x32c: {  	[tilespmem:v52+s24+$0x0] =	vst.idx.msk $0xffff, v5  }
0x32d: {  	v4 =	vld [tilespmem:$0x7700]  }
0x32e: {  	v5 =	vld [tilespmem:$0x7710];
	_ =	sdelay $0x2  }
0x32f: {  	v55 =	vld [tilespmem:$0x1FF40]  }
0x330: {  	v56 =	vld [tilespmem:$0x1FF50];
	[tilespmem:v53+s24+$0x0] =	vst.idx.msk $0xffff, v4  }
0x331: {  	[tilespmem:v54+s24+$0x0] =	vst.idx.msk $0xffff, v5  }
0x332: {  	v4 =	vld [tilespmem:$0x7720]  }
0x333: {  	v5 =	vld [tilespmem:$0x7730];
	_ =	sdelay $0x2  }
0x334: {  	v57 =	vld [tilespmem:$0x1FF60]  }
0x335: {  	v58 =	vld [tilespmem:$0x1FF70];
	[tilespmem:v55+s24+$0x0] =	vst.idx.msk $0xffff, v4  }
0x336: {  	[tilespmem:v56+s24+$0x0] =	vst.idx.msk $0xffff, v5  }
0x337: {  	v4 =	vld [tilespmem:$0x7740]  }
0x338: {  	v5 =	vld [tilespmem:$0x7750];
	_ =	sdelay $0x2  }
0x339: {  	v59 =	vld [tilespmem:$0x1FF80]  }
0x33a: {  	v60 =	vld [tilespmem:$0x1FF90];
	[tilespmem:v57+s24+$0x0] =	vst.idx.msk $0xffff, v4  }
0x33b: {  	[tilespmem:v58+s24+$0x0] =	vst.idx.msk $0xffff, v5  }
0x33c: {  	v4 =	vld [tilespmem:$0x7760]  }
0x33d: {  	v5 =	vld [tilespmem:$0x7770];
	_ =	sdelay $0x2  }
0x33e: {  	v61 =	vld [tilespmem:$0x1FFA0]  }
0x33f: {  	v62 =	vld [tilespmem:$0x1FFB0];
	[tilespmem:v59+s24+$0x0] =	vst.idx.msk $0xffff, v4  }
0x340: {  	[tilespmem:v60+s24+$0x0] =	vst.idx.msk $0xffff, v5  }
0x341: {  	v4 =	vld [tilespmem:$0x7780]  }
0x342: {  	v5 =	vld [tilespmem:$0x7790];
	_ =	sdelay $0x2  }
0x343: {  	v63 =	vld [tilespmem:$0x1FFC0]  }
0x344: {  	v2 =	vld [tilespmem:$0x1FFD0];
	[tilespmem:v61+s24+$0x0] =	vst.idx.msk $0xffff, v4  }
0x345: {  	[tilespmem:v62+s24+$0x0] =	vst.idx.msk $0xffff, v5  }
0x346: {  	v4 =	vld [tilespmem:$0x77A0]  }
0x347: {  	v5 =	vld [tilespmem:$0x77B0];
	_ =	sdelay $0x2  }
0x348: {  	v1 =	vld [tilespmem:$0x1FFE0]  }
0x349: {  	v3 =	vld [tilespmem:$0x1FFF0];
	[tilespmem:v63+s24+$0x0] =	vst.idx.msk $0xffff, v4  }
0x34a: {  	[tilespmem:v2+s24+$0x0] =	vst.idx.msk $0xffff, v5  }
0x34b: {  	v4 =	vld [tilespmem:$0x77C0]  }
0x34c: {  	v5 =	vld [tilespmem:$0x77D0];
	_ =	sdelay $0x2  }
0x34d: {  	v6 =	vld [tilespmem:$0x1FC10]  }
0x34e: {  	[tilespmem:v1+s24+$0x0] =	vst.idx.msk $0xffff, v4  }
0x34f: {  	[tilespmem:v3+s24+$0x0] =	vst.idx.msk $0xffff, v5  }
0x350: {  	v4 =	vld [tilespmem:$0x77E0];
	_ =	sdelay $0x3  }
0x351: {  	v5 =	vld [tilespmem:$0x77F0]  }
0x352: {  	[tilespmem:v6+s24+$0x0] =	vst.idx.msk $0xffff, v4;
	v4 =	vld [tilespmem:$0x1FC20];
	_ =	sdelay $0x5  }
0x353: {  	v6 =	vld [tilespmem:$0x1F010];
	_ =	sdelay $0x1  }
0x354: {  	[tilespmem:v4+s24+$0x0] =	vst.idx.msk $0xffff, v5  }
0x355: {  	v4 =	vld [tilespmem:$0x7800];
	_ =	sdelay $0x3  }
0x356: {  	v5 =	vld [tilespmem:$0x7810]  }
0x357: {  	[tilespmem:v6+s24+$0x0] =	vst.idx.msk $0xffff, v4;
	v4 =	vld [tilespmem:$0x1F020];
	_ =	sdelay $0x5  }
0x358: {  	v6 =	vld [tilespmem:$0x1F030];
	_ =	sdelay $0x1  }
0x359: {  	[tilespmem:v4+s24+$0x0] =	vst.idx.msk $0xffff, v5  }
0x35a: {  	v4 =	vld [tilespmem:$0x7820];
	_ =	sdelay $0x3  }
0x35b: {  	v5 =	vld [tilespmem:$0x7830]  }
0x35c: {  	[tilespmem:v6+s24+$0x0] =	vst.idx.msk $0xffff, v4;
	v4 =	vld [tilespmem:$0x1F040];
	_ =	sdelay $0x5  }
0x35d: {  	v6 =	vld [tilespmem:$0x1F050];
	_ =	sdelay $0x1  }
0x35e: {  	[tilespmem:v4+s24+$0x0] =	vst.idx.msk $0xffff, v5  }
0x35f: {  	v4 =	vld [tilespmem:$0x7840];
	_ =	sdelay $0x3  }
0x360: {  	v5 =	vld [tilespmem:$0x7850]  }
0x361: {  	[tilespmem:v6+s24+$0x0] =	vst.idx.msk $0xffff, v4;
	v4 =	vld [tilespmem:$0x1F060];
	_ =	sdelay $0x5  }
0x362: {  	v6 =	vld [tilespmem:$0x1F070];
	_ =	sdelay $0x1  }
0x363: {  	[tilespmem:v4+s24+$0x0] =	vst.idx.msk $0xffff, v5  }
0x364: {  	v4 =	vld [tilespmem:$0x7860];
	_ =	sdelay $0x3  }
0x365: {  	v5 =	vld [tilespmem:$0x7870]  }
0x366: {  	[tilespmem:v6+s24+$0x0] =	vst.idx.msk $0xffff, v4;
	v4 =	vld [tilespmem:$0x1F080];
	_ =	sdelay $0x5  }
0x367: {  	v6 =	vld [tilespmem:$0x1F090];
	_ =	sdelay $0x1  }
0x368: {  	[tilespmem:v4+s24+$0x0] =	vst.idx.msk $0xffff, v5  }
0x369: {  	v4 =	vld [tilespmem:$0x7880];
	_ =	sdelay $0x3  }
0x36a: {  	v5 =	vld [tilespmem:$0x7890]  }
0x36b: {  	[tilespmem:v6+s24+$0x0] =	vst.idx.msk $0xffff, v4;
	v4 =	vld [tilespmem:$0x1F0A0];
	_ =	sdelay $0x5  }
0x36c: {  	v6 =	vld [tilespmem:$0x1F0B0];
	_ =	sdelay $0x1  }
0x36d: {  	[tilespmem:v4+s24+$0x0] =	vst.idx.msk $0xffff, v5  }
0x36e: {  	v4 =	vld [tilespmem:$0x78A0];
	_ =	sdelay $0x3  }
0x36f: {  	v5 =	vld [tilespmem:$0x78B0]  }
0x370: {  	[tilespmem:v6+s24+$0x0] =	vst.idx.msk $0xffff, v4;
	v4 =	vld [tilespmem:$0x1F0C0];
	_ =	sdelay $0x5  }
0x371: {  	v6 =	vld [tilespmem:$0x1F0D0];
	_ =	sdelay $0x1  }
0x372: {  	[tilespmem:v4+s24+$0x0] =	vst.idx.msk $0xffff, v5  }
0x373: {  	v4 =	vld [tilespmem:$0x78C0];
	_ =	sdelay $0x3  }
0x374: {  	v5 =	vld [tilespmem:$0x78D0]  }
0x375: {  	[tilespmem:v6+s24+$0x0] =	vst.idx.msk $0xffff, v4;
	v4 =	vld [tilespmem:$0x1F0E0];
	_ =	sdelay $0x5  }
0x376: {  	v6 =	vld [tilespmem:$0x1F0F0];
	_ =	sdelay $0x1  }
0x377: {  	[tilespmem:v4+s24+$0x0] =	vst.idx.msk $0xffff, v5  }
0x378: {  	v4 =	vld [tilespmem:$0x78E0];
	_ =	sdelay $0x3  }
0x379: {  	v5 =	vld [tilespmem:$0x78F0]  }
0x37a: {  	[tilespmem:v6+s24+$0x0] =	vst.idx.msk $0xffff, v4;
	v4 =	vld [tilespmem:$0x1F100];
	_ =	sdelay $0x5  }
0x37b: {  	v6 =	vld [tilespmem:$0x1F110];
	_ =	sdelay $0x1  }
0x37c: {  	[tilespmem:v4+s24+$0x0] =	vst.idx.msk $0xffff, v5  }
0x37d: {  	v4 =	vld [tilespmem:$0x7900];
	_ =	sdelay $0x3  }
0x37e: {  	v5 =	vld [tilespmem:$0x7910]  }
0x37f: {  	[tilespmem:v6+s24+$0x0] =	vst.idx.msk $0xffff, v4;
	v4 =	vld [tilespmem:$0x1F120];
	_ =	sdelay $0x5  }
0x380: {  	v6 =	vld [tilespmem:$0x1F130];
	_ =	sdelay $0x1  }
0x381: {  	[tilespmem:v4+s24+$0x0] =	vst.idx.msk $0xffff, v5  }
0x382: {  	v4 =	vld [tilespmem:$0x7920];
	_ =	sdelay $0x3  }
0x383: {  	v5 =	vld [tilespmem:$0x7930]  }
0x384: {  	[tilespmem:v6+s24+$0x0] =	vst.idx.msk $0xffff, v4;
	v4 =	vld [tilespmem:$0x1F140];
	_ =	sdelay $0x5  }
0x385: {  	v6 =	vld [tilespmem:$0x1F150];
	_ =	sdelay $0x1  }
0x386: {  	[tilespmem:v4+s24+$0x0] =	vst.idx.msk $0xffff, v5  }
0x387: {  	v4 =	vld [tilespmem:$0x7940];
	_ =	sdelay $0x3  }
0x388: {  	v5 =	vld [tilespmem:$0x7950]  }
0x389: {  	[tilespmem:v6+s24+$0x0] =	vst.idx.msk $0xffff, v4;
	v4 =	vld [tilespmem:$0x1F160];
	_ =	sdelay $0x5  }
0x38a: {  	v6 =	vld [tilespmem:$0x1F170];
	_ =	sdelay $0x1  }
0x38b: {  	[tilespmem:v4+s24+$0x0] =	vst.idx.msk $0xffff, v5  }
0x38c: {  	v4 =	vld [tilespmem:$0x7960];
	_ =	sdelay $0x3  }
0x38d: {  	v5 =	vld [tilespmem:$0x7970]  }
0x38e: {  	[tilespmem:v6+s24+$0x0] =	vst.idx.msk $0xffff, v4;
	v4 =	vld [tilespmem:$0x1F180];
	_ =	sdelay $0x5  }
0x38f: {  	v6 =	vld [tilespmem:$0x1F190];
	_ =	sdelay $0x1  }
0x390: {  	[tilespmem:v4+s24+$0x0] =	vst.idx.msk $0xffff, v5  }
0x391: {  	v4 =	vld [tilespmem:$0x7980];
	_ =	sdelay $0x3  }
0x392: {  	v5 =	vld [tilespmem:$0x7990]  }
0x393: {  	[tilespmem:v6+s24+$0x0] =	vst.idx.msk $0xffff, v4;
	v4 =	vld [tilespmem:$0x1F1A0];
	_ =	sdelay $0x5  }
0x394: {  	v6 =	vld [tilespmem:$0x1F1B0];
	_ =	sdelay $0x1  }
0x395: {  	[tilespmem:v4+s24+$0x0] =	vst.idx.msk $0xffff, v5  }
0x396: {  	v4 =	vld [tilespmem:$0x79A0];
	_ =	sdelay $0x3  }
0x397: {  	v5 =	vld [tilespmem:$0x79B0]  }
0x398: {  	[tilespmem:v6+s24+$0x0] =	vst.idx.msk $0xffff, v4;
	v4 =	vld [tilespmem:$0x1F1C0];
	_ =	sdelay $0x5  }
0x399: {  	v6 =	vld [tilespmem:$0x1F1D0];
	_ =	sdelay $0x1  }
0x39a: {  	[tilespmem:v4+s24+$0x0] =	vst.idx.msk $0xffff, v5  }
0x39b: {  	v4 =	vld [tilespmem:$0x79C0];
	_ =	sdelay $0x3  }
0x39c: {  	v5 =	vld [tilespmem:$0x79D0]  }
0x39d: {  	[tilespmem:v6+s24+$0x0] =	vst.idx.msk $0xffff, v4;
	v4 =	vld [tilespmem:$0x1F1E0];
	_ =	sdelay $0x5  }
0x39e: {  	v6 =	vld [tilespmem:$0x1F1F0];
	_ =	sdelay $0x1  }
0x39f: {  	[tilespmem:v4+s24+$0x0] =	vst.idx.msk $0xffff, v5  }
0x3a0: {  	v4 =	vld [tilespmem:$0x79E0];
	_ =	sdelay $0x3  }
0x3a1: {  	v5 =	vld [tilespmem:$0x79F0]  }
0x3a2: {  	[tilespmem:v6+s24+$0x0] =	vst.idx.msk $0xffff, v4;
	v4 =	vld [tilespmem:$0x1F200];
	_ =	sdelay $0x5  }
0x3a3: {  	v6 =	vld [tilespmem:$0x1F210];
	_ =	sdelay $0x1  }
0x3a4: {  	[tilespmem:v4+s24+$0x0] =	vst.idx.msk $0xffff, v5  }
0x3a5: {  	v4 =	vld [tilespmem:$0x7A00];
	_ =	sdelay $0x3  }
0x3a6: {  	v5 =	vld [tilespmem:$0x7A10]  }
0x3a7: {  	[tilespmem:v6+s24+$0x0] =	vst.idx.msk $0xffff, v4;
	v4 =	vld [tilespmem:$0x1F220];
	_ =	sdelay $0x5  }
0x3a8: {  	v6 =	vld [tilespmem:$0x1F230];
	_ =	sdelay $0x1  }
0x3a9: {  	[tilespmem:v4+s24+$0x0] =	vst.idx.msk $0xffff, v5  }
0x3aa: {  	v4 =	vld [tilespmem:$0x7A20];
	_ =	sdelay $0x3  }
0x3ab: {  	v5 =	vld [tilespmem:$0x7A30]  }
0x3ac: {  	[tilespmem:v6+s24+$0x0] =	vst.idx.msk $0xffff, v4;
	v4 =	vld [tilespmem:$0x1F240];
	_ =	sdelay $0x7  }
0x3ad: {  	[tilespmem:v4+s24+$0x0] =	vst.idx.msk $0xffff, v5  }
0x3ae: {  	v4 =	vld [tilespmem:$0x7A40]  }
0x3af: {  	v5 =	vld [tilespmem:$0x7A50]  }
0x3b0: {  	v6 =	vld [tilespmem:$0x1F250];
	_ =	sdelay $0x7  }
0x3b1: {  	[tilespmem:v6+s24+$0x0] =	vst.idx.msk $0xffff, v4;
	v4 =	vld [tilespmem:$0x1F260];
	_ =	sdelay $0x5  }
0x3b2: {  	v6 =	vld [tilespmem:$0x1F270];
	_ =	sdelay $0x1  }
0x3b3: {  	[tilespmem:v4+s24+$0x0] =	vst.idx.msk $0xffff, v5  }
0x3b4: {  	v4 =	vld [tilespmem:$0x7A60];
	_ =	sdelay $0x3  }
0x3b5: {  	v5 =	vld [tilespmem:$0x7A70]  }
0x3b6: {  	[tilespmem:v6+s24+$0x0] =	vst.idx.msk $0xffff, v4;
	v4 =	vld [tilespmem:$0x1F280];
	_ =	sdelay $0x5  }
0x3b7: {  	v6 =	vld [tilespmem:$0x1F290];
	_ =	sdelay $0x1  }
0x3b8: {  	[tilespmem:v4+s24+$0x0] =	vst.idx.msk $0xffff, v5  }
0x3b9: {  	v4 =	vld [tilespmem:$0x7A80];
	_ =	sdelay $0x3  }
0x3ba: {  	v5 =	vld [tilespmem:$0x7A90]  }
0x3bb: {  	[tilespmem:v6+s24+$0x0] =	vst.idx.msk $0xffff, v4;
	v4 =	vld [tilespmem:$0x1F2A0];
	_ =	sdelay $0x5  }
0x3bc: {  	v6 =	vld [tilespmem:$0x1F2B0];
	_ =	sdelay $0x1  }
0x3bd: {  	[tilespmem:v4+s24+$0x0] =	vst.idx.msk $0xffff, v5  }
0x3be: {  	v4 =	vld [tilespmem:$0x7AA0];
	_ =	sdelay $0x3  }
0x3bf: {  	v5 =	vld [tilespmem:$0x7AB0]  }
0x3c0: {  	[tilespmem:v6+s24+$0x0] =	vst.idx.msk $0xffff, v4;
	v4 =	vld [tilespmem:$0x1F2C0];
	_ =	sdelay $0x5  }
0x3c1: {  	v6 =	vld [tilespmem:$0x1F2D0];
	_ =	sdelay $0x1  }
0x3c2: {  	[tilespmem:v4+s24+$0x0] =	vst.idx.msk $0xffff, v5  }
0x3c3: {  	v4 =	vld [tilespmem:$0x7AC0];
	_ =	sdelay $0x3  }
0x3c4: {  	v5 =	vld [tilespmem:$0x7AD0]  }
0x3c5: {  	[tilespmem:v6+s24+$0x0] =	vst.idx.msk $0xffff, v4;
	v4 =	vld [tilespmem:$0x1F2E0];
	_ =	sdelay $0x5  }
0x3c6: {  	v6 =	vld [tilespmem:$0x1F2F0];
	_ =	sdelay $0x1  }
0x3c7: {  	[tilespmem:v4+s24+$0x0] =	vst.idx.msk $0xffff, v5  }
0x3c8: {  	v4 =	vld [tilespmem:$0x7AE0];
	_ =	sdelay $0x3  }
0x3c9: {  	v5 =	vld [tilespmem:$0x7AF0]  }
0x3ca: {  	[tilespmem:v6+s24+$0x0] =	vst.idx.msk $0xffff, v4;
	v4 =	vld [tilespmem:$0x1F300];
	_ =	sdelay $0x5  }
0x3cb: {  	v6 =	vld [tilespmem:$0x1F310];
	_ =	sdelay $0x1  }
0x3cc: {  	[tilespmem:v4+s24+$0x0] =	vst.idx.msk $0xffff, v5  }
0x3cd: {  	v4 =	vld [tilespmem:$0x7B00];
	_ =	sdelay $0x3  }
0x3ce: {  	v5 =	vld [tilespmem:$0x7B10]  }
0x3cf: {  	[tilespmem:v6+s24+$0x0] =	vst.idx.msk $0xffff, v4;
	v4 =	vld [tilespmem:$0x1F320];
	_ =	sdelay $0x5  }
0x3d0: {  	v6 =	vld [tilespmem:$0x1F330];
	_ =	sdelay $0x1  }
0x3d1: {  	[tilespmem:v4+s24+$0x0] =	vst.idx.msk $0xffff, v5  }
0x3d2: {  	v4 =	vld [tilespmem:$0x7B20];
	_ =	sdelay $0x3  }
0x3d3: {  	v5 =	vld [tilespmem:$0x7B30]  }
0x3d4: {  	[tilespmem:v6+s24+$0x0] =	vst.idx.msk $0xffff, v4;
	v4 =	vld [tilespmem:$0x1F340];
	_ =	sdelay $0x5  }
0x3d5: {  	v6 =	vld [tilespmem:$0x1F350];
	_ =	sdelay $0x1  }
0x3d6: {  	[tilespmem:v4+s24+$0x0] =	vst.idx.msk $0xffff, v5  }
0x3d7: {  	v4 =	vld [tilespmem:$0x7B40];
	_ =	sdelay $0x3  }
0x3d8: {  	v5 =	vld [tilespmem:$0x7B50]  }
0x3d9: {  	[tilespmem:v6+s24+$0x0] =	vst.idx.msk $0xffff, v4;
	v4 =	vld [tilespmem:$0x1F360];
	_ =	sdelay $0x5  }
0x3da: {  	v6 =	vld [tilespmem:$0x1F370];
	_ =	sdelay $0x1  }
0x3db: {  	[tilespmem:v4+s24+$0x0] =	vst.idx.msk $0xffff, v5  }
0x3dc: {  	v4 =	vld [tilespmem:$0x7B60];
	_ =	sdelay $0x3  }
0x3dd: {  	v5 =	vld [tilespmem:$0x7B70]  }
0x3de: {  	[tilespmem:v6+s24+$0x0] =	vst.idx.msk $0xffff, v4;
	v4 =	vld [tilespmem:$0x1F380];
	_ =	sdelay $0x5  }
0x3df: {  	v6 =	vld [tilespmem:$0x1F390];
	_ =	sdelay $0x1  }
0x3e0: {  	[tilespmem:v4+s24+$0x0] =	vst.idx.msk $0xffff, v5  }
0x3e1: {  	v4 =	vld [tilespmem:$0x7B80];
	_ =	sdelay $0x3  }
0x3e2: {  	v5 =	vld [tilespmem:$0x7B90]  }
0x3e3: {  	[tilespmem:v6+s24+$0x0] =	vst.idx.msk $0xffff, v4;
	v4 =	vld [tilespmem:$0x1F3A0];
	_ =	sdelay $0x5  }
0x3e4: {  	v6 =	vld [tilespmem:$0x1F3B0];
	_ =	sdelay $0x1  }
0x3e5: {  	[tilespmem:v4+s24+$0x0] =	vst.idx.msk $0xffff, v5  }
0x3e6: {  	v4 =	vld [tilespmem:$0x7BA0];
	_ =	sdelay $0x3  }
0x3e7: {  	v5 =	vld [tilespmem:$0x7BB0]  }
0x3e8: {  	[tilespmem:v6+s24+$0x0] =	vst.idx.msk $0xffff, v4;
	v4 =	vld [tilespmem:$0x1F3C0];
	_ =	sdelay $0x5  }
0x3e9: {  	v6 =	vld [tilespmem:$0x1F3D0];
	_ =	sdelay $0x1  }
0x3ea: {  	[tilespmem:v4+s24+$0x0] =	vst.idx.msk $0xffff, v5  }
0x3eb: {  	v4 =	vld [tilespmem:$0x7BC0];
	_ =	sdelay $0x3  }
0x3ec: {  	v5 =	vld [tilespmem:$0x7BD0]  }
0x3ed: {  	[tilespmem:v6+s24+$0x0] =	vst.idx.msk $0xffff, v4;
	v4 =	vld [tilespmem:$0x1F3E0];
	_ =	sdelay $0x5  }
0x3ee: {  	v6 =	vld [tilespmem:$0x1F3F0];
	_ =	sdelay $0x1  }
0x3ef: {  	[tilespmem:v4+s24+$0x0] =	vst.idx.msk $0xffff, v5  }
0x3f0: {  	v4 =	vld [tilespmem:$0x7BE0];
	_ =	sdelay $0x3  }
0x3f1: {  	v5 =	vld [tilespmem:$0x7BF0]  }
0x3f2: {  	[tilespmem:v6+s24+$0x0] =	vst.idx.msk $0xffff, v4;
	v4 =	vld [tilespmem:$0x1F400];
	_ =	sdelay $0x5  }
0x3f3: {  	v6 =	vld [tilespmem:$0x1F410];
	_ =	sdelay $0x1  }
0x3f4: {  	[tilespmem:v4+s24+$0x0] =	vst.idx.msk $0xffff, v5  }
0x3f5: {  	v4 =	vld [tilespmem:$0x7C00];
	_ =	sdelay $0x3  }
0x3f6: {  	v5 =	vld [tilespmem:$0x7C10]  }
0x3f7: {  	[tilespmem:v6+s24+$0x0] =	vst.idx.msk $0xffff, v4;
	v4 =	vld [tilespmem:$0x1F420];
	_ =	sdelay $0x5  }
0x3f8: {  	v6 =	vld [tilespmem:$0x1F430];
	_ =	sdelay $0x1  }
0x3f9: {  	[tilespmem:v4+s24+$0x0] =	vst.idx.msk $0xffff, v5  }
0x3fa: {  	v4 =	vld [tilespmem:$0x7C20];
	_ =	sdelay $0x3  }
0x3fb: {  	v5 =	vld [tilespmem:$0x7C30]  }
0x3fc: {  	[tilespmem:v6+s24+$0x0] =	vst.idx.msk $0xffff, v4;
	v4 =	vld [tilespmem:$0x1F440];
	_ =	sdelay $0x5  }
0x3fd: {  	v6 =	vld [tilespmem:$0x1F450];
	_ =	sdelay $0x1  }
0x3fe: {  	[tilespmem:v4+s24+$0x0] =	vst.idx.msk $0xffff, v5  }
0x3ff: {  	v4 =	vld [tilespmem:$0x7C40];
	_ =	sdelay $0x3  }
0x400: {  	v5 =	vld [tilespmem:$0x7C50]  }
0x401: {  	[tilespmem:v6+s24+$0x0] =	vst.idx.msk $0xffff, v4;
	v4 =	vld [tilespmem:$0x1F460];
	_ =	sdelay $0x5  }
0x402: {  	v6 =	vld [tilespmem:$0x1F470];
	_ =	sdelay $0x1  }
0x403: {  	[tilespmem:v4+s24+$0x0] =	vst.idx.msk $0xffff, v5  }
0x404: {  	v4 =	vld [tilespmem:$0x7C60];
	_ =	sdelay $0x3  }
0x405: {  	v5 =	vld [tilespmem:$0x7C70]  }
0x406: {  	[tilespmem:v6+s24+$0x0] =	vst.idx.msk $0xffff, v4;
	v4 =	vld [tilespmem:$0x1F480];
	_ =	sdelay $0x5  }
0x407: {  	v6 =	vld [tilespmem:$0x1F490];
	_ =	sdelay $0x1  }
0x408: {  	[tilespmem:v4+s24+$0x0] =	vst.idx.msk $0xffff, v5  }
0x409: {  	v4 =	vld [tilespmem:$0x7C80];
	_ =	sdelay $0x3  }
0x40a: {  	v5 =	vld [tilespmem:$0x7C90]  }
0x40b: {  	[tilespmem:v6+s24+$0x0] =	vst.idx.msk $0xffff, v4;
	v4 =	vld [tilespmem:$0x1F4A0];
	_ =	sdelay $0x5  }
0x40c: {  	v6 =	vld [tilespmem:$0x1F4B0];
	_ =	sdelay $0x1  }
0x40d: {  	[tilespmem:v4+s24+$0x0] =	vst.idx.msk $0xffff, v5  }
0x40e: {  	v4 =	vld [tilespmem:$0x7CA0];
	_ =	sdelay $0x3  }
0x40f: {  	v5 =	vld [tilespmem:$0x7CB0]  }
0x410: {  	[tilespmem:v6+s24+$0x0] =	vst.idx.msk $0xffff, v4;
	v4 =	vld [tilespmem:$0x1F4C0];
	_ =	sdelay $0x5  }
0x411: {  	v6 =	vld [tilespmem:$0x1F4D0];
	_ =	sdelay $0x1  }
0x412: {  	[tilespmem:v4+s24+$0x0] =	vst.idx.msk $0xffff, v5  }
0x413: {  	v4 =	vld [tilespmem:$0x7CC0];
	_ =	sdelay $0x3  }
0x414: {  	v5 =	vld [tilespmem:$0x7CD0]  }
0x415: {  	[tilespmem:v6+s24+$0x0] =	vst.idx.msk $0xffff, v4;
	v4 =	vld [tilespmem:$0x1F4E0];
	_ =	sdelay $0x5  }
0x416: {  	v6 =	vld [tilespmem:$0x1F4F0];
	_ =	sdelay $0x1  }
0x417: {  	[tilespmem:v4+s24+$0x0] =	vst.idx.msk $0xffff, v5  }
0x418: {  	v4 =	vld [tilespmem:$0x7CE0];
	_ =	sdelay $0x3  }
0x419: {  	v5 =	vld [tilespmem:$0x7CF0]  }
0x41a: {  	[tilespmem:v6+s24+$0x0] =	vst.idx.msk $0xffff, v4;
	v4 =	vld [tilespmem:$0x1F500];
	_ =	sdelay $0x5  }
0x41b: {  	v6 =	vld [tilespmem:$0x1F510];
	_ =	sdelay $0x1  }
0x41c: {  	[tilespmem:v4+s24+$0x0] =	vst.idx.msk $0xffff, v5  }
0x41d: {  	v4 =	vld [tilespmem:$0x7D00];
	_ =	sdelay $0x3  }
0x41e: {  	v5 =	vld [tilespmem:$0x7D10]  }
0x41f: {  	[tilespmem:v6+s24+$0x0] =	vst.idx.msk $0xffff, v4;
	v4 =	vld [tilespmem:$0x1F520];
	_ =	sdelay $0x5  }
0x420: {  	v6 =	vld [tilespmem:$0x1F530];
	_ =	sdelay $0x1  }
0x421: {  	[tilespmem:v4+s24+$0x0] =	vst.idx.msk $0xffff, v5  }
0x422: {  	v4 =	vld [tilespmem:$0x7D20];
	_ =	sdelay $0x3  }
0x423: {  	v5 =	vld [tilespmem:$0x7D30]  }
0x424: {  	[tilespmem:v6+s24+$0x0] =	vst.idx.msk $0xffff, v4;
	v4 =	vld [tilespmem:$0x1F540];
	_ =	sdelay $0x5  }
0x425: {  	v6 =	vld [tilespmem:$0x1F550];
	_ =	sdelay $0x1  }
0x426: {  	[tilespmem:v4+s24+$0x0] =	vst.idx.msk $0xffff, v5  }
0x427: {  	v4 =	vld [tilespmem:$0x7D40];
	_ =	sdelay $0x3  }
0x428: {  	v5 =	vld [tilespmem:$0x7D50]  }
0x429: {  	[tilespmem:v6+s24+$0x0] =	vst.idx.msk $0xffff, v4;
	v4 =	vld [tilespmem:$0x1F560];
	_ =	sdelay $0x5  }
0x42a: {  	v6 =	vld [tilespmem:$0x1F570];
	_ =	sdelay $0x1  }
0x42b: {  	[tilespmem:v4+s24+$0x0] =	vst.idx.msk $0xffff, v5  }
0x42c: {  	v4 =	vld [tilespmem:$0x7D60];
	_ =	sdelay $0x3  }
0x42d: {  	v5 =	vld [tilespmem:$0x7D70]  }
0x42e: {  	[tilespmem:v6+s24+$0x0] =	vst.idx.msk $0xffff, v4;
	v4 =	vld [tilespmem:$0x1F580];
	_ =	sdelay $0x5  }
0x42f: {  	v6 =	vld [tilespmem:$0x1F590];
	_ =	sdelay $0x1  }
0x430: {  	[tilespmem:v4+s24+$0x0] =	vst.idx.msk $0xffff, v5  }
0x431: {  	v4 =	vld [tilespmem:$0x7D80];
	_ =	sdelay $0x3  }
0x432: {  	v5 =	vld [tilespmem:$0x7D90]  }
0x433: {  	[tilespmem:v6+s24+$0x0] =	vst.idx.msk $0xffff, v4;
	v4 =	vld [tilespmem:$0x1F5A0];
	_ =	sdelay $0x5  }
0x434: {  	v6 =	vld [tilespmem:$0x1F5B0];
	_ =	sdelay $0x1  }
0x435: {  	[tilespmem:v4+s24+$0x0] =	vst.idx.msk $0xffff, v5  }
0x436: {  	v4 =	vld [tilespmem:$0x7DA0];
	_ =	sdelay $0x3  }
0x437: {  	v5 =	vld [tilespmem:$0x7DB0]  }
0x438: {  	[tilespmem:v6+s24+$0x0] =	vst.idx.msk $0xffff, v4;
	v4 =	vld [tilespmem:$0x1F5C0];
	_ =	sdelay $0x5  }
0x439: {  	v6 =	vld [tilespmem:$0x1F5D0];
	_ =	sdelay $0x1  }
0x43a: {  	[tilespmem:v4+s24+$0x0] =	vst.idx.msk $0xffff, v5  }
0x43b: {  	v4 =	vld [tilespmem:$0x7DC0];
	_ =	sdelay $0x3  }
0x43c: {  	v5 =	vld [tilespmem:$0x7DD0]  }
0x43d: {  	[tilespmem:v6+s24+$0x0] =	vst.idx.msk $0xffff, v4;
	v4 =	vld [tilespmem:$0x1F5E0];
	_ =	sdelay $0x5  }
0x43e: {  	v6 =	vld [tilespmem:$0x1F5F0];
	_ =	sdelay $0x1  }
0x43f: {  	[tilespmem:v4+s24+$0x0] =	vst.idx.msk $0xffff, v5  }
0x440: {  	v4 =	vld [tilespmem:$0x7DE0];
	_ =	sdelay $0x3  }
0x441: {  	v5 =	vld [tilespmem:$0x7DF0]  }
0x442: {  	[tilespmem:v6+s24+$0x0] =	vst.idx.msk $0xffff, v4;
	v4 =	vld [tilespmem:$0x1F600];
	_ =	sdelay $0x5  }
0x443: {  	v6 =	vld [tilespmem:$0x1F610];
	_ =	sdelay $0x1  }
0x444: {  	[tilespmem:v4+s24+$0x0] =	vst.idx.msk $0xffff, v5  }
0x445: {  	v4 =	vld [tilespmem:$0x7E00];
	_ =	sdelay $0x3  }
0x446: {  	v5 =	vld [tilespmem:$0x7E10]  }
0x447: {  	[tilespmem:v6+s24+$0x0] =	vst.idx.msk $0xffff, v4;
	v4 =	vld [tilespmem:$0x1F620];
	_ =	sdelay $0x5  }
0x448: {  	v6 =	vld [tilespmem:$0x1F630];
	_ =	sdelay $0x1  }
0x449: {  	[tilespmem:v4+s24+$0x0] =	vst.idx.msk $0xffff, v5  }
0x44a: {  	v4 =	vld [tilespmem:$0x7E20];
	_ =	sdelay $0x3  }
0x44b: {  	v5 =	vld [tilespmem:$0x7E30]  }
0x44c: {  	[tilespmem:v6+s24+$0x0] =	vst.idx.msk $0xffff, v4;
	v4 =	vld [tilespmem:$0x1F640];
	_ =	sdelay $0x5  }
0x44d: {  	v6 =	vld [tilespmem:$0x1F650];
	_ =	sdelay $0x1  }
0x44e: {  	[tilespmem:v4+s24+$0x0] =	vst.idx.msk $0xffff, v5  }
0x44f: {  	v4 =	vld [tilespmem:$0x7E40];
	_ =	sdelay $0x3  }
0x450: {  	v5 =	vld [tilespmem:$0x7E50]  }
0x451: {  	[tilespmem:v6+s24+$0x0] =	vst.idx.msk $0xffff, v4;
	v4 =	vld [tilespmem:$0x1F660];
	_ =	sdelay $0x5  }
0x452: {  	v6 =	vld [tilespmem:$0x1F670];
	_ =	sdelay $0x1  }
0x453: {  	[tilespmem:v4+s24+$0x0] =	vst.idx.msk $0xffff, v5  }
0x454: {  	v4 =	vld [tilespmem:$0x7E60];
	_ =	sdelay $0x3  }
0x455: {  	v5 =	vld [tilespmem:$0x7E70]  }
0x456: {  	[tilespmem:v6+s24+$0x0] =	vst.idx.msk $0xffff, v4;
	v4 =	vld [tilespmem:$0x1F680];
	_ =	sdelay $0x5  }
0x457: {  	v6 =	vld [tilespmem:$0x1F690];
	_ =	sdelay $0x1  }
0x458: {  	[tilespmem:v4+s24+$0x0] =	vst.idx.msk $0xffff, v5  }
0x459: {  	v4 =	vld [tilespmem:$0x7E80];
	_ =	sdelay $0x3  }
0x45a: {  	v5 =	vld [tilespmem:$0x7E90]  }
0x45b: {  	[tilespmem:v6+s24+$0x0] =	vst.idx.msk $0xffff, v4;
	v4 =	vld [tilespmem:$0x1F6A0];
	_ =	sdelay $0x5  }
0x45c: {  	v6 =	vld [tilespmem:$0x1F6B0];
	_ =	sdelay $0x1  }
0x45d: {  	[tilespmem:v4+s24+$0x0] =	vst.idx.msk $0xffff, v5  }
0x45e: {  	v4 =	vld [tilespmem:$0x7EA0];
	_ =	sdelay $0x3  }
0x45f: {  	v5 =	vld [tilespmem:$0x7EB0]  }
0x460: {  	[tilespmem:v6+s24+$0x0] =	vst.idx.msk $0xffff, v4;
	v4 =	vld [tilespmem:$0x1F6C0];
	_ =	sdelay $0x5  }
0x461: {  	v6 =	vld [tilespmem:$0x1F6D0];
	_ =	sdelay $0x1  }
0x462: {  	[tilespmem:v4+s24+$0x0] =	vst.idx.msk $0xffff, v5  }
0x463: {  	v4 =	vld [tilespmem:$0x7EC0];
	_ =	sdelay $0x3  }
0x464: {  	v5 =	vld [tilespmem:$0x7ED0]  }
0x465: {  	[tilespmem:v6+s24+$0x0] =	vst.idx.msk $0xffff, v4;
	v4 =	vld [tilespmem:$0x1F6E0];
	_ =	sdelay $0x5  }
0x466: {  	v6 =	vld [tilespmem:$0x1F6F0];
	_ =	sdelay $0x1  }
0x467: {  	[tilespmem:v4+s24+$0x0] =	vst.idx.msk $0xffff, v5  }
0x468: {  	v4 =	vld [tilespmem:$0x7EE0];
	_ =	sdelay $0x3  }
0x469: {  	v5 =	vld [tilespmem:$0x7EF0]  }
0x46a: {  	[tilespmem:v6+s24+$0x0] =	vst.idx.msk $0xffff, v4;
	v4 =	vld [tilespmem:$0x1F700];
	_ =	sdelay $0x5  }
0x46b: {  	v6 =	vld [tilespmem:$0x1F710];
	_ =	sdelay $0x1  }
0x46c: {  	[tilespmem:v4+s24+$0x0] =	vst.idx.msk $0xffff, v5  }
0x46d: {  	v4 =	vld [tilespmem:$0x7F00];
	_ =	sdelay $0x3  }
0x46e: {  	v5 =	vld [tilespmem:$0x7F10]  }
0x46f: {  	[tilespmem:v6+s24+$0x0] =	vst.idx.msk $0xffff, v4;
	v4 =	vld [tilespmem:$0x1F720];
	_ =	sdelay $0x5  }
0x470: {  	v6 =	vld [tilespmem:$0x1F730];
	_ =	sdelay $0x1  }
0x471: {  	[tilespmem:v4+s24+$0x0] =	vst.idx.msk $0xffff, v5  }
0x472: {  	v4 =	vld [tilespmem:$0x7F20];
	_ =	sdelay $0x3  }
0x473: {  	v5 =	vld [tilespmem:$0x7F30]  }
0x474: {  	[tilespmem:v6+s24+$0x0] =	vst.idx.msk $0xffff, v4;
	v4 =	vld [tilespmem:$0x1F740];
	_ =	sdelay $0x5  }
0x475: {  	v6 =	vld [tilespmem:$0x1F750];
	_ =	sdelay $0x1  }
0x476: {  	[tilespmem:v4+s24+$0x0] =	vst.idx.msk $0xffff, v5  }
0x477: {  	v4 =	vld [tilespmem:$0x7F40];
	_ =	sdelay $0x3  }
0x478: {  	v5 =	vld [tilespmem:$0x7F50]  }
0x479: {  	[tilespmem:v6+s24+$0x0] =	vst.idx.msk $0xffff, v4;
	v4 =	vld [tilespmem:$0x1F760];
	_ =	sdelay $0x5  }
0x47a: {  	v6 =	vld [tilespmem:$0x1F770];
	_ =	sdelay $0x1  }
0x47b: {  	[tilespmem:v4+s24+$0x0] =	vst.idx.msk $0xffff, v5  }
0x47c: {  	v4 =	vld [tilespmem:$0x7F60];
	_ =	sdelay $0x3  }
0x47d: {  	v5 =	vld [tilespmem:$0x7F70]  }
0x47e: {  	[tilespmem:v6+s24+$0x0] =	vst.idx.msk $0xffff, v4;
	v4 =	vld [tilespmem:$0x1F780];
	_ =	sdelay $0x5  }
0x47f: {  	v6 =	vld [tilespmem:$0x1F790];
	_ =	sdelay $0x1  }
0x480: {  	[tilespmem:v4+s24+$0x0] =	vst.idx.msk $0xffff, v5  }
0x481: {  	v4 =	vld [tilespmem:$0x7F80];
	_ =	sdelay $0x3  }
0x482: {  	v5 =	vld [tilespmem:$0x7F90]  }
0x483: {  	[tilespmem:v6+s24+$0x0] =	vst.idx.msk $0xffff, v4;
	v4 =	vld [tilespmem:$0x1F7A0];
	_ =	sdelay $0x5  }
0x484: {  	v6 =	vld [tilespmem:$0x1F7B0];
	_ =	sdelay $0x1  }
0x485: {  	[tilespmem:v4+s24+$0x0] =	vst.idx.msk $0xffff, v5  }
0x486: {  	v4 =	vld [tilespmem:$0x7FA0];
	_ =	sdelay $0x3  }
0x487: {  	v5 =	vld [tilespmem:$0x7FB0]  }
0x488: {  	[tilespmem:v6+s24+$0x0] =	vst.idx.msk $0xffff, v4;
	v4 =	vld [tilespmem:$0x1F7C0];
	_ =	sdelay $0x5  }
0x489: {  	v6 =	vld [tilespmem:$0x1F7D0];
	_ =	sdelay $0x1  }
0x48a: {  	[tilespmem:v4+s24+$0x0] =	vst.idx.msk $0xffff, v5  }
0x48b: {  	v4 =	vld [tilespmem:$0x7FC0];
	_ =	sdelay $0x3  }
0x48c: {  	v5 =	vld [tilespmem:$0x7FD0]  }
0x48d: {  	[tilespmem:v6+s24+$0x0] =	vst.idx.msk $0xffff, v4;
	v4 =	vld [tilespmem:$0x1F7E0];
	_ =	sdelay $0x5  }
0x48e: {  	v6 =	vld [tilespmem:$0x1F7F0];
	_ =	sdelay $0x1  }
0x48f: {  	[tilespmem:v4+s24+$0x0] =	vst.idx.msk $0xffff, v5  }
0x490: {  	v4 =	vld [tilespmem:$0x7FE0];
	_ =	sdelay $0x3  }
0x491: {  	v5 =	vld [tilespmem:$0x7FF0]  }
0x492: {  	[tilespmem:v6+s24+$0x0] =	vst.idx.msk $0xffff, v4;
	v4 =	vld [tilespmem:$0x1F800];
	_ =	sdelay $0x5  }
0x493: {  	v6 =	vld [tilespmem:$0x1F810];
	_ =	sdelay $0x1  }
0x494: {  	[tilespmem:v4+s24+$0x0] =	vst.idx.msk $0xffff, v5  }
0x495: {  	v4 =	vld [tilespmem:$0x8000];
	_ =	sdelay $0x3  }
0x496: {  	v5 =	vld [tilespmem:$0x8010]  }
0x497: {  	[tilespmem:v6+s24+$0x0] =	vst.idx.msk $0xffff, v4;
	v4 =	vld [tilespmem:$0x1F820];
	_ =	sdelay $0x5  }
0x498: {  	v6 =	vld [tilespmem:$0x1F830];
	_ =	sdelay $0x1  }
0x499: {  	[tilespmem:v4+s24+$0x0] =	vst.idx.msk $0xffff, v5  }
0x49a: {  	v4 =	vld [tilespmem:$0x8020];
	_ =	sdelay $0x3  }
0x49b: {  	v5 =	vld [tilespmem:$0x8030]  }
0x49c: {  	[tilespmem:v6+s24+$0x0] =	vst.idx.msk $0xffff, v4;
	v4 =	vld [tilespmem:$0x1F840];
	_ =	sdelay $0x5  }
0x49d: {  	v6 =	vld [tilespmem:$0x1F850];
	_ =	sdelay $0x1  }
0x49e: {  	[tilespmem:v4+s24+$0x0] =	vst.idx.msk $0xffff, v5  }
0x49f: {  	v4 =	vld [tilespmem:$0x8040];
	_ =	sdelay $0x3  }
0x4a0: {  	v5 =	vld [tilespmem:$0x8050]  }
0x4a1: {  	[tilespmem:v6+s24+$0x0] =	vst.idx.msk $0xffff, v4;
	v4 =	vld [tilespmem:$0x1F860];
	_ =	sdelay $0x5  }
0x4a2: {  	v6 =	vld [tilespmem:$0x1F870];
	_ =	sdelay $0x1  }
0x4a3: {  	[tilespmem:v4+s24+$0x0] =	vst.idx.msk $0xffff, v5  }
0x4a4: {  	v4 =	vld [tilespmem:$0x8060];
	_ =	sdelay $0x3  }
0x4a5: {  	v5 =	vld [tilespmem:$0x8070]  }
0x4a6: {  	[tilespmem:v6+s24+$0x0] =	vst.idx.msk $0xffff, v4;
	v4 =	vld [tilespmem:$0x1F880];
	_ =	sdelay $0x5  }
0x4a7: {  	v6 =	vld [tilespmem:$0x1F890];
	_ =	sdelay $0x1  }
0x4a8: {  	[tilespmem:v4+s24+$0x0] =	vst.idx.msk $0xffff, v5  }
0x4a9: {  	v4 =	vld [tilespmem:$0x8080];
	_ =	sdelay $0x3  }
0x4aa: {  	v5 =	vld [tilespmem:$0x8090]  }
0x4ab: {  	[tilespmem:v6+s24+$0x0] =	vst.idx.msk $0xffff, v4;
	v4 =	vld [tilespmem:$0x1F8A0];
	_ =	sdelay $0x5  }
0x4ac: {  	v6 =	vld [tilespmem:$0x1F8B0];
	_ =	sdelay $0x1  }
0x4ad: {  	[tilespmem:v4+s24+$0x0] =	vst.idx.msk $0xffff, v5  }
0x4ae: {  	v4 =	vld [tilespmem:$0x80A0];
	_ =	sdelay $0x3  }
0x4af: {  	v5 =	vld [tilespmem:$0x80B0]  }
0x4b0: {  	[tilespmem:v6+s24+$0x0] =	vst.idx.msk $0xffff, v4;
	v4 =	vld [tilespmem:$0x1F8C0];
	_ =	sdelay $0x5  }
0x4b1: {  	v6 =	vld [tilespmem:$0x1F8D0];
	_ =	sdelay $0x1  }
0x4b2: {  	[tilespmem:v4+s24+$0x0] =	vst.idx.msk $0xffff, v5  }
0x4b3: {  	v4 =	vld [tilespmem:$0x80C0];
	_ =	sdelay $0x3  }
0x4b4: {  	v5 =	vld [tilespmem:$0x80D0]  }
0x4b5: {  	[tilespmem:v6+s24+$0x0] =	vst.idx.msk $0xffff, v4;
	v4 =	vld [tilespmem:$0x1F8E0];
	_ =	sdelay $0x5  }
0x4b6: {  	v6 =	vld [tilespmem:$0x1F8F0];
	_ =	sdelay $0x1  }
0x4b7: {  	[tilespmem:v4+s24+$0x0] =	vst.idx.msk $0xffff, v5  }
0x4b8: {  	v4 =	vld [tilespmem:$0x80E0];
	_ =	sdelay $0x3  }
0x4b9: {  	v5 =	vld [tilespmem:$0x80F0]  }
0x4ba: {  	[tilespmem:v6+s24+$0x0] =	vst.idx.msk $0xffff, v4;
	v4 =	vld [tilespmem:$0x1F900];
	_ =	sdelay $0x5  }
0x4bb: {  	v6 =	vld [tilespmem:$0x1F910];
	_ =	sdelay $0x1  }
0x4bc: {  	[tilespmem:v4+s24+$0x0] =	vst.idx.msk $0xffff, v5  }
0x4bd: {  	v4 =	vld [tilespmem:$0x8100];
	_ =	sdelay $0x3  }
0x4be: {  	v5 =	vld [tilespmem:$0x8110]  }
0x4bf: {  	[tilespmem:v6+s24+$0x0] =	vst.idx.msk $0xffff, v4;
	v4 =	vld [tilespmem:$0x1F920];
	_ =	sdelay $0x5  }
0x4c0: {  	v6 =	vld [tilespmem:$0x1F930];
	_ =	sdelay $0x1  }
0x4c1: {  	[tilespmem:v4+s24+$0x0] =	vst.idx.msk $0xffff, v5  }
0x4c2: {  	v4 =	vld [tilespmem:$0x8120];
	_ =	sdelay $0x3  }
0x4c3: {  	v5 =	vld [tilespmem:$0x8130]  }
0x4c4: {  	[tilespmem:v6+s24+$0x0] =	vst.idx.msk $0xffff, v4;
	v4 =	vld [tilespmem:$0x1F940];
	_ =	sdelay $0x5  }
0x4c5: {  	v6 =	vld [tilespmem:$0x1F950];
	_ =	sdelay $0x1  }
0x4c6: {  	[tilespmem:v4+s24+$0x0] =	vst.idx.msk $0xffff, v5  }
0x4c7: {  	v4 =	vld [tilespmem:$0x8140];
	_ =	sdelay $0x3  }
0x4c8: {  	v5 =	vld [tilespmem:$0x8150]  }
0x4c9: {  	[tilespmem:v6+s24+$0x0] =	vst.idx.msk $0xffff, v4;
	v4 =	vld [tilespmem:$0x1F960];
	_ =	sdelay $0x5  }
0x4ca: {  	v6 =	vld [tilespmem:$0x1F970];
	_ =	sdelay $0x1  }
0x4cb: {  	[tilespmem:v4+s24+$0x0] =	vst.idx.msk $0xffff, v5  }
0x4cc: {  	v4 =	vld [tilespmem:$0x8160];
	_ =	sdelay $0x3  }
0x4cd: {  	v5 =	vld [tilespmem:$0x8170]  }
0x4ce: {  	[tilespmem:v6+s24+$0x0] =	vst.idx.msk $0xffff, v4;
	v4 =	vld [tilespmem:$0x1F980];
	_ =	sdelay $0x5  }
0x4cf: {  	v6 =	vld [tilespmem:$0x1F990];
	_ =	sdelay $0x1  }
0x4d0: {  	[tilespmem:v4+s24+$0x0] =	vst.idx.msk $0xffff, v5  }
0x4d1: {  	v4 =	vld [tilespmem:$0x8180];
	_ =	sdelay $0x3  }
0x4d2: {  	v5 =	vld [tilespmem:$0x8190]  }
0x4d3: {  	[tilespmem:v6+s24+$0x0] =	vst.idx.msk $0xffff, v4;
	v4 =	vld [tilespmem:$0x1F9A0];
	_ =	sdelay $0x5  }
0x4d4: {  	v6 =	vld [tilespmem:$0x1F9B0];
	_ =	sdelay $0x1  }
0x4d5: {  	[tilespmem:v4+s24+$0x0] =	vst.idx.msk $0xffff, v5  }
0x4d6: {  	v4 =	vld [tilespmem:$0x81A0];
	_ =	sdelay $0x3  }
0x4d7: {  	v5 =	vld [tilespmem:$0x81B0]  }
0x4d8: {  	[tilespmem:v6+s24+$0x0] =	vst.idx.msk $0xffff, v4;
	v4 =	vld [tilespmem:$0x1F9C0];
	_ =	sdelay $0x5  }
0x4d9: {  	v6 =	vld [tilespmem:$0x1F9D0];
	_ =	sdelay $0x1  }
0x4da: {  	[tilespmem:v4+s24+$0x0] =	vst.idx.msk $0xffff, v5  }
0x4db: {  	v4 =	vld [tilespmem:$0x81C0];
	_ =	sdelay $0x3  }
0x4dc: {  	v5 =	vld [tilespmem:$0x81D0]  }
0x4dd: {  	[tilespmem:v6+s24+$0x0] =	vst.idx.msk $0xffff, v4;
	v4 =	vld [tilespmem:$0x1F9E0];
	_ =	sdelay $0x5  }
0x4de: {  	v6 =	vld [tilespmem:$0x1F9F0];
	_ =	sdelay $0x1  }
0x4df: {  	[tilespmem:v4+s24+$0x0] =	vst.idx.msk $0xffff, v5  }
0x4e0: {  	v4 =	vld [tilespmem:$0x81E0];
	_ =	sdelay $0x3  }
0x4e1: {  	v5 =	vld [tilespmem:$0x81F0]  }
0x4e2: {  	[tilespmem:v6+s24+$0x0] =	vst.idx.msk $0xffff, v4;
	v4 =	vld [tilespmem:$0x1FA00];
	_ =	sdelay $0x5  }
0x4e3: {  	v6 =	vld [tilespmem:$0x1FA10];
	_ =	sdelay $0x1  }
0x4e4: {  	[tilespmem:v4+s24+$0x0] =	vst.idx.msk $0xffff, v5  }
0x4e5: {  	v4 =	vld [tilespmem:$0x8200];
	_ =	sdelay $0x3  }
0x4e6: {  	v5 =	vld [tilespmem:$0x8210]  }
0x4e7: {  	[tilespmem:v6+s24+$0x0] =	vst.idx.msk $0xffff, v4;
	v4 =	vld [tilespmem:$0x1FA20];
	_ =	sdelay $0x5  }
0x4e8: {  	v6 =	vld [tilespmem:$0x1FA30];
	_ =	sdelay $0x1  }
0x4e9: {  	[tilespmem:v4+s24+$0x0] =	vst.idx.msk $0xffff, v5  }
0x4ea: {  	v4 =	vld [tilespmem:$0x8220];
	_ =	sdelay $0x3  }
0x4eb: {  	v5 =	vld [tilespmem:$0x8230]  }
0x4ec: {  	[tilespmem:v6+s24+$0x0] =	vst.idx.msk $0xffff, v4;
	v4 =	vld [tilespmem:$0x1FA40];
	_ =	sdelay $0x5  }
0x4ed: {  	v6 =	vld [tilespmem:$0x1FA50];
	_ =	sdelay $0x1  }
0x4ee: {  	[tilespmem:v4+s24+$0x0] =	vst.idx.msk $0xffff, v5  }
0x4ef: {  	v4 =	vld [tilespmem:$0x8240];
	_ =	sdelay $0x3  }
0x4f0: {  	v5 =	vld [tilespmem:$0x8250]  }
0x4f1: {  	[tilespmem:v6+s24+$0x0] =	vst.idx.msk $0xffff, v4;
	v4 =	vld [tilespmem:$0x1FA60];
	_ =	sdelay $0x5  }
0x4f2: {  	v6 =	vld [tilespmem:$0x1FA70];
	_ =	sdelay $0x1  }
0x4f3: {  	[tilespmem:v4+s24+$0x0] =	vst.idx.msk $0xffff, v5  }
0x4f4: {  	v4 =	vld [tilespmem:$0x8260];
	_ =	sdelay $0x3  }
0x4f5: {  	v5 =	vld [tilespmem:$0x8270]  }
0x4f6: {  	[tilespmem:v6+s24+$0x0] =	vst.idx.msk $0xffff, v4;
	v4 =	vld [tilespmem:$0x1FA80];
	_ =	sdelay $0x5  }
0x4f7: {  	v6 =	vld [tilespmem:$0x1FA90];
	_ =	sdelay $0x1  }
0x4f8: {  	[tilespmem:v4+s24+$0x0] =	vst.idx.msk $0xffff, v5  }
0x4f9: {  	v4 =	vld [tilespmem:$0x8280];
	_ =	sdelay $0x3  }
0x4fa: {  	v5 =	vld [tilespmem:$0x8290]  }
0x4fb: {  	[tilespmem:v6+s24+$0x0] =	vst.idx.msk $0xffff, v4;
	v4 =	vld [tilespmem:$0x1FAA0];
	_ =	sdelay $0x5  }
0x4fc: {  	v6 =	vld [tilespmem:$0x1FAB0];
	_ =	sdelay $0x1  }
0x4fd: {  	[tilespmem:v4+s24+$0x0] =	vst.idx.msk $0xffff, v5  }
0x4fe: {  	v4 =	vld [tilespmem:$0x82A0];
	_ =	sdelay $0x3  }
0x4ff: {  	v5 =	vld [tilespmem:$0x82B0]  }
0x500: {  	[tilespmem:v6+s24+$0x0] =	vst.idx.msk $0xffff, v4;
	v4 =	vld [tilespmem:$0x1FAC0];
	_ =	sdelay $0x5  }
0x501: {  	v6 =	vld [tilespmem:$0x1FAD0];
	_ =	sdelay $0x1  }
0x502: {  	[tilespmem:v4+s24+$0x0] =	vst.idx.msk $0xffff, v5  }
0x503: {  	v4 =	vld [tilespmem:$0x82C0];
	_ =	sdelay $0x3  }
0x504: {  	v5 =	vld [tilespmem:$0x82D0]  }
0x505: {  	[tilespmem:v6+s24+$0x0] =	vst.idx.msk $0xffff, v4;
	v4 =	vld [tilespmem:$0x1FAE0];
	_ =	sdelay $0x5  }
0x506: {  	v6 =	vld [tilespmem:$0x1FAF0];
	_ =	sdelay $0x1  }
0x507: {  	[tilespmem:v4+s24+$0x0] =	vst.idx.msk $0xffff, v5  }
0x508: {  	v4 =	vld [tilespmem:$0x82E0];
	_ =	sdelay $0x3  }
0x509: {  	v5 =	vld [tilespmem:$0x82F0]  }
0x50a: {  	[tilespmem:v6+s24+$0x0] =	vst.idx.msk $0xffff, v4;
	v4 =	vld [tilespmem:$0x1FB00];
	_ =	sdelay $0x5  }
0x50b: {  	v6 =	vld [tilespmem:$0x1FB10];
	_ =	sdelay $0x1  }
0x50c: {  	[tilespmem:v4+s24+$0x0] =	vst.idx.msk $0xffff, v5  }
0x50d: {  	v4 =	vld [tilespmem:$0x8300];
	_ =	sdelay $0x3  }
0x50e: {  	v5 =	vld [tilespmem:$0x8310]  }
0x50f: {  	[tilespmem:v6+s24+$0x0] =	vst.idx.msk $0xffff, v4;
	v4 =	vld [tilespmem:$0x1FB20];
	_ =	sdelay $0x5  }
0x510: {  	v6 =	vld [tilespmem:$0x1FB30];
	_ =	sdelay $0x1  }
0x511: {  	[tilespmem:v4+s24+$0x0] =	vst.idx.msk $0xffff, v5  }
0x512: {  	v4 =	vld [tilespmem:$0x8320];
	_ =	sdelay $0x3  }
0x513: {  	v5 =	vld [tilespmem:$0x8330]  }
0x514: {  	[tilespmem:v6+s24+$0x0] =	vst.idx.msk $0xffff, v4;
	v4 =	vld [tilespmem:$0x1FB40];
	_ =	sdelay $0x5  }
0x515: {  	v6 =	vld [tilespmem:$0x1FB50];
	_ =	sdelay $0x1  }
0x516: {  	[tilespmem:v4+s24+$0x0] =	vst.idx.msk $0xffff, v5  }
0x517: {  	v4 =	vld [tilespmem:$0x8340];
	_ =	sdelay $0x3  }
0x518: {  	v5 =	vld [tilespmem:$0x8350]  }
0x519: {  	[tilespmem:v6+s24+$0x0] =	vst.idx.msk $0xffff, v4;
	v4 =	vld [tilespmem:$0x1FB60];
	_ =	sdelay $0x5  }
0x51a: {  	v6 =	vld [tilespmem:$0x1FB70];
	_ =	sdelay $0x1  }
0x51b: {  	[tilespmem:v4+s24+$0x0] =	vst.idx.msk $0xffff, v5  }
0x51c: {  	v4 =	vld [tilespmem:$0x8360];
	_ =	sdelay $0x3  }
0x51d: {  	v5 =	vld [tilespmem:$0x8370]  }
0x51e: {  	[tilespmem:v6+s24+$0x0] =	vst.idx.msk $0xffff, v4;
	v4 =	vld [tilespmem:$0x1FB80];
	_ =	sdelay $0x5  }
0x51f: {  	v6 =	vld [tilespmem:$0x1FB90];
	_ =	sdelay $0x1  }
0x520: {  	[tilespmem:v4+s24+$0x0] =	vst.idx.msk $0xffff, v5  }
0x521: {  	v4 =	vld [tilespmem:$0x8380];
	_ =	sdelay $0x3  }
0x522: {  	v5 =	vld [tilespmem:$0x8390]  }
0x523: {  	[tilespmem:v6+s24+$0x0] =	vst.idx.msk $0xffff, v4;
	v4 =	vld [tilespmem:$0x1FBA0];
	_ =	sdelay $0x5  }
0x524: {  	v6 =	vld [tilespmem:$0x1FBB0];
	_ =	sdelay $0x1  }
0x525: {  	[tilespmem:v4+s24+$0x0] =	vst.idx.msk $0xffff, v5  }
0x526: {  	v4 =	vld [tilespmem:$0x83A0];
	_ =	sdelay $0x3  }
0x527: {  	v5 =	vld [tilespmem:$0x83B0]  }
0x528: {  	[tilespmem:v6+s24+$0x0] =	vst.idx.msk $0xffff, v4;
	v4 =	vld [tilespmem:$0x1FBC0];
	_ =	sdelay $0x5  }
0x529: {  	v6 =	vld [tilespmem:$0x1FBD0];
	_ =	sdelay $0x1  }
0x52a: {  	[tilespmem:v4+s24+$0x0] =	vst.idx.msk $0xffff, v5  }
0x52b: {  	v4 =	vld [tilespmem:$0x83C0];
	_ =	sdelay $0x3  }
0x52c: {  	v5 =	vld [tilespmem:$0x83D0]  }
0x52d: {  	[tilespmem:v6+s24+$0x0] =	vst.idx.msk $0xffff, v4;
	v4 =	vmov v1;
	v1 =	vld [tilespmem:$0x1FBE0];
	_ =	sdelay $0x5  }
0x52e: {  	v6 =	vld [tilespmem:$0x1FBF0];
	_ =	sdelay $0x1  }
0x52f: {  	[tilespmem:v1+s24+$0x0] =	vst.idx.msk $0xffff, v5  }
0x530: {  	v1 =	vld [tilespmem:$0x83E0];
	_ =	sdelay $0x3  }
0x531: {  	v5 =	vmov v3;
	v3 =	vld [tilespmem:$0x83F0]  }
0x532: {  	[tilespmem:v6+s24+$0x0] =	vst.idx.msk $0xffff, v1;
	v1 =	vld [tilespmem:$0x1FC00];
	_ =	sdelay $0x1  }
0x533: {  	s16 =	sadd.s32 $0x1, s7  }
0x534: {  	s10 =	sand.u32 $0x3, s16  }
0x535: {  	s10 =	sor.u32 s6, s10  }
0x536: {  	s10 =	sshll.u32 s10, $0xA  }
0x537: {  	s10 =	sor.u32 s11, s10  }
0x538: {  	s10 =	sshrl.u32 s10, $0x3  }
0x539: {  	s10 =	sadd.s32 s2, s10;
	[tilespmem:v1+s24+$0x0] =	vst.idx.msk $0xffff, v3  }
0x53a: {  	[hbm4b:s10+s3] =	stream.linear.scatter [tilespmem:s24], [sflag:$0x4], $0x80, $0x38;
	[tilespmem:$0xA600] =	vst v63  }
0x53b: {  	s16 =	simm.s32 $0x9588;
	s14 =	sadd.s32 $0x10, s10  }
0x53c: {  	[hbm4b:s14+s3] =	stream.linear.scatter [tilespmem:s16], [sflag:$0x4], $0x80, $0x38;
	[tilespmem:$0xA600] =	vst v63  }
0x53d: {  	s14 =	sadd.s32 $0x20, s10;
	s16 =	simm.s32 $0x9610  }
0x53e: {  	[hbm4b:s14+s3] =	stream.linear.scatter [tilespmem:s16], [sflag:$0x4], $0x80, $0x38;
	[tilespmem:$0xA600] =	vst v63  }
0x53f: {  	s14 =	sadd.s32 $0x30, s10;
	s16 =	simm.s32 $0x9698  }
0x540: {  	[hbm4b:s14+s3] =	stream.linear.scatter [tilespmem:s16], [sflag:$0x4], $0x80, $0x38;
	[tilespmem:$0xA600] =	vst v63  }
0x541: {  	s14 =	sadd.s32 $0x40, s10;
	s16 =	simm.s32 $0x9720  }
0x542: {  	[hbm4b:s14+s3] =	stream.linear.scatter [tilespmem:s16], [sflag:$0x4], $0x80, $0x38;
	[tilespmem:$0xA600] =	vst v63  }
0x543: {  	s14 =	sadd.s32 $0x50, s10;
	s16 =	simm.s32 $0x97A8  }
0x544: {  	[hbm4b:s14+s3] =	stream.linear.scatter [tilespmem:s16], [sflag:$0x4], $0x80, $0x38;
	[tilespmem:$0xA600] =	vst v63  }
0x545: {  	s14 =	sadd.s32 $0x60, s10;
	s16 =	simm.s32 $0x9830  }
0x546: {  	[hbm4b:s14+s3] =	stream.linear.scatter [tilespmem:s16], [sflag:$0x4], $0x80, $0x38;
	[tilespmem:$0xA600] =	vst v63  }
0x547: {  	s14 =	sadd.s32 $0x70, s10;
	s16 =	simm.s32 $0x98B8  }
0x548: {  	[hbm4b:s14+s3] =	stream.linear.scatter [tilespmem:s16], [sflag:$0x4], $0x80, $0x38;
	[tilespmem:$0xA600] =	vst v63  }
0x549: {  	s14 =	sadd.s32 $0x4000, s10;
	s16 =	simm.s32 $0x9940  }
0x54a: {  	[hbm4b:s14+s3] =	stream.linear.scatter [tilespmem:s16], [sflag:$0x4], $0x80, $0x38;
	[tilespmem:$0xA600] =	vst v63  }
0x54b: {  	s14 =	sadd.s32 $0x4010, s10;
	s16 =	simm.s32 $0x99C8  }
0x54c: {  	[hbm4b:s14+s3] =	stream.linear.scatter [tilespmem:s16], [sflag:$0x4], $0x80, $0x38;
	[tilespmem:$0xA600] =	vst v63  }
0x54d: {  	s14 =	sadd.s32 $0x4020, s10;
	s16 =	simm.s32 $0x9A50  }
0x54e: {  	[hbm4b:s14+s3] =	stream.linear.scatter [tilespmem:s16], [sflag:$0x4], $0x80, $0x38;
	[tilespmem:$0xA600] =	vst v63  }
0x54f: {  	s14 =	sadd.s32 $0x4030, s10;
	s16 =	simm.s32 $0x9AD8  }
0x550: {  	[hbm4b:s14+s3] =	stream.linear.scatter [tilespmem:s16], [sflag:$0x4], $0x80, $0x38;
	[tilespmem:$0xA600] =	vst v63  }
0x551: {  	s14 =	sadd.s32 $0x4040, s10;
	s16 =	simm.s32 $0x9B60  }
0x552: {  	[hbm4b:s14+s3] =	stream.linear.scatter [tilespmem:s16], [sflag:$0x4], $0x80, $0x38;
	[tilespmem:$0xA600] =	vst v63  }
0x553: {  	s14 =	sadd.s32 $0x4050, s10;
	s16 =	simm.s32 $0x9BE8  }
0x554: {  	[hbm4b:s14+s3] =	stream.linear.scatter [tilespmem:s16], [sflag:$0x4], $0x80, $0x38;
	[tilespmem:$0xA600] =	vst v63  }
0x555: {  	s14 =	sadd.s32 $0x4060, s10;
	s16 =	simm.s32 $0x9C70  }
0x556: {  	[hbm4b:s14+s3] =	stream.linear.scatter [tilespmem:s16], [sflag:$0x4], $0x80, $0x38;
	[tilespmem:$0xA600] =	vst v63  }
0x557: {  	s14 =	sadd.s32 $0x4070, s10;
	s16 =	simm.s32 $0x9CF8  }
0x558: {  	[hbm4b:s14+s3] =	stream.linear.scatter [tilespmem:s16], [sflag:$0x4], $0x80, $0x38;
	[tilespmem:$0xA600] =	vst v63  }
0x559: {  	s14 =	sadd.s32 $0x8000, s10;
	s16 =	simm.s32 $0x9D80  }
0x55a: {  	[hbm4b:s14+s3] =	stream.linear.scatter [tilespmem:s16], [sflag:$0x4], $0x80, $0x38;
	[tilespmem:$0xA600] =	vst v63  }
0x55b: {  	s14 =	sadd.s32 $0x8010, s10;
	s16 =	simm.s32 $0x9E08  }
0x55c: {  	[hbm4b:s14+s3] =	stream.linear.scatter [tilespmem:s16], [sflag:$0x4], $0x80, $0x38;
	[tilespmem:$0xA600] =	vst v63  }
0x55d: {  	s16 =	sadd.s32 $0x8020, s10  }
0x55e: {  	[hbm4b:s16+s3] =	stream.linear.scatter [tilespmem:s17], [sflag:$0x4], $0x80, $0x38;
	[tilespmem:$0xA600] =	vst v63  }
0x55f: {  	s14 =	sadd.s32 $0x8030, s10  }
0x560: {  	[hbm4b:s14+s3] =	stream.linear.scatter [tilespmem:s18], [sflag:$0x4], $0x80, $0x38;
	[tilespmem:$0xA600] =	vst v63  }
0x561: {  	s16 =	sadd.s32 $0x8040, s10  }
0x562: {  	[hbm4b:s16+s3] =	stream.linear.scatter [tilespmem:s19], [sflag:$0x4], $0x80, $0x38;
	[tilespmem:$0xA600] =	vst v63  }
0x563: {  	s14 =	sadd.s32 $0x8050, s10  }
0x564: {  	[hbm4b:s14+s3] =	stream.linear.scatter [tilespmem:s20], [sflag:$0x4], $0x80, $0x38;
	[tilespmem:$0xA600] =	vst v63  }
0x565: {  	s16 =	sadd.s32 $0x8060, s10  }
0x566: {  	[hbm4b:s16+s3] =	stream.linear.scatter [tilespmem:s21], [sflag:$0x4], $0x80, $0x38;
	[tilespmem:$0xA600] =	vst v63  }
0x567: {  	s14 =	sadd.s32 $0x8070, s10  }
0x568: {  	[hbm4b:s14+s3] =	stream.linear.scatter [tilespmem:s22], [sflag:$0x4], $0x80, $0x38;
	[tilespmem:$0xA600] =	vst v63  }
0x569: {  	s16 =	sadd.s32 $0xC000, s10  }
0x56a: {  	[hbm4b:s16+s3] =	stream.linear.scatter [tilespmem:s25], [sflag:$0x4], $0x80, $0x38;
	[tilespmem:$0xA600] =	vst v63  }
0x56b: {  	s14 =	sadd.s32 $0xC010, s10  }
0x56c: {  	[hbm4b:s14+s3] =	stream.linear.scatter [tilespmem:s26], [sflag:$0x4], $0x80, $0x38;
	[tilespmem:$0xA600] =	vst v63  }
0x56d: {  	s16 =	sadd.s32 $0xC020, s10  }
0x56e: {  	[hbm4b:s16+s3] =	stream.linear.scatter [tilespmem:s28], [sflag:$0x4], $0x80, $0x38;
	[tilespmem:$0xA600] =	vst v63  }
0x56f: {  	s14 =	sadd.s32 $0xC030, s10  }
0x570: {  	[hbm4b:s14+s3] =	stream.linear.scatter [tilespmem:s29], [sflag:$0x4], $0x80, $0x38;
	[tilespmem:$0xA600] =	vst v63  }
0x571: {  	s7 =	sadd.s32 $0x2, s7;
	s16 =	sadd.s32 $0xC040, s10  }
0x572: {  	[hbm4b:s16+s3] =	stream.linear.scatter [tilespmem:s30], [sflag:$0x4], $0x80, $0x38;
	[tilespmem:$0xA600] =	vst v63  }
0x573: {  	p0 =	sne.s32 s7, $0xC8;
	s14 =	sadd.s32 $0xC050, s10  }
0x574: {  	[hbm4b:s14+s3] =	stream.linear.scatter [tilespmem:s31], [sflag:$0x4], $0x80, $0x38;
	[tilespmem:$0xA600] =	vst v63  }
.Ltmp0:
0x575: {  	_ = 	snop;
	(pc) =	sbr.rel @p0 .LBB2_2-.Ltmp0, $4  }
0x576: {  	s5 =	sadd.s32 $0x40000, s5;
	s16 =	sadd.s32 $0xC060, s10  }
0x577: {  	[hbm4b:s16+s3] =	stream.linear.scatter [tilespmem:s0], [sflag:$0x4], $0x80, $0x38;
	[tilespmem:$0xA600] =	vst v63  }
0x578: {  	s9 =	sadd.s32 $0x100, s9;
	s12 =	sadd.s32 $0x400, s12;
	s10 =	sadd.s32 $0xC070, s10  }
0x579: {  	v6 =	vld [tilespmem:$0x1FC30];
	v3 =	vmov v2;
	[hbm4b:s10+s3] =	stream.linear.scatter [tilespmem:s1], [sflag:$0x4], $0x80, $0x38  }
0x57a: {  	s5 =	simm.s32 $0x3  }
0x57b: {  	_ =	swait.ge [sflag:s5], $0x400  }
0x57c: {  	[sflag:s5] =	ssyncset.done $0x0  }
0x57d: {  	[sflag:s5] =	ssyncadd.s32 $0xFFFFFC00  }
0x57e: {  	_ =	swait.ge [sflag:s5], $0x400  }
0x57f: {  	[sflag:s5] =	ssyncset.done $0x0  }
0x580: {  	[sflag:s5] =	ssyncadd.s32 $0xFFFFFC00  }
0x581: {  	_ =	swait.ge [sflag:s5], $0x400  }
0x582: {  	[sflag:s5] =	ssyncset.done $0x0  }
0x583: {  	[sflag:s5] =	ssyncadd.s32 $0xFFFFFC00  }
0x584: {  	_ =	swait.ge [sflag:s5], $0x400  }
0x585: {  	[sflag:s5] =	ssyncset.done $0x0  }
0x586: {  	[sflag:s5] =	ssyncadd.s32 $0xFFFFFC00  }
0x587: {  	_ =	swait.ge [sflag:s8], $0x400  }
0x588: {  	[sflag:s8] =	ssyncset.done $0x0  }
0x589: {  	[sflag:s8] =	ssyncadd.s32 $0xFFFFFC00  }
0x58a: {  	_ =	swait.ge [sflag:s8], $0x400  }
0x58b: {  	[sflag:s8] =	ssyncset.done $0x0  }
0x58c: {  	[sflag:s8] =	ssyncadd.s32 $0xFFFFFC00  }
0x58d: {  	_ =	swait.ge [sflag:s8], $0x400  }
0x58e: {  	[sflag:s8] =	ssyncset.done $0x0  }
0x58f: {  	[sflag:s8] =	ssyncadd.s32 $0xFFFFFC00  }
0x590: {  	_ =	swait.ge [sflag:s8], $0x400  }
0x591: {  	s7 =	rddreg [dreg:$0x5]  }
0x592: {  	s16 =	rddreg [dreg:$0x4];
	s7 =	sadd.s32 $0x1, s7  }
0x593: {  	p0 =	sne.s32 s7, s16  }
.Ltmp1:
0x594: {  	_ = 	snop;
	(pc) =	sbr.rel @p0 .LBB2_1-.Ltmp1, $3  }
0x595: {  	_ =	sdelay $0x1  }
0x596: {  	[sflag:s8] =	ssyncset.done $0x0  }
0x597: {  	[sflag:s8] =	ssyncadd.s32 $0xFFFFFC00  }
0x598: {  	_ =	sfence.sel $0x180000  }
0x599: {  	[bflag:$0x0] =	sbarrier.arrive $0xFFFF  }
0x59a: {  	_ =	strace $0x90000047  }
0x59b: {  	s0 =	stileid.u32;
	[bflag:$0x2] =	sbarrier.arrive $0xFFFF  }
0x59c: {  	p0 =	sne.s32 s0, $0x0;
	s0 =	rddreg [dreg:$0x2]  }
0x59d: {  	s0 =	sadd.s32 @!p0 $0x100000, s0  }
0x59e: {  	[sflag:s0] =	ssyncadd.tile.s32 @!p0 $0x1;
	_ =	shalt  }
.Lfunc_end2:
_tile_overlayer_lowered:
.L_overlay_start_2:
0x59f: {  	(tag) =	ssettag $0x2  }
0x5a0: {  	s0 =	rddreg [dreg:$0x0];
	s2 =	stileid.u32  }
0x5a1: {  	s1 =	rddreg [dreg:$0x1];
	p0 =	sne.s32 s2, $0x0  }
0x5a2: {  	s3 =	rddreg [dreg:$0x2];
	[bflag:$0x3] =	sbarrier.arrive $0xFFFF;
	s2 =	simm.s32 @!p0 $0x1C05  }
0x5a3: {  	[timem:s3], [sflag:s2] =	dma.local @!p0 [hbm:s0], s1  }
0x5a4: {  	s0 =	simm.s32 @!p0 $0x5  }
0x5a5: {  	_ =	swait.ge @!p0 [sflag:s0], s1  }
0x5a6: {  	s1 =	ssub.s32 @!p0 $0x0, s1;
	[sflag:s0] =	ssyncset.done @!p0 $0x0  }
0x5a7: {  	[sflag:s0] =	ssyncadd.s32 @!p0 s1  }
0x5a8: {  	[bflag:$0x3] =	sbarrier.arrive $0xFFFF  }
0x5a9: {  	_ =	shalt  }

</sc_bundles>
